<compile_context>
chip_gen: v7x
topology: tpu7x:2x2x1
jax: 0.10.2.dev20260603
libtpu: 0.0.44.dev20260713+nightly
codegen_flags: <defaults>
</compile_context>

<pallas_src>
import functools

import jax
import jax.numpy as jnp
from jax import lax
from jax.experimental import pallas as pl
from jax.experimental.pallas import tpu as pltpu
from jax.experimental.pallas import tpu_sc as plsc

N = 10000
D = 128
C = 64

NC = 2
NS = 16
NW = NC * NS

CH = 64
E = 320000
NCH = 160
IW = 40
NB = 4
NWIN = NCH // IW
EPW = NCH * CH
E_PAD = NW * EPW
PAD = E_PAD - E

N_PAD = 10240
RPT = N_PAD // NS

_MESH = plsc.VectorSubcoreMesh(core_axis_name="c", subcore_axis_name="s")


def _make_sc_agg(d, with_cnt, use_tc_tiling=True, dtype=jnp.float32):
  out_type = [jax.ShapeDtypeStruct((NC, N_PAD, d), dtype)]
  scratch = [
      pltpu.VMEM((IW, CH), jnp.int32),
      pltpu.VMEM((IW, CH), jnp.int32),
  ] + [pltpu.VMEM((CH, d), dtype) for _ in range(NB)]
  scratch += [
      pltpu.VMEM_SHARED((N_PAD, d), dtype),
  ] + [pltpu.SemaphoreType.DMA for _ in range(2 * NB)]
  if with_cnt:
    out_type.append(jax.ShapeDtypeStruct((NC * N_PAD,), jnp.float32))
    scratch += [
        pltpu.VMEM((CH,), jnp.float32),
        pltpu.VMEM((CH,), jnp.float32),
        pltpu.VMEM_SHARED((N_PAD,), jnp.float32),
        pltpu.SemaphoreType.DMA,
    ]

  _INIT_CHUNKS = (CH,) * (RPT // CH) + ((RPT % CH,) if RPT % CH else ())

  def body(*refs):
    if with_cnt:
      (tab_hbm, src_hbm, dst_hbm, zrows_hbm, zcnt_hbm, agg_out, cnt_out,
       sidx, didx, *rest) = refs
      rows = rest[:NB]
      acc = rest[NB]
      gsem = rest[NB + 1:2 * NB + 1]
      ssem = rest[2 * NB + 1:3 * NB + 1]
      ones, zc, cacc, csem = rest[3 * NB + 1:]
    else:
      (tab_hbm, src_hbm, dst_hbm, zrows_hbm, agg_out,
       sidx, didx, *rest) = refs
      rows = rest[:NB]
      acc = rest[NB]
      gsem = rest[NB + 1:2 * NB + 1]
      ssem = rest[2 * NB + 1:3 * NB + 1]

    cid = lax.axis_index("c")
    sid = lax.axis_index("s")
    wid = cid * NS + sid
    r0 = sid * RPT

    pltpu.sync_copy(zrows_hbm, rows[0])
    o = 0
    for sz in _INIT_CHUNKS:
      pltpu.sync_copy(rows[0].at[pl.ds(0, sz)], acc.at[pl.ds(r0 + o, sz)])
      o += sz
    if with_cnt:
      pltpu.sync_copy(zcnt_hbm, zc)
      o = 0
      for sz in _INIT_CHUNKS:
        pltpu.sync_copy(zc.at[pl.ds(0, sz)], cacc.at[pl.ds(r0 + o, sz)])
        o += sz
      for i in range(CH // 16):
        ones[pl.ds(16 * i, 16)] = jnp.ones((16,), jnp.float32)
    plsc.subcore_barrier()

    def issue_gather(c, b):
      pltpu.async_copy(tab_hbm.at[sidx.at[c]], rows[b], gsem[b])

    def wait_gather(c, b):
      pltpu.make_async_copy(tab_hbm.at[sidx.at[c]], rows[b], gsem[b]).wait()

    def issue_scatter(c, b):
      pltpu.async_copy(rows[b], acc.at[didx.at[c]], ssem[b], add=True)
      if with_cnt:
        pltpu.async_copy(ones, cacc.at[didx.at[c]], csem, add=True)

    def wait_scatter(c, b):
      pltpu.make_async_copy(rows[b], acc.at[didx.at[c]], ssem[b]).wait()

    def slot(c, b, wait_prev, pf_c):
      wait_gather(c, b)
      issue_scatter(c, b)
      if wait_prev:
        wait_scatter(c - 1, (b - 1) % NB)
      if pf_c is not None:
        issue_gather(pf_c, (b - 1) % NB)

    def window(w, carry):
      pltpu.sync_copy(src_hbm.at[wid, pl.ds(w * IW, IW)], sidx)
      pltpu.sync_copy(dst_hbm.at[wid, pl.ds(w * IW, IW)], didx)
      for b in range(NB - 1):
        issue_gather(b, b)
      slot(0, 0, False, None)
      issue_gather(NB - 1, NB - 1)
      for c in range(1, NB):
        slot(c, c % NB, True, c + NB - 1)

      def group(g, carry):
        for b in range(NB):
          c = NB * g + b
          slot(c, b, True, c + NB - 1)
        return carry

      lax.fori_loop(1, IW // NB - 1, group, 0)
      slot(IW - NB, 0, True, IW - 1)
      for c in range(IW - NB + 1, IW):
        slot(c, c % NB, True, None)
      wait_scatter(IW - 1, (IW - 1) % NB)
      if with_cnt:
        def drain_cnt(i, c2):
          pltpu.make_async_copy(ones, cacc.at[didx.at[0]], csem).wait()
          return c2
        lax.fori_loop(0, IW, drain_cnt, 0)
      return carry

    lax.fori_loop(0, NWIN, window, 0)
    plsc.subcore_barrier()

    pltpu.sync_copy(acc.at[pl.ds(r0, RPT)], agg_out.at[cid, pl.ds(r0, RPT)])
    if with_cnt:
      o = 0
      for sz in _INIT_CHUNKS:
        pltpu.sync_copy(cacc.at[pl.ds(r0 + o, sz)], zc.at[pl.ds(0, sz)])
        pltpu.sync_copy(zc.at[pl.ds(0, sz)],
                        cnt_out.at[pl.ds(cid * N_PAD + r0 + o, sz)])
        o += sz

  return pl.kernel(
      body, out_type=out_type, mesh=_MESH, scratch_types=scratch,
      compiler_params=pltpu.CompilerParams(use_tc_tiling_on_sc=use_tc_tiling))


_sc_agg_cnt = _make_sc_agg(D, True, use_tc_tiling=False, dtype=jnp.bfloat16)
_sc_agg = _make_sc_agg(C, False, use_tc_tiling=False, dtype=jnp.bfloat16)

BN = 2000


def _tc1_body(agg_ref, cnt_ref, x_ref, w1l_ref, b1l_ref, w1r_ref, w2l_ref,
              b2l_ref, w2r_ref, z2_ref, hr_ref):
  agg = agg_ref[0].astype(jnp.float32) + agg_ref[1].astype(jnp.float32)
  cnt = cnt_ref[0] + cnt_ref[1]
  rcnt = 1.0 / jnp.maximum(cnt, 1.0)
  dn = (((1,), (1,)), ((), ()))
  h = jnp.maximum(
      lax.dot_general(agg * rcnt, w1l_ref[...], dn,
                      preferred_element_type=jnp.float32)
      + b1l_ref[...]
      + lax.dot_general(x_ref[...], w1r_ref[...], dn,
                        preferred_element_type=jnp.float32),
      0.0)
  z2_ref[...] = lax.dot_general(h, w2l_ref[...], dn,
                                preferred_element_type=jnp.float32
                                ).astype(jnp.bfloat16)
  hr_ref[...] = lax.dot_general(h, w2r_ref[...], dn,
                                preferred_element_type=jnp.float32) + b2l_ref[...]


_tc1 = pl.pallas_call(
    _tc1_body,
    grid=(N // BN,),
    in_specs=[
        pl.BlockSpec((NC, BN, D), lambda i: (0, i, 0)),
        pl.BlockSpec((NC, BN, 1), lambda i: (0, i, 0)),
        pl.BlockSpec((BN, D), lambda i: (i, 0)),
        pl.BlockSpec((D, D), lambda i: (0, 0)),
        pl.BlockSpec((1, D), lambda i: (0, 0)),
        pl.BlockSpec((D, D), lambda i: (0, 0)),
        pl.BlockSpec((C, D), lambda i: (0, 0)),
        pl.BlockSpec((1, C), lambda i: (0, 0)),
        pl.BlockSpec((C, D), lambda i: (0, 0)),
    ],
    out_specs=[
        pl.BlockSpec((BN, C), lambda i: (i, 0)),
        pl.BlockSpec((BN, C), lambda i: (i, 0)),
    ],
    out_shape=[
        jax.ShapeDtypeStruct((N, C), jnp.bfloat16),
        jax.ShapeDtypeStruct((N, C), jnp.float32),
    ],
)


def _tc2_body(aggz_ref, cnt_ref, hr_ref, out_ref):
  aggz = (aggz_ref[0].astype(jnp.float32) + aggz_ref[1].astype(jnp.float32))
  cnt = cnt_ref[0] + cnt_ref[1]
  rcnt = 1.0 / jnp.maximum(cnt, 1.0)
  logits = aggz * rcnt + hr_ref[...]
  m = jnp.max(logits, axis=1, keepdims=True)
  s = jnp.sum(jnp.exp(logits - m), axis=1, keepdims=True)
  out_ref[...] = logits - m - jnp.log(s)


_tc2 = pl.pallas_call(
    _tc2_body,
    grid=(N // BN,),
    in_specs=[
        pl.BlockSpec((NC, BN, C), lambda i: (0, i, 0)),
        pl.BlockSpec((NC, BN, 1), lambda i: (0, i, 0)),
        pl.BlockSpec((BN, C), lambda i: (i, 0)),
    ],
    out_specs=pl.BlockSpec((BN, C), lambda i: (i, 0)),
    out_shape=jax.ShapeDtypeStruct((N, C), jnp.float32),
)


def kernel(x, block, W1l, b1l, W1r, W2l, b2l, W2r):
  ar = jnp.arange(PAD, dtype=jnp.int32)
  srcp = jnp.concatenate([block[0], ar % 64]).reshape(NW, NCH, CH)
  dstp = jnp.concatenate([block[1], N + (ar % (N_PAD - N))]).reshape(NW, NCH, CH)

  zrows = jnp.zeros((CH, D), jnp.bfloat16)
  zcnt = jnp.zeros((CH,), jnp.float32)
  agg_p, cnt_p = _sc_agg_cnt(x.astype(jnp.bfloat16), srcp, dstp, zrows, zcnt)
  cnt_p3 = cnt_p.reshape(NC, N_PAD, 1)

  z2, hr = _tc1(agg_p, cnt_p3, x, W1l, b1l.reshape(1, D), W1r, W2l,
                b2l.reshape(1, C), W2r)

  zrows2 = jnp.zeros((CH, C), jnp.bfloat16)
  (aggz_p,) = _sc_agg(z2, srcp, dstp, zrows2)

  return _tc2(aggz_p, cnt_p3, hr)

# --- scband reference (transcript-rebuilt; emitter-appended) ---
"""Pipeline reference for scband-sage-31490700214330 (READ-ONLY COPY).

The authoritative reference and input builder live on the scoring server;
editing this copy changes nothing except your own understanding.
"""

import jax, jax.numpy as jnp
import numpy as np

N = 10000
E = 320000
D_FEAT = 128
D_HID = 128
N_CLASS = 64


def setup_inputs(seed: int = 0) -> dict:
    key = jax.random.key(seed)
    ks = jax.random.split(key, 8)
    x = jax.random.normal(ks[0], (N, D_FEAT), dtype=jnp.float32)
    edge_index = jax.random.randint(ks[1], (2, E), 0, N, dtype=jnp.int32)
    s1 = 1.0 / np.sqrt(D_FEAT)
    s2 = 1.0 / np.sqrt(D_HID)
    W1l = jax.random.normal(ks[2], (D_HID, D_FEAT), dtype=jnp.float32) * s1
    b1l = jnp.zeros((D_HID,), dtype=jnp.float32)
    W1r = jax.random.normal(ks[3], (D_HID, D_FEAT), dtype=jnp.float32) * s1
    W2l = jax.random.normal(ks[4], (N_CLASS, D_HID), dtype=jnp.float32) * s2
    b2l = jnp.zeros((N_CLASS,), dtype=jnp.float32)
    W2r = jax.random.normal(ks[5], (N_CLASS, D_HID), dtype=jnp.float32) * s2
    return {"x": x, "block": edge_index, "W1l": W1l, "b1l": b1l, "W1r": W1r, "W2l": W2l, "b2l": b2l, "W2r": W2r}


def _sage_conv(x, edge_index, Wl, bl, Wr):
    # PyG SAGEConv with mean aggregation: out = lin_l(mean_j x_j) + lin_r(x_root)
    src = edge_index[0]
    dst = edge_index[1]
    msgs = jnp.take(x, src, axis=0)                      # gather (SparseCore)
    agg = jax.ops.segment_sum(msgs, dst, num_segments=N)  # scatter-add
    cnt = jax.ops.segment_sum(jnp.ones((msgs.shape[0],), dtype=x.dtype), dst, num_segments=N)
    mean = agg / jnp.clip(cnt, 1.0, None)[:, None]
    return mean @ Wl.T + bl + x @ Wr.T


def reference(x, block, W1l, b1l, W1r, W2l, b2l, W2r):
    # eval mode: dropout is identity; n_layers=2, single edge_index block reused per layer
    h = _sage_conv(x, block, W1l, b1l, W1r)
    h = jax.nn.relu(h)
    out = _sage_conv(h, block, W2l, b2l, W2r)
    return jax.nn.log_softmax(out, axis=1)

if __name__ == "__main__":
    import jax
    _d = setup_inputs()
    print(jax.jit(kernel)(*tuple(_d.values())))

</pallas_src>

<mosaic_0001>
#map = affine_map<(d0, d1) -> (0, 0)>
#map1 = affine_map<(d0, d1) -> (0, 0, 0)>
#map2 = affine_map<(d0, d1) -> (0)>
module attributes {stable_mosaic.version = 14 : i64} {
  func.func @body(%arg0: i32, %arg1: i32, %arg2: memref<10000x128xbf16, #tpu.memory_space<hbm>>, %arg3: memref<32x160x64xi32, #tpu.memory_space<hbm>>, %arg4: memref<32x160x64xi32, #tpu.memory_space<hbm>>, %arg5: memref<64x128xbf16, #tpu.memory_space<hbm>>, %arg6: memref<64xf32, #tpu.memory_space<hbm>>, %arg7: memref<2x10240x128xbf16, #tpu.memory_space<hbm>>, %arg8: memref<20480xf32, #tpu.memory_space<hbm>>, %arg9: memref<40x64xi32, #tpu.memory_space<vmem>>, %arg10: memref<40x64xi32, #tpu.memory_space<vmem>>, %arg11: memref<64x128xbf16, #tpu.memory_space<vmem>>, %arg12: memref<64x128xbf16, #tpu.memory_space<vmem>>, %arg13: memref<64x128xbf16, #tpu.memory_space<vmem>>, %arg14: memref<64x128xbf16, #tpu.memory_space<vmem>>, %arg15: memref<10240x128xbf16, #tpu.memory_space<vmem_shared>>, %arg16: memref<!tpu.dma_semaphore, #tpu.memory_space<semaphore_mem>>, %arg17: memref<!tpu.dma_semaphore, #tpu.memory_space<semaphore_mem>>, %arg18: memref<!tpu.dma_semaphore, #tpu.memory_space<semaphore_mem>>, %arg19: memref<!tpu.dma_semaphore, #tpu.memory_space<semaphore_mem>>, %arg20: memref<!tpu.dma_semaphore, #tpu.memory_space<semaphore_mem>>, %arg21: memref<!tpu.dma_semaphore, #tpu.memory_space<semaphore_mem>>, %arg22: memref<!tpu.dma_semaphore, #tpu.memory_space<semaphore_mem>>, %arg23: memref<!tpu.dma_semaphore, #tpu.memory_space<semaphore_mem>>, %arg24: memref<64xf32, #tpu.memory_space<vmem>>, %arg25: memref<64xf32, #tpu.memory_space<vmem>>, %arg26: memref<10240xf32, #tpu.memory_space<vmem_shared>>, %arg27: memref<!tpu.dma_semaphore, #tpu.memory_space<semaphore_mem>>) attributes {dimension_semantics = [#tpu.dimension_semantics<core_parallel>, #tpu.dimension_semantics<subcore_parallel>], iteration_bounds = array<i64: 2, 16>, scalar_prefetch = 0 : i64, scratch_operands = 19 : i64, tpu.core_type = #tpu.core_type<sc_vector_subcore>, window_params = [{transform_indices = #map}, {transform_indices = #map1}, {transform_indices = #map1}, {transform_indices = #map}, {transform_indices = #map2}, {transform_indices = #map1}, {transform_indices = #map2}]} {
    %mul3A = arith.constant 16 : i32
    %mul3A_0 = arith.muli %arg0, %mul3A : i32
    %add3A = arith.addi %mul3A_0, %arg1 : i32
    %mul3A_1 = arith.constant 640 : i32
    %mul3A_2 = arith.muli %arg1, %mul3A_1 : i32
    "tpu.region"() ({
      %run_scoped3A = tpu.sem_alloc : memref<!tpu.dma_semaphore, #tpu.memory_space<semaphore_mem>>
      tpu.enqueue_dma source(%arg5 : memref<64x128xbf16, #tpu.memory_space<hbm>>) target(%arg11 : memref<64x128xbf16, #tpu.memory_space<vmem>>) target_semaphore(%run_scoped3A : memref<!tpu.dma_semaphore, #tpu.memory_space<semaphore_mem>>)
      tpu.wait_dma2 semaphore(%run_scoped3A : memref<!tpu.dma_semaphore, #tpu.memory_space<semaphore_mem>>) src(%arg5 : memref<64x128xbf16, #tpu.memory_space<hbm>>) dst(%arg11 : memref<64x128xbf16, #tpu.memory_space<vmem>>)
      tpu.yield
    }) : () -> ()
    %add3A_3 = arith.constant 0 : i32
    %add3A_4 = arith.addi %mul3A_2, %add3A_3 : i32
    "tpu.region"() ({
      %run_scoped3A = tpu.sem_alloc : memref<!tpu.dma_semaphore, #tpu.memory_space<semaphore_mem>>
      %dma_start3A = arith.constant 0 : i32
      %dma_start3A_141 = arith.constant 0 : i32
      %dma_start3A_142 = tpu.memref_slice %arg11[%dma_start3A, %dma_start3A_141] : memref<64x128xbf16, #tpu.memory_space<vmem>> -> memref<64x128xbf16, #tpu.memory_space<vmem>>
      %dma_start3A_143 = arith.constant 0 : i32
      %dma_start3A_144 = tpu.memref_slice %arg15[%add3A_4, %dma_start3A_143] : memref<10240x128xbf16, #tpu.memory_space<vmem_shared>> -> memref<64x128xbf16, #tpu.memory_space<vmem_shared>>
      %dma_start3A_145 = arith.constant 0 : i32
      %dma_start3A_146 = tpu.memref_slice %arg15[%add3A_4, %dma_start3A_145] : memref<10240x128xbf16, #tpu.memory_space<vmem_shared>> -> memref<64x128xbf16, #tpu.memory_space<vmem_shared>>
      %dma_start3A_147 = arith.constant 0 : i32
      %dma_start3A_148 = arith.constant 0 : i32
      %dma_start3A_149 = tpu.memref_slice %arg11[%dma_start3A_147, %dma_start3A_148] : memref<64x128xbf16, #tpu.memory_space<vmem>> -> memref<64x128xbf16, #tpu.memory_space<vmem>>
      tpu.enqueue_dma source(%dma_start3A_149 : memref<64x128xbf16, #tpu.memory_space<vmem>>) target(%dma_start3A_146 : memref<64x128xbf16, #tpu.memory_space<vmem_shared>>) target_semaphore(%run_scoped3A : memref<!tpu.dma_semaphore, #tpu.memory_space<semaphore_mem>>)
      %dma_wait3A = arith.constant 0 : i32
      %dma_wait3A_150 = arith.constant 0 : i32
      %dma_wait3A_151 = tpu.memref_slice %arg11[%dma_wait3A, %dma_wait3A_150] : memref<64x128xbf16, #tpu.memory_space<vmem>> -> memref<64x128xbf16, #tpu.memory_space<vmem>>
      %dma_wait3A_152 = arith.constant 0 : i32
      %dma_wait3A_153 = tpu.memref_slice %arg15[%add3A_4, %dma_wait3A_152] : memref<10240x128xbf16, #tpu.memory_space<vmem_shared>> -> memref<64x128xbf16, #tpu.memory_space<vmem_shared>>
      %dma_wait3A_154 = arith.constant 0 : i32
      %dma_wait3A_155 = tpu.memref_slice %arg15[%add3A_4, %dma_wait3A_154] : memref<10240x128xbf16, #tpu.memory_space<vmem_shared>> -> memref<64x128xbf16, #tpu.memory_space<vmem_shared>>
      %dma_wait3A_156 = arith.constant 0 : i32
      %dma_wait3A_157 = arith.constant 0 : i32
      %dma_wait3A_158 = tpu.memref_slice %arg11[%dma_wait3A_156, %dma_wait3A_157] : memref<64x128xbf16, #tpu.memory_space<vmem>> -> memref<64x128xbf16, #tpu.memory_space<vmem>>
      tpu.wait_dma2 semaphore(%run_scoped3A : memref<!tpu.dma_semaphore, #tpu.memory_space<semaphore_mem>>) src(%dma_wait3A_158 : memref<64x128xbf16, #tpu.memory_space<vmem>>) dst(%dma_wait3A_155 : memref<64x128xbf16, #tpu.memory_space<vmem_shared>>)
      tpu.yield
    }) : () -> ()
    %add3A_5 = arith.constant 64 : i32
    %add3A_6 = arith.addi %mul3A_2, %add3A_5 : i32
    "tpu.region"() ({
      %run_scoped3A = tpu.sem_alloc : memref<!tpu.dma_semaphore, #tpu.memory_space<semaphore_mem>>
      %dma_start3A = arith.constant 0 : i32
      %dma_start3A_141 = arith.constant 0 : i32
      %dma_start3A_142 = tpu.memref_slice %arg11[%dma_start3A, %dma_start3A_141] : memref<64x128xbf16, #tpu.memory_space<vmem>> -> memref<64x128xbf16, #tpu.memory_space<vmem>>
      %dma_start3A_143 = arith.constant 0 : i32
      %dma_start3A_144 = tpu.memref_slice %arg15[%add3A_6, %dma_start3A_143] : memref<10240x128xbf16, #tpu.memory_space<vmem_shared>> -> memref<64x128xbf16, #tpu.memory_space<vmem_shared>>
      %dma_start3A_145 = arith.constant 0 : i32
      %dma_start3A_146 = tpu.memref_slice %arg15[%add3A_6, %dma_start3A_145] : memref<10240x128xbf16, #tpu.memory_space<vmem_shared>> -> memref<64x128xbf16, #tpu.memory_space<vmem_shared>>
      %dma_start3A_147 = arith.constant 0 : i32
      %dma_start3A_148 = arith.constant 0 : i32
      %dma_start3A_149 = tpu.memref_slice %arg11[%dma_start3A_147, %dma_start3A_148] : memref<64x128xbf16, #tpu.memory_space<vmem>> -> memref<64x128xbf16, #tpu.memory_space<vmem>>
      tpu.enqueue_dma source(%dma_start3A_149 : memref<64x128xbf16, #tpu.memory_space<vmem>>) target(%dma_start3A_146 : memref<64x128xbf16, #tpu.memory_space<vmem_shared>>) target_semaphore(%run_scoped3A : memref<!tpu.dma_semaphore, #tpu.memory_space<semaphore_mem>>)
      %dma_wait3A = arith.constant 0 : i32
      %dma_wait3A_150 = arith.constant 0 : i32
      %dma_wait3A_151 = tpu.memref_slice %arg11[%dma_wait3A, %dma_wait3A_150] : memref<64x128xbf16, #tpu.memory_space<vmem>> -> memref<64x128xbf16, #tpu.memory_space<vmem>>
      %dma_wait3A_152 = arith.constant 0 : i32
      %dma_wait3A_153 = tpu.memref_slice %arg15[%add3A_6, %dma_wait3A_152] : memref<10240x128xbf16, #tpu.memory_space<vmem_shared>> -> memref<64x128xbf16, #tpu.memory_space<vmem_shared>>
      %dma_wait3A_154 = arith.constant 0 : i32
      %dma_wait3A_155 = tpu.memref_slice %arg15[%add3A_6, %dma_wait3A_154] : memref<10240x128xbf16, #tpu.memory_space<vmem_shared>> -> memref<64x128xbf16, #tpu.memory_space<vmem_shared>>
      %dma_wait3A_156 = arith.constant 0 : i32
      %dma_wait3A_157 = arith.constant 0 : i32
      %dma_wait3A_158 = tpu.memref_slice %arg11[%dma_wait3A_156, %dma_wait3A_157] : memref<64x128xbf16, #tpu.memory_space<vmem>> -> memref<64x128xbf16, #tpu.memory_space<vmem>>
      tpu.wait_dma2 semaphore(%run_scoped3A : memref<!tpu.dma_semaphore, #tpu.memory_space<semaphore_mem>>) src(%dma_wait3A_158 : memref<64x128xbf16, #tpu.memory_space<vmem>>) dst(%dma_wait3A_155 : memref<64x128xbf16, #tpu.memory_space<vmem_shared>>)
      tpu.yield
    }) : () -> ()
    %add3A_7 = arith.constant 128 : i32
    %add3A_8 = arith.addi %mul3A_2, %add3A_7 : i32
    "tpu.region"() ({
      %run_scoped3A = tpu.sem_alloc : memref<!tpu.dma_semaphore, #tpu.memory_space<semaphore_mem>>
      %dma_start3A = arith.constant 0 : i32
      %dma_start3A_141 = arith.constant 0 : i32
      %dma_start3A_142 = tpu.memref_slice %arg11[%dma_start3A, %dma_start3A_141] : memref<64x128xbf16, #tpu.memory_space<vmem>> -> memref<64x128xbf16, #tpu.memory_space<vmem>>
      %dma_start3A_143 = arith.constant 0 : i32
      %dma_start3A_144 = tpu.memref_slice %arg15[%add3A_8, %dma_start3A_143] : memref<10240x128xbf16, #tpu.memory_space<vmem_shared>> -> memref<64x128xbf16, #tpu.memory_space<vmem_shared>>
      %dma_start3A_145 = arith.constant 0 : i32
      %dma_start3A_146 = tpu.memref_slice %arg15[%add3A_8, %dma_start3A_145] : memref<10240x128xbf16, #tpu.memory_space<vmem_shared>> -> memref<64x128xbf16, #tpu.memory_space<vmem_shared>>
      %dma_start3A_147 = arith.constant 0 : i32
      %dma_start3A_148 = arith.constant 0 : i32
      %dma_start3A_149 = tpu.memref_slice %arg11[%dma_start3A_147, %dma_start3A_148] : memref<64x128xbf16, #tpu.memory_space<vmem>> -> memref<64x128xbf16, #tpu.memory_space<vmem>>
      tpu.enqueue_dma source(%dma_start3A_149 : memref<64x128xbf16, #tpu.memory_space<vmem>>) target(%dma_start3A_146 : memref<64x128xbf16, #tpu.memory_space<vmem_shared>>) target_semaphore(%run_scoped3A : memref<!tpu.dma_semaphore, #tpu.memory_space<semaphore_mem>>)
      %dma_wait3A = arith.constant 0 : i32
      %dma_wait3A_150 = arith.constant 0 : i32
      %dma_wait3A_151 = tpu.memref_slice %arg11[%dma_wait3A, %dma_wait3A_150] : memref<64x128xbf16, #tpu.memory_space<vmem>> -> memref<64x128xbf16, #tpu.memory_space<vmem>>
      %dma_wait3A_152 = arith.constant 0 : i32
      %dma_wait3A_153 = tpu.memref_slice %arg15[%add3A_8, %dma_wait3A_152] : memref<10240x128xbf16, #tpu.memory_space<vmem_shared>> -> memref<64x128xbf16, #tpu.memory_space<vmem_shared>>
      %dma_wait3A_154 = arith.constant 0 : i32
      %dma_wait3A_155 = tpu.memref_slice %arg15[%add3A_8, %dma_wait3A_154] : memref<10240x128xbf16, #tpu.memory_space<vmem_shared>> -> memref<64x128xbf16, #tpu.memory_space<vmem_shared>>
      %dma_wait3A_156 = arith.constant 0 : i32
      %dma_wait3A_157 = arith.constant 0 : i32
      %dma_wait3A_158 = tpu.memref_slice %arg11[%dma_wait3A_156, %dma_wait3A_157] : memref<64x128xbf16, #tpu.memory_space<vmem>> -> memref<64x128xbf16, #tpu.memory_space<vmem>>
      tpu.wait_dma2 semaphore(%run_scoped3A : memref<!tpu.dma_semaphore, #tpu.memory_space<semaphore_mem>>) src(%dma_wait3A_158 : memref<64x128xbf16, #tpu.memory_space<vmem>>) dst(%dma_wait3A_155 : memref<64x128xbf16, #tpu.memory_space<vmem_shared>>)
      tpu.yield
    }) : () -> ()
    %add3A_9 = arith.constant 192 : i32
    %add3A_10 = arith.addi %mul3A_2, %add3A_9 : i32
    "tpu.region"() ({
      %run_scoped3A = tpu.sem_alloc : memref<!tpu.dma_semaphore, #tpu.memory_space<semaphore_mem>>
      %dma_start3A = arith.constant 0 : i32
      %dma_start3A_141 = arith.constant 0 : i32
      %dma_start3A_142 = tpu.memref_slice %arg11[%dma_start3A, %dma_start3A_141] : memref<64x128xbf16, #tpu.memory_space<vmem>> -> memref<64x128xbf16, #tpu.memory_space<vmem>>
      %dma_start3A_143 = arith.constant 0 : i32
      %dma_start3A_144 = tpu.memref_slice %arg15[%add3A_10, %dma_start3A_143] : memref<10240x128xbf16, #tpu.memory_space<vmem_shared>> -> memref<64x128xbf16, #tpu.memory_space<vmem_shared>>
      %dma_start3A_145 = arith.constant 0 : i32
      %dma_start3A_146 = tpu.memref_slice %arg15[%add3A_10, %dma_start3A_145] : memref<10240x128xbf16, #tpu.memory_space<vmem_shared>> -> memref<64x128xbf16, #tpu.memory_space<vmem_shared>>
      %dma_start3A_147 = arith.constant 0 : i32
      %dma_start3A_148 = arith.constant 0 : i32
      %dma_start3A_149 = tpu.memref_slice %arg11[%dma_start3A_147, %dma_start3A_148] : memref<64x128xbf16, #tpu.memory_space<vmem>> -> memref<64x128xbf16, #tpu.memory_space<vmem>>
      tpu.enqueue_dma source(%dma_start3A_149 : memref<64x128xbf16, #tpu.memory_space<vmem>>) target(%dma_start3A_146 : memref<64x128xbf16, #tpu.memory_space<vmem_shared>>) target_semaphore(%run_scoped3A : memref<!tpu.dma_semaphore, #tpu.memory_space<semaphore_mem>>)
      %dma_wait3A = arith.constant 0 : i32
      %dma_wait3A_150 = arith.constant 0 : i32
      %dma_wait3A_151 = tpu.memref_slice %arg11[%dma_wait3A, %dma_wait3A_150] : memref<64x128xbf16, #tpu.memory_space<vmem>> -> memref<64x128xbf16, #tpu.memory_space<vmem>>
      %dma_wait3A_152 = arith.constant 0 : i32
      %dma_wait3A_153 = tpu.memref_slice %arg15[%add3A_10, %dma_wait3A_152] : memref<10240x128xbf16, #tpu.memory_space<vmem_shared>> -> memref<64x128xbf16, #tpu.memory_space<vmem_shared>>
      %dma_wait3A_154 = arith.constant 0 : i32
      %dma_wait3A_155 = tpu.memref_slice %arg15[%add3A_10, %dma_wait3A_154] : memref<10240x128xbf16, #tpu.memory_space<vmem_shared>> -> memref<64x128xbf16, #tpu.memory_space<vmem_shared>>
      %dma_wait3A_156 = arith.constant 0 : i32
      %dma_wait3A_157 = arith.constant 0 : i32
      %dma_wait3A_158 = tpu.memref_slice %arg11[%dma_wait3A_156, %dma_wait3A_157] : memref<64x128xbf16, #tpu.memory_space<vmem>> -> memref<64x128xbf16, #tpu.memory_space<vmem>>
      tpu.wait_dma2 semaphore(%run_scoped3A : memref<!tpu.dma_semaphore, #tpu.memory_space<semaphore_mem>>) src(%dma_wait3A_158 : memref<64x128xbf16, #tpu.memory_space<vmem>>) dst(%dma_wait3A_155 : memref<64x128xbf16, #tpu.memory_space<vmem_shared>>)
      tpu.yield
    }) : () -> ()
    %add3A_11 = arith.constant 256 : i32
    %add3A_12 = arith.addi %mul3A_2, %add3A_11 : i32
    "tpu.region"() ({
      %run_scoped3A = tpu.sem_alloc : memref<!tpu.dma_semaphore, #tpu.memory_space<semaphore_mem>>
      %dma_start3A = arith.constant 0 : i32
      %dma_start3A_141 = arith.constant 0 : i32
      %dma_start3A_142 = tpu.memref_slice %arg11[%dma_start3A, %dma_start3A_141] : memref<64x128xbf16, #tpu.memory_space<vmem>> -> memref<64x128xbf16, #tpu.memory_space<vmem>>
      %dma_start3A_143 = arith.constant 0 : i32
      %dma_start3A_144 = tpu.memref_slice %arg15[%add3A_12, %dma_start3A_143] : memref<10240x128xbf16, #tpu.memory_space<vmem_shared>> -> memref<64x128xbf16, #tpu.memory_space<vmem_shared>>
      %dma_start3A_145 = arith.constant 0 : i32
      %dma_start3A_146 = tpu.memref_slice %arg15[%add3A_12, %dma_start3A_145] : memref<10240x128xbf16, #tpu.memory_space<vmem_shared>> -> memref<64x128xbf16, #tpu.memory_space<vmem_shared>>
      %dma_start3A_147 = arith.constant 0 : i32
      %dma_start3A_148 = arith.constant 0 : i32
      %dma_start3A_149 = tpu.memref_slice %arg11[%dma_start3A_147, %dma_start3A_148] : memref<64x128xbf16, #tpu.memory_space<vmem>> -> memref<64x128xbf16, #tpu.memory_space<vmem>>
      tpu.enqueue_dma source(%dma_start3A_149 : memref<64x128xbf16, #tpu.memory_space<vmem>>) target(%dma_start3A_146 : memref<64x128xbf16, #tpu.memory_space<vmem_shared>>) target_semaphore(%run_scoped3A : memref<!tpu.dma_semaphore, #tpu.memory_space<semaphore_mem>>)
      %dma_wait3A = arith.constant 0 : i32
      %dma_wait3A_150 = arith.constant 0 : i32
      %dma_wait3A_151 = tpu.memref_slice %arg11[%dma_wait3A, %dma_wait3A_150] : memref<64x128xbf16, #tpu.memory_space<vmem>> -> memref<64x128xbf16, #tpu.memory_space<vmem>>
      %dma_wait3A_152 = arith.constant 0 : i32
      %dma_wait3A_153 = tpu.memref_slice %arg15[%add3A_12, %dma_wait3A_152] : memref<10240x128xbf16, #tpu.memory_space<vmem_shared>> -> memref<64x128xbf16, #tpu.memory_space<vmem_shared>>
      %dma_wait3A_154 = arith.constant 0 : i32
      %dma_wait3A_155 = tpu.memref_slice %arg15[%add3A_12, %dma_wait3A_154] : memref<10240x128xbf16, #tpu.memory_space<vmem_shared>> -> memref<64x128xbf16, #tpu.memory_space<vmem_shared>>
      %dma_wait3A_156 = arith.constant 0 : i32
      %dma_wait3A_157 = arith.constant 0 : i32
      %dma_wait3A_158 = tpu.memref_slice %arg11[%dma_wait3A_156, %dma_wait3A_157] : memref<64x128xbf16, #tpu.memory_space<vmem>> -> memref<64x128xbf16, #tpu.memory_space<vmem>>
      tpu.wait_dma2 semaphore(%run_scoped3A : memref<!tpu.dma_semaphore, #tpu.memory_space<semaphore_mem>>) src(%dma_wait3A_158 : memref<64x128xbf16, #tpu.memory_space<vmem>>) dst(%dma_wait3A_155 : memref<64x128xbf16, #tpu.memory_space<vmem_shared>>)
      tpu.yield
    }) : () -> ()
    %add3A_13 = arith.constant 320 : i32
    %add3A_14 = arith.addi %mul3A_2, %add3A_13 : i32
    "tpu.region"() ({
      %run_scoped3A = tpu.sem_alloc : memref<!tpu.dma_semaphore, #tpu.memory_space<semaphore_mem>>
      %dma_start3A = arith.constant 0 : i32
      %dma_start3A_141 = arith.constant 0 : i32
      %dma_start3A_142 = tpu.memref_slice %arg11[%dma_start3A, %dma_start3A_141] : memref<64x128xbf16, #tpu.memory_space<vmem>> -> memref<64x128xbf16, #tpu.memory_space<vmem>>
      %dma_start3A_143 = arith.constant 0 : i32
      %dma_start3A_144 = tpu.memref_slice %arg15[%add3A_14, %dma_start3A_143] : memref<10240x128xbf16, #tpu.memory_space<vmem_shared>> -> memref<64x128xbf16, #tpu.memory_space<vmem_shared>>
      %dma_start3A_145 = arith.constant 0 : i32
      %dma_start3A_146 = tpu.memref_slice %arg15[%add3A_14, %dma_start3A_145] : memref<10240x128xbf16, #tpu.memory_space<vmem_shared>> -> memref<64x128xbf16, #tpu.memory_space<vmem_shared>>
      %dma_start3A_147 = arith.constant 0 : i32
      %dma_start3A_148 = arith.constant 0 : i32
      %dma_start3A_149 = tpu.memref_slice %arg11[%dma_start3A_147, %dma_start3A_148] : memref<64x128xbf16, #tpu.memory_space<vmem>> -> memref<64x128xbf16, #tpu.memory_space<vmem>>
      tpu.enqueue_dma source(%dma_start3A_149 : memref<64x128xbf16, #tpu.memory_space<vmem>>) target(%dma_start3A_146 : memref<64x128xbf16, #tpu.memory_space<vmem_shared>>) target_semaphore(%run_scoped3A : memref<!tpu.dma_semaphore, #tpu.memory_space<semaphore_mem>>)
      %dma_wait3A = arith.constant 0 : i32
      %dma_wait3A_150 = arith.constant 0 : i32
      %dma_wait3A_151 = tpu.memref_slice %arg11[%dma_wait3A, %dma_wait3A_150] : memref<64x128xbf16, #tpu.memory_space<vmem>> -> memref<64x128xbf16, #tpu.memory_space<vmem>>
      %dma_wait3A_152 = arith.constant 0 : i32
      %dma_wait3A_153 = tpu.memref_slice %arg15[%add3A_14, %dma_wait3A_152] : memref<10240x128xbf16, #tpu.memory_space<vmem_shared>> -> memref<64x128xbf16, #tpu.memory_space<vmem_shared>>
      %dma_wait3A_154 = arith.constant 0 : i32
      %dma_wait3A_155 = tpu.memref_slice %arg15[%add3A_14, %dma_wait3A_154] : memref<10240x128xbf16, #tpu.memory_space<vmem_shared>> -> memref<64x128xbf16, #tpu.memory_space<vmem_shared>>
      %dma_wait3A_156 = arith.constant 0 : i32
      %dma_wait3A_157 = arith.constant 0 : i32
      %dma_wait3A_158 = tpu.memref_slice %arg11[%dma_wait3A_156, %dma_wait3A_157] : memref<64x128xbf16, #tpu.memory_space<vmem>> -> memref<64x128xbf16, #tpu.memory_space<vmem>>
      tpu.wait_dma2 semaphore(%run_scoped3A : memref<!tpu.dma_semaphore, #tpu.memory_space<semaphore_mem>>) src(%dma_wait3A_158 : memref<64x128xbf16, #tpu.memory_space<vmem>>) dst(%dma_wait3A_155 : memref<64x128xbf16, #tpu.memory_space<vmem_shared>>)
      tpu.yield
    }) : () -> ()
    %add3A_15 = arith.constant 384 : i32
    %add3A_16 = arith.addi %mul3A_2, %add3A_15 : i32
    "tpu.region"() ({
      %run_scoped3A = tpu.sem_alloc : memref<!tpu.dma_semaphore, #tpu.memory_space<semaphore_mem>>
      %dma_start3A = arith.constant 0 : i32
      %dma_start3A_141 = arith.constant 0 : i32
      %dma_start3A_142 = tpu.memref_slice %arg11[%dma_start3A, %dma_start3A_141] : memref<64x128xbf16, #tpu.memory_space<vmem>> -> memref<64x128xbf16, #tpu.memory_space<vmem>>
      %dma_start3A_143 = arith.constant 0 : i32
      %dma_start3A_144 = tpu.memref_slice %arg15[%add3A_16, %dma_start3A_143] : memref<10240x128xbf16, #tpu.memory_space<vmem_shared>> -> memref<64x128xbf16, #tpu.memory_space<vmem_shared>>
      %dma_start3A_145 = arith.constant 0 : i32
      %dma_start3A_146 = tpu.memref_slice %arg15[%add3A_16, %dma_start3A_145] : memref<10240x128xbf16, #tpu.memory_space<vmem_shared>> -> memref<64x128xbf16, #tpu.memory_space<vmem_shared>>
      %dma_start3A_147 = arith.constant 0 : i32
      %dma_start3A_148 = arith.constant 0 : i32
      %dma_start3A_149 = tpu.memref_slice %arg11[%dma_start3A_147, %dma_start3A_148] : memref<64x128xbf16, #tpu.memory_space<vmem>> -> memref<64x128xbf16, #tpu.memory_space<vmem>>
      tpu.enqueue_dma source(%dma_start3A_149 : memref<64x128xbf16, #tpu.memory_space<vmem>>) target(%dma_start3A_146 : memref<64x128xbf16, #tpu.memory_space<vmem_shared>>) target_semaphore(%run_scoped3A : memref<!tpu.dma_semaphore, #tpu.memory_space<semaphore_mem>>)
      %dma_wait3A = arith.constant 0 : i32
      %dma_wait3A_150 = arith.constant 0 : i32
      %dma_wait3A_151 = tpu.memref_slice %arg11[%dma_wait3A, %dma_wait3A_150] : memref<64x128xbf16, #tpu.memory_space<vmem>> -> memref<64x128xbf16, #tpu.memory_space<vmem>>
      %dma_wait3A_152 = arith.constant 0 : i32
      %dma_wait3A_153 = tpu.memref_slice %arg15[%add3A_16, %dma_wait3A_152] : memref<10240x128xbf16, #tpu.memory_space<vmem_shared>> -> memref<64x128xbf16, #tpu.memory_space<vmem_shared>>
      %dma_wait3A_154 = arith.constant 0 : i32
      %dma_wait3A_155 = tpu.memref_slice %arg15[%add3A_16, %dma_wait3A_154] : memref<10240x128xbf16, #tpu.memory_space<vmem_shared>> -> memref<64x128xbf16, #tpu.memory_space<vmem_shared>>
      %dma_wait3A_156 = arith.constant 0 : i32
      %dma_wait3A_157 = arith.constant 0 : i32
      %dma_wait3A_158 = tpu.memref_slice %arg11[%dma_wait3A_156, %dma_wait3A_157] : memref<64x128xbf16, #tpu.memory_space<vmem>> -> memref<64x128xbf16, #tpu.memory_space<vmem>>
      tpu.wait_dma2 semaphore(%run_scoped3A : memref<!tpu.dma_semaphore, #tpu.memory_space<semaphore_mem>>) src(%dma_wait3A_158 : memref<64x128xbf16, #tpu.memory_space<vmem>>) dst(%dma_wait3A_155 : memref<64x128xbf16, #tpu.memory_space<vmem_shared>>)
      tpu.yield
    }) : () -> ()
    %add3A_17 = arith.constant 448 : i32
    %add3A_18 = arith.addi %mul3A_2, %add3A_17 : i32
    "tpu.region"() ({
      %run_scoped3A = tpu.sem_alloc : memref<!tpu.dma_semaphore, #tpu.memory_space<semaphore_mem>>
      %dma_start3A = arith.constant 0 : i32
      %dma_start3A_141 = arith.constant 0 : i32
      %dma_start3A_142 = tpu.memref_slice %arg11[%dma_start3A, %dma_start3A_141] : memref<64x128xbf16, #tpu.memory_space<vmem>> -> memref<64x128xbf16, #tpu.memory_space<vmem>>
      %dma_start3A_143 = arith.constant 0 : i32
      %dma_start3A_144 = tpu.memref_slice %arg15[%add3A_18, %dma_start3A_143] : memref<10240x128xbf16, #tpu.memory_space<vmem_shared>> -> memref<64x128xbf16, #tpu.memory_space<vmem_shared>>
      %dma_start3A_145 = arith.constant 0 : i32
      %dma_start3A_146 = tpu.memref_slice %arg15[%add3A_18, %dma_start3A_145] : memref<10240x128xbf16, #tpu.memory_space<vmem_shared>> -> memref<64x128xbf16, #tpu.memory_space<vmem_shared>>
      %dma_start3A_147 = arith.constant 0 : i32
      %dma_start3A_148 = arith.constant 0 : i32
      %dma_start3A_149 = tpu.memref_slice %arg11[%dma_start3A_147, %dma_start3A_148] : memref<64x128xbf16, #tpu.memory_space<vmem>> -> memref<64x128xbf16, #tpu.memory_space<vmem>>
      tpu.enqueue_dma source(%dma_start3A_149 : memref<64x128xbf16, #tpu.memory_space<vmem>>) target(%dma_start3A_146 : memref<64x128xbf16, #tpu.memory_space<vmem_shared>>) target_semaphore(%run_scoped3A : memref<!tpu.dma_semaphore, #tpu.memory_space<semaphore_mem>>)
      %dma_wait3A = arith.constant 0 : i32
      %dma_wait3A_150 = arith.constant 0 : i32
      %dma_wait3A_151 = tpu.memref_slice %arg11[%dma_wait3A, %dma_wait3A_150] : memref<64x128xbf16, #tpu.memory_space<vmem>> -> memref<64x128xbf16, #tpu.memory_space<vmem>>
      %dma_wait3A_152 = arith.constant 0 : i32
      %dma_wait3A_153 = tpu.memref_slice %arg15[%add3A_18, %dma_wait3A_152] : memref<10240x128xbf16, #tpu.memory_space<vmem_shared>> -> memref<64x128xbf16, #tpu.memory_space<vmem_shared>>
      %dma_wait3A_154 = arith.constant 0 : i32
      %dma_wait3A_155 = tpu.memref_slice %arg15[%add3A_18, %dma_wait3A_154] : memref<10240x128xbf16, #tpu.memory_space<vmem_shared>> -> memref<64x128xbf16, #tpu.memory_space<vmem_shared>>
      %dma_wait3A_156 = arith.constant 0 : i32
      %dma_wait3A_157 = arith.constant 0 : i32
      %dma_wait3A_158 = tpu.memref_slice %arg11[%dma_wait3A_156, %dma_wait3A_157] : memref<64x128xbf16, #tpu.memory_space<vmem>> -> memref<64x128xbf16, #tpu.memory_space<vmem>>
      tpu.wait_dma2 semaphore(%run_scoped3A : memref<!tpu.dma_semaphore, #tpu.memory_space<semaphore_mem>>) src(%dma_wait3A_158 : memref<64x128xbf16, #tpu.memory_space<vmem>>) dst(%dma_wait3A_155 : memref<64x128xbf16, #tpu.memory_space<vmem_shared>>)
      tpu.yield
    }) : () -> ()
    %add3A_19 = arith.constant 512 : i32
    %add3A_20 = arith.addi %mul3A_2, %add3A_19 : i32
    "tpu.region"() ({
      %run_scoped3A = tpu.sem_alloc : memref<!tpu.dma_semaphore, #tpu.memory_space<semaphore_mem>>
      %dma_start3A = arith.constant 0 : i32
      %dma_start3A_141 = arith.constant 0 : i32
      %dma_start3A_142 = tpu.memref_slice %arg11[%dma_start3A, %dma_start3A_141] : memref<64x128xbf16, #tpu.memory_space<vmem>> -> memref<64x128xbf16, #tpu.memory_space<vmem>>
      %dma_start3A_143 = arith.constant 0 : i32
      %dma_start3A_144 = tpu.memref_slice %arg15[%add3A_20, %dma_start3A_143] : memref<10240x128xbf16, #tpu.memory_space<vmem_shared>> -> memref<64x128xbf16, #tpu.memory_space<vmem_shared>>
      %dma_start3A_145 = arith.constant 0 : i32
      %dma_start3A_146 = tpu.memref_slice %arg15[%add3A_20, %dma_start3A_145] : memref<10240x128xbf16, #tpu.memory_space<vmem_shared>> -> memref<64x128xbf16, #tpu.memory_space<vmem_shared>>
      %dma_start3A_147 = arith.constant 0 : i32
      %dma_start3A_148 = arith.constant 0 : i32
      %dma_start3A_149 = tpu.memref_slice %arg11[%dma_start3A_147, %dma_start3A_148] : memref<64x128xbf16, #tpu.memory_space<vmem>> -> memref<64x128xbf16, #tpu.memory_space<vmem>>
      tpu.enqueue_dma source(%dma_start3A_149 : memref<64x128xbf16, #tpu.memory_space<vmem>>) target(%dma_start3A_146 : memref<64x128xbf16, #tpu.memory_space<vmem_shared>>) target_semaphore(%run_scoped3A : memref<!tpu.dma_semaphore, #tpu.memory_space<semaphore_mem>>)
      %dma_wait3A = arith.constant 0 : i32
      %dma_wait3A_150 = arith.constant 0 : i32
      %dma_wait3A_151 = tpu.memref_slice %arg11[%dma_wait3A, %dma_wait3A_150] : memref<64x128xbf16, #tpu.memory_space<vmem>> -> memref<64x128xbf16, #tpu.memory_space<vmem>>
      %dma_wait3A_152 = arith.constant 0 : i32
      %dma_wait3A_153 = tpu.memref_slice %arg15[%add3A_20, %dma_wait3A_152] : memref<10240x128xbf16, #tpu.memory_space<vmem_shared>> -> memref<64x128xbf16, #tpu.memory_space<vmem_shared>>
      %dma_wait3A_154 = arith.constant 0 : i32
      %dma_wait3A_155 = tpu.memref_slice %arg15[%add3A_20, %dma_wait3A_154] : memref<10240x128xbf16, #tpu.memory_space<vmem_shared>> -> memref<64x128xbf16, #tpu.memory_space<vmem_shared>>
      %dma_wait3A_156 = arith.constant 0 : i32
      %dma_wait3A_157 = arith.constant 0 : i32
      %dma_wait3A_158 = tpu.memref_slice %arg11[%dma_wait3A_156, %dma_wait3A_157] : memref<64x128xbf16, #tpu.memory_space<vmem>> -> memref<64x128xbf16, #tpu.memory_space<vmem>>
      tpu.wait_dma2 semaphore(%run_scoped3A : memref<!tpu.dma_semaphore, #tpu.memory_space<semaphore_mem>>) src(%dma_wait3A_158 : memref<64x128xbf16, #tpu.memory_space<vmem>>) dst(%dma_wait3A_155 : memref<64x128xbf16, #tpu.memory_space<vmem_shared>>)
      tpu.yield
    }) : () -> ()
    %add3A_21 = arith.constant 576 : i32
    %add3A_22 = arith.addi %mul3A_2, %add3A_21 : i32
    "tpu.region"() ({
      %run_scoped3A = tpu.sem_alloc : memref<!tpu.dma_semaphore, #tpu.memory_space<semaphore_mem>>
      %dma_start3A = arith.constant 0 : i32
      %dma_start3A_141 = arith.constant 0 : i32
      %dma_start3A_142 = tpu.memref_slice %arg11[%dma_start3A, %dma_start3A_141] : memref<64x128xbf16, #tpu.memory_space<vmem>> -> memref<64x128xbf16, #tpu.memory_space<vmem>>
      %dma_start3A_143 = arith.constant 0 : i32
      %dma_start3A_144 = tpu.memref_slice %arg15[%add3A_22, %dma_start3A_143] : memref<10240x128xbf16, #tpu.memory_space<vmem_shared>> -> memref<64x128xbf16, #tpu.memory_space<vmem_shared>>
      %dma_start3A_145 = arith.constant 0 : i32
      %dma_start3A_146 = tpu.memref_slice %arg15[%add3A_22, %dma_start3A_145] : memref<10240x128xbf16, #tpu.memory_space<vmem_shared>> -> memref<64x128xbf16, #tpu.memory_space<vmem_shared>>
      %dma_start3A_147 = arith.constant 0 : i32
      %dma_start3A_148 = arith.constant 0 : i32
      %dma_start3A_149 = tpu.memref_slice %arg11[%dma_start3A_147, %dma_start3A_148] : memref<64x128xbf16, #tpu.memory_space<vmem>> -> memref<64x128xbf16, #tpu.memory_space<vmem>>
      tpu.enqueue_dma source(%dma_start3A_149 : memref<64x128xbf16, #tpu.memory_space<vmem>>) target(%dma_start3A_146 : memref<64x128xbf16, #tpu.memory_space<vmem_shared>>) target_semaphore(%run_scoped3A : memref<!tpu.dma_semaphore, #tpu.memory_space<semaphore_mem>>)
      %dma_wait3A = arith.constant 0 : i32
      %dma_wait3A_150 = arith.constant 0 : i32
      %dma_wait3A_151 = tpu.memref_slice %arg11[%dma_wait3A, %dma_wait3A_150] : memref<64x128xbf16, #tpu.memory_space<vmem>> -> memref<64x128xbf16, #tpu.memory_space<vmem>>
      %dma_wait3A_152 = arith.constant 0 : i32
      %dma_wait3A_153 = tpu.memref_slice %arg15[%add3A_22, %dma_wait3A_152] : memref<10240x128xbf16, #tpu.memory_space<vmem_shared>> -> memref<64x128xbf16, #tpu.memory_space<vmem_shared>>
      %dma_wait3A_154 = arith.constant 0 : i32
      %dma_wait3A_155 = tpu.memref_slice %arg15[%add3A_22, %dma_wait3A_154] : memref<10240x128xbf16, #tpu.memory_space<vmem_shared>> -> memref<64x128xbf16, #tpu.memory_space<vmem_shared>>
      %dma_wait3A_156 = arith.constant 0 : i32
      %dma_wait3A_157 = arith.constant 0 : i32
      %dma_wait3A_158 = tpu.memref_slice %arg11[%dma_wait3A_156, %dma_wait3A_157] : memref<64x128xbf16, #tpu.memory_space<vmem>> -> memref<64x128xbf16, #tpu.memory_space<vmem>>
      tpu.wait_dma2 semaphore(%run_scoped3A : memref<!tpu.dma_semaphore, #tpu.memory_space<semaphore_mem>>) src(%dma_wait3A_158 : memref<64x128xbf16, #tpu.memory_space<vmem>>) dst(%dma_wait3A_155 : memref<64x128xbf16, #tpu.memory_space<vmem_shared>>)
      tpu.yield
    }) : () -> ()
    "tpu.region"() ({
      %run_scoped3A = tpu.sem_alloc : memref<!tpu.dma_semaphore, #tpu.memory_space<semaphore_mem>>
      tpu.enqueue_dma source(%arg6 : memref<64xf32, #tpu.memory_space<hbm>>) target(%arg25 : memref<64xf32, #tpu.memory_space<vmem>>) target_semaphore(%run_scoped3A : memref<!tpu.dma_semaphore, #tpu.memory_space<semaphore_mem>>)
      tpu.wait_dma2 semaphore(%run_scoped3A : memref<!tpu.dma_semaphore, #tpu.memory_space<semaphore_mem>>) src(%arg6 : memref<64xf32, #tpu.memory_space<hbm>>) dst(%arg25 : memref<64xf32, #tpu.memory_space<vmem>>)
      tpu.yield
    }) : () -> ()
    %add3A_23 = arith.constant 0 : i32
    %add3A_24 = arith.addi %mul3A_2, %add3A_23 : i32
    "tpu.region"() ({
      %run_scoped3A = tpu.sem_alloc : memref<!tpu.dma_semaphore, #tpu.memory_space<semaphore_mem>>
      %dma_start3A = arith.constant 0 : i32
      %dma_start3A_141 = tpu.memref_slice %arg25[%dma_start3A] : memref<64xf32, #tpu.memory_space<vmem>> -> memref<64xf32, #tpu.memory_space<vmem>>
      %dma_start3A_142 = tpu.memref_slice %arg26[%add3A_24] : memref<10240xf32, #tpu.memory_space<vmem_shared>> -> memref<64xf32, #tpu.memory_space<vmem_shared>>
      %dma_start3A_143 = tpu.memref_slice %arg26[%add3A_24] : memref<10240xf32, #tpu.memory_space<vmem_shared>> -> memref<64xf32, #tpu.memory_space<vmem_shared>>
      %dma_start3A_144 = arith.constant 0 : i32
      %dma_start3A_145 = tpu.memref_slice %arg25[%dma_start3A_144] : memref<64xf32, #tpu.memory_space<vmem>> -> memref<64xf32, #tpu.memory_space<vmem>>
      tpu.enqueue_dma source(%dma_start3A_145 : memref<64xf32, #tpu.memory_space<vmem>>) target(%dma_start3A_143 : memref<64xf32, #tpu.memory_space<vmem_shared>>) target_semaphore(%run_scoped3A : memref<!tpu.dma_semaphore, #tpu.memory_space<semaphore_mem>>)
      %dma_wait3A = arith.constant 0 : i32
      %dma_wait3A_146 = tpu.memref_slice %arg25[%dma_wait3A] : memref<64xf32, #tpu.memory_space<vmem>> -> memref<64xf32, #tpu.memory_space<vmem>>
      %dma_wait3A_147 = tpu.memref_slice %arg26[%add3A_24] : memref<10240xf32, #tpu.memory_space<vmem_shared>> -> memref<64xf32, #tpu.memory_space<vmem_shared>>
      %dma_wait3A_148 = tpu.memref_slice %arg26[%add3A_24] : memref<10240xf32, #tpu.memory_space<vmem_shared>> -> memref<64xf32, #tpu.memory_space<vmem_shared>>
      %dma_wait3A_149 = arith.constant 0 : i32
      %dma_wait3A_150 = tpu.memref_slice %arg25[%dma_wait3A_149] : memref<64xf32, #tpu.memory_space<vmem>> -> memref<64xf32, #tpu.memory_space<vmem>>
      tpu.wait_dma2 semaphore(%run_scoped3A : memref<!tpu.dma_semaphore, #tpu.memory_space<semaphore_mem>>) src(%dma_wait3A_150 : memref<64xf32, #tpu.memory_space<vmem>>) dst(%dma_wait3A_148 : memref<64xf32, #tpu.memory_space<vmem_shared>>)
      tpu.yield
    }) : () -> ()
    %add3A_25 = arith.constant 64 : i32
    %add3A_26 = arith.addi %mul3A_2, %add3A_25 : i32
    "tpu.region"() ({
      %run_scoped3A = tpu.sem_alloc : memref<!tpu.dma_semaphore, #tpu.memory_space<semaphore_mem>>
      %dma_start3A = arith.constant 0 : i32
      %dma_start3A_141 = tpu.memref_slice %arg25[%dma_start3A] : memref<64xf32, #tpu.memory_space<vmem>> -> memref<64xf32, #tpu.memory_space<vmem>>
      %dma_start3A_142 = tpu.memref_slice %arg26[%add3A_26] : memref<10240xf32, #tpu.memory_space<vmem_shared>> -> memref<64xf32, #tpu.memory_space<vmem_shared>>
      %dma_start3A_143 = tpu.memref_slice %arg26[%add3A_26] : memref<10240xf32, #tpu.memory_space<vmem_shared>> -> memref<64xf32, #tpu.memory_space<vmem_shared>>
      %dma_start3A_144 = arith.constant 0 : i32
      %dma_start3A_145 = tpu.memref_slice %arg25[%dma_start3A_144] : memref<64xf32, #tpu.memory_space<vmem>> -> memref<64xf32, #tpu.memory_space<vmem>>
      tpu.enqueue_dma source(%dma_start3A_145 : memref<64xf32, #tpu.memory_space<vmem>>) target(%dma_start3A_143 : memref<64xf32, #tpu.memory_space<vmem_shared>>) target_semaphore(%run_scoped3A : memref<!tpu.dma_semaphore, #tpu.memory_space<semaphore_mem>>)
      %dma_wait3A = arith.constant 0 : i32
      %dma_wait3A_146 = tpu.memref_slice %arg25[%dma_wait3A] : memref<64xf32, #tpu.memory_space<vmem>> -> memref<64xf32, #tpu.memory_space<vmem>>
      %dma_wait3A_147 = tpu.memref_slice %arg26[%add3A_26] : memref<10240xf32, #tpu.memory_space<vmem_shared>> -> memref<64xf32, #tpu.memory_space<vmem_shared>>
      %dma_wait3A_148 = tpu.memref_slice %arg26[%add3A_26] : memref<10240xf32, #tpu.memory_space<vmem_shared>> -> memref<64xf32, #tpu.memory_space<vmem_shared>>
      %dma_wait3A_149 = arith.constant 0 : i32
      %dma_wait3A_150 = tpu.memref_slice %arg25[%dma_wait3A_149] : memref<64xf32, #tpu.memory_space<vmem>> -> memref<64xf32, #tpu.memory_space<vmem>>
      tpu.wait_dma2 semaphore(%run_scoped3A : memref<!tpu.dma_semaphore, #tpu.memory_space<semaphore_mem>>) src(%dma_wait3A_150 : memref<64xf32, #tpu.memory_space<vmem>>) dst(%dma_wait3A_148 : memref<64xf32, #tpu.memory_space<vmem_shared>>)
      tpu.yield
    }) : () -> ()
    %add3A_27 = arith.constant 128 : i32
    %add3A_28 = arith.addi %mul3A_2, %add3A_27 : i32
    "tpu.region"() ({
      %run_scoped3A = tpu.sem_alloc : memref<!tpu.dma_semaphore, #tpu.memory_space<semaphore_mem>>
      %dma_start3A = arith.constant 0 : i32
      %dma_start3A_141 = tpu.memref_slice %arg25[%dma_start3A] : memref<64xf32, #tpu.memory_space<vmem>> -> memref<64xf32, #tpu.memory_space<vmem>>
      %dma_start3A_142 = tpu.memref_slice %arg26[%add3A_28] : memref<10240xf32, #tpu.memory_space<vmem_shared>> -> memref<64xf32, #tpu.memory_space<vmem_shared>>
      %dma_start3A_143 = tpu.memref_slice %arg26[%add3A_28] : memref<10240xf32, #tpu.memory_space<vmem_shared>> -> memref<64xf32, #tpu.memory_space<vmem_shared>>
      %dma_start3A_144 = arith.constant 0 : i32
      %dma_start3A_145 = tpu.memref_slice %arg25[%dma_start3A_144] : memref<64xf32, #tpu.memory_space<vmem>> -> memref<64xf32, #tpu.memory_space<vmem>>
      tpu.enqueue_dma source(%dma_start3A_145 : memref<64xf32, #tpu.memory_space<vmem>>) target(%dma_start3A_143 : memref<64xf32, #tpu.memory_space<vmem_shared>>) target_semaphore(%run_scoped3A : memref<!tpu.dma_semaphore, #tpu.memory_space<semaphore_mem>>)
      %dma_wait3A = arith.constant 0 : i32
      %dma_wait3A_146 = tpu.memref_slice %arg25[%dma_wait3A] : memref<64xf32, #tpu.memory_space<vmem>> -> memref<64xf32, #tpu.memory_space<vmem>>
      %dma_wait3A_147 = tpu.memref_slice %arg26[%add3A_28] : memref<10240xf32, #tpu.memory_space<vmem_shared>> -> memref<64xf32, #tpu.memory_space<vmem_shared>>
      %dma_wait3A_148 = tpu.memref_slice %arg26[%add3A_28] : memref<10240xf32, #tpu.memory_space<vmem_shared>> -> memref<64xf32, #tpu.memory_space<vmem_shared>>
      %dma_wait3A_149 = arith.constant 0 : i32
      %dma_wait3A_150 = tpu.memref_slice %arg25[%dma_wait3A_149] : memref<64xf32, #tpu.memory_space<vmem>> -> memref<64xf32, #tpu.memory_space<vmem>>
      tpu.wait_dma2 semaphore(%run_scoped3A : memref<!tpu.dma_semaphore, #tpu.memory_space<semaphore_mem>>) src(%dma_wait3A_150 : memref<64xf32, #tpu.memory_space<vmem>>) dst(%dma_wait3A_148 : memref<64xf32, #tpu.memory_space<vmem_shared>>)
      tpu.yield
    }) : () -> ()
    %add3A_29 = arith.constant 192 : i32
    %add3A_30 = arith.addi %mul3A_2, %add3A_29 : i32
    "tpu.region"() ({
      %run_scoped3A = tpu.sem_alloc : memref<!tpu.dma_semaphore, #tpu.memory_space<semaphore_mem>>
      %dma_start3A = arith.constant 0 : i32
      %dma_start3A_141 = tpu.memref_slice %arg25[%dma_start3A] : memref<64xf32, #tpu.memory_space<vmem>> -> memref<64xf32, #tpu.memory_space<vmem>>
      %dma_start3A_142 = tpu.memref_slice %arg26[%add3A_30] : memref<10240xf32, #tpu.memory_space<vmem_shared>> -> memref<64xf32, #tpu.memory_space<vmem_shared>>
      %dma_start3A_143 = tpu.memref_slice %arg26[%add3A_30] : memref<10240xf32, #tpu.memory_space<vmem_shared>> -> memref<64xf32, #tpu.memory_space<vmem_shared>>
      %dma_start3A_144 = arith.constant 0 : i32
      %dma_start3A_145 = tpu.memref_slice %arg25[%dma_start3A_144] : memref<64xf32, #tpu.memory_space<vmem>> -> memref<64xf32, #tpu.memory_space<vmem>>
      tpu.enqueue_dma source(%dma_start3A_145 : memref<64xf32, #tpu.memory_space<vmem>>) target(%dma_start3A_143 : memref<64xf32, #tpu.memory_space<vmem_shared>>) target_semaphore(%run_scoped3A : memref<!tpu.dma_semaphore, #tpu.memory_space<semaphore_mem>>)
      %dma_wait3A = arith.constant 0 : i32
      %dma_wait3A_146 = tpu.memref_slice %arg25[%dma_wait3A] : memref<64xf32, #tpu.memory_space<vmem>> -> memref<64xf32, #tpu.memory_space<vmem>>
      %dma_wait3A_147 = tpu.memref_slice %arg26[%add3A_30] : memref<10240xf32, #tpu.memory_space<vmem_shared>> -> memref<64xf32, #tpu.memory_space<vmem_shared>>
      %dma_wait3A_148 = tpu.memref_slice %arg26[%add3A_30] : memref<10240xf32, #tpu.memory_space<vmem_shared>> -> memref<64xf32, #tpu.memory_space<vmem_shared>>
      %dma_wait3A_149 = arith.constant 0 : i32
      %dma_wait3A_150 = tpu.memref_slice %arg25[%dma_wait3A_149] : memref<64xf32, #tpu.memory_space<vmem>> -> memref<64xf32, #tpu.memory_space<vmem>>
      tpu.wait_dma2 semaphore(%run_scoped3A : memref<!tpu.dma_semaphore, #tpu.memory_space<semaphore_mem>>) src(%dma_wait3A_150 : memref<64xf32, #tpu.memory_space<vmem>>) dst(%dma_wait3A_148 : memref<64xf32, #tpu.memory_space<vmem_shared>>)
      tpu.yield
    }) : () -> ()
    %add3A_31 = arith.constant 256 : i32
    %add3A_32 = arith.addi %mul3A_2, %add3A_31 : i32
    "tpu.region"() ({
      %run_scoped3A = tpu.sem_alloc : memref<!tpu.dma_semaphore, #tpu.memory_space<semaphore_mem>>
      %dma_start3A = arith.constant 0 : i32
      %dma_start3A_141 = tpu.memref_slice %arg25[%dma_start3A] : memref<64xf32, #tpu.memory_space<vmem>> -> memref<64xf32, #tpu.memory_space<vmem>>
      %dma_start3A_142 = tpu.memref_slice %arg26[%add3A_32] : memref<10240xf32, #tpu.memory_space<vmem_shared>> -> memref<64xf32, #tpu.memory_space<vmem_shared>>
      %dma_start3A_143 = tpu.memref_slice %arg26[%add3A_32] : memref<10240xf32, #tpu.memory_space<vmem_shared>> -> memref<64xf32, #tpu.memory_space<vmem_shared>>
      %dma_start3A_144 = arith.constant 0 : i32
      %dma_start3A_145 = tpu.memref_slice %arg25[%dma_start3A_144] : memref<64xf32, #tpu.memory_space<vmem>> -> memref<64xf32, #tpu.memory_space<vmem>>
      tpu.enqueue_dma source(%dma_start3A_145 : memref<64xf32, #tpu.memory_space<vmem>>) target(%dma_start3A_143 : memref<64xf32, #tpu.memory_space<vmem_shared>>) target_semaphore(%run_scoped3A : memref<!tpu.dma_semaphore, #tpu.memory_space<semaphore_mem>>)
      %dma_wait3A = arith.constant 0 : i32
      %dma_wait3A_146 = tpu.memref_slice %arg25[%dma_wait3A] : memref<64xf32, #tpu.memory_space<vmem>> -> memref<64xf32, #tpu.memory_space<vmem>>
      %dma_wait3A_147 = tpu.memref_slice %arg26[%add3A_32] : memref<10240xf32, #tpu.memory_space<vmem_shared>> -> memref<64xf32, #tpu.memory_space<vmem_shared>>
      %dma_wait3A_148 = tpu.memref_slice %arg26[%add3A_32] : memref<10240xf32, #tpu.memory_space<vmem_shared>> -> memref<64xf32, #tpu.memory_space<vmem_shared>>
      %dma_wait3A_149 = arith.constant 0 : i32
      %dma_wait3A_150 = tpu.memref_slice %arg25[%dma_wait3A_149] : memref<64xf32, #tpu.memory_space<vmem>> -> memref<64xf32, #tpu.memory_space<vmem>>
      tpu.wait_dma2 semaphore(%run_scoped3A : memref<!tpu.dma_semaphore, #tpu.memory_space<semaphore_mem>>) src(%dma_wait3A_150 : memref<64xf32, #tpu.memory_space<vmem>>) dst(%dma_wait3A_148 : memref<64xf32, #tpu.memory_space<vmem_shared>>)
      tpu.yield
    }) : () -> ()
    %add3A_33 = arith.constant 320 : i32
    %add3A_34 = arith.addi %mul3A_2, %add3A_33 : i32
    "tpu.region"() ({
      %run_scoped3A = tpu.sem_alloc : memref<!tpu.dma_semaphore, #tpu.memory_space<semaphore_mem>>
      %dma_start3A = arith.constant 0 : i32
      %dma_start3A_141 = tpu.memref_slice %arg25[%dma_start3A] : memref<64xf32, #tpu.memory_space<vmem>> -> memref<64xf32, #tpu.memory_space<vmem>>
      %dma_start3A_142 = tpu.memref_slice %arg26[%add3A_34] : memref<10240xf32, #tpu.memory_space<vmem_shared>> -> memref<64xf32, #tpu.memory_space<vmem_shared>>
      %dma_start3A_143 = tpu.memref_slice %arg26[%add3A_34] : memref<10240xf32, #tpu.memory_space<vmem_shared>> -> memref<64xf32, #tpu.memory_space<vmem_shared>>
      %dma_start3A_144 = arith.constant 0 : i32
      %dma_start3A_145 = tpu.memref_slice %arg25[%dma_start3A_144] : memref<64xf32, #tpu.memory_space<vmem>> -> memref<64xf32, #tpu.memory_space<vmem>>
      tpu.enqueue_dma source(%dma_start3A_145 : memref<64xf32, #tpu.memory_space<vmem>>) target(%dma_start3A_143 : memref<64xf32, #tpu.memory_space<vmem_shared>>) target_semaphore(%run_scoped3A : memref<!tpu.dma_semaphore, #tpu.memory_space<semaphore_mem>>)
      %dma_wait3A = arith.constant 0 : i32
      %dma_wait3A_146 = tpu.memref_slice %arg25[%dma_wait3A] : memref<64xf32, #tpu.memory_space<vmem>> -> memref<64xf32, #tpu.memory_space<vmem>>
      %dma_wait3A_147 = tpu.memref_slice %arg26[%add3A_34] : memref<10240xf32, #tpu.memory_space<vmem_shared>> -> memref<64xf32, #tpu.memory_space<vmem_shared>>
      %dma_wait3A_148 = tpu.memref_slice %arg26[%add3A_34] : memref<10240xf32, #tpu.memory_space<vmem_shared>> -> memref<64xf32, #tpu.memory_space<vmem_shared>>
      %dma_wait3A_149 = arith.constant 0 : i32
      %dma_wait3A_150 = tpu.memref_slice %arg25[%dma_wait3A_149] : memref<64xf32, #tpu.memory_space<vmem>> -> memref<64xf32, #tpu.memory_space<vmem>>
      tpu.wait_dma2 semaphore(%run_scoped3A : memref<!tpu.dma_semaphore, #tpu.memory_space<semaphore_mem>>) src(%dma_wait3A_150 : memref<64xf32, #tpu.memory_space<vmem>>) dst(%dma_wait3A_148 : memref<64xf32, #tpu.memory_space<vmem_shared>>)
      tpu.yield
    }) : () -> ()
    %add3A_35 = arith.constant 384 : i32
    %add3A_36 = arith.addi %mul3A_2, %add3A_35 : i32
    "tpu.region"() ({
      %run_scoped3A = tpu.sem_alloc : memref<!tpu.dma_semaphore, #tpu.memory_space<semaphore_mem>>
      %dma_start3A = arith.constant 0 : i32
      %dma_start3A_141 = tpu.memref_slice %arg25[%dma_start3A] : memref<64xf32, #tpu.memory_space<vmem>> -> memref<64xf32, #tpu.memory_space<vmem>>
      %dma_start3A_142 = tpu.memref_slice %arg26[%add3A_36] : memref<10240xf32, #tpu.memory_space<vmem_shared>> -> memref<64xf32, #tpu.memory_space<vmem_shared>>
      %dma_start3A_143 = tpu.memref_slice %arg26[%add3A_36] : memref<10240xf32, #tpu.memory_space<vmem_shared>> -> memref<64xf32, #tpu.memory_space<vmem_shared>>
      %dma_start3A_144 = arith.constant 0 : i32
      %dma_start3A_145 = tpu.memref_slice %arg25[%dma_start3A_144] : memref<64xf32, #tpu.memory_space<vmem>> -> memref<64xf32, #tpu.memory_space<vmem>>
      tpu.enqueue_dma source(%dma_start3A_145 : memref<64xf32, #tpu.memory_space<vmem>>) target(%dma_start3A_143 : memref<64xf32, #tpu.memory_space<vmem_shared>>) target_semaphore(%run_scoped3A : memref<!tpu.dma_semaphore, #tpu.memory_space<semaphore_mem>>)
      %dma_wait3A = arith.constant 0 : i32
      %dma_wait3A_146 = tpu.memref_slice %arg25[%dma_wait3A] : memref<64xf32, #tpu.memory_space<vmem>> -> memref<64xf32, #tpu.memory_space<vmem>>
      %dma_wait3A_147 = tpu.memref_slice %arg26[%add3A_36] : memref<10240xf32, #tpu.memory_space<vmem_shared>> -> memref<64xf32, #tpu.memory_space<vmem_shared>>
      %dma_wait3A_148 = tpu.memref_slice %arg26[%add3A_36] : memref<10240xf32, #tpu.memory_space<vmem_shared>> -> memref<64xf32, #tpu.memory_space<vmem_shared>>
      %dma_wait3A_149 = arith.constant 0 : i32
      %dma_wait3A_150 = tpu.memref_slice %arg25[%dma_wait3A_149] : memref<64xf32, #tpu.memory_space<vmem>> -> memref<64xf32, #tpu.memory_space<vmem>>
      tpu.wait_dma2 semaphore(%run_scoped3A : memref<!tpu.dma_semaphore, #tpu.memory_space<semaphore_mem>>) src(%dma_wait3A_150 : memref<64xf32, #tpu.memory_space<vmem>>) dst(%dma_wait3A_148 : memref<64xf32, #tpu.memory_space<vmem_shared>>)
      tpu.yield
    }) : () -> ()
    %add3A_37 = arith.constant 448 : i32
    %add3A_38 = arith.addi %mul3A_2, %add3A_37 : i32
    "tpu.region"() ({
      %run_scoped3A = tpu.sem_alloc : memref<!tpu.dma_semaphore, #tpu.memory_space<semaphore_mem>>
      %dma_start3A = arith.constant 0 : i32
      %dma_start3A_141 = tpu.memref_slice %arg25[%dma_start3A] : memref<64xf32, #tpu.memory_space<vmem>> -> memref<64xf32, #tpu.memory_space<vmem>>
      %dma_start3A_142 = tpu.memref_slice %arg26[%add3A_38] : memref<10240xf32, #tpu.memory_space<vmem_shared>> -> memref<64xf32, #tpu.memory_space<vmem_shared>>
      %dma_start3A_143 = tpu.memref_slice %arg26[%add3A_38] : memref<10240xf32, #tpu.memory_space<vmem_shared>> -> memref<64xf32, #tpu.memory_space<vmem_shared>>
      %dma_start3A_144 = arith.constant 0 : i32
      %dma_start3A_145 = tpu.memref_slice %arg25[%dma_start3A_144] : memref<64xf32, #tpu.memory_space<vmem>> -> memref<64xf32, #tpu.memory_space<vmem>>
      tpu.enqueue_dma source(%dma_start3A_145 : memref<64xf32, #tpu.memory_space<vmem>>) target(%dma_start3A_143 : memref<64xf32, #tpu.memory_space<vmem_shared>>) target_semaphore(%run_scoped3A : memref<!tpu.dma_semaphore, #tpu.memory_space<semaphore_mem>>)
      %dma_wait3A = arith.constant 0 : i32
      %dma_wait3A_146 = tpu.memref_slice %arg25[%dma_wait3A] : memref<64xf32, #tpu.memory_space<vmem>> -> memref<64xf32, #tpu.memory_space<vmem>>
      %dma_wait3A_147 = tpu.memref_slice %arg26[%add3A_38] : memref<10240xf32, #tpu.memory_space<vmem_shared>> -> memref<64xf32, #tpu.memory_space<vmem_shared>>
      %dma_wait3A_148 = tpu.memref_slice %arg26[%add3A_38] : memref<10240xf32, #tpu.memory_space<vmem_shared>> -> memref<64xf32, #tpu.memory_space<vmem_shared>>
      %dma_wait3A_149 = arith.constant 0 : i32
      %dma_wait3A_150 = tpu.memref_slice %arg25[%dma_wait3A_149] : memref<64xf32, #tpu.memory_space<vmem>> -> memref<64xf32, #tpu.memory_space<vmem>>
      tpu.wait_dma2 semaphore(%run_scoped3A : memref<!tpu.dma_semaphore, #tpu.memory_space<semaphore_mem>>) src(%dma_wait3A_150 : memref<64xf32, #tpu.memory_space<vmem>>) dst(%dma_wait3A_148 : memref<64xf32, #tpu.memory_space<vmem_shared>>)
      tpu.yield
    }) : () -> ()
    %add3A_39 = arith.constant 512 : i32
    %add3A_40 = arith.addi %mul3A_2, %add3A_39 : i32
    "tpu.region"() ({
      %run_scoped3A = tpu.sem_alloc : memref<!tpu.dma_semaphore, #tpu.memory_space<semaphore_mem>>
      %dma_start3A = arith.constant 0 : i32
      %dma_start3A_141 = tpu.memref_slice %arg25[%dma_start3A] : memref<64xf32, #tpu.memory_space<vmem>> -> memref<64xf32, #tpu.memory_space<vmem>>
      %dma_start3A_142 = tpu.memref_slice %arg26[%add3A_40] : memref<10240xf32, #tpu.memory_space<vmem_shared>> -> memref<64xf32, #tpu.memory_space<vmem_shared>>
      %dma_start3A_143 = tpu.memref_slice %arg26[%add3A_40] : memref<10240xf32, #tpu.memory_space<vmem_shared>> -> memref<64xf32, #tpu.memory_space<vmem_shared>>
      %dma_start3A_144 = arith.constant 0 : i32
      %dma_start3A_145 = tpu.memref_slice %arg25[%dma_start3A_144] : memref<64xf32, #tpu.memory_space<vmem>> -> memref<64xf32, #tpu.memory_space<vmem>>
      tpu.enqueue_dma source(%dma_start3A_145 : memref<64xf32, #tpu.memory_space<vmem>>) target(%dma_start3A_143 : memref<64xf32, #tpu.memory_space<vmem_shared>>) target_semaphore(%run_scoped3A : memref<!tpu.dma_semaphore, #tpu.memory_space<semaphore_mem>>)
      %dma_wait3A = arith.constant 0 : i32
      %dma_wait3A_146 = tpu.memref_slice %arg25[%dma_wait3A] : memref<64xf32, #tpu.memory_space<vmem>> -> memref<64xf32, #tpu.memory_space<vmem>>
      %dma_wait3A_147 = tpu.memref_slice %arg26[%add3A_40] : memref<10240xf32, #tpu.memory_space<vmem_shared>> -> memref<64xf32, #tpu.memory_space<vmem_shared>>
      %dma_wait3A_148 = tpu.memref_slice %arg26[%add3A_40] : memref<10240xf32, #tpu.memory_space<vmem_shared>> -> memref<64xf32, #tpu.memory_space<vmem_shared>>
      %dma_wait3A_149 = arith.constant 0 : i32
      %dma_wait3A_150 = tpu.memref_slice %arg25[%dma_wait3A_149] : memref<64xf32, #tpu.memory_space<vmem>> -> memref<64xf32, #tpu.memory_space<vmem>>
      tpu.wait_dma2 semaphore(%run_scoped3A : memref<!tpu.dma_semaphore, #tpu.memory_space<semaphore_mem>>) src(%dma_wait3A_150 : memref<64xf32, #tpu.memory_space<vmem>>) dst(%dma_wait3A_148 : memref<64xf32, #tpu.memory_space<vmem_shared>>)
      tpu.yield
    }) : () -> ()
    %add3A_41 = arith.constant 576 : i32
    %add3A_42 = arith.addi %mul3A_2, %add3A_41 : i32
    "tpu.region"() ({
      %run_scoped3A = tpu.sem_alloc : memref<!tpu.dma_semaphore, #tpu.memory_space<semaphore_mem>>
      %dma_start3A = arith.constant 0 : i32
      %dma_start3A_141 = tpu.memref_slice %arg25[%dma_start3A] : memref<64xf32, #tpu.memory_space<vmem>> -> memref<64xf32, #tpu.memory_space<vmem>>
      %dma_start3A_142 = tpu.memref_slice %arg26[%add3A_42] : memref<10240xf32, #tpu.memory_space<vmem_shared>> -> memref<64xf32, #tpu.memory_space<vmem_shared>>
      %dma_start3A_143 = tpu.memref_slice %arg26[%add3A_42] : memref<10240xf32, #tpu.memory_space<vmem_shared>> -> memref<64xf32, #tpu.memory_space<vmem_shared>>
      %dma_start3A_144 = arith.constant 0 : i32
      %dma_start3A_145 = tpu.memref_slice %arg25[%dma_start3A_144] : memref<64xf32, #tpu.memory_space<vmem>> -> memref<64xf32, #tpu.memory_space<vmem>>
      tpu.enqueue_dma source(%dma_start3A_145 : memref<64xf32, #tpu.memory_space<vmem>>) target(%dma_start3A_143 : memref<64xf32, #tpu.memory_space<vmem_shared>>) target_semaphore(%run_scoped3A : memref<!tpu.dma_semaphore, #tpu.memory_space<semaphore_mem>>)
      %dma_wait3A = arith.constant 0 : i32
      %dma_wait3A_146 = tpu.memref_slice %arg25[%dma_wait3A] : memref<64xf32, #tpu.memory_space<vmem>> -> memref<64xf32, #tpu.memory_space<vmem>>
      %dma_wait3A_147 = tpu.memref_slice %arg26[%add3A_42] : memref<10240xf32, #tpu.memory_space<vmem_shared>> -> memref<64xf32, #tpu.memory_space<vmem_shared>>
      %dma_wait3A_148 = tpu.memref_slice %arg26[%add3A_42] : memref<10240xf32, #tpu.memory_space<vmem_shared>> -> memref<64xf32, #tpu.memory_space<vmem_shared>>
      %dma_wait3A_149 = arith.constant 0 : i32
      %dma_wait3A_150 = tpu.memref_slice %arg25[%dma_wait3A_149] : memref<64xf32, #tpu.memory_space<vmem>> -> memref<64xf32, #tpu.memory_space<vmem>>
      tpu.wait_dma2 semaphore(%run_scoped3A : memref<!tpu.dma_semaphore, #tpu.memory_space<semaphore_mem>>) src(%dma_wait3A_150 : memref<64xf32, #tpu.memory_space<vmem>>) dst(%dma_wait3A_148 : memref<64xf32, #tpu.memory_space<vmem_shared>>)
      tpu.yield
    }) : () -> ()
    %broadcast_in_dim3A = arith.constant 1.000000e+00 : f32
    %broadcast_in_dim3A_43 = vector.broadcast %broadcast_in_dim3A : f32 to vector<16xf32>
    %swap3A = arith.constant 0 : index
    %swap3A_44 = tpu.vector_load %arg24[%swap3A] {strides = array<i32>} : memref<64xf32, #tpu.memory_space<vmem>>, vector<16xf32>,
    %swap3A_45 = vector.shape_cast %swap3A_44 : vector<16xf32> to vector<16xf32>
    %swap3A_46 = vector.shape_cast %broadcast_in_dim3A_43 : vector<16xf32> to vector<16xf32>
    tpu.vector_store %arg24[%swap3A], %swap3A_46 {strides = array<i32>} : memref<64xf32, #tpu.memory_space<vmem>>, vector<16xf32>,
    %broadcast_in_dim3A_47 = arith.constant 1.000000e+00 : f32
    %broadcast_in_dim3A_48 = vector.broadcast %broadcast_in_dim3A_47 : f32 to vector<16xf32>
    %swap3A_49 = arith.constant 16 : index
    %swap3A_50 = tpu.vector_load %arg24[%swap3A_49] {strides = array<i32>} : memref<64xf32, #tpu.memory_space<vmem>>, vector<16xf32>,
    %swap3A_51 = vector.shape_cast %swap3A_50 : vector<16xf32> to vector<16xf32>
    %swap3A_52 = vector.shape_cast %broadcast_in_dim3A_48 : vector<16xf32> to vector<16xf32>
    tpu.vector_store %arg24[%swap3A_49], %swap3A_52 {strides = array<i32>} : memref<64xf32, #tpu.memory_space<vmem>>, vector<16xf32>,
    %broadcast_in_dim3A_53 = arith.constant 1.000000e+00 : f32
    %broadcast_in_dim3A_54 = vector.broadcast %broadcast_in_dim3A_53 : f32 to vector<16xf32>
    %swap3A_55 = arith.constant 32 : index
    %swap3A_56 = tpu.vector_load %arg24[%swap3A_55] {strides = array<i32>} : memref<64xf32, #tpu.memory_space<vmem>>, vector<16xf32>,
    %swap3A_57 = vector.shape_cast %swap3A_56 : vector<16xf32> to vector<16xf32>
    %swap3A_58 = vector.shape_cast %broadcast_in_dim3A_54 : vector<16xf32> to vector<16xf32>
    tpu.vector_store %arg24[%swap3A_55], %swap3A_58 {strides = array<i32>} : memref<64xf32, #tpu.memory_space<vmem>>, vector<16xf32>,
    %broadcast_in_dim3A_59 = arith.constant 1.000000e+00 : f32
    %broadcast_in_dim3A_60 = vector.broadcast %broadcast_in_dim3A_59 : f32 to vector<16xf32>
    %swap3A_61 = arith.constant 48 : index
    %swap3A_62 = tpu.vector_load %arg24[%swap3A_61] {strides = array<i32>} : memref<64xf32, #tpu.memory_space<vmem>>, vector<16xf32>,
    %swap3A_63 = vector.shape_cast %swap3A_62 : vector<16xf32> to vector<16xf32>
    %swap3A_64 = vector.shape_cast %broadcast_in_dim3A_60 : vector<16xf32> to vector<16xf32>
    tpu.vector_store %arg24[%swap3A_61], %swap3A_64 {strides = array<i32>} : memref<64xf32, #tpu.memory_space<vmem>>, vector<16xf32>,
    %barrier3A = arith.constant 0 : index
    tpu.barrier barrier_id(%barrier3A)
    %scan3A = arith.constant 0 : i32
    %scan3A_65 = arith.constant 0 : i32
    %scan3A_66 = arith.constant 4 : i32
    %scan3A_67 = arith.addi %scan3A_65, %scan3A_66 : i32
    %scan3A_68 = arith.constant 1 : i32
    scf.for %scan3A_141 = %scan3A_65 to %scan3A_67 step %scan3A_68  : i32 {
      %mul3A_142 = arith.constant 40 : i32
      %mul3A_143 = arith.muli %scan3A_141, %mul3A_142 : i32
      "tpu.region"() ({
        %run_scoped3A = tpu.sem_alloc : memref<!tpu.dma_semaphore, #tpu.memory_space<semaphore_mem>>
        %dma_start3A_428 = arith.constant 0 : i32
        %dma_start3A_429 = tpu.memref_slice %arg3[%add3A, %mul3A_143, %dma_start3A_428] : memref<32x160x64xi32, #tpu.memory_space<hbm>> -> memref<1x40x64xi32, #tpu.memory_space<hbm>>
        %dma_start3A_430 = tpu.memref_squeeze %dma_start3A_429 : memref<1x40x64xi32, #tpu.memory_space<hbm>> -> memref<40x64xi32, #tpu.memory_space<hbm>>
        %dma_start3A_431 = arith.constant 0 : i32
        %dma_start3A_432 = tpu.memref_slice %arg3[%add3A, %mul3A_143, %dma_start3A_431] : memref<32x160x64xi32, #tpu.memory_space<hbm>> -> memref<1x40x64xi32, #tpu.memory_space<hbm>>
        %dma_start3A_433 = tpu.memref_squeeze %dma_start3A_432 : memref<1x40x64xi32, #tpu.memory_space<hbm>> -> memref<40x64xi32, #tpu.memory_space<hbm>>
        tpu.enqueue_dma source(%dma_start3A_433 : memref<40x64xi32, #tpu.memory_space<hbm>>) target(%arg9 : memref<40x64xi32, #tpu.memory_space<vmem>>) target_semaphore(%run_scoped3A : memref<!tpu.dma_semaphore, #tpu.memory_space<semaphore_mem>>)
        %dma_wait3A_434 = arith.constant 0 : i32
        %dma_wait3A_435 = tpu.memref_slice %arg3[%add3A, %mul3A_143, %dma_wait3A_434] : memref<32x160x64xi32, #tpu.memory_space<hbm>> -> memref<1x40x64xi32, #tpu.memory_space<hbm>>
        %dma_wait3A_436 = tpu.memref_squeeze %dma_wait3A_435 : memref<1x40x64xi32, #tpu.memory_space<hbm>> -> memref<40x64xi32, #tpu.memory_space<hbm>>
        %dma_wait3A_437 = arith.constant 0 : i32
        %dma_wait3A_438 = tpu.memref_slice %arg3[%add3A, %mul3A_143, %dma_wait3A_437] : memref<32x160x64xi32, #tpu.memory_space<hbm>> -> memref<1x40x64xi32, #tpu.memory_space<hbm>>
        %dma_wait3A_439 = tpu.memref_squeeze %dma_wait3A_438 : memref<1x40x64xi32, #tpu.memory_space<hbm>> -> memref<40x64xi32, #tpu.memory_space<hbm>>
        tpu.wait_dma2 semaphore(%run_scoped3A : memref<!tpu.dma_semaphore, #tpu.memory_space<semaphore_mem>>) src(%dma_wait3A_439 : memref<40x64xi32, #tpu.memory_space<hbm>>) dst(%arg9 : memref<40x64xi32, #tpu.memory_space<vmem>>)
        tpu.yield
      }) : () -> ()
      %mul3A_144 = arith.constant 40 : i32
      %mul3A_145 = arith.muli %scan3A_141, %mul3A_144 : i32
      "tpu.region"() ({
        %run_scoped3A = tpu.sem_alloc : memref<!tpu.dma_semaphore, #tpu.memory_space<semaphore_mem>>
        %dma_start3A_428 = arith.constant 0 : i32
        %dma_start3A_429 = tpu.memref_slice %arg4[%add3A, %mul3A_145, %dma_start3A_428] : memref<32x160x64xi32, #tpu.memory_space<hbm>> -> memref<1x40x64xi32, #tpu.memory_space<hbm>>
        %dma_start3A_430 = tpu.memref_squeeze %dma_start3A_429 : memref<1x40x64xi32, #tpu.memory_space<hbm>> -> memref<40x64xi32, #tpu.memory_space<hbm>>
        %dma_start3A_431 = arith.constant 0 : i32
        %dma_start3A_432 = tpu.memref_slice %arg4[%add3A, %mul3A_145, %dma_start3A_431] : memref<32x160x64xi32, #tpu.memory_space<hbm>> -> memref<1x40x64xi32, #tpu.memory_space<hbm>>
        %dma_start3A_433 = tpu.memref_squeeze %dma_start3A_432 : memref<1x40x64xi32, #tpu.memory_space<hbm>> -> memref<40x64xi32, #tpu.memory_space<hbm>>
        tpu.enqueue_dma source(%dma_start3A_433 : memref<40x64xi32, #tpu.memory_space<hbm>>) target(%arg10 : memref<40x64xi32, #tpu.memory_space<vmem>>) target_semaphore(%run_scoped3A : memref<!tpu.dma_semaphore, #tpu.memory_space<semaphore_mem>>)
        %dma_wait3A_434 = arith.constant 0 : i32
        %dma_wait3A_435 = tpu.memref_slice %arg4[%add3A, %mul3A_145, %dma_wait3A_434] : memref<32x160x64xi32, #tpu.memory_space<hbm>> -> memref<1x40x64xi32, #tpu.memory_space<hbm>>
        %dma_wait3A_436 = tpu.memref_squeeze %dma_wait3A_435 : memref<1x40x64xi32, #tpu.memory_space<hbm>> -> memref<40x64xi32, #tpu.memory_space<hbm>>
        %dma_wait3A_437 = arith.constant 0 : i32
        %dma_wait3A_438 = tpu.memref_slice %arg4[%add3A, %mul3A_145, %dma_wait3A_437] : memref<32x160x64xi32, #tpu.memory_space<hbm>> -> memref<1x40x64xi32, #tpu.memory_space<hbm>>
        %dma_wait3A_439 = tpu.memref_squeeze %dma_wait3A_438 : memref<1x40x64xi32, #tpu.memory_space<hbm>> -> memref<40x64xi32, #tpu.memory_space<hbm>>
        tpu.wait_dma2 semaphore(%run_scoped3A : memref<!tpu.dma_semaphore, #tpu.memory_space<semaphore_mem>>) src(%dma_wait3A_439 : memref<40x64xi32, #tpu.memory_space<hbm>>) dst(%arg10 : memref<40x64xi32, #tpu.memory_space<vmem>>)
        tpu.yield
      }) : () -> ()
      %dma_start3A = arith.constant 0 : i32
      %dma_start3A_146 = arith.constant 0 : i32
      %dma_start3A_147 = tpu.memref_slice %arg9[%dma_start3A, %dma_start3A_146] : memref<40x64xi32, #tpu.memory_space<vmem>> -> memref<1x64xi32, #tpu.memory_space<vmem>>
      %dma_start3A_148 = tpu.memref_squeeze %dma_start3A_147 : memref<1x64xi32, #tpu.memory_space<vmem>> -> memref<64xi32, #tpu.memory_space<vmem>>
      %dma_start3A_149 = arith.constant 0 : i32
      %dma_start3A_150 = arith.constant 0 : i32
      %dma_start3A_151 = tpu.memref_slice %arg2[%dma_start3A_149, %dma_start3A_150] : memref<10000x128xbf16, #tpu.memory_space<hbm>> -> memref<10000x128xbf16, #tpu.memory_space<hbm>>
      tpu.enqueue_indirect_dma source(%dma_start3A_151 : memref<10000x128xbf16, #tpu.memory_space<hbm>>) target(%arg11 : memref<64x128xbf16, #tpu.memory_space<vmem>>) offsets(%dma_start3A_148 : memref<64xi32, #tpu.memory_space<vmem>>) semaphore(%arg16 : memref<!tpu.dma_semaphore, #tpu.memory_space<semaphore_mem>>)
      %dma_start3A_152 = arith.constant 1 : i32
      %dma_start3A_153 = arith.constant 0 : i32
      %dma_start3A_154 = tpu.memref_slice %arg9[%dma_start3A_152, %dma_start3A_153] : memref<40x64xi32, #tpu.memory_space<vmem>> -> memref<1x64xi32, #tpu.memory_space<vmem>>
      %dma_start3A_155 = tpu.memref_squeeze %dma_start3A_154 : memref<1x64xi32, #tpu.memory_space<vmem>> -> memref<64xi32, #tpu.memory_space<vmem>>
      %dma_start3A_156 = arith.constant 0 : i32
      %dma_start3A_157 = arith.constant 0 : i32
      %dma_start3A_158 = tpu.memref_slice %arg2[%dma_start3A_156, %dma_start3A_157] : memref<10000x128xbf16, #tpu.memory_space<hbm>> -> memref<10000x128xbf16, #tpu.memory_space<hbm>>
      tpu.enqueue_indirect_dma source(%dma_start3A_158 : memref<10000x128xbf16, #tpu.memory_space<hbm>>) target(%arg12 : memref<64x128xbf16, #tpu.memory_space<vmem>>) offsets(%dma_start3A_155 : memref<64xi32, #tpu.memory_space<vmem>>) semaphore(%arg17 : memref<!tpu.dma_semaphore, #tpu.memory_space<semaphore_mem>>)
      %dma_start3A_159 = arith.constant 2 : i32
      %dma_start3A_160 = arith.constant 0 : i32
      %dma_start3A_161 = tpu.memref_slice %arg9[%dma_start3A_159, %dma_start3A_160] : memref<40x64xi32, #tpu.memory_space<vmem>> -> memref<1x64xi32, #tpu.memory_space<vmem>>
      %dma_start3A_162 = tpu.memref_squeeze %dma_start3A_161 : memref<1x64xi32, #tpu.memory_space<vmem>> -> memref<64xi32, #tpu.memory_space<vmem>>
      %dma_start3A_163 = arith.constant 0 : i32
      %dma_start3A_164 = arith.constant 0 : i32
      %dma_start3A_165 = tpu.memref_slice %arg2[%dma_start3A_163, %dma_start3A_164] : memref<10000x128xbf16, #tpu.memory_space<hbm>> -> memref<10000x128xbf16, #tpu.memory_space<hbm>>
      tpu.enqueue_indirect_dma source(%dma_start3A_165 : memref<10000x128xbf16, #tpu.memory_space<hbm>>) target(%arg13 : memref<64x128xbf16, #tpu.memory_space<vmem>>) offsets(%dma_start3A_162 : memref<64xi32, #tpu.memory_space<vmem>>) semaphore(%arg18 : memref<!tpu.dma_semaphore, #tpu.memory_space<semaphore_mem>>)
      %dma_wait3A = arith.constant 0 : i32
      %dma_wait3A_166 = arith.constant 0 : i32
      %dma_wait3A_167 = tpu.memref_slice %arg9[%dma_wait3A, %dma_wait3A_166] : memref<40x64xi32, #tpu.memory_space<vmem>> -> memref<1x64xi32, #tpu.memory_space<vmem>>
      %dma_wait3A_168 = tpu.memref_squeeze %dma_wait3A_167 : memref<1x64xi32, #tpu.memory_space<vmem>> -> memref<64xi32, #tpu.memory_space<vmem>>
      %dma_wait3A_169 = arith.constant 0 : i32
      %dma_wait3A_170 = arith.constant 0 : i32
      %dma_wait3A_171 = tpu.memref_slice %arg2[%dma_wait3A_169, %dma_wait3A_170] : memref<10000x128xbf16, #tpu.memory_space<hbm>> -> memref<10000x128xbf16, #tpu.memory_space<hbm>>
      tpu.wait_indirect_dma semaphore(%arg16 : memref<!tpu.dma_semaphore, #tpu.memory_space<semaphore_mem>>) src(%dma_wait3A_171 : memref<10000x128xbf16, #tpu.memory_space<hbm>>) dst(%arg11 : memref<64x128xbf16, #tpu.memory_space<vmem>>)
      %dma_start3A_172 = arith.constant 0 : i32
      %dma_start3A_173 = arith.constant 0 : i32
      %dma_start3A_174 = tpu.memref_slice %arg10[%dma_start3A_172, %dma_start3A_173] : memref<40x64xi32, #tpu.memory_space<vmem>> -> memref<1x64xi32, #tpu.memory_space<vmem>>
      %dma_start3A_175 = tpu.memref_squeeze %dma_start3A_174 : memref<1x64xi32, #tpu.memory_space<vmem>> -> memref<64xi32, #tpu.memory_space<vmem>>
      %dma_start3A_176 = arith.constant 0 : i32
      %dma_start3A_177 = arith.constant 0 : i32
      %dma_start3A_178 = tpu.memref_slice %arg15[%dma_start3A_176, %dma_start3A_177] : memref<10240x128xbf16, #tpu.memory_space<vmem_shared>> -> memref<10240x128xbf16, #tpu.memory_space<vmem_shared>>
      tpu.enqueue_indirect_dma source(%arg11 : memref<64x128xbf16, #tpu.memory_space<vmem>>) target(%dma_start3A_178 : memref<10240x128xbf16, #tpu.memory_space<vmem_shared>>) offsets(%dma_start3A_175 : memref<64xi32, #tpu.memory_space<vmem>>) semaphore(%arg20 : memref<!tpu.dma_semaphore, #tpu.memory_space<semaphore_mem>>) {add = true}
      %dma_start3A_179 = arith.constant 0 : i32
      %dma_start3A_180 = arith.constant 0 : i32
      %dma_start3A_181 = tpu.memref_slice %arg10[%dma_start3A_179, %dma_start3A_180] : memref<40x64xi32, #tpu.memory_space<vmem>> -> memref<1x64xi32, #tpu.memory_space<vmem>>
      %dma_start3A_182 = tpu.memref_squeeze %dma_start3A_181 : memref<1x64xi32, #tpu.memory_space<vmem>> -> memref<64xi32, #tpu.memory_space<vmem>>
      %dma_start3A_183 = arith.constant 0 : i32
      %dma_start3A_184 = tpu.memref_slice %arg26[%dma_start3A_183] : memref<10240xf32, #tpu.memory_space<vmem_shared>> -> memref<10240xf32, #tpu.memory_space<vmem_shared>>
      tpu.enqueue_indirect_dma source(%arg24 : memref<64xf32, #tpu.memory_space<vmem>>) target(%dma_start3A_184 : memref<10240xf32, #tpu.memory_space<vmem_shared>>) offsets(%dma_start3A_182 : memref<64xi32, #tpu.memory_space<vmem>>) semaphore(%arg27 : memref<!tpu.dma_semaphore, #tpu.memory_space<semaphore_mem>>) {add = true}
      %dma_start3A_185 = arith.constant 3 : i32
      %dma_start3A_186 = arith.constant 0 : i32
      %dma_start3A_187 = tpu.memref_slice %arg9[%dma_start3A_185, %dma_start3A_186] : memref<40x64xi32, #tpu.memory_space<vmem>> -> memref<1x64xi32, #tpu.memory_space<vmem>>
      %dma_start3A_188 = tpu.memref_squeeze %dma_start3A_187 : memref<1x64xi32, #tpu.memory_space<vmem>> -> memref<64xi32, #tpu.memory_space<vmem>>
      %dma_start3A_189 = arith.constant 0 : i32
      %dma_start3A_190 = arith.constant 0 : i32
      %dma_start3A_191 = tpu.memref_slice %arg2[%dma_start3A_189, %dma_start3A_190] : memref<10000x128xbf16, #tpu.memory_space<hbm>> -> memref<10000x128xbf16, #tpu.memory_space<hbm>>
      tpu.enqueue_indirect_dma source(%dma_start3A_191 : memref<10000x128xbf16, #tpu.memory_space<hbm>>) target(%arg14 : memref<64x128xbf16, #tpu.memory_space<vmem>>) offsets(%dma_start3A_188 : memref<64xi32, #tpu.memory_space<vmem>>) semaphore(%arg19 : memref<!tpu.dma_semaphore, #tpu.memory_space<semaphore_mem>>)
      %dma_wait3A_192 = arith.constant 1 : i32
      %dma_wait3A_193 = arith.constant 0 : i32
      %dma_wait3A_194 = tpu.memref_slice %arg9[%dma_wait3A_192, %dma_wait3A_193] : memref<40x64xi32, #tpu.memory_space<vmem>> -> memref<1x64xi32, #tpu.memory_space<vmem>>
      %dma_wait3A_195 = tpu.memref_squeeze %dma_wait3A_194 : memref<1x64xi32, #tpu.memory_space<vmem>> -> memref<64xi32, #tpu.memory_space<vmem>>
      %dma_wait3A_196 = arith.constant 0 : i32
      %dma_wait3A_197 = arith.constant 0 : i32
      %dma_wait3A_198 = tpu.memref_slice %arg2[%dma_wait3A_196, %dma_wait3A_197] : memref<10000x128xbf16, #tpu.memory_space<hbm>> -> memref<10000x128xbf16, #tpu.memory_space<hbm>>
      tpu.wait_indirect_dma semaphore(%arg17 : memref<!tpu.dma_semaphore, #tpu.memory_space<semaphore_mem>>) src(%dma_wait3A_198 : memref<10000x128xbf16, #tpu.memory_space<hbm>>) dst(%arg12 : memref<64x128xbf16, #tpu.memory_space<vmem>>)
      %dma_start3A_199 = arith.constant 1 : i32
      %dma_start3A_200 = arith.constant 0 : i32
      %dma_start3A_201 = tpu.memref_slice %arg10[%dma_start3A_199, %dma_start3A_200] : memref<40x64xi32, #tpu.memory_space<vmem>> -> memref<1x64xi32, #tpu.memory_space<vmem>>
      %dma_start3A_202 = tpu.memref_squeeze %dma_start3A_201 : memref<1x64xi32, #tpu.memory_space<vmem>> -> memref<64xi32, #tpu.memory_space<vmem>>
      %dma_start3A_203 = arith.constant 0 : i32
      %dma_start3A_204 = arith.constant 0 : i32
      %dma_start3A_205 = tpu.memref_slice %arg15[%dma_start3A_203, %dma_start3A_204] : memref<10240x128xbf16, #tpu.memory_space<vmem_shared>> -> memref<10240x128xbf16, #tpu.memory_space<vmem_shared>>
      tpu.enqueue_indirect_dma source(%arg12 : memref<64x128xbf16, #tpu.memory_space<vmem>>) target(%dma_start3A_205 : memref<10240x128xbf16, #tpu.memory_space<vmem_shared>>) offsets(%dma_start3A_202 : memref<64xi32, #tpu.memory_space<vmem>>) semaphore(%arg21 : memref<!tpu.dma_semaphore, #tpu.memory_space<semaphore_mem>>) {add = true}
      %dma_start3A_206 = arith.constant 1 : i32
      %dma_start3A_207 = arith.constant 0 : i32
      %dma_start3A_208 = tpu.memref_slice %arg10[%dma_start3A_206, %dma_start3A_207] : memref<40x64xi32, #tpu.memory_space<vmem>> -> memref<1x64xi32, #tpu.memory_space<vmem>>
      %dma_start3A_209 = tpu.memref_squeeze %dma_start3A_208 : memref<1x64xi32, #tpu.memory_space<vmem>> -> memref<64xi32, #tpu.memory_space<vmem>>
      %dma_start3A_210 = arith.constant 0 : i32
      %dma_start3A_211 = tpu.memref_slice %arg26[%dma_start3A_210] : memref<10240xf32, #tpu.memory_space<vmem_shared>> -> memref<10240xf32, #tpu.memory_space<vmem_shared>>
      tpu.enqueue_indirect_dma source(%arg24 : memref<64xf32, #tpu.memory_space<vmem>>) target(%dma_start3A_211 : memref<10240xf32, #tpu.memory_space<vmem_shared>>) offsets(%dma_start3A_209 : memref<64xi32, #tpu.memory_space<vmem>>) semaphore(%arg27 : memref<!tpu.dma_semaphore, #tpu.memory_space<semaphore_mem>>) {add = true}
      %dma_wait3A_212 = arith.constant 0 : i32
      %dma_wait3A_213 = arith.constant 0 : i32
      %dma_wait3A_214 = tpu.memref_slice %arg10[%dma_wait3A_212, %dma_wait3A_213] : memref<40x64xi32, #tpu.memory_space<vmem>> -> memref<1x64xi32, #tpu.memory_space<vmem>>
      %dma_wait3A_215 = tpu.memref_squeeze %dma_wait3A_214 : memref<1x64xi32, #tpu.memory_space<vmem>> -> memref<64xi32, #tpu.memory_space<vmem>>
      %dma_wait3A_216 = arith.constant 0 : i32
      %dma_wait3A_217 = arith.constant 0 : i32
      %dma_wait3A_218 = tpu.memref_slice %arg15[%dma_wait3A_216, %dma_wait3A_217] : memref<10240x128xbf16, #tpu.memory_space<vmem_shared>> -> memref<10240x128xbf16, #tpu.memory_space<vmem_shared>>
      tpu.wait_indirect_dma semaphore(%arg20 : memref<!tpu.dma_semaphore, #tpu.memory_space<semaphore_mem>>) src(%arg11 : memref<64x128xbf16, #tpu.memory_space<vmem>>) dst(%dma_wait3A_218 : memref<10240x128xbf16, #tpu.memory_space<vmem_shared>>)
      %dma_start3A_219 = arith.constant 4 : i32
      %dma_start3A_220 = arith.constant 0 : i32
      %dma_start3A_221 = tpu.memref_slice %arg9[%dma_start3A_219, %dma_start3A_220] : memref<40x64xi32, #tpu.memory_space<vmem>> -> memref<1x64xi32, #tpu.memory_space<vmem>>
      %dma_start3A_222 = tpu.memref_squeeze %dma_start3A_221 : memref<1x64xi32, #tpu.memory_space<vmem>> -> memref<64xi32, #tpu.memory_space<vmem>>
      %dma_start3A_223 = arith.constant 0 : i32
      %dma_start3A_224 = arith.constant 0 : i32
      %dma_start3A_225 = tpu.memref_slice %arg2[%dma_start3A_223, %dma_start3A_224] : memref<10000x128xbf16, #tpu.memory_space<hbm>> -> memref<10000x128xbf16, #tpu.memory_space<hbm>>
      tpu.enqueue_indirect_dma source(%dma_start3A_225 : memref<10000x128xbf16, #tpu.memory_space<hbm>>) target(%arg11 : memref<64x128xbf16, #tpu.memory_space<vmem>>) offsets(%dma_start3A_222 : memref<64xi32, #tpu.memory_space<vmem>>) semaphore(%arg16 : memref<!tpu.dma_semaphore, #tpu.memory_space<semaphore_mem>>)
      %dma_wait3A_226 = arith.constant 2 : i32
      %dma_wait3A_227 = arith.constant 0 : i32
      %dma_wait3A_228 = tpu.memref_slice %arg9[%dma_wait3A_226, %dma_wait3A_227] : memref<40x64xi32, #tpu.memory_space<vmem>> -> memref<1x64xi32, #tpu.memory_space<vmem>>
      %dma_wait3A_229 = tpu.memref_squeeze %dma_wait3A_228 : memref<1x64xi32, #tpu.memory_space<vmem>> -> memref<64xi32, #tpu.memory_space<vmem>>
      %dma_wait3A_230 = arith.constant 0 : i32
      %dma_wait3A_231 = arith.constant 0 : i32
      %dma_wait3A_232 = tpu.memref_slice %arg2[%dma_wait3A_230, %dma_wait3A_231] : memref<10000x128xbf16, #tpu.memory_space<hbm>> -> memref<10000x128xbf16, #tpu.memory_space<hbm>>
      tpu.wait_indirect_dma semaphore(%arg18 : memref<!tpu.dma_semaphore, #tpu.memory_space<semaphore_mem>>) src(%dma_wait3A_232 : memref<10000x128xbf16, #tpu.memory_space<hbm>>) dst(%arg13 : memref<64x128xbf16, #tpu.memory_space<vmem>>)
      %dma_start3A_233 = arith.constant 2 : i32
      %dma_start3A_234 = arith.constant 0 : i32
      %dma_start3A_235 = tpu.memref_slice %arg10[%dma_start3A_233, %dma_start3A_234] : memref<40x64xi32, #tpu.memory_space<vmem>> -> memref<1x64xi32, #tpu.memory_space<vmem>>
      %dma_start3A_236 = tpu.memref_squeeze %dma_start3A_235 : memref<1x64xi32, #tpu.memory_space<vmem>> -> memref<64xi32, #tpu.memory_space<vmem>>
      %dma_start3A_237 = arith.constant 0 : i32
      %dma_start3A_238 = arith.constant 0 : i32
      %dma_start3A_239 = tpu.memref_slice %arg15[%dma_start3A_237, %dma_start3A_238] : memref<10240x128xbf16, #tpu.memory_space<vmem_shared>> -> memref<10240x128xbf16, #tpu.memory_space<vmem_shared>>
      tpu.enqueue_indirect_dma source(%arg13 : memref<64x128xbf16, #tpu.memory_space<vmem>>) target(%dma_start3A_239 : memref<10240x128xbf16, #tpu.memory_space<vmem_shared>>) offsets(%dma_start3A_236 : memref<64xi32, #tpu.memory_space<vmem>>) semaphore(%arg22 : memref<!tpu.dma_semaphore, #tpu.memory_space<semaphore_mem>>) {add = true}
      %dma_start3A_240 = arith.constant 2 : i32
      %dma_start3A_241 = arith.constant 0 : i32
      %dma_start3A_242 = tpu.memref_slice %arg10[%dma_start3A_240, %dma_start3A_241] : memref<40x64xi32, #tpu.memory_space<vmem>> -> memref<1x64xi32, #tpu.memory_space<vmem>>
      %dma_start3A_243 = tpu.memref_squeeze %dma_start3A_242 : memref<1x64xi32, #tpu.memory_space<vmem>> -> memref<64xi32, #tpu.memory_space<vmem>>
      %dma_start3A_244 = arith.constant 0 : i32
      %dma_start3A_245 = tpu.memref_slice %arg26[%dma_start3A_244] : memref<10240xf32, #tpu.memory_space<vmem_shared>> -> memref<10240xf32, #tpu.memory_space<vmem_shared>>
      tpu.enqueue_indirect_dma source(%arg24 : memref<64xf32, #tpu.memory_space<vmem>>) target(%dma_start3A_245 : memref<10240xf32, #tpu.memory_space<vmem_shared>>) offsets(%dma_start3A_243 : memref<64xi32, #tpu.memory_space<vmem>>) semaphore(%arg27 : memref<!tpu.dma_semaphore, #tpu.memory_space<semaphore_mem>>) {add = true}
      %dma_wait3A_246 = arith.constant 1 : i32
      %dma_wait3A_247 = arith.constant 0 : i32
      %dma_wait3A_248 = tpu.memref_slice %arg10[%dma_wait3A_246, %dma_wait3A_247] : memref<40x64xi32, #tpu.memory_space<vmem>> -> memref<1x64xi32, #tpu.memory_space<vmem>>
      %dma_wait3A_249 = tpu.memref_squeeze %dma_wait3A_248 : memref<1x64xi32, #tpu.memory_space<vmem>> -> memref<64xi32, #tpu.memory_space<vmem>>
      %dma_wait3A_250 = arith.constant 0 : i32
      %dma_wait3A_251 = arith.constant 0 : i32
      %dma_wait3A_252 = tpu.memref_slice %arg15[%dma_wait3A_250, %dma_wait3A_251] : memref<10240x128xbf16, #tpu.memory_space<vmem_shared>> -> memref<10240x128xbf16, #tpu.memory_space<vmem_shared>>
      tpu.wait_indirect_dma semaphore(%arg21 : memref<!tpu.dma_semaphore, #tpu.memory_space<semaphore_mem>>) src(%arg12 : memref<64x128xbf16, #tpu.memory_space<vmem>>) dst(%dma_wait3A_252 : memref<10240x128xbf16, #tpu.memory_space<vmem_shared>>)
      %dma_start3A_253 = arith.constant 5 : i32
      %dma_start3A_254 = arith.constant 0 : i32
      %dma_start3A_255 = tpu.memref_slice %arg9[%dma_start3A_253, %dma_start3A_254] : memref<40x64xi32, #tpu.memory_space<vmem>> -> memref<1x64xi32, #tpu.memory_space<vmem>>
      %dma_start3A_256 = tpu.memref_squeeze %dma_start3A_255 : memref<1x64xi32, #tpu.memory_space<vmem>> -> memref<64xi32, #tpu.memory_space<vmem>>
      %dma_start3A_257 = arith.constant 0 : i32
      %dma_start3A_258 = arith.constant 0 : i32
      %dma_start3A_259 = tpu.memref_slice %arg2[%dma_start3A_257, %dma_start3A_258] : memref<10000x128xbf16, #tpu.memory_space<hbm>> -> memref<10000x128xbf16, #tpu.memory_space<hbm>>
      tpu.enqueue_indirect_dma source(%dma_start3A_259 : memref<10000x128xbf16, #tpu.memory_space<hbm>>) target(%arg12 : memref<64x128xbf16, #tpu.memory_space<vmem>>) offsets(%dma_start3A_256 : memref<64xi32, #tpu.memory_space<vmem>>) semaphore(%arg17 : memref<!tpu.dma_semaphore, #tpu.memory_space<semaphore_mem>>)
      %dma_wait3A_260 = arith.constant 3 : i32
      %dma_wait3A_261 = arith.constant 0 : i32
      %dma_wait3A_262 = tpu.memref_slice %arg9[%dma_wait3A_260, %dma_wait3A_261] : memref<40x64xi32, #tpu.memory_space<vmem>> -> memref<1x64xi32, #tpu.memory_space<vmem>>
      %dma_wait3A_263 = tpu.memref_squeeze %dma_wait3A_262 : memref<1x64xi32, #tpu.memory_space<vmem>> -> memref<64xi32, #tpu.memory_space<vmem>>
      %dma_wait3A_264 = arith.constant 0 : i32
      %dma_wait3A_265 = arith.constant 0 : i32
      %dma_wait3A_266 = tpu.memref_slice %arg2[%dma_wait3A_264, %dma_wait3A_265] : memref<10000x128xbf16, #tpu.memory_space<hbm>> -> memref<10000x128xbf16, #tpu.memory_space<hbm>>
      tpu.wait_indirect_dma semaphore(%arg19 : memref<!tpu.dma_semaphore, #tpu.memory_space<semaphore_mem>>) src(%dma_wait3A_266 : memref<10000x128xbf16, #tpu.memory_space<hbm>>) dst(%arg14 : memref<64x128xbf16, #tpu.memory_space<vmem>>)
      %dma_start3A_267 = arith.constant 3 : i32
      %dma_start3A_268 = arith.constant 0 : i32
      %dma_start3A_269 = tpu.memref_slice %arg10[%dma_start3A_267, %dma_start3A_268] : memref<40x64xi32, #tpu.memory_space<vmem>> -> memref<1x64xi32, #tpu.memory_space<vmem>>
      %dma_start3A_270 = tpu.memref_squeeze %dma_start3A_269 : memref<1x64xi32, #tpu.memory_space<vmem>> -> memref<64xi32, #tpu.memory_space<vmem>>
      %dma_start3A_271 = arith.constant 0 : i32
      %dma_start3A_272 = arith.constant 0 : i32
      %dma_start3A_273 = tpu.memref_slice %arg15[%dma_start3A_271, %dma_start3A_272] : memref<10240x128xbf16, #tpu.memory_space<vmem_shared>> -> memref<10240x128xbf16, #tpu.memory_space<vmem_shared>>
      tpu.enqueue_indirect_dma source(%arg14 : memref<64x128xbf16, #tpu.memory_space<vmem>>) target(%dma_start3A_273 : memref<10240x128xbf16, #tpu.memory_space<vmem_shared>>) offsets(%dma_start3A_270 : memref<64xi32, #tpu.memory_space<vmem>>) semaphore(%arg23 : memref<!tpu.dma_semaphore, #tpu.memory_space<semaphore_mem>>) {add = true}
      %dma_start3A_274 = arith.constant 3 : i32
      %dma_start3A_275 = arith.constant 0 : i32
      %dma_start3A_276 = tpu.memref_slice %arg10[%dma_start3A_274, %dma_start3A_275] : memref<40x64xi32, #tpu.memory_space<vmem>> -> memref<1x64xi32, #tpu.memory_space<vmem>>
      %dma_start3A_277 = tpu.memref_squeeze %dma_start3A_276 : memref<1x64xi32, #tpu.memory_space<vmem>> -> memref<64xi32, #tpu.memory_space<vmem>>
      %dma_start3A_278 = arith.constant 0 : i32
      %dma_start3A_279 = tpu.memref_slice %arg26[%dma_start3A_278] : memref<10240xf32, #tpu.memory_space<vmem_shared>> -> memref<10240xf32, #tpu.memory_space<vmem_shared>>
      tpu.enqueue_indirect_dma source(%arg24 : memref<64xf32, #tpu.memory_space<vmem>>) target(%dma_start3A_279 : memref<10240xf32, #tpu.memory_space<vmem_shared>>) offsets(%dma_start3A_277 : memref<64xi32, #tpu.memory_space<vmem>>) semaphore(%arg27 : memref<!tpu.dma_semaphore, #tpu.memory_space<semaphore_mem>>) {add = true}
      %dma_wait3A_280 = arith.constant 2 : i32
      %dma_wait3A_281 = arith.constant 0 : i32
      %dma_wait3A_282 = tpu.memref_slice %arg10[%dma_wait3A_280, %dma_wait3A_281] : memref<40x64xi32, #tpu.memory_space<vmem>> -> memref<1x64xi32, #tpu.memory_space<vmem>>
      %dma_wait3A_283 = tpu.memref_squeeze %dma_wait3A_282 : memref<1x64xi32, #tpu.memory_space<vmem>> -> memref<64xi32, #tpu.memory_space<vmem>>
      %dma_wait3A_284 = arith.constant 0 : i32
      %dma_wait3A_285 = arith.constant 0 : i32
      %dma_wait3A_286 = tpu.memref_slice %arg15[%dma_wait3A_284, %dma_wait3A_285] : memref<10240x128xbf16, #tpu.memory_space<vmem_shared>> -> memref<10240x128xbf16, #tpu.memory_space<vmem_shared>>
      tpu.wait_indirect_dma semaphore(%arg22 : memref<!tpu.dma_semaphore, #tpu.memory_space<semaphore_mem>>) src(%arg13 : memref<64x128xbf16, #tpu.memory_space<vmem>>) dst(%dma_wait3A_286 : memref<10240x128xbf16, #tpu.memory_space<vmem_shared>>)
      %dma_start3A_287 = arith.constant 6 : i32
      %dma_start3A_288 = arith.constant 0 : i32
      %dma_start3A_289 = tpu.memref_slice %arg9[%dma_start3A_287, %dma_start3A_288] : memref<40x64xi32, #tpu.memory_space<vmem>> -> memref<1x64xi32, #tpu.memory_space<vmem>>
      %dma_start3A_290 = tpu.memref_squeeze %dma_start3A_289 : memref<1x64xi32, #tpu.memory_space<vmem>> -> memref<64xi32, #tpu.memory_space<vmem>>
      %dma_start3A_291 = arith.constant 0 : i32
      %dma_start3A_292 = arith.constant 0 : i32
      %dma_start3A_293 = tpu.memref_slice %arg2[%dma_start3A_291, %dma_start3A_292] : memref<10000x128xbf16, #tpu.memory_space<hbm>> -> memref<10000x128xbf16, #tpu.memory_space<hbm>>
      tpu.enqueue_indirect_dma source(%dma_start3A_293 : memref<10000x128xbf16, #tpu.memory_space<hbm>>) target(%arg13 : memref<64x128xbf16, #tpu.memory_space<vmem>>) offsets(%dma_start3A_290 : memref<64xi32, #tpu.memory_space<vmem>>) semaphore(%arg18 : memref<!tpu.dma_semaphore, #tpu.memory_space<semaphore_mem>>)
      %scan3A_294 = arith.constant 0 : i32
      %scan3A_295 = arith.constant 1 : i32
      %scan3A_296 = arith.constant 8 : i32
      %scan3A_297 = arith.addi %scan3A_295, %scan3A_296 : i32
      %scan3A_298 = arith.constant 1 : i32
      scf.for %scan3A_428 = %scan3A_295 to %scan3A_297 step %scan3A_298  : i32 {
        %mul3A_429 = arith.constant 4 : i32
        %mul3A_430 = arith.muli %mul3A_429, %scan3A_428 : i32
        %add3A_431 = arith.constant 0 : i32
        %add3A_432 = arith.addi %mul3A_430, %add3A_431 : i32
        %add3A_433 = arith.constant 4 : i32
        %add3A_434 = arith.addi %add3A_432, %add3A_433 : i32
        %sub3A = arith.constant 1 : i32
        %sub3A_435 = arith.subi %add3A_434, %sub3A : i32
        %dma_wait3A_436 = arith.constant 0 : i32
        %dma_wait3A_437 = tpu.memref_slice %arg9[%add3A_432, %dma_wait3A_436] : memref<40x64xi32, #tpu.memory_space<vmem>> -> memref<1x64xi32, #tpu.memory_space<vmem>>
        %dma_wait3A_438 = tpu.memref_squeeze %dma_wait3A_437 : memref<1x64xi32, #tpu.memory_space<vmem>> -> memref<64xi32, #tpu.memory_space<vmem>>
        %dma_wait3A_439 = arith.constant 0 : i32
        %dma_wait3A_440 = arith.constant 0 : i32
        %dma_wait3A_441 = tpu.memref_slice %arg2[%dma_wait3A_439, %dma_wait3A_440] : memref<10000x128xbf16, #tpu.memory_space<hbm>> -> memref<10000x128xbf16, #tpu.memory_space<hbm>>
        tpu.wait_indirect_dma semaphore(%arg16 : memref<!tpu.dma_semaphore, #tpu.memory_space<semaphore_mem>>) src(%dma_wait3A_441 : memref<10000x128xbf16, #tpu.memory_space<hbm>>) dst(%arg11 : memref<64x128xbf16, #tpu.memory_space<vmem>>)
        %dma_start3A_442 = arith.constant 0 : i32
        %dma_start3A_443 = tpu.memref_slice %arg10[%add3A_432, %dma_start3A_442] : memref<40x64xi32, #tpu.memory_space<vmem>> -> memref<1x64xi32, #tpu.memory_space<vmem>>
        %dma_start3A_444 = tpu.memref_squeeze %dma_start3A_443 : memref<1x64xi32, #tpu.memory_space<vmem>> -> memref<64xi32, #tpu.memory_space<vmem>>
        %dma_start3A_445 = arith.constant 0 : i32
        %dma_start3A_446 = arith.constant 0 : i32
        %dma_start3A_447 = tpu.memref_slice %arg15[%dma_start3A_445, %dma_start3A_446] : memref<10240x128xbf16, #tpu.memory_space<vmem_shared>> -> memref<10240x128xbf16, #tpu.memory_space<vmem_shared>>
        tpu.enqueue_indirect_dma source(%arg11 : memref<64x128xbf16, #tpu.memory_space<vmem>>) target(%dma_start3A_447 : memref<10240x128xbf16, #tpu.memory_space<vmem_shared>>) offsets(%dma_start3A_444 : memref<64xi32, #tpu.memory_space<vmem>>) semaphore(%arg20 : memref<!tpu.dma_semaphore, #tpu.memory_space<semaphore_mem>>) {add = true}
        %dma_start3A_448 = arith.constant 0 : i32
        %dma_start3A_449 = tpu.memref_slice %arg10[%add3A_432, %dma_start3A_448] : memref<40x64xi32, #tpu.memory_space<vmem>> -> memref<1x64xi32, #tpu.memory_space<vmem>>
        %dma_start3A_450 = tpu.memref_squeeze %dma_start3A_449 : memref<1x64xi32, #tpu.memory_space<vmem>> -> memref<64xi32, #tpu.memory_space<vmem>>
        %dma_start3A_451 = arith.constant 0 : i32
        %dma_start3A_452 = tpu.memref_slice %arg26[%dma_start3A_451] : memref<10240xf32, #tpu.memory_space<vmem_shared>> -> memref<10240xf32, #tpu.memory_space<vmem_shared>>
        tpu.enqueue_indirect_dma source(%arg24 : memref<64xf32, #tpu.memory_space<vmem>>) target(%dma_start3A_452 : memref<10240xf32, #tpu.memory_space<vmem_shared>>) offsets(%dma_start3A_450 : memref<64xi32, #tpu.memory_space<vmem>>) semaphore(%arg27 : memref<!tpu.dma_semaphore, #tpu.memory_space<semaphore_mem>>) {add = true}
        %sub3A_453 = arith.constant 1 : i32
        %sub3A_454 = arith.subi %add3A_432, %sub3A_453 : i32
        %dma_wait3A_455 = arith.constant 0 : i32
        %dma_wait3A_456 = tpu.memref_slice %arg10[%sub3A_454, %dma_wait3A_455] : memref<40x64xi32, #tpu.memory_space<vmem>> -> memref<1x64xi32, #tpu.memory_space<vmem>>
        %dma_wait3A_457 = tpu.memref_squeeze %dma_wait3A_456 : memref<1x64xi32, #tpu.memory_space<vmem>> -> memref<64xi32, #tpu.memory_space<vmem>>
        %dma_wait3A_458 = arith.constant 0 : i32
        %dma_wait3A_459 = arith.constant 0 : i32
        %dma_wait3A_460 = tpu.memref_slice %arg15[%dma_wait3A_458, %dma_wait3A_459] : memref<10240x128xbf16, #tpu.memory_space<vmem_shared>> -> memref<10240x128xbf16, #tpu.memory_space<vmem_shared>>
        tpu.wait_indirect_dma semaphore(%arg23 : memref<!tpu.dma_semaphore, #tpu.memory_space<semaphore_mem>>) src(%arg14 : memref<64x128xbf16, #tpu.memory_space<vmem>>) dst(%dma_wait3A_460 : memref<10240x128xbf16, #tpu.memory_space<vmem_shared>>)
        %dma_start3A_461 = arith.constant 0 : i32
        %dma_start3A_462 = tpu.memref_slice %arg9[%sub3A_435, %dma_start3A_461] : memref<40x64xi32, #tpu.memory_space<vmem>> -> memref<1x64xi32, #tpu.memory_space<vmem>>
        %dma_start3A_463 = tpu.memref_squeeze %dma_start3A_462 : memref<1x64xi32, #tpu.memory_space<vmem>> -> memref<64xi32, #tpu.memory_space<vmem>>
        %dma_start3A_464 = arith.constant 0 : i32
        %dma_start3A_465 = arith.constant 0 : i32
        %dma_start3A_466 = tpu.memref_slice %arg2[%dma_start3A_464, %dma_start3A_465] : memref<10000x128xbf16, #tpu.memory_space<hbm>> -> memref<10000x128xbf16, #tpu.memory_space<hbm>>
        tpu.enqueue_indirect_dma source(%dma_start3A_466 : memref<10000x128xbf16, #tpu.memory_space<hbm>>) target(%arg14 : memref<64x128xbf16, #tpu.memory_space<vmem>>) offsets(%dma_start3A_463 : memref<64xi32, #tpu.memory_space<vmem>>) semaphore(%arg19 : memref<!tpu.dma_semaphore, #tpu.memory_space<semaphore_mem>>)
        %mul3A_467 = arith.constant 4 : i32
        %mul3A_468 = arith.muli %mul3A_467, %scan3A_428 : i32
        %add3A_469 = arith.constant 1 : i32
        %add3A_470 = arith.addi %mul3A_468, %add3A_469 : i32
        %add3A_471 = arith.constant 4 : i32
        %add3A_472 = arith.addi %add3A_470, %add3A_471 : i32
        %sub3A_473 = arith.constant 1 : i32
        %sub3A_474 = arith.subi %add3A_472, %sub3A_473 : i32
        %dma_wait3A_475 = arith.constant 0 : i32
        %dma_wait3A_476 = tpu.memref_slice %arg9[%add3A_470, %dma_wait3A_475] : memref<40x64xi32, #tpu.memory_space<vmem>> -> memref<1x64xi32, #tpu.memory_space<vmem>>
        %dma_wait3A_477 = tpu.memref_squeeze %dma_wait3A_476 : memref<1x64xi32, #tpu.memory_space<vmem>> -> memref<64xi32, #tpu.memory_space<vmem>>
        %dma_wait3A_478 = arith.constant 0 : i32
        %dma_wait3A_479 = arith.constant 0 : i32
        %dma_wait3A_480 = tpu.memref_slice %arg2[%dma_wait3A_478, %dma_wait3A_479] : memref<10000x128xbf16, #tpu.memory_space<hbm>> -> memref<10000x128xbf16, #tpu.memory_space<hbm>>
        tpu.wait_indirect_dma semaphore(%arg17 : memref<!tpu.dma_semaphore, #tpu.memory_space<semaphore_mem>>) src(%dma_wait3A_480 : memref<10000x128xbf16, #tpu.memory_space<hbm>>) dst(%arg12 : memref<64x128xbf16, #tpu.memory_space<vmem>>)
        %dma_start3A_481 = arith.constant 0 : i32
        %dma_start3A_482 = tpu.memref_slice %arg10[%add3A_470, %dma_start3A_481] : memref<40x64xi32, #tpu.memory_space<vmem>> -> memref<1x64xi32, #tpu.memory_space<vmem>>
        %dma_start3A_483 = tpu.memref_squeeze %dma_start3A_482 : memref<1x64xi32, #tpu.memory_space<vmem>> -> memref<64xi32, #tpu.memory_space<vmem>>
        %dma_start3A_484 = arith.constant 0 : i32
        %dma_start3A_485 = arith.constant 0 : i32
        %dma_start3A_486 = tpu.memref_slice %arg15[%dma_start3A_484, %dma_start3A_485] : memref<10240x128xbf16, #tpu.memory_space<vmem_shared>> -> memref<10240x128xbf16, #tpu.memory_space<vmem_shared>>
        tpu.enqueue_indirect_dma source(%arg12 : memref<64x128xbf16, #tpu.memory_space<vmem>>) target(%dma_start3A_486 : memref<10240x128xbf16, #tpu.memory_space<vmem_shared>>) offsets(%dma_start3A_483 : memref<64xi32, #tpu.memory_space<vmem>>) semaphore(%arg21 : memref<!tpu.dma_semaphore, #tpu.memory_space<semaphore_mem>>) {add = true}
        %dma_start3A_487 = arith.constant 0 : i32
        %dma_start3A_488 = tpu.memref_slice %arg10[%add3A_470, %dma_start3A_487] : memref<40x64xi32, #tpu.memory_space<vmem>> -> memref<1x64xi32, #tpu.memory_space<vmem>>
        %dma_start3A_489 = tpu.memref_squeeze %dma_start3A_488 : memref<1x64xi32, #tpu.memory_space<vmem>> -> memref<64xi32, #tpu.memory_space<vmem>>
        %dma_start3A_490 = arith.constant 0 : i32
        %dma_start3A_491 = tpu.memref_slice %arg26[%dma_start3A_490] : memref<10240xf32, #tpu.memory_space<vmem_shared>> -> memref<10240xf32, #tpu.memory_space<vmem_shared>>
        tpu.enqueue_indirect_dma source(%arg24 : memref<64xf32, #tpu.memory_space<vmem>>) target(%dma_start3A_491 : memref<10240xf32, #tpu.memory_space<vmem_shared>>) offsets(%dma_start3A_489 : memref<64xi32, #tpu.memory_space<vmem>>) semaphore(%arg27 : memref<!tpu.dma_semaphore, #tpu.memory_space<semaphore_mem>>) {add = true}
        %sub3A_492 = arith.constant 1 : i32
        %sub3A_493 = arith.subi %add3A_470, %sub3A_492 : i32
        %dma_wait3A_494 = arith.constant 0 : i32
        %dma_wait3A_495 = tpu.memref_slice %arg10[%sub3A_493, %dma_wait3A_494] : memref<40x64xi32, #tpu.memory_space<vmem>> -> memref<1x64xi32, #tpu.memory_space<vmem>>
        %dma_wait3A_496 = tpu.memref_squeeze %dma_wait3A_495 : memref<1x64xi32, #tpu.memory_space<vmem>> -> memref<64xi32, #tpu.memory_space<vmem>>
        %dma_wait3A_497 = arith.constant 0 : i32
        %dma_wait3A_498 = arith.constant 0 : i32
        %dma_wait3A_499 = tpu.memref_slice %arg15[%dma_wait3A_497, %dma_wait3A_498] : memref<10240x128xbf16, #tpu.memory_space<vmem_shared>> -> memref<10240x128xbf16, #tpu.memory_space<vmem_shared>>
        tpu.wait_indirect_dma semaphore(%arg20 : memref<!tpu.dma_semaphore, #tpu.memory_space<semaphore_mem>>) src(%arg11 : memref<64x128xbf16, #tpu.memory_space<vmem>>) dst(%dma_wait3A_499 : memref<10240x128xbf16, #tpu.memory_space<vmem_shared>>)
        %dma_start3A_500 = arith.constant 0 : i32
        %dma_start3A_501 = tpu.memref_slice %arg9[%sub3A_474, %dma_start3A_500] : memref<40x64xi32, #tpu.memory_space<vmem>> -> memref<1x64xi32, #tpu.memory_space<vmem>>
        %dma_start3A_502 = tpu.memref_squeeze %dma_start3A_501 : memref<1x64xi32, #tpu.memory_space<vmem>> -> memref<64xi32, #tpu.memory_space<vmem>>
        %dma_start3A_503 = arith.constant 0 : i32
        %dma_start3A_504 = arith.constant 0 : i32
        %dma_start3A_505 = tpu.memref_slice %arg2[%dma_start3A_503, %dma_start3A_504] : memref<10000x128xbf16, #tpu.memory_space<hbm>> -> memref<10000x128xbf16, #tpu.memory_space<hbm>>
        tpu.enqueue_indirect_dma source(%dma_start3A_505 : memref<10000x128xbf16, #tpu.memory_space<hbm>>) target(%arg11 : memref<64x128xbf16, #tpu.memory_space<vmem>>) offsets(%dma_start3A_502 : memref<64xi32, #tpu.memory_space<vmem>>) semaphore(%arg16 : memref<!tpu.dma_semaphore, #tpu.memory_space<semaphore_mem>>)
        %mul3A_506 = arith.constant 4 : i32
        %mul3A_507 = arith.muli %mul3A_506, %scan3A_428 : i32
        %add3A_508 = arith.constant 2 : i32
        %add3A_509 = arith.addi %mul3A_507, %add3A_508 : i32
        %add3A_510 = arith.constant 4 : i32
        %add3A_511 = arith.addi %add3A_509, %add3A_510 : i32
        %sub3A_512 = arith.constant 1 : i32
        %sub3A_513 = arith.subi %add3A_511, %sub3A_512 : i32
        %dma_wait3A_514 = arith.constant 0 : i32
        %dma_wait3A_515 = tpu.memref_slice %arg9[%add3A_509, %dma_wait3A_514] : memref<40x64xi32, #tpu.memory_space<vmem>> -> memref<1x64xi32, #tpu.memory_space<vmem>>
        %dma_wait3A_516 = tpu.memref_squeeze %dma_wait3A_515 : memref<1x64xi32, #tpu.memory_space<vmem>> -> memref<64xi32, #tpu.memory_space<vmem>>
        %dma_wait3A_517 = arith.constant 0 : i32
        %dma_wait3A_518 = arith.constant 0 : i32
        %dma_wait3A_519 = tpu.memref_slice %arg2[%dma_wait3A_517, %dma_wait3A_518] : memref<10000x128xbf16, #tpu.memory_space<hbm>> -> memref<10000x128xbf16, #tpu.memory_space<hbm>>
        tpu.wait_indirect_dma semaphore(%arg18 : memref<!tpu.dma_semaphore, #tpu.memory_space<semaphore_mem>>) src(%dma_wait3A_519 : memref<10000x128xbf16, #tpu.memory_space<hbm>>) dst(%arg13 : memref<64x128xbf16, #tpu.memory_space<vmem>>)
        %dma_start3A_520 = arith.constant 0 : i32
        %dma_start3A_521 = tpu.memref_slice %arg10[%add3A_509, %dma_start3A_520] : memref<40x64xi32, #tpu.memory_space<vmem>> -> memref<1x64xi32, #tpu.memory_space<vmem>>
        %dma_start3A_522 = tpu.memref_squeeze %dma_start3A_521 : memref<1x64xi32, #tpu.memory_space<vmem>> -> memref<64xi32, #tpu.memory_space<vmem>>
        %dma_start3A_523 = arith.constant 0 : i32
        %dma_start3A_524 = arith.constant 0 : i32
        %dma_start3A_525 = tpu.memref_slice %arg15[%dma_start3A_523, %dma_start3A_524] : memref<10240x128xbf16, #tpu.memory_space<vmem_shared>> -> memref<10240x128xbf16, #tpu.memory_space<vmem_shared>>
        tpu.enqueue_indirect_dma source(%arg13 : memref<64x128xbf16, #tpu.memory_space<vmem>>) target(%dma_start3A_525 : memref<10240x128xbf16, #tpu.memory_space<vmem_shared>>) offsets(%dma_start3A_522 : memref<64xi32, #tpu.memory_space<vmem>>) semaphore(%arg22 : memref<!tpu.dma_semaphore, #tpu.memory_space<semaphore_mem>>) {add = true}
        %dma_start3A_526 = arith.constant 0 : i32
        %dma_start3A_527 = tpu.memref_slice %arg10[%add3A_509, %dma_start3A_526] : memref<40x64xi32, #tpu.memory_space<vmem>> -> memref<1x64xi32, #tpu.memory_space<vmem>>
        %dma_start3A_528 = tpu.memref_squeeze %dma_start3A_527 : memref<1x64xi32, #tpu.memory_space<vmem>> -> memref<64xi32, #tpu.memory_space<vmem>>
        %dma_start3A_529 = arith.constant 0 : i32
        %dma_start3A_530 = tpu.memref_slice %arg26[%dma_start3A_529] : memref<10240xf32, #tpu.memory_space<vmem_shared>> -> memref<10240xf32, #tpu.memory_space<vmem_shared>>
        tpu.enqueue_indirect_dma source(%arg24 : memref<64xf32, #tpu.memory_space<vmem>>) target(%dma_start3A_530 : memref<10240xf32, #tpu.memory_space<vmem_shared>>) offsets(%dma_start3A_528 : memref<64xi32, #tpu.memory_space<vmem>>) semaphore(%arg27 : memref<!tpu.dma_semaphore, #tpu.memory_space<semaphore_mem>>) {add = true}
        %sub3A_531 = arith.constant 1 : i32
        %sub3A_532 = arith.subi %add3A_509, %sub3A_531 : i32
        %dma_wait3A_533 = arith.constant 0 : i32
        %dma_wait3A_534 = tpu.memref_slice %arg10[%sub3A_532, %dma_wait3A_533] : memref<40x64xi32, #tpu.memory_space<vmem>> -> memref<1x64xi32, #tpu.memory_space<vmem>>
        %dma_wait3A_535 = tpu.memref_squeeze %dma_wait3A_534 : memref<1x64xi32, #tpu.memory_space<vmem>> -> memref<64xi32, #tpu.memory_space<vmem>>
        %dma_wait3A_536 = arith.constant 0 : i32
        %dma_wait3A_537 = arith.constant 0 : i32
        %dma_wait3A_538 = tpu.memref_slice %arg15[%dma_wait3A_536, %dma_wait3A_537] : memref<10240x128xbf16, #tpu.memory_space<vmem_shared>> -> memref<10240x128xbf16, #tpu.memory_space<vmem_shared>>
        tpu.wait_indirect_dma semaphore(%arg21 : memref<!tpu.dma_semaphore, #tpu.memory_space<semaphore_mem>>) src(%arg12 : memref<64x128xbf16, #tpu.memory_space<vmem>>) dst(%dma_wait3A_538 : memref<10240x128xbf16, #tpu.memory_space<vmem_shared>>)
        %dma_start3A_539 = arith.constant 0 : i32
        %dma_start3A_540 = tpu.memref_slice %arg9[%sub3A_513, %dma_start3A_539] : memref<40x64xi32, #tpu.memory_space<vmem>> -> memref<1x64xi32, #tpu.memory_space<vmem>>
        %dma_start3A_541 = tpu.memref_squeeze %dma_start3A_540 : memref<1x64xi32, #tpu.memory_space<vmem>> -> memref<64xi32, #tpu.memory_space<vmem>>
        %dma_start3A_542 = arith.constant 0 : i32
        %dma_start3A_543 = arith.constant 0 : i32
        %dma_start3A_544 = tpu.memref_slice %arg2[%dma_start3A_542, %dma_start3A_543] : memref<10000x128xbf16, #tpu.memory_space<hbm>> -> memref<10000x128xbf16, #tpu.memory_space<hbm>>
        tpu.enqueue_indirect_dma source(%dma_start3A_544 : memref<10000x128xbf16, #tpu.memory_space<hbm>>) target(%arg12 : memref<64x128xbf16, #tpu.memory_space<vmem>>) offsets(%dma_start3A_541 : memref<64xi32, #tpu.memory_space<vmem>>) semaphore(%arg17 : memref<!tpu.dma_semaphore, #tpu.memory_space<semaphore_mem>>)
        %mul3A_545 = arith.constant 4 : i32
        %mul3A_546 = arith.muli %mul3A_545, %scan3A_428 : i32
        %add3A_547 = arith.constant 3 : i32
        %add3A_548 = arith.addi %mul3A_546, %add3A_547 : i32
        %add3A_549 = arith.constant 4 : i32
        %add3A_550 = arith.addi %add3A_548, %add3A_549 : i32
        %sub3A_551 = arith.constant 1 : i32
        %sub3A_552 = arith.subi %add3A_550, %sub3A_551 : i32
        %dma_wait3A_553 = arith.constant 0 : i32
        %dma_wait3A_554 = tpu.memref_slice %arg9[%add3A_548, %dma_wait3A_553] : memref<40x64xi32, #tpu.memory_space<vmem>> -> memref<1x64xi32, #tpu.memory_space<vmem>>
        %dma_wait3A_555 = tpu.memref_squeeze %dma_wait3A_554 : memref<1x64xi32, #tpu.memory_space<vmem>> -> memref<64xi32, #tpu.memory_space<vmem>>
        %dma_wait3A_556 = arith.constant 0 : i32
        %dma_wait3A_557 = arith.constant 0 : i32
        %dma_wait3A_558 = tpu.memref_slice %arg2[%dma_wait3A_556, %dma_wait3A_557] : memref<10000x128xbf16, #tpu.memory_space<hbm>> -> memref<10000x128xbf16, #tpu.memory_space<hbm>>
        tpu.wait_indirect_dma semaphore(%arg19 : memref<!tpu.dma_semaphore, #tpu.memory_space<semaphore_mem>>) src(%dma_wait3A_558 : memref<10000x128xbf16, #tpu.memory_space<hbm>>) dst(%arg14 : memref<64x128xbf16, #tpu.memory_space<vmem>>)
        %dma_start3A_559 = arith.constant 0 : i32
        %dma_start3A_560 = tpu.memref_slice %arg10[%add3A_548, %dma_start3A_559] : memref<40x64xi32, #tpu.memory_space<vmem>> -> memref<1x64xi32, #tpu.memory_space<vmem>>
        %dma_start3A_561 = tpu.memref_squeeze %dma_start3A_560 : memref<1x64xi32, #tpu.memory_space<vmem>> -> memref<64xi32, #tpu.memory_space<vmem>>
        %dma_start3A_562 = arith.constant 0 : i32
        %dma_start3A_563 = arith.constant 0 : i32
        %dma_start3A_564 = tpu.memref_slice %arg15[%dma_start3A_562, %dma_start3A_563] : memref<10240x128xbf16, #tpu.memory_space<vmem_shared>> -> memref<10240x128xbf16, #tpu.memory_space<vmem_shared>>
        tpu.enqueue_indirect_dma source(%arg14 : memref<64x128xbf16, #tpu.memory_space<vmem>>) target(%dma_start3A_564 : memref<10240x128xbf16, #tpu.memory_space<vmem_shared>>) offsets(%dma_start3A_561 : memref<64xi32, #tpu.memory_space<vmem>>) semaphore(%arg23 : memref<!tpu.dma_semaphore, #tpu.memory_space<semaphore_mem>>) {add = true}
        %dma_start3A_565 = arith.constant 0 : i32
        %dma_start3A_566 = tpu.memref_slice %arg10[%add3A_548, %dma_start3A_565] : memref<40x64xi32, #tpu.memory_space<vmem>> -> memref<1x64xi32, #tpu.memory_space<vmem>>
        %dma_start3A_567 = tpu.memref_squeeze %dma_start3A_566 : memref<1x64xi32, #tpu.memory_space<vmem>> -> memref<64xi32, #tpu.memory_space<vmem>>
        %dma_start3A_568 = arith.constant 0 : i32
        %dma_start3A_569 = tpu.memref_slice %arg26[%dma_start3A_568] : memref<10240xf32, #tpu.memory_space<vmem_shared>> -> memref<10240xf32, #tpu.memory_space<vmem_shared>>
        tpu.enqueue_indirect_dma source(%arg24 : memref<64xf32, #tpu.memory_space<vmem>>) target(%dma_start3A_569 : memref<10240xf32, #tpu.memory_space<vmem_shared>>) offsets(%dma_start3A_567 : memref<64xi32, #tpu.memory_space<vmem>>) semaphore(%arg27 : memref<!tpu.dma_semaphore, #tpu.memory_space<semaphore_mem>>) {add = true}
        %sub3A_570 = arith.constant 1 : i32
        %sub3A_571 = arith.subi %add3A_548, %sub3A_570 : i32
        %dma_wait3A_572 = arith.constant 0 : i32
        %dma_wait3A_573 = tpu.memref_slice %arg10[%sub3A_571, %dma_wait3A_572] : memref<40x64xi32, #tpu.memory_space<vmem>> -> memref<1x64xi32, #tpu.memory_space<vmem>>
        %dma_wait3A_574 = tpu.memref_squeeze %dma_wait3A_573 : memref<1x64xi32, #tpu.memory_space<vmem>> -> memref<64xi32, #tpu.memory_space<vmem>>
        %dma_wait3A_575 = arith.constant 0 : i32
        %dma_wait3A_576 = arith.constant 0 : i32
        %dma_wait3A_577 = tpu.memref_slice %arg15[%dma_wait3A_575, %dma_wait3A_576] : memref<10240x128xbf16, #tpu.memory_space<vmem_shared>> -> memref<10240x128xbf16, #tpu.memory_space<vmem_shared>>
        tpu.wait_indirect_dma semaphore(%arg22 : memref<!tpu.dma_semaphore, #tpu.memory_space<semaphore_mem>>) src(%arg13 : memref<64x128xbf16, #tpu.memory_space<vmem>>) dst(%dma_wait3A_577 : memref<10240x128xbf16, #tpu.memory_space<vmem_shared>>)
        %dma_start3A_578 = arith.constant 0 : i32
        %dma_start3A_579 = tpu.memref_slice %arg9[%sub3A_552, %dma_start3A_578] : memref<40x64xi32, #tpu.memory_space<vmem>> -> memref<1x64xi32, #tpu.memory_space<vmem>>
        %dma_start3A_580 = tpu.memref_squeeze %dma_start3A_579 : memref<1x64xi32, #tpu.memory_space<vmem>> -> memref<64xi32, #tpu.memory_space<vmem>>
        %dma_start3A_581 = arith.constant 0 : i32
        %dma_start3A_582 = arith.constant 0 : i32
        %dma_start3A_583 = tpu.memref_slice %arg2[%dma_start3A_581, %dma_start3A_582] : memref<10000x128xbf16, #tpu.memory_space<hbm>> -> memref<10000x128xbf16, #tpu.memory_space<hbm>>
        tpu.enqueue_indirect_dma source(%dma_start3A_583 : memref<10000x128xbf16, #tpu.memory_space<hbm>>) target(%arg13 : memref<64x128xbf16, #tpu.memory_space<vmem>>) offsets(%dma_start3A_580 : memref<64xi32, #tpu.memory_space<vmem>>) semaphore(%arg18 : memref<!tpu.dma_semaphore, #tpu.memory_space<semaphore_mem>>)
      }
      %scan3A_299 = arith.constant 8 : i32
      %dma_wait3A_300 = arith.constant 36 : i32
      %dma_wait3A_301 = arith.constant 0 : i32
      %dma_wait3A_302 = tpu.memref_slice %arg9[%dma_wait3A_300, %dma_wait3A_301] : memref<40x64xi32, #tpu.memory_space<vmem>> -> memref<1x64xi32, #tpu.memory_space<vmem>>
      %dma_wait3A_303 = tpu.memref_squeeze %dma_wait3A_302 : memref<1x64xi32, #tpu.memory_space<vmem>> -> memref<64xi32, #tpu.memory_space<vmem>>
      %dma_wait3A_304 = arith.constant 0 : i32
      %dma_wait3A_305 = arith.constant 0 : i32
      %dma_wait3A_306 = tpu.memref_slice %arg2[%dma_wait3A_304, %dma_wait3A_305] : memref<10000x128xbf16, #tpu.memory_space<hbm>> -> memref<10000x128xbf16, #tpu.memory_space<hbm>>
      tpu.wait_indirect_dma semaphore(%arg16 : memref<!tpu.dma_semaphore, #tpu.memory_space<semaphore_mem>>) src(%dma_wait3A_306 : memref<10000x128xbf16, #tpu.memory_space<hbm>>) dst(%arg11 : memref<64x128xbf16, #tpu.memory_space<vmem>>)
      %dma_start3A_307 = arith.constant 36 : i32
      %dma_start3A_308 = arith.constant 0 : i32
      %dma_start3A_309 = tpu.memref_slice %arg10[%dma_start3A_307, %dma_start3A_308] : memref<40x64xi32, #tpu.memory_space<vmem>> -> memref<1x64xi32, #tpu.memory_space<vmem>>
      %dma_start3A_310 = tpu.memref_squeeze %dma_start3A_309 : memref<1x64xi32, #tpu.memory_space<vmem>> -> memref<64xi32, #tpu.memory_space<vmem>>
      %dma_start3A_311 = arith.constant 0 : i32
      %dma_start3A_312 = arith.constant 0 : i32
      %dma_start3A_313 = tpu.memref_slice %arg15[%dma_start3A_311, %dma_start3A_312] : memref<10240x128xbf16, #tpu.memory_space<vmem_shared>> -> memref<10240x128xbf16, #tpu.memory_space<vmem_shared>>
      tpu.enqueue_indirect_dma source(%arg11 : memref<64x128xbf16, #tpu.memory_space<vmem>>) target(%dma_start3A_313 : memref<10240x128xbf16, #tpu.memory_space<vmem_shared>>) offsets(%dma_start3A_310 : memref<64xi32, #tpu.memory_space<vmem>>) semaphore(%arg20 : memref<!tpu.dma_semaphore, #tpu.memory_space<semaphore_mem>>) {add = true}
      %dma_start3A_314 = arith.constant 36 : i32
      %dma_start3A_315 = arith.constant 0 : i32
      %dma_start3A_316 = tpu.memref_slice %arg10[%dma_start3A_314, %dma_start3A_315] : memref<40x64xi32, #tpu.memory_space<vmem>> -> memref<1x64xi32, #tpu.memory_space<vmem>>
      %dma_start3A_317 = tpu.memref_squeeze %dma_start3A_316 : memref<1x64xi32, #tpu.memory_space<vmem>> -> memref<64xi32, #tpu.memory_space<vmem>>
      %dma_start3A_318 = arith.constant 0 : i32
      %dma_start3A_319 = tpu.memref_slice %arg26[%dma_start3A_318] : memref<10240xf32, #tpu.memory_space<vmem_shared>> -> memref<10240xf32, #tpu.memory_space<vmem_shared>>
      tpu.enqueue_indirect_dma source(%arg24 : memref<64xf32, #tpu.memory_space<vmem>>) target(%dma_start3A_319 : memref<10240xf32, #tpu.memory_space<vmem_shared>>) offsets(%dma_start3A_317 : memref<64xi32, #tpu.memory_space<vmem>>) semaphore(%arg27 : memref<!tpu.dma_semaphore, #tpu.memory_space<semaphore_mem>>) {add = true}
      %dma_wait3A_320 = arith.constant 35 : i32
      %dma_wait3A_321 = arith.constant 0 : i32
      %dma_wait3A_322 = tpu.memref_slice %arg10[%dma_wait3A_320, %dma_wait3A_321] : memref<40x64xi32, #tpu.memory_space<vmem>> -> memref<1x64xi32, #tpu.memory_space<vmem>>
      %dma_wait3A_323 = tpu.memref_squeeze %dma_wait3A_322 : memref<1x64xi32, #tpu.memory_space<vmem>> -> memref<64xi32, #tpu.memory_space<vmem>>
      %dma_wait3A_324 = arith.constant 0 : i32
      %dma_wait3A_325 = arith.constant 0 : i32
      %dma_wait3A_326 = tpu.memref_slice %arg15[%dma_wait3A_324, %dma_wait3A_325] : memref<10240x128xbf16, #tpu.memory_space<vmem_shared>> -> memref<10240x128xbf16, #tpu.memory_space<vmem_shared>>
      tpu.wait_indirect_dma semaphore(%arg23 : memref<!tpu.dma_semaphore, #tpu.memory_space<semaphore_mem>>) src(%arg14 : memref<64x128xbf16, #tpu.memory_space<vmem>>) dst(%dma_wait3A_326 : memref<10240x128xbf16, #tpu.memory_space<vmem_shared>>)
      %dma_start3A_327 = arith.constant 39 : i32
      %dma_start3A_328 = arith.constant 0 : i32
      %dma_start3A_329 = tpu.memref_slice %arg9[%dma_start3A_327, %dma_start3A_328] : memref<40x64xi32, #tpu.memory_space<vmem>> -> memref<1x64xi32, #tpu.memory_space<vmem>>
      %dma_start3A_330 = tpu.memref_squeeze %dma_start3A_329 : memref<1x64xi32, #tpu.memory_space<vmem>> -> memref<64xi32, #tpu.memory_space<vmem>>
      %dma_start3A_331 = arith.constant 0 : i32
      %dma_start3A_332 = arith.constant 0 : i32
      %dma_start3A_333 = tpu.memref_slice %arg2[%dma_start3A_331, %dma_start3A_332] : memref<10000x128xbf16, #tpu.memory_space<hbm>> -> memref<10000x128xbf16, #tpu.memory_space<hbm>>
      tpu.enqueue_indirect_dma source(%dma_start3A_333 : memref<10000x128xbf16, #tpu.memory_space<hbm>>) target(%arg14 : memref<64x128xbf16, #tpu.memory_space<vmem>>) offsets(%dma_start3A_330 : memref<64xi32, #tpu.memory_space<vmem>>) semaphore(%arg19 : memref<!tpu.dma_semaphore, #tpu.memory_space<semaphore_mem>>)
      %dma_wait3A_334 = arith.constant 37 : i32
      %dma_wait3A_335 = arith.constant 0 : i32
      %dma_wait3A_336 = tpu.memref_slice %arg9[%dma_wait3A_334, %dma_wait3A_335] : memref<40x64xi32, #tpu.memory_space<vmem>> -> memref<1x64xi32, #tpu.memory_space<vmem>>
      %dma_wait3A_337 = tpu.memref_squeeze %dma_wait3A_336 : memref<1x64xi32, #tpu.memory_space<vmem>> -> memref<64xi32, #tpu.memory_space<vmem>>
      %dma_wait3A_338 = arith.constant 0 : i32
      %dma_wait3A_339 = arith.constant 0 : i32
      %dma_wait3A_340 = tpu.memref_slice %arg2[%dma_wait3A_338, %dma_wait3A_339] : memref<10000x128xbf16, #tpu.memory_space<hbm>> -> memref<10000x128xbf16, #tpu.memory_space<hbm>>
      tpu.wait_indirect_dma semaphore(%arg17 : memref<!tpu.dma_semaphore, #tpu.memory_space<semaphore_mem>>) src(%dma_wait3A_340 : memref<10000x128xbf16, #tpu.memory_space<hbm>>) dst(%arg12 : memref<64x128xbf16, #tpu.memory_space<vmem>>)
      %dma_start3A_341 = arith.constant 37 : i32
      %dma_start3A_342 = arith.constant 0 : i32
      %dma_start3A_343 = tpu.memref_slice %arg10[%dma_start3A_341, %dma_start3A_342] : memref<40x64xi32, #tpu.memory_space<vmem>> -> memref<1x64xi32, #tpu.memory_space<vmem>>
      %dma_start3A_344 = tpu.memref_squeeze %dma_start3A_343 : memref<1x64xi32, #tpu.memory_space<vmem>> -> memref<64xi32, #tpu.memory_space<vmem>>
      %dma_start3A_345 = arith.constant 0 : i32
      %dma_start3A_346 = arith.constant 0 : i32
      %dma_start3A_347 = tpu.memref_slice %arg15[%dma_start3A_345, %dma_start3A_346] : memref<10240x128xbf16, #tpu.memory_space<vmem_shared>> -> memref<10240x128xbf16, #tpu.memory_space<vmem_shared>>
      tpu.enqueue_indirect_dma source(%arg12 : memref<64x128xbf16, #tpu.memory_space<vmem>>) target(%dma_start3A_347 : memref<10240x128xbf16, #tpu.memory_space<vmem_shared>>) offsets(%dma_start3A_344 : memref<64xi32, #tpu.memory_space<vmem>>) semaphore(%arg21 : memref<!tpu.dma_semaphore, #tpu.memory_space<semaphore_mem>>) {add = true}
      %dma_start3A_348 = arith.constant 37 : i32
      %dma_start3A_349 = arith.constant 0 : i32
      %dma_start3A_350 = tpu.memref_slice %arg10[%dma_start3A_348, %dma_start3A_349] : memref<40x64xi32, #tpu.memory_space<vmem>> -> memref<1x64xi32, #tpu.memory_space<vmem>>
      %dma_start3A_351 = tpu.memref_squeeze %dma_start3A_350 : memref<1x64xi32, #tpu.memory_space<vmem>> -> memref<64xi32, #tpu.memory_space<vmem>>
      %dma_start3A_352 = arith.constant 0 : i32
      %dma_start3A_353 = tpu.memref_slice %arg26[%dma_start3A_352] : memref<10240xf32, #tpu.memory_space<vmem_shared>> -> memref<10240xf32, #tpu.memory_space<vmem_shared>>
      tpu.enqueue_indirect_dma source(%arg24 : memref<64xf32, #tpu.memory_space<vmem>>) target(%dma_start3A_353 : memref<10240xf32, #tpu.memory_space<vmem_shared>>) offsets(%dma_start3A_351 : memref<64xi32, #tpu.memory_space<vmem>>) semaphore(%arg27 : memref<!tpu.dma_semaphore, #tpu.memory_space<semaphore_mem>>) {add = true}
      %dma_wait3A_354 = arith.constant 36 : i32
      %dma_wait3A_355 = arith.constant 0 : i32
      %dma_wait3A_356 = tpu.memref_slice %arg10[%dma_wait3A_354, %dma_wait3A_355] : memref<40x64xi32, #tpu.memory_space<vmem>> -> memref<1x64xi32, #tpu.memory_space<vmem>>
      %dma_wait3A_357 = tpu.memref_squeeze %dma_wait3A_356 : memref<1x64xi32, #tpu.memory_space<vmem>> -> memref<64xi32, #tpu.memory_space<vmem>>
      %dma_wait3A_358 = arith.constant 0 : i32
      %dma_wait3A_359 = arith.constant 0 : i32
      %dma_wait3A_360 = tpu.memref_slice %arg15[%dma_wait3A_358, %dma_wait3A_359] : memref<10240x128xbf16, #tpu.memory_space<vmem_shared>> -> memref<10240x128xbf16, #tpu.memory_space<vmem_shared>>
      tpu.wait_indirect_dma semaphore(%arg20 : memref<!tpu.dma_semaphore, #tpu.memory_space<semaphore_mem>>) src(%arg11 : memref<64x128xbf16, #tpu.memory_space<vmem>>) dst(%dma_wait3A_360 : memref<10240x128xbf16, #tpu.memory_space<vmem_shared>>)
      %dma_wait3A_361 = arith.constant 38 : i32
      %dma_wait3A_362 = arith.constant 0 : i32
      %dma_wait3A_363 = tpu.memref_slice %arg9[%dma_wait3A_361, %dma_wait3A_362] : memref<40x64xi32, #tpu.memory_space<vmem>> -> memref<1x64xi32, #tpu.memory_space<vmem>>
      %dma_wait3A_364 = tpu.memref_squeeze %dma_wait3A_363 : memref<1x64xi32, #tpu.memory_space<vmem>> -> memref<64xi32, #tpu.memory_space<vmem>>
      %dma_wait3A_365 = arith.constant 0 : i32
      %dma_wait3A_366 = arith.constant 0 : i32
      %dma_wait3A_367 = tpu.memref_slice %arg2[%dma_wait3A_365, %dma_wait3A_366] : memref<10000x128xbf16, #tpu.memory_space<hbm>> -> memref<10000x128xbf16, #tpu.memory_space<hbm>>
      tpu.wait_indirect_dma semaphore(%arg18 : memref<!tpu.dma_semaphore, #tpu.memory_space<semaphore_mem>>) src(%dma_wait3A_367 : memref<10000x128xbf16, #tpu.memory_space<hbm>>) dst(%arg13 : memref<64x128xbf16, #tpu.memory_space<vmem>>)
      %dma_start3A_368 = arith.constant 38 : i32
      %dma_start3A_369 = arith.constant 0 : i32
      %dma_start3A_370 = tpu.memref_slice %arg10[%dma_start3A_368, %dma_start3A_369] : memref<40x64xi32, #tpu.memory_space<vmem>> -> memref<1x64xi32, #tpu.memory_space<vmem>>
      %dma_start3A_371 = tpu.memref_squeeze %dma_start3A_370 : memref<1x64xi32, #tpu.memory_space<vmem>> -> memref<64xi32, #tpu.memory_space<vmem>>
      %dma_start3A_372 = arith.constant 0 : i32
      %dma_start3A_373 = arith.constant 0 : i32
      %dma_start3A_374 = tpu.memref_slice %arg15[%dma_start3A_372, %dma_start3A_373] : memref<10240x128xbf16, #tpu.memory_space<vmem_shared>> -> memref<10240x128xbf16, #tpu.memory_space<vmem_shared>>
      tpu.enqueue_indirect_dma source(%arg13 : memref<64x128xbf16, #tpu.memory_space<vmem>>) target(%dma_start3A_374 : memref<10240x128xbf16, #tpu.memory_space<vmem_shared>>) offsets(%dma_start3A_371 : memref<64xi32, #tpu.memory_space<vmem>>) semaphore(%arg22 : memref<!tpu.dma_semaphore, #tpu.memory_space<semaphore_mem>>) {add = true}
      %dma_start3A_375 = arith.constant 38 : i32
      %dma_start3A_376 = arith.constant 0 : i32
      %dma_start3A_377 = tpu.memref_slice %arg10[%dma_start3A_375, %dma_start3A_376] : memref<40x64xi32, #tpu.memory_space<vmem>> -> memref<1x64xi32, #tpu.memory_space<vmem>>
      %dma_start3A_378 = tpu.memref_squeeze %dma_start3A_377 : memref<1x64xi32, #tpu.memory_space<vmem>> -> memref<64xi32, #tpu.memory_space<vmem>>
      %dma_start3A_379 = arith.constant 0 : i32
      %dma_start3A_380 = tpu.memref_slice %arg26[%dma_start3A_379] : memref<10240xf32, #tpu.memory_space<vmem_shared>> -> memref<10240xf32, #tpu.memory_space<vmem_shared>>
      tpu.enqueue_indirect_dma source(%arg24 : memref<64xf32, #tpu.memory_space<vmem>>) target(%dma_start3A_380 : memref<10240xf32, #tpu.memory_space<vmem_shared>>) offsets(%dma_start3A_378 : memref<64xi32, #tpu.memory_space<vmem>>) semaphore(%arg27 : memref<!tpu.dma_semaphore, #tpu.memory_space<semaphore_mem>>) {add = true}
      %dma_wait3A_381 = arith.constant 37 : i32
      %dma_wait3A_382 = arith.constant 0 : i32
      %dma_wait3A_383 = tpu.memref_slice %arg10[%dma_wait3A_381, %dma_wait3A_382] : memref<40x64xi32, #tpu.memory_space<vmem>> -> memref<1x64xi32, #tpu.memory_space<vmem>>
      %dma_wait3A_384 = tpu.memref_squeeze %dma_wait3A_383 : memref<1x64xi32, #tpu.memory_space<vmem>> -> memref<64xi32, #tpu.memory_space<vmem>>
      %dma_wait3A_385 = arith.constant 0 : i32
      %dma_wait3A_386 = arith.constant 0 : i32
      %dma_wait3A_387 = tpu.memref_slice %arg15[%dma_wait3A_385, %dma_wait3A_386] : memref<10240x128xbf16, #tpu.memory_space<vmem_shared>> -> memref<10240x128xbf16, #tpu.memory_space<vmem_shared>>
      tpu.wait_indirect_dma semaphore(%arg21 : memref<!tpu.dma_semaphore, #tpu.memory_space<semaphore_mem>>) src(%arg12 : memref<64x128xbf16, #tpu.memory_space<vmem>>) dst(%dma_wait3A_387 : memref<10240x128xbf16, #tpu.memory_space<vmem_shared>>)
      %dma_wait3A_388 = arith.constant 39 : i32
      %dma_wait3A_389 = arith.constant 0 : i32
      %dma_wait3A_390 = tpu.memref_slice %arg9[%dma_wait3A_388, %dma_wait3A_389] : memref<40x64xi32, #tpu.memory_space<vmem>> -> memref<1x64xi32, #tpu.memory_space<vmem>>
      %dma_wait3A_391 = tpu.memref_squeeze %dma_wait3A_390 : memref<1x64xi32, #tpu.memory_space<vmem>> -> memref<64xi32, #tpu.memory_space<vmem>>
      %dma_wait3A_392 = arith.constant 0 : i32
      %dma_wait3A_393 = arith.constant 0 : i32
      %dma_wait3A_394 = tpu.memref_slice %arg2[%dma_wait3A_392, %dma_wait3A_393] : memref<10000x128xbf16, #tpu.memory_space<hbm>> -> memref<10000x128xbf16, #tpu.memory_space<hbm>>
      tpu.wait_indirect_dma semaphore(%arg19 : memref<!tpu.dma_semaphore, #tpu.memory_space<semaphore_mem>>) src(%dma_wait3A_394 : memref<10000x128xbf16, #tpu.memory_space<hbm>>) dst(%arg14 : memref<64x128xbf16, #tpu.memory_space<vmem>>)
      %dma_start3A_395 = arith.constant 39 : i32
      %dma_start3A_396 = arith.constant 0 : i32
      %dma_start3A_397 = tpu.memref_slice %arg10[%dma_start3A_395, %dma_start3A_396] : memref<40x64xi32, #tpu.memory_space<vmem>> -> memref<1x64xi32, #tpu.memory_space<vmem>>
      %dma_start3A_398 = tpu.memref_squeeze %dma_start3A_397 : memref<1x64xi32, #tpu.memory_space<vmem>> -> memref<64xi32, #tpu.memory_space<vmem>>
      %dma_start3A_399 = arith.constant 0 : i32
      %dma_start3A_400 = arith.constant 0 : i32
      %dma_start3A_401 = tpu.memref_slice %arg15[%dma_start3A_399, %dma_start3A_400] : memref<10240x128xbf16, #tpu.memory_space<vmem_shared>> -> memref<10240x128xbf16, #tpu.memory_space<vmem_shared>>
      tpu.enqueue_indirect_dma source(%arg14 : memref<64x128xbf16, #tpu.memory_space<vmem>>) target(%dma_start3A_401 : memref<10240x128xbf16, #tpu.memory_space<vmem_shared>>) offsets(%dma_start3A_398 : memref<64xi32, #tpu.memory_space<vmem>>) semaphore(%arg23 : memref<!tpu.dma_semaphore, #tpu.memory_space<semaphore_mem>>) {add = true}
      %dma_start3A_402 = arith.constant 39 : i32
      %dma_start3A_403 = arith.constant 0 : i32
      %dma_start3A_404 = tpu.memref_slice %arg10[%dma_start3A_402, %dma_start3A_403] : memref<40x64xi32, #tpu.memory_space<vmem>> -> memref<1x64xi32, #tpu.memory_space<vmem>>
      %dma_start3A_405 = tpu.memref_squeeze %dma_start3A_404 : memref<1x64xi32, #tpu.memory_space<vmem>> -> memref<64xi32, #tpu.memory_space<vmem>>
      %dma_start3A_406 = arith.constant 0 : i32
      %dma_start3A_407 = tpu.memref_slice %arg26[%dma_start3A_406] : memref<10240xf32, #tpu.memory_space<vmem_shared>> -> memref<10240xf32, #tpu.memory_space<vmem_shared>>
      tpu.enqueue_indirect_dma source(%arg24 : memref<64xf32, #tpu.memory_space<vmem>>) target(%dma_start3A_407 : memref<10240xf32, #tpu.memory_space<vmem_shared>>) offsets(%dma_start3A_405 : memref<64xi32, #tpu.memory_space<vmem>>) semaphore(%arg27 : memref<!tpu.dma_semaphore, #tpu.memory_space<semaphore_mem>>) {add = true}
      %dma_wait3A_408 = arith.constant 38 : i32
      %dma_wait3A_409 = arith.constant 0 : i32
      %dma_wait3A_410 = tpu.memref_slice %arg10[%dma_wait3A_408, %dma_wait3A_409] : memref<40x64xi32, #tpu.memory_space<vmem>> -> memref<1x64xi32, #tpu.memory_space<vmem>>
      %dma_wait3A_411 = tpu.memref_squeeze %dma_wait3A_410 : memref<1x64xi32, #tpu.memory_space<vmem>> -> memref<64xi32, #tpu.memory_space<vmem>>
      %dma_wait3A_412 = arith.constant 0 : i32
      %dma_wait3A_413 = arith.constant 0 : i32
      %dma_wait3A_414 = tpu.memref_slice %arg15[%dma_wait3A_412, %dma_wait3A_413] : memref<10240x128xbf16, #tpu.memory_space<vmem_shared>> -> memref<10240x128xbf16, #tpu.memory_space<vmem_shared>>
      tpu.wait_indirect_dma semaphore(%arg22 : memref<!tpu.dma_semaphore, #tpu.memory_space<semaphore_mem>>) src(%arg13 : memref<64x128xbf16, #tpu.memory_space<vmem>>) dst(%dma_wait3A_414 : memref<10240x128xbf16, #tpu.memory_space<vmem_shared>>)
      %dma_wait3A_415 = arith.constant 39 : i32
      %dma_wait3A_416 = arith.constant 0 : i32
      %dma_wait3A_417 = tpu.memref_slice %arg10[%dma_wait3A_415, %dma_wait3A_416] : memref<40x64xi32, #tpu.memory_space<vmem>> -> memref<1x64xi32, #tpu.memory_space<vmem>>
      %dma_wait3A_418 = tpu.memref_squeeze %dma_wait3A_417 : memref<1x64xi32, #tpu.memory_space<vmem>> -> memref<64xi32, #tpu.memory_space<vmem>>
      %dma_wait3A_419 = arith.constant 0 : i32
      %dma_wait3A_420 = arith.constant 0 : i32
      %dma_wait3A_421 = tpu.memref_slice %arg15[%dma_wait3A_419, %dma_wait3A_420] : memref<10240x128xbf16, #tpu.memory_space<vmem_shared>> -> memref<10240x128xbf16, #tpu.memory_space<vmem_shared>>
      tpu.wait_indirect_dma semaphore(%arg23 : memref<!tpu.dma_semaphore, #tpu.memory_space<semaphore_mem>>) src(%arg14 : memref<64x128xbf16, #tpu.memory_space<vmem>>) dst(%dma_wait3A_421 : memref<10240x128xbf16, #tpu.memory_space<vmem_shared>>)
      %scan3A_422 = arith.constant 0 : i32
      %scan3A_423 = arith.constant 0 : i32
      %scan3A_424 = arith.constant 40 : i32
      %scan3A_425 = arith.addi %scan3A_423, %scan3A_424 : i32
      %scan3A_426 = arith.constant 1 : i32
      scf.for %scan3A_428 = %scan3A_423 to %scan3A_425 step %scan3A_426  : i32 {
        %dma_wait3A_429 = arith.constant 0 : i32
        %dma_wait3A_430 = arith.constant 0 : i32
        %dma_wait3A_431 = tpu.memref_slice %arg10[%dma_wait3A_429, %dma_wait3A_430] : memref<40x64xi32, #tpu.memory_space<vmem>> -> memref<1x64xi32, #tpu.memory_space<vmem>>
        %dma_wait3A_432 = tpu.memref_squeeze %dma_wait3A_431 : memref<1x64xi32, #tpu.memory_space<vmem>> -> memref<64xi32, #tpu.memory_space<vmem>>
        %dma_wait3A_433 = arith.constant 0 : i32
        %dma_wait3A_434 = tpu.memref_slice %arg26[%dma_wait3A_433] : memref<10240xf32, #tpu.memory_space<vmem_shared>> -> memref<10240xf32, #tpu.memory_space<vmem_shared>>
        tpu.wait_indirect_dma semaphore(%arg27 : memref<!tpu.dma_semaphore, #tpu.memory_space<semaphore_mem>>) src(%arg24 : memref<64xf32, #tpu.memory_space<vmem>>) dst(%dma_wait3A_434 : memref<10240xf32, #tpu.memory_space<vmem_shared>>)
      }
      %scan3A_427 = arith.constant 40 : i32
    }
    %scan3A_69 = arith.constant 4 : i32
    %barrier3A_70 = arith.constant 0 : index
    tpu.barrier barrier_id(%barrier3A_70)
    "tpu.region"() ({
      %run_scoped3A = tpu.sem_alloc : memref<!tpu.dma_semaphore, #tpu.memory_space<semaphore_mem>>
      %dma_start3A = arith.constant 0 : i32
      %dma_start3A_141 = tpu.memref_slice %arg7[%arg0, %mul3A_2, %dma_start3A] : memref<2x10240x128xbf16, #tpu.memory_space<hbm>> -> memref<1x640x128xbf16, #tpu.memory_space<hbm>>
      %dma_start3A_142 = tpu.memref_squeeze %dma_start3A_141 : memref<1x640x128xbf16, #tpu.memory_space<hbm>> -> memref<640x128xbf16, #tpu.memory_space<hbm>>
      %dma_start3A_143 = arith.constant 0 : i32
      %dma_start3A_144 = tpu.memref_slice %arg15[%mul3A_2, %dma_start3A_143] : memref<10240x128xbf16, #tpu.memory_space<vmem_shared>> -> memref<640x128xbf16, #tpu.memory_space<vmem_shared>>
      tpu.enqueue_dma source(%dma_start3A_144 : memref<640x128xbf16, #tpu.memory_space<vmem_shared>>) target(%dma_start3A_142 : memref<640x128xbf16, #tpu.memory_space<hbm>>) target_semaphore(%run_scoped3A : memref<!tpu.dma_semaphore, #tpu.memory_space<semaphore_mem>>)
      %dma_wait3A = arith.constant 0 : i32
      %dma_wait3A_145 = tpu.memref_slice %arg7[%arg0, %mul3A_2, %dma_wait3A] : memref<2x10240x128xbf16, #tpu.memory_space<hbm>> -> memref<1x640x128xbf16, #tpu.memory_space<hbm>>
      %dma_wait3A_146 = tpu.memref_squeeze %dma_wait3A_145 : memref<1x640x128xbf16, #tpu.memory_space<hbm>> -> memref<640x128xbf16, #tpu.memory_space<hbm>>
      %dma_wait3A_147 = arith.constant 0 : i32
      %dma_wait3A_148 = tpu.memref_slice %arg15[%mul3A_2, %dma_wait3A_147] : memref<10240x128xbf16, #tpu.memory_space<vmem_shared>> -> memref<640x128xbf16, #tpu.memory_space<vmem_shared>>
      tpu.wait_dma2 semaphore(%run_scoped3A : memref<!tpu.dma_semaphore, #tpu.memory_space<semaphore_mem>>) src(%dma_wait3A_148 : memref<640x128xbf16, #tpu.memory_space<vmem_shared>>) dst(%dma_wait3A_146 : memref<640x128xbf16, #tpu.memory_space<hbm>>)
      tpu.yield
    }) : () -> ()
    %add3A_71 = arith.constant 0 : i32
    %add3A_72 = arith.addi %mul3A_2, %add3A_71 : i32
    "tpu.region"() ({
      %run_scoped3A = tpu.sem_alloc : memref<!tpu.dma_semaphore, #tpu.memory_space<semaphore_mem>>
      %dma_start3A = arith.constant 0 : i32
      %dma_start3A_141 = tpu.memref_slice %arg25[%dma_start3A] : memref<64xf32, #tpu.memory_space<vmem>> -> memref<64xf32, #tpu.memory_space<vmem>>
      %dma_start3A_142 = tpu.memref_slice %arg26[%add3A_72] : memref<10240xf32, #tpu.memory_space<vmem_shared>> -> memref<64xf32, #tpu.memory_space<vmem_shared>>
      %dma_start3A_143 = arith.constant 0 : i32
      %dma_start3A_144 = tpu.memref_slice %arg25[%dma_start3A_143] : memref<64xf32, #tpu.memory_space<vmem>> -> memref<64xf32, #tpu.memory_space<vmem>>
      %dma_start3A_145 = tpu.memref_slice %arg26[%add3A_72] : memref<10240xf32, #tpu.memory_space<vmem_shared>> -> memref<64xf32, #tpu.memory_space<vmem_shared>>
      tpu.enqueue_dma source(%dma_start3A_145 : memref<64xf32, #tpu.memory_space<vmem_shared>>) target(%dma_start3A_144 : memref<64xf32, #tpu.memory_space<vmem>>) target_semaphore(%run_scoped3A : memref<!tpu.dma_semaphore, #tpu.memory_space<semaphore_mem>>)
      %dma_wait3A = arith.constant 0 : i32
      %dma_wait3A_146 = tpu.memref_slice %arg25[%dma_wait3A] : memref<64xf32, #tpu.memory_space<vmem>> -> memref<64xf32, #tpu.memory_space<vmem>>
      %dma_wait3A_147 = tpu.memref_slice %arg26[%add3A_72] : memref<10240xf32, #tpu.memory_space<vmem_shared>> -> memref<64xf32, #tpu.memory_space<vmem_shared>>
      %dma_wait3A_148 = arith.constant 0 : i32
      %dma_wait3A_149 = tpu.memref_slice %arg25[%dma_wait3A_148] : memref<64xf32, #tpu.memory_space<vmem>> -> memref<64xf32, #tpu.memory_space<vmem>>
      %dma_wait3A_150 = tpu.memref_slice %arg26[%add3A_72] : memref<10240xf32, #tpu.memory_space<vmem_shared>> -> memref<64xf32, #tpu.memory_space<vmem_shared>>
      tpu.wait_dma2 semaphore(%run_scoped3A : memref<!tpu.dma_semaphore, #tpu.memory_space<semaphore_mem>>) src(%dma_wait3A_150 : memref<64xf32, #tpu.memory_space<vmem_shared>>) dst(%dma_wait3A_149 : memref<64xf32, #tpu.memory_space<vmem>>)
      tpu.yield
    }) : () -> ()
    %mul3A_73 = arith.constant 10240 : i32
    %mul3A_74 = arith.muli %arg0, %mul3A_73 : i32
    %add3A_75 = arith.addi %mul3A_74, %mul3A_2 : i32
    %add3A_76 = arith.constant 0 : i32
    %add3A_77 = arith.addi %add3A_75, %add3A_76 : i32
    "tpu.region"() ({
      %run_scoped3A = tpu.sem_alloc : memref<!tpu.dma_semaphore, #tpu.memory_space<semaphore_mem>>
      %dma_start3A = arith.constant 0 : i32
      %dma_start3A_141 = tpu.memref_slice %arg25[%dma_start3A] : memref<64xf32, #tpu.memory_space<vmem>> -> memref<64xf32, #tpu.memory_space<vmem>>
      %dma_start3A_142 = tpu.memref_slice %arg8[%add3A_77] : memref<20480xf32, #tpu.memory_space<hbm>> -> memref<64xf32, #tpu.memory_space<hbm>>
      %dma_start3A_143 = tpu.memref_slice %arg8[%add3A_77] : memref<20480xf32, #tpu.memory_space<hbm>> -> memref<64xf32, #tpu.memory_space<hbm>>
      %dma_start3A_144 = arith.constant 0 : i32
      %dma_start3A_145 = tpu.memref_slice %arg25[%dma_start3A_144] : memref<64xf32, #tpu.memory_space<vmem>> -> memref<64xf32, #tpu.memory_space<vmem>>
      tpu.enqueue_dma source(%dma_start3A_145 : memref<64xf32, #tpu.memory_space<vmem>>) target(%dma_start3A_143 : memref<64xf32, #tpu.memory_space<hbm>>) target_semaphore(%run_scoped3A : memref<!tpu.dma_semaphore, #tpu.memory_space<semaphore_mem>>)
      %dma_wait3A = arith.constant 0 : i32
      %dma_wait3A_146 = tpu.memref_slice %arg25[%dma_wait3A] : memref<64xf32, #tpu.memory_space<vmem>> -> memref<64xf32, #tpu.memory_space<vmem>>
      %dma_wait3A_147 = tpu.memref_slice %arg8[%add3A_77] : memref<20480xf32, #tpu.memory_space<hbm>> -> memref<64xf32, #tpu.memory_space<hbm>>
      %dma_wait3A_148 = tpu.memref_slice %arg8[%add3A_77] : memref<20480xf32, #tpu.memory_space<hbm>> -> memref<64xf32, #tpu.memory_space<hbm>>
      %dma_wait3A_149 = arith.constant 0 : i32
      %dma_wait3A_150 = tpu.memref_slice %arg25[%dma_wait3A_149] : memref<64xf32, #tpu.memory_space<vmem>> -> memref<64xf32, #tpu.memory_space<vmem>>
      tpu.wait_dma2 semaphore(%run_scoped3A : memref<!tpu.dma_semaphore, #tpu.memory_space<semaphore_mem>>) src(%dma_wait3A_150 : memref<64xf32, #tpu.memory_space<vmem>>) dst(%dma_wait3A_148 : memref<64xf32, #tpu.memory_space<hbm>>)
      tpu.yield
    }) : () -> ()
    %add3A_78 = arith.constant 64 : i32
    %add3A_79 = arith.addi %mul3A_2, %add3A_78 : i32
    "tpu.region"() ({
      %run_scoped3A = tpu.sem_alloc : memref<!tpu.dma_semaphore, #tpu.memory_space<semaphore_mem>>
      %dma_start3A = arith.constant 0 : i32
      %dma_start3A_141 = tpu.memref_slice %arg25[%dma_start3A] : memref<64xf32, #tpu.memory_space<vmem>> -> memref<64xf32, #tpu.memory_space<vmem>>
      %dma_start3A_142 = tpu.memref_slice %arg26[%add3A_79] : memref<10240xf32, #tpu.memory_space<vmem_shared>> -> memref<64xf32, #tpu.memory_space<vmem_shared>>
      %dma_start3A_143 = arith.constant 0 : i32
      %dma_start3A_144 = tpu.memref_slice %arg25[%dma_start3A_143] : memref<64xf32, #tpu.memory_space<vmem>> -> memref<64xf32, #tpu.memory_space<vmem>>
      %dma_start3A_145 = tpu.memref_slice %arg26[%add3A_79] : memref<10240xf32, #tpu.memory_space<vmem_shared>> -> memref<64xf32, #tpu.memory_space<vmem_shared>>
      tpu.enqueue_dma source(%dma_start3A_145 : memref<64xf32, #tpu.memory_space<vmem_shared>>) target(%dma_start3A_144 : memref<64xf32, #tpu.memory_space<vmem>>) target_semaphore(%run_scoped3A : memref<!tpu.dma_semaphore, #tpu.memory_space<semaphore_mem>>)
      %dma_wait3A = arith.constant 0 : i32
      %dma_wait3A_146 = tpu.memref_slice %arg25[%dma_wait3A] : memref<64xf32, #tpu.memory_space<vmem>> -> memref<64xf32, #tpu.memory_space<vmem>>
      %dma_wait3A_147 = tpu.memref_slice %arg26[%add3A_79] : memref<10240xf32, #tpu.memory_space<vmem_shared>> -> memref<64xf32, #tpu.memory_space<vmem_shared>>
      %dma_wait3A_148 = arith.constant 0 : i32
      %dma_wait3A_149 = tpu.memref_slice %arg25[%dma_wait3A_148] : memref<64xf32, #tpu.memory_space<vmem>> -> memref<64xf32, #tpu.memory_space<vmem>>
      %dma_wait3A_150 = tpu.memref_slice %arg26[%add3A_79] : memref<10240xf32, #tpu.memory_space<vmem_shared>> -> memref<64xf32, #tpu.memory_space<vmem_shared>>
      tpu.wait_dma2 semaphore(%run_scoped3A : memref<!tpu.dma_semaphore, #tpu.memory_space<semaphore_mem>>) src(%dma_wait3A_150 : memref<64xf32, #tpu.memory_space<vmem_shared>>) dst(%dma_wait3A_149 : memref<64xf32, #tpu.memory_space<vmem>>)
      tpu.yield
    }) : () -> ()
    %mul3A_80 = arith.constant 10240 : i32
    %mul3A_81 = arith.muli %arg0, %mul3A_80 : i32
    %add3A_82 = arith.addi %mul3A_81, %mul3A_2 : i32
    %add3A_83 = arith.constant 64 : i32
    %add3A_84 = arith.addi %add3A_82, %add3A_83 : i32
    "tpu.region"() ({
      %run_scoped3A = tpu.sem_alloc : memref<!tpu.dma_semaphore, #tpu.memory_space<semaphore_mem>>
      %dma_start3A = arith.constant 0 : i32
      %dma_start3A_141 = tpu.memref_slice %arg25[%dma_start3A] : memref<64xf32, #tpu.memory_space<vmem>> -> memref<64xf32, #tpu.memory_space<vmem>>
      %dma_start3A_142 = tpu.memref_slice %arg8[%add3A_84] : memref<20480xf32, #tpu.memory_space<hbm>> -> memref<64xf32, #tpu.memory_space<hbm>>
      %dma_start3A_143 = tpu.memref_slice %arg8[%add3A_84] : memref<20480xf32, #tpu.memory_space<hbm>> -> memref<64xf32, #tpu.memory_space<hbm>>
      %dma_start3A_144 = arith.constant 0 : i32
      %dma_start3A_145 = tpu.memref_slice %arg25[%dma_start3A_144] : memref<64xf32, #tpu.memory_space<vmem>> -> memref<64xf32, #tpu.memory_space<vmem>>
      tpu.enqueue_dma source(%dma_start3A_145 : memref<64xf32, #tpu.memory_space<vmem>>) target(%dma_start3A_143 : memref<64xf32, #tpu.memory_space<hbm>>) target_semaphore(%run_scoped3A : memref<!tpu.dma_semaphore, #tpu.memory_space<semaphore_mem>>)
      %dma_wait3A = arith.constant 0 : i32
      %dma_wait3A_146 = tpu.memref_slice %arg25[%dma_wait3A] : memref<64xf32, #tpu.memory_space<vmem>> -> memref<64xf32, #tpu.memory_space<vmem>>
      %dma_wait3A_147 = tpu.memref_slice %arg8[%add3A_84] : memref<20480xf32, #tpu.memory_space<hbm>> -> memref<64xf32, #tpu.memory_space<hbm>>
      %dma_wait3A_148 = tpu.memref_slice %arg8[%add3A_84] : memref<20480xf32, #tpu.memory_space<hbm>> -> memref<64xf32, #tpu.memory_space<hbm>>
      %dma_wait3A_149 = arith.constant 0 : i32
      %dma_wait3A_150 = tpu.memref_slice %arg25[%dma_wait3A_149] : memref<64xf32, #tpu.memory_space<vmem>> -> memref<64xf32, #tpu.memory_space<vmem>>
      tpu.wait_dma2 semaphore(%run_scoped3A : memref<!tpu.dma_semaphore, #tpu.memory_space<semaphore_mem>>) src(%dma_wait3A_150 : memref<64xf32, #tpu.memory_space<vmem>>) dst(%dma_wait3A_148 : memref<64xf32, #tpu.memory_space<hbm>>)
      tpu.yield
    }) : () -> ()
    %add3A_85 = arith.constant 128 : i32
    %add3A_86 = arith.addi %mul3A_2, %add3A_85 : i32
    "tpu.region"() ({
      %run_scoped3A = tpu.sem_alloc : memref<!tpu.dma_semaphore, #tpu.memory_space<semaphore_mem>>
      %dma_start3A = arith.constant 0 : i32
      %dma_start3A_141 = tpu.memref_slice %arg25[%dma_start3A] : memref<64xf32, #tpu.memory_space<vmem>> -> memref<64xf32, #tpu.memory_space<vmem>>
      %dma_start3A_142 = tpu.memref_slice %arg26[%add3A_86] : memref<10240xf32, #tpu.memory_space<vmem_shared>> -> memref<64xf32, #tpu.memory_space<vmem_shared>>
      %dma_start3A_143 = arith.constant 0 : i32
      %dma_start3A_144 = tpu.memref_slice %arg25[%dma_start3A_143] : memref<64xf32, #tpu.memory_space<vmem>> -> memref<64xf32, #tpu.memory_space<vmem>>
      %dma_start3A_145 = tpu.memref_slice %arg26[%add3A_86] : memref<10240xf32, #tpu.memory_space<vmem_shared>> -> memref<64xf32, #tpu.memory_space<vmem_shared>>
      tpu.enqueue_dma source(%dma_start3A_145 : memref<64xf32, #tpu.memory_space<vmem_shared>>) target(%dma_start3A_144 : memref<64xf32, #tpu.memory_space<vmem>>) target_semaphore(%run_scoped3A : memref<!tpu.dma_semaphore, #tpu.memory_space<semaphore_mem>>)
      %dma_wait3A = arith.constant 0 : i32
      %dma_wait3A_146 = tpu.memref_slice %arg25[%dma_wait3A] : memref<64xf32, #tpu.memory_space<vmem>> -> memref<64xf32, #tpu.memory_space<vmem>>
      %dma_wait3A_147 = tpu.memref_slice %arg26[%add3A_86] : memref<10240xf32, #tpu.memory_space<vmem_shared>> -> memref<64xf32, #tpu.memory_space<vmem_shared>>
      %dma_wait3A_148 = arith.constant 0 : i32
      %dma_wait3A_149 = tpu.memref_slice %arg25[%dma_wait3A_148] : memref<64xf32, #tpu.memory_space<vmem>> -> memref<64xf32, #tpu.memory_space<vmem>>
      %dma_wait3A_150 = tpu.memref_slice %arg26[%add3A_86] : memref<10240xf32, #tpu.memory_space<vmem_shared>> -> memref<64xf32, #tpu.memory_space<vmem_shared>>
      tpu.wait_dma2 semaphore(%run_scoped3A : memref<!tpu.dma_semaphore, #tpu.memory_space<semaphore_mem>>) src(%dma_wait3A_150 : memref<64xf32, #tpu.memory_space<vmem_shared>>) dst(%dma_wait3A_149 : memref<64xf32, #tpu.memory_space<vmem>>)
      tpu.yield
    }) : () -> ()
    %mul3A_87 = arith.constant 10240 : i32
    %mul3A_88 = arith.muli %arg0, %mul3A_87 : i32
    %add3A_89 = arith.addi %mul3A_88, %mul3A_2 : i32
    %add3A_90 = arith.constant 128 : i32
    %add3A_91 = arith.addi %add3A_89, %add3A_90 : i32
    "tpu.region"() ({
      %run_scoped3A = tpu.sem_alloc : memref<!tpu.dma_semaphore, #tpu.memory_space<semaphore_mem>>
      %dma_start3A = arith.constant 0 : i32
      %dma_start3A_141 = tpu.memref_slice %arg25[%dma_start3A] : memref<64xf32, #tpu.memory_space<vmem>> -> memref<64xf32, #tpu.memory_space<vmem>>
      %dma_start3A_142 = tpu.memref_slice %arg8[%add3A_91] : memref<20480xf32, #tpu.memory_space<hbm>> -> memref<64xf32, #tpu.memory_space<hbm>>
      %dma_start3A_143 = tpu.memref_slice %arg8[%add3A_91] : memref<20480xf32, #tpu.memory_space<hbm>> -> memref<64xf32, #tpu.memory_space<hbm>>
      %dma_start3A_144 = arith.constant 0 : i32
      %dma_start3A_145 = tpu.memref_slice %arg25[%dma_start3A_144] : memref<64xf32, #tpu.memory_space<vmem>> -> memref<64xf32, #tpu.memory_space<vmem>>
      tpu.enqueue_dma source(%dma_start3A_145 : memref<64xf32, #tpu.memory_space<vmem>>) target(%dma_start3A_143 : memref<64xf32, #tpu.memory_space<hbm>>) target_semaphore(%run_scoped3A : memref<!tpu.dma_semaphore, #tpu.memory_space<semaphore_mem>>)
      %dma_wait3A = arith.constant 0 : i32
      %dma_wait3A_146 = tpu.memref_slice %arg25[%dma_wait3A] : memref<64xf32, #tpu.memory_space<vmem>> -> memref<64xf32, #tpu.memory_space<vmem>>
      %dma_wait3A_147 = tpu.memref_slice %arg8[%add3A_91] : memref<20480xf32, #tpu.memory_space<hbm>> -> memref<64xf32, #tpu.memory_space<hbm>>
      %dma_wait3A_148 = tpu.memref_slice %arg8[%add3A_91] : memref<20480xf32, #tpu.memory_space<hbm>> -> memref<64xf32, #tpu.memory_space<hbm>>
      %dma_wait3A_149 = arith.constant 0 : i32
      %dma_wait3A_150 = tpu.memref_slice %arg25[%dma_wait3A_149] : memref<64xf32, #tpu.memory_space<vmem>> -> memref<64xf32, #tpu.memory_space<vmem>>
      tpu.wait_dma2 semaphore(%run_scoped3A : memref<!tpu.dma_semaphore, #tpu.memory_space<semaphore_mem>>) src(%dma_wait3A_150 : memref<64xf32, #tpu.memory_space<vmem>>) dst(%dma_wait3A_148 : memref<64xf32, #tpu.memory_space<hbm>>)
      tpu.yield
    }) : () -> ()
    %add3A_92 = arith.constant 192 : i32
    %add3A_93 = arith.addi %mul3A_2, %add3A_92 : i32
    "tpu.region"() ({
      %run_scoped3A = tpu.sem_alloc : memref<!tpu.dma_semaphore, #tpu.memory_space<semaphore_mem>>
      %dma_start3A = arith.constant 0 : i32
      %dma_start3A_141 = tpu.memref_slice %arg25[%dma_start3A] : memref<64xf32, #tpu.memory_space<vmem>> -> memref<64xf32, #tpu.memory_space<vmem>>
      %dma_start3A_142 = tpu.memref_slice %arg26[%add3A_93] : memref<10240xf32, #tpu.memory_space<vmem_shared>> -> memref<64xf32, #tpu.memory_space<vmem_shared>>
      %dma_start3A_143 = arith.constant 0 : i32
      %dma_start3A_144 = tpu.memref_slice %arg25[%dma_start3A_143] : memref<64xf32, #tpu.memory_space<vmem>> -> memref<64xf32, #tpu.memory_space<vmem>>
      %dma_start3A_145 = tpu.memref_slice %arg26[%add3A_93] : memref<10240xf32, #tpu.memory_space<vmem_shared>> -> memref<64xf32, #tpu.memory_space<vmem_shared>>
      tpu.enqueue_dma source(%dma_start3A_145 : memref<64xf32, #tpu.memory_space<vmem_shared>>) target(%dma_start3A_144 : memref<64xf32, #tpu.memory_space<vmem>>) target_semaphore(%run_scoped3A : memref<!tpu.dma_semaphore, #tpu.memory_space<semaphore_mem>>)
      %dma_wait3A = arith.constant 0 : i32
      %dma_wait3A_146 = tpu.memref_slice %arg25[%dma_wait3A] : memref<64xf32, #tpu.memory_space<vmem>> -> memref<64xf32, #tpu.memory_space<vmem>>
      %dma_wait3A_147 = tpu.memref_slice %arg26[%add3A_93] : memref<10240xf32, #tpu.memory_space<vmem_shared>> -> memref<64xf32, #tpu.memory_space<vmem_shared>>
      %dma_wait3A_148 = arith.constant 0 : i32
      %dma_wait3A_149 = tpu.memref_slice %arg25[%dma_wait3A_148] : memref<64xf32, #tpu.memory_space<vmem>> -> memref<64xf32, #tpu.memory_space<vmem>>
      %dma_wait3A_150 = tpu.memref_slice %arg26[%add3A_93] : memref<10240xf32, #tpu.memory_space<vmem_shared>> -> memref<64xf32, #tpu.memory_space<vmem_shared>>
      tpu.wait_dma2 semaphore(%run_scoped3A : memref<!tpu.dma_semaphore, #tpu.memory_space<semaphore_mem>>) src(%dma_wait3A_150 : memref<64xf32, #tpu.memory_space<vmem_shared>>) dst(%dma_wait3A_149 : memref<64xf32, #tpu.memory_space<vmem>>)
      tpu.yield
    }) : () -> ()
    %mul3A_94 = arith.constant 10240 : i32
    %mul3A_95 = arith.muli %arg0, %mul3A_94 : i32
    %add3A_96 = arith.addi %mul3A_95, %mul3A_2 : i32
    %add3A_97 = arith.constant 192 : i32
    %add3A_98 = arith.addi %add3A_96, %add3A_97 : i32
    "tpu.region"() ({
      %run_scoped3A = tpu.sem_alloc : memref<!tpu.dma_semaphore, #tpu.memory_space<semaphore_mem>>
      %dma_start3A = arith.constant 0 : i32
      %dma_start3A_141 = tpu.memref_slice %arg25[%dma_start3A] : memref<64xf32, #tpu.memory_space<vmem>> -> memref<64xf32, #tpu.memory_space<vmem>>
      %dma_start3A_142 = tpu.memref_slice %arg8[%add3A_98] : memref<20480xf32, #tpu.memory_space<hbm>> -> memref<64xf32, #tpu.memory_space<hbm>>
      %dma_start3A_143 = tpu.memref_slice %arg8[%add3A_98] : memref<20480xf32, #tpu.memory_space<hbm>> -> memref<64xf32, #tpu.memory_space<hbm>>
      %dma_start3A_144 = arith.constant 0 : i32
      %dma_start3A_145 = tpu.memref_slice %arg25[%dma_start3A_144] : memref<64xf32, #tpu.memory_space<vmem>> -> memref<64xf32, #tpu.memory_space<vmem>>
      tpu.enqueue_dma source(%dma_start3A_145 : memref<64xf32, #tpu.memory_space<vmem>>) target(%dma_start3A_143 : memref<64xf32, #tpu.memory_space<hbm>>) target_semaphore(%run_scoped3A : memref<!tpu.dma_semaphore, #tpu.memory_space<semaphore_mem>>)
      %dma_wait3A = arith.constant 0 : i32
      %dma_wait3A_146 = tpu.memref_slice %arg25[%dma_wait3A] : memref<64xf32, #tpu.memory_space<vmem>> -> memref<64xf32, #tpu.memory_space<vmem>>
      %dma_wait3A_147 = tpu.memref_slice %arg8[%add3A_98] : memref<20480xf32, #tpu.memory_space<hbm>> -> memref<64xf32, #tpu.memory_space<hbm>>
      %dma_wait3A_148 = tpu.memref_slice %arg8[%add3A_98] : memref<20480xf32, #tpu.memory_space<hbm>> -> memref<64xf32, #tpu.memory_space<hbm>>
      %dma_wait3A_149 = arith.constant 0 : i32
      %dma_wait3A_150 = tpu.memref_slice %arg25[%dma_wait3A_149] : memref<64xf32, #tpu.memory_space<vmem>> -> memref<64xf32, #tpu.memory_space<vmem>>
      tpu.wait_dma2 semaphore(%run_scoped3A : memref<!tpu.dma_semaphore, #tpu.memory_space<semaphore_mem>>) src(%dma_wait3A_150 : memref<64xf32, #tpu.memory_space<vmem>>) dst(%dma_wait3A_148 : memref<64xf32, #tpu.memory_space<hbm>>)
      tpu.yield
    }) : () -> ()
    %add3A_99 = arith.constant 256 : i32
    %add3A_100 = arith.addi %mul3A_2, %add3A_99 : i32
    "tpu.region"() ({
      %run_scoped3A = tpu.sem_alloc : memref<!tpu.dma_semaphore, #tpu.memory_space<semaphore_mem>>
      %dma_start3A = arith.constant 0 : i32
      %dma_start3A_141 = tpu.memref_slice %arg25[%dma_start3A] : memref<64xf32, #tpu.memory_space<vmem>> -> memref<64xf32, #tpu.memory_space<vmem>>
      %dma_start3A_142 = tpu.memref_slice %arg26[%add3A_100] : memref<10240xf32, #tpu.memory_space<vmem_shared>> -> memref<64xf32, #tpu.memory_space<vmem_shared>>
      %dma_start3A_143 = arith.constant 0 : i32
      %dma_start3A_144 = tpu.memref_slice %arg25[%dma_start3A_143] : memref<64xf32, #tpu.memory_space<vmem>> -> memref<64xf32, #tpu.memory_space<vmem>>
      %dma_start3A_145 = tpu.memref_slice %arg26[%add3A_100] : memref<10240xf32, #tpu.memory_space<vmem_shared>> -> memref<64xf32, #tpu.memory_space<vmem_shared>>
      tpu.enqueue_dma source(%dma_start3A_145 : memref<64xf32, #tpu.memory_space<vmem_shared>>) target(%dma_start3A_144 : memref<64xf32, #tpu.memory_space<vmem>>) target_semaphore(%run_scoped3A : memref<!tpu.dma_semaphore, #tpu.memory_space<semaphore_mem>>)
      %dma_wait3A = arith.constant 0 : i32
      %dma_wait3A_146 = tpu.memref_slice %arg25[%dma_wait3A] : memref<64xf32, #tpu.memory_space<vmem>> -> memref<64xf32, #tpu.memory_space<vmem>>
      %dma_wait3A_147 = tpu.memref_slice %arg26[%add3A_100] : memref<10240xf32, #tpu.memory_space<vmem_shared>> -> memref<64xf32, #tpu.memory_space<vmem_shared>>
      %dma_wait3A_148 = arith.constant 0 : i32
      %dma_wait3A_149 = tpu.memref_slice %arg25[%dma_wait3A_148] : memref<64xf32, #tpu.memory_space<vmem>> -> memref<64xf32, #tpu.memory_space<vmem>>
      %dma_wait3A_150 = tpu.memref_slice %arg26[%add3A_100] : memref<10240xf32, #tpu.memory_space<vmem_shared>> -> memref<64xf32, #tpu.memory_space<vmem_shared>>
      tpu.wait_dma2 semaphore(%run_scoped3A : memref<!tpu.dma_semaphore, #tpu.memory_space<semaphore_mem>>) src(%dma_wait3A_150 : memref<64xf32, #tpu.memory_space<vmem_shared>>) dst(%dma_wait3A_149 : memref<64xf32, #tpu.memory_space<vmem>>)
      tpu.yield
    }) : () -> ()
    %mul3A_101 = arith.constant 10240 : i32
    %mul3A_102 = arith.muli %arg0, %mul3A_101 : i32
    %add3A_103 = arith.addi %mul3A_102, %mul3A_2 : i32
    %add3A_104 = arith.constant 256 : i32
    %add3A_105 = arith.addi %add3A_103, %add3A_104 : i32
    "tpu.region"() ({
      %run_scoped3A = tpu.sem_alloc : memref<!tpu.dma_semaphore, #tpu.memory_space<semaphore_mem>>
      %dma_start3A = arith.constant 0 : i32
      %dma_start3A_141 = tpu.memref_slice %arg25[%dma_start3A] : memref<64xf32, #tpu.memory_space<vmem>> -> memref<64xf32, #tpu.memory_space<vmem>>
      %dma_start3A_142 = tpu.memref_slice %arg8[%add3A_105] : memref<20480xf32, #tpu.memory_space<hbm>> -> memref<64xf32, #tpu.memory_space<hbm>>
      %dma_start3A_143 = tpu.memref_slice %arg8[%add3A_105] : memref<20480xf32, #tpu.memory_space<hbm>> -> memref<64xf32, #tpu.memory_space<hbm>>
      %dma_start3A_144 = arith.constant 0 : i32
      %dma_start3A_145 = tpu.memref_slice %arg25[%dma_start3A_144] : memref<64xf32, #tpu.memory_space<vmem>> -> memref<64xf32, #tpu.memory_space<vmem>>
      tpu.enqueue_dma source(%dma_start3A_145 : memref<64xf32, #tpu.memory_space<vmem>>) target(%dma_start3A_143 : memref<64xf32, #tpu.memory_space<hbm>>) target_semaphore(%run_scoped3A : memref<!tpu.dma_semaphore, #tpu.memory_space<semaphore_mem>>)
      %dma_wait3A = arith.constant 0 : i32
      %dma_wait3A_146 = tpu.memref_slice %arg25[%dma_wait3A] : memref<64xf32, #tpu.memory_space<vmem>> -> memref<64xf32, #tpu.memory_space<vmem>>
      %dma_wait3A_147 = tpu.memref_slice %arg8[%add3A_105] : memref<20480xf32, #tpu.memory_space<hbm>> -> memref<64xf32, #tpu.memory_space<hbm>>
      %dma_wait3A_148 = tpu.memref_slice %arg8[%add3A_105] : memref<20480xf32, #tpu.memory_space<hbm>> -> memref<64xf32, #tpu.memory_space<hbm>>
      %dma_wait3A_149 = arith.constant 0 : i32
      %dma_wait3A_150 = tpu.memref_slice %arg25[%dma_wait3A_149] : memref<64xf32, #tpu.memory_space<vmem>> -> memref<64xf32, #tpu.memory_space<vmem>>
      tpu.wait_dma2 semaphore(%run_scoped3A : memref<!tpu.dma_semaphore, #tpu.memory_space<semaphore_mem>>) src(%dma_wait3A_150 : memref<64xf32, #tpu.memory_space<vmem>>) dst(%dma_wait3A_148 : memref<64xf32, #tpu.memory_space<hbm>>)
      tpu.yield
    }) : () -> ()
    %add3A_106 = arith.constant 320 : i32
    %add3A_107 = arith.addi %mul3A_2, %add3A_106 : i32
    "tpu.region"() ({
      %run_scoped3A = tpu.sem_alloc : memref<!tpu.dma_semaphore, #tpu.memory_space<semaphore_mem>>
      %dma_start3A = arith.constant 0 : i32
      %dma_start3A_141 = tpu.memref_slice %arg25[%dma_start3A] : memref<64xf32, #tpu.memory_space<vmem>> -> memref<64xf32, #tpu.memory_space<vmem>>
      %dma_start3A_142 = tpu.memref_slice %arg26[%add3A_107] : memref<10240xf32, #tpu.memory_space<vmem_shared>> -> memref<64xf32, #tpu.memory_space<vmem_shared>>
      %dma_start3A_143 = arith.constant 0 : i32
      %dma_start3A_144 = tpu.memref_slice %arg25[%dma_start3A_143] : memref<64xf32, #tpu.memory_space<vmem>> -> memref<64xf32, #tpu.memory_space<vmem>>
      %dma_start3A_145 = tpu.memref_slice %arg26[%add3A_107] : memref<10240xf32, #tpu.memory_space<vmem_shared>> -> memref<64xf32, #tpu.memory_space<vmem_shared>>
      tpu.enqueue_dma source(%dma_start3A_145 : memref<64xf32, #tpu.memory_space<vmem_shared>>) target(%dma_start3A_144 : memref<64xf32, #tpu.memory_space<vmem>>) target_semaphore(%run_scoped3A : memref<!tpu.dma_semaphore, #tpu.memory_space<semaphore_mem>>)
      %dma_wait3A = arith.constant 0 : i32
      %dma_wait3A_146 = tpu.memref_slice %arg25[%dma_wait3A] : memref<64xf32, #tpu.memory_space<vmem>> -> memref<64xf32, #tpu.memory_space<vmem>>
      %dma_wait3A_147 = tpu.memref_slice %arg26[%add3A_107] : memref<10240xf32, #tpu.memory_space<vmem_shared>> -> memref<64xf32, #tpu.memory_space<vmem_shared>>
      %dma_wait3A_148 = arith.constant 0 : i32
      %dma_wait3A_149 = tpu.memref_slice %arg25[%dma_wait3A_148] : memref<64xf32, #tpu.memory_space<vmem>> -> memref<64xf32, #tpu.memory_space<vmem>>
      %dma_wait3A_150 = tpu.memref_slice %arg26[%add3A_107] : memref<10240xf32, #tpu.memory_space<vmem_shared>> -> memref<64xf32, #tpu.memory_space<vmem_shared>>
      tpu.wait_dma2 semaphore(%run_scoped3A : memref<!tpu.dma_semaphore, #tpu.memory_space<semaphore_mem>>) src(%dma_wait3A_150 : memref<64xf32, #tpu.memory_space<vmem_shared>>) dst(%dma_wait3A_149 : memref<64xf32, #tpu.memory_space<vmem>>)
      tpu.yield
    }) : () -> ()
    %mul3A_108 = arith.constant 10240 : i32
    %mul3A_109 = arith.muli %arg0, %mul3A_108 : i32
    %add3A_110 = arith.addi %mul3A_109, %mul3A_2 : i32
    %add3A_111 = arith.constant 320 : i32
    %add3A_112 = arith.addi %add3A_110, %add3A_111 : i32
    "tpu.region"() ({
      %run_scoped3A = tpu.sem_alloc : memref<!tpu.dma_semaphore, #tpu.memory_space<semaphore_mem>>
      %dma_start3A = arith.constant 0 : i32
      %dma_start3A_141 = tpu.memref_slice %arg25[%dma_start3A] : memref<64xf32, #tpu.memory_space<vmem>> -> memref<64xf32, #tpu.memory_space<vmem>>
      %dma_start3A_142 = tpu.memref_slice %arg8[%add3A_112] : memref<20480xf32, #tpu.memory_space<hbm>> -> memref<64xf32, #tpu.memory_space<hbm>>
      %dma_start3A_143 = tpu.memref_slice %arg8[%add3A_112] : memref<20480xf32, #tpu.memory_space<hbm>> -> memref<64xf32, #tpu.memory_space<hbm>>
      %dma_start3A_144 = arith.constant 0 : i32
      %dma_start3A_145 = tpu.memref_slice %arg25[%dma_start3A_144] : memref<64xf32, #tpu.memory_space<vmem>> -> memref<64xf32, #tpu.memory_space<vmem>>
      tpu.enqueue_dma source(%dma_start3A_145 : memref<64xf32, #tpu.memory_space<vmem>>) target(%dma_start3A_143 : memref<64xf32, #tpu.memory_space<hbm>>) target_semaphore(%run_scoped3A : memref<!tpu.dma_semaphore, #tpu.memory_space<semaphore_mem>>)
      %dma_wait3A = arith.constant 0 : i32
      %dma_wait3A_146 = tpu.memref_slice %arg25[%dma_wait3A] : memref<64xf32, #tpu.memory_space<vmem>> -> memref<64xf32, #tpu.memory_space<vmem>>
      %dma_wait3A_147 = tpu.memref_slice %arg8[%add3A_112] : memref<20480xf32, #tpu.memory_space<hbm>> -> memref<64xf32, #tpu.memory_space<hbm>>
      %dma_wait3A_148 = tpu.memref_slice %arg8[%add3A_112] : memref<20480xf32, #tpu.memory_space<hbm>> -> memref<64xf32, #tpu.memory_space<hbm>>
      %dma_wait3A_149 = arith.constant 0 : i32
      %dma_wait3A_150 = tpu.memref_slice %arg25[%dma_wait3A_149] : memref<64xf32, #tpu.memory_space<vmem>> -> memref<64xf32, #tpu.memory_space<vmem>>
      tpu.wait_dma2 semaphore(%run_scoped3A : memref<!tpu.dma_semaphore, #tpu.memory_space<semaphore_mem>>) src(%dma_wait3A_150 : memref<64xf32, #tpu.memory_space<vmem>>) dst(%dma_wait3A_148 : memref<64xf32, #tpu.memory_space<hbm>>)
      tpu.yield
    }) : () -> ()
    %add3A_113 = arith.constant 384 : i32
    %add3A_114 = arith.addi %mul3A_2, %add3A_113 : i32
    "tpu.region"() ({
      %run_scoped3A = tpu.sem_alloc : memref<!tpu.dma_semaphore, #tpu.memory_space<semaphore_mem>>
      %dma_start3A = arith.constant 0 : i32
      %dma_start3A_141 = tpu.memref_slice %arg25[%dma_start3A] : memref<64xf32, #tpu.memory_space<vmem>> -> memref<64xf32, #tpu.memory_space<vmem>>
      %dma_start3A_142 = tpu.memref_slice %arg26[%add3A_114] : memref<10240xf32, #tpu.memory_space<vmem_shared>> -> memref<64xf32, #tpu.memory_space<vmem_shared>>
      %dma_start3A_143 = arith.constant 0 : i32
      %dma_start3A_144 = tpu.memref_slice %arg25[%dma_start3A_143] : memref<64xf32, #tpu.memory_space<vmem>> -> memref<64xf32, #tpu.memory_space<vmem>>
      %dma_start3A_145 = tpu.memref_slice %arg26[%add3A_114] : memref<10240xf32, #tpu.memory_space<vmem_shared>> -> memref<64xf32, #tpu.memory_space<vmem_shared>>
      tpu.enqueue_dma source(%dma_start3A_145 : memref<64xf32, #tpu.memory_space<vmem_shared>>) target(%dma_start3A_144 : memref<64xf32, #tpu.memory_space<vmem>>) target_semaphore(%run_scoped3A : memref<!tpu.dma_semaphore, #tpu.memory_space<semaphore_mem>>)
      %dma_wait3A = arith.constant 0 : i32
      %dma_wait3A_146 = tpu.memref_slice %arg25[%dma_wait3A] : memref<64xf32, #tpu.memory_space<vmem>> -> memref<64xf32, #tpu.memory_space<vmem>>
      %dma_wait3A_147 = tpu.memref_slice %arg26[%add3A_114] : memref<10240xf32, #tpu.memory_space<vmem_shared>> -> memref<64xf32, #tpu.memory_space<vmem_shared>>
      %dma_wait3A_148 = arith.constant 0 : i32
      %dma_wait3A_149 = tpu.memref_slice %arg25[%dma_wait3A_148] : memref<64xf32, #tpu.memory_space<vmem>> -> memref<64xf32, #tpu.memory_space<vmem>>
      %dma_wait3A_150 = tpu.memref_slice %arg26[%add3A_114] : memref<10240xf32, #tpu.memory_space<vmem_shared>> -> memref<64xf32, #tpu.memory_space<vmem_shared>>
      tpu.wait_dma2 semaphore(%run_scoped3A : memref<!tpu.dma_semaphore, #tpu.memory_space<semaphore_mem>>) src(%dma_wait3A_150 : memref<64xf32, #tpu.memory_space<vmem_shared>>) dst(%dma_wait3A_149 : memref<64xf32, #tpu.memory_space<vmem>>)
      tpu.yield
    }) : () -> ()
    %mul3A_115 = arith.constant 10240 : i32
    %mul3A_116 = arith.muli %arg0, %mul3A_115 : i32
    %add3A_117 = arith.addi %mul3A_116, %mul3A_2 : i32
    %add3A_118 = arith.constant 384 : i32
    %add3A_119 = arith.addi %add3A_117, %add3A_118 : i32
    "tpu.region"() ({
      %run_scoped3A = tpu.sem_alloc : memref<!tpu.dma_semaphore, #tpu.memory_space<semaphore_mem>>
      %dma_start3A = arith.constant 0 : i32
      %dma_start3A_141 = tpu.memref_slice %arg25[%dma_start3A] : memref<64xf32, #tpu.memory_space<vmem>> -> memref<64xf32, #tpu.memory_space<vmem>>
      %dma_start3A_142 = tpu.memref_slice %arg8[%add3A_119] : memref<20480xf32, #tpu.memory_space<hbm>> -> memref<64xf32, #tpu.memory_space<hbm>>
      %dma_start3A_143 = tpu.memref_slice %arg8[%add3A_119] : memref<20480xf32, #tpu.memory_space<hbm>> -> memref<64xf32, #tpu.memory_space<hbm>>
      %dma_start3A_144 = arith.constant 0 : i32
      %dma_start3A_145 = tpu.memref_slice %arg25[%dma_start3A_144] : memref<64xf32, #tpu.memory_space<vmem>> -> memref<64xf32, #tpu.memory_space<vmem>>
      tpu.enqueue_dma source(%dma_start3A_145 : memref<64xf32, #tpu.memory_space<vmem>>) target(%dma_start3A_143 : memref<64xf32, #tpu.memory_space<hbm>>) target_semaphore(%run_scoped3A : memref<!tpu.dma_semaphore, #tpu.memory_space<semaphore_mem>>)
      %dma_wait3A = arith.constant 0 : i32
      %dma_wait3A_146 = tpu.memref_slice %arg25[%dma_wait3A] : memref<64xf32, #tpu.memory_space<vmem>> -> memref<64xf32, #tpu.memory_space<vmem>>
      %dma_wait3A_147 = tpu.memref_slice %arg8[%add3A_119] : memref<20480xf32, #tpu.memory_space<hbm>> -> memref<64xf32, #tpu.memory_space<hbm>>
      %dma_wait3A_148 = tpu.memref_slice %arg8[%add3A_119] : memref<20480xf32, #tpu.memory_space<hbm>> -> memref<64xf32, #tpu.memory_space<hbm>>
      %dma_wait3A_149 = arith.constant 0 : i32
      %dma_wait3A_150 = tpu.memref_slice %arg25[%dma_wait3A_149] : memref<64xf32, #tpu.memory_space<vmem>> -> memref<64xf32, #tpu.memory_space<vmem>>
      tpu.wait_dma2 semaphore(%run_scoped3A : memref<!tpu.dma_semaphore, #tpu.memory_space<semaphore_mem>>) src(%dma_wait3A_150 : memref<64xf32, #tpu.memory_space<vmem>>) dst(%dma_wait3A_148 : memref<64xf32, #tpu.memory_space<hbm>>)
      tpu.yield
    }) : () -> ()
    %add3A_120 = arith.constant 448 : i32
    %add3A_121 = arith.addi %mul3A_2, %add3A_120 : i32
    "tpu.region"() ({
      %run_scoped3A = tpu.sem_alloc : memref<!tpu.dma_semaphore, #tpu.memory_space<semaphore_mem>>
      %dma_start3A = arith.constant 0 : i32
      %dma_start3A_141 = tpu.memref_slice %arg25[%dma_start3A] : memref<64xf32, #tpu.memory_space<vmem>> -> memref<64xf32, #tpu.memory_space<vmem>>
      %dma_start3A_142 = tpu.memref_slice %arg26[%add3A_121] : memref<10240xf32, #tpu.memory_space<vmem_shared>> -> memref<64xf32, #tpu.memory_space<vmem_shared>>
      %dma_start3A_143 = arith.constant 0 : i32
      %dma_start3A_144 = tpu.memref_slice %arg25[%dma_start3A_143] : memref<64xf32, #tpu.memory_space<vmem>> -> memref<64xf32, #tpu.memory_space<vmem>>
      %dma_start3A_145 = tpu.memref_slice %arg26[%add3A_121] : memref<10240xf32, #tpu.memory_space<vmem_shared>> -> memref<64xf32, #tpu.memory_space<vmem_shared>>
      tpu.enqueue_dma source(%dma_start3A_145 : memref<64xf32, #tpu.memory_space<vmem_shared>>) target(%dma_start3A_144 : memref<64xf32, #tpu.memory_space<vmem>>) target_semaphore(%run_scoped3A : memref<!tpu.dma_semaphore, #tpu.memory_space<semaphore_mem>>)
      %dma_wait3A = arith.constant 0 : i32
      %dma_wait3A_146 = tpu.memref_slice %arg25[%dma_wait3A] : memref<64xf32, #tpu.memory_space<vmem>> -> memref<64xf32, #tpu.memory_space<vmem>>
      %dma_wait3A_147 = tpu.memref_slice %arg26[%add3A_121] : memref<10240xf32, #tpu.memory_space<vmem_shared>> -> memref<64xf32, #tpu.memory_space<vmem_shared>>
      %dma_wait3A_148 = arith.constant 0 : i32
      %dma_wait3A_149 = tpu.memref_slice %arg25[%dma_wait3A_148] : memref<64xf32, #tpu.memory_space<vmem>> -> memref<64xf32, #tpu.memory_space<vmem>>
      %dma_wait3A_150 = tpu.memref_slice %arg26[%add3A_121] : memref<10240xf32, #tpu.memory_space<vmem_shared>> -> memref<64xf32, #tpu.memory_space<vmem_shared>>
      tpu.wait_dma2 semaphore(%run_scoped3A : memref<!tpu.dma_semaphore, #tpu.memory_space<semaphore_mem>>) src(%dma_wait3A_150 : memref<64xf32, #tpu.memory_space<vmem_shared>>) dst(%dma_wait3A_149 : memref<64xf32, #tpu.memory_space<vmem>>)
      tpu.yield
    }) : () -> ()
    %mul3A_122 = arith.constant 10240 : i32
    %mul3A_123 = arith.muli %arg0, %mul3A_122 : i32
    %add3A_124 = arith.addi %mul3A_123, %mul3A_2 : i32
    %add3A_125 = arith.constant 448 : i32
    %add3A_126 = arith.addi %add3A_124, %add3A_125 : i32
    "tpu.region"() ({
      %run_scoped3A = tpu.sem_alloc : memref<!tpu.dma_semaphore, #tpu.memory_space<semaphore_mem>>
      %dma_start3A = arith.constant 0 : i32
      %dma_start3A_141 = tpu.memref_slice %arg25[%dma_start3A] : memref<64xf32, #tpu.memory_space<vmem>> -> memref<64xf32, #tpu.memory_space<vmem>>
      %dma_start3A_142 = tpu.memref_slice %arg8[%add3A_126] : memref<20480xf32, #tpu.memory_space<hbm>> -> memref<64xf32, #tpu.memory_space<hbm>>
      %dma_start3A_143 = tpu.memref_slice %arg8[%add3A_126] : memref<20480xf32, #tpu.memory_space<hbm>> -> memref<64xf32, #tpu.memory_space<hbm>>
      %dma_start3A_144 = arith.constant 0 : i32
      %dma_start3A_145 = tpu.memref_slice %arg25[%dma_start3A_144] : memref<64xf32, #tpu.memory_space<vmem>> -> memref<64xf32, #tpu.memory_space<vmem>>
      tpu.enqueue_dma source(%dma_start3A_145 : memref<64xf32, #tpu.memory_space<vmem>>) target(%dma_start3A_143 : memref<64xf32, #tpu.memory_space<hbm>>) target_semaphore(%run_scoped3A : memref<!tpu.dma_semaphore, #tpu.memory_space<semaphore_mem>>)
      %dma_wait3A = arith.constant 0 : i32
      %dma_wait3A_146 = tpu.memref_slice %arg25[%dma_wait3A] : memref<64xf32, #tpu.memory_space<vmem>> -> memref<64xf32, #tpu.memory_space<vmem>>
      %dma_wait3A_147 = tpu.memref_slice %arg8[%add3A_126] : memref<20480xf32, #tpu.memory_space<hbm>> -> memref<64xf32, #tpu.memory_space<hbm>>
      %dma_wait3A_148 = tpu.memref_slice %arg8[%add3A_126] : memref<20480xf32, #tpu.memory_space<hbm>> -> memref<64xf32, #tpu.memory_space<hbm>>
      %dma_wait3A_149 = arith.constant 0 : i32
      %dma_wait3A_150 = tpu.memref_slice %arg25[%dma_wait3A_149] : memref<64xf32, #tpu.memory_space<vmem>> -> memref<64xf32, #tpu.memory_space<vmem>>
      tpu.wait_dma2 semaphore(%run_scoped3A : memref<!tpu.dma_semaphore, #tpu.memory_space<semaphore_mem>>) src(%dma_wait3A_150 : memref<64xf32, #tpu.memory_space<vmem>>) dst(%dma_wait3A_148 : memref<64xf32, #tpu.memory_space<hbm>>)
      tpu.yield
    }) : () -> ()
    %add3A_127 = arith.constant 512 : i32
    %add3A_128 = arith.addi %mul3A_2, %add3A_127 : i32
    "tpu.region"() ({
      %run_scoped3A = tpu.sem_alloc : memref<!tpu.dma_semaphore, #tpu.memory_space<semaphore_mem>>
      %dma_start3A = arith.constant 0 : i32
      %dma_start3A_141 = tpu.memref_slice %arg25[%dma_start3A] : memref<64xf32, #tpu.memory_space<vmem>> -> memref<64xf32, #tpu.memory_space<vmem>>
      %dma_start3A_142 = tpu.memref_slice %arg26[%add3A_128] : memref<10240xf32, #tpu.memory_space<vmem_shared>> -> memref<64xf32, #tpu.memory_space<vmem_shared>>
      %dma_start3A_143 = arith.constant 0 : i32
      %dma_start3A_144 = tpu.memref_slice %arg25[%dma_start3A_143] : memref<64xf32, #tpu.memory_space<vmem>> -> memref<64xf32, #tpu.memory_space<vmem>>
      %dma_start3A_145 = tpu.memref_slice %arg26[%add3A_128] : memref<10240xf32, #tpu.memory_space<vmem_shared>> -> memref<64xf32, #tpu.memory_space<vmem_shared>>
      tpu.enqueue_dma source(%dma_start3A_145 : memref<64xf32, #tpu.memory_space<vmem_shared>>) target(%dma_start3A_144 : memref<64xf32, #tpu.memory_space<vmem>>) target_semaphore(%run_scoped3A : memref<!tpu.dma_semaphore, #tpu.memory_space<semaphore_mem>>)
      %dma_wait3A = arith.constant 0 : i32
      %dma_wait3A_146 = tpu.memref_slice %arg25[%dma_wait3A] : memref<64xf32, #tpu.memory_space<vmem>> -> memref<64xf32, #tpu.memory_space<vmem>>
      %dma_wait3A_147 = tpu.memref_slice %arg26[%add3A_128] : memref<10240xf32, #tpu.memory_space<vmem_shared>> -> memref<64xf32, #tpu.memory_space<vmem_shared>>
      %dma_wait3A_148 = arith.constant 0 : i32
      %dma_wait3A_149 = tpu.memref_slice %arg25[%dma_wait3A_148] : memref<64xf32, #tpu.memory_space<vmem>> -> memref<64xf32, #tpu.memory_space<vmem>>
      %dma_wait3A_150 = tpu.memref_slice %arg26[%add3A_128] : memref<10240xf32, #tpu.memory_space<vmem_shared>> -> memref<64xf32, #tpu.memory_space<vmem_shared>>
      tpu.wait_dma2 semaphore(%run_scoped3A : memref<!tpu.dma_semaphore, #tpu.memory_space<semaphore_mem>>) src(%dma_wait3A_150 : memref<64xf32, #tpu.memory_space<vmem_shared>>) dst(%dma_wait3A_149 : memref<64xf32, #tpu.memory_space<vmem>>)
      tpu.yield
    }) : () -> ()
    %mul3A_129 = arith.constant 10240 : i32
    %mul3A_130 = arith.muli %arg0, %mul3A_129 : i32
    %add3A_131 = arith.addi %mul3A_130, %mul3A_2 : i32
    %add3A_132 = arith.constant 512 : i32
    %add3A_133 = arith.addi %add3A_131, %add3A_132 : i32
    "tpu.region"() ({
      %run_scoped3A = tpu.sem_alloc : memref<!tpu.dma_semaphore, #tpu.memory_space<semaphore_mem>>
      %dma_start3A = arith.constant 0 : i32
      %dma_start3A_141 = tpu.memref_slice %arg25[%dma_start3A] : memref<64xf32, #tpu.memory_space<vmem>> -> memref<64xf32, #tpu.memory_space<vmem>>
      %dma_start3A_142 = tpu.memref_slice %arg8[%add3A_133] : memref<20480xf32, #tpu.memory_space<hbm>> -> memref<64xf32, #tpu.memory_space<hbm>>
      %dma_start3A_143 = tpu.memref_slice %arg8[%add3A_133] : memref<20480xf32, #tpu.memory_space<hbm>> -> memref<64xf32, #tpu.memory_space<hbm>>
      %dma_start3A_144 = arith.constant 0 : i32
      %dma_start3A_145 = tpu.memref_slice %arg25[%dma_start3A_144] : memref<64xf32, #tpu.memory_space<vmem>> -> memref<64xf32, #tpu.memory_space<vmem>>
      tpu.enqueue_dma source(%dma_start3A_145 : memref<64xf32, #tpu.memory_space<vmem>>) target(%dma_start3A_143 : memref<64xf32, #tpu.memory_space<hbm>>) target_semaphore(%run_scoped3A : memref<!tpu.dma_semaphore, #tpu.memory_space<semaphore_mem>>)
      %dma_wait3A = arith.constant 0 : i32
      %dma_wait3A_146 = tpu.memref_slice %arg25[%dma_wait3A] : memref<64xf32, #tpu.memory_space<vmem>> -> memref<64xf32, #tpu.memory_space<vmem>>
      %dma_wait3A_147 = tpu.memref_slice %arg8[%add3A_133] : memref<20480xf32, #tpu.memory_space<hbm>> -> memref<64xf32, #tpu.memory_space<hbm>>
      %dma_wait3A_148 = tpu.memref_slice %arg8[%add3A_133] : memref<20480xf32, #tpu.memory_space<hbm>> -> memref<64xf32, #tpu.memory_space<hbm>>
      %dma_wait3A_149 = arith.constant 0 : i32
      %dma_wait3A_150 = tpu.memref_slice %arg25[%dma_wait3A_149] : memref<64xf32, #tpu.memory_space<vmem>> -> memref<64xf32, #tpu.memory_space<vmem>>
      tpu.wait_dma2 semaphore(%run_scoped3A : memref<!tpu.dma_semaphore, #tpu.memory_space<semaphore_mem>>) src(%dma_wait3A_150 : memref<64xf32, #tpu.memory_space<vmem>>) dst(%dma_wait3A_148 : memref<64xf32, #tpu.memory_space<hbm>>)
      tpu.yield
    }) : () -> ()
    %add3A_134 = arith.constant 576 : i32
    %add3A_135 = arith.addi %mul3A_2, %add3A_134 : i32
    "tpu.region"() ({
      %run_scoped3A = tpu.sem_alloc : memref<!tpu.dma_semaphore, #tpu.memory_space<semaphore_mem>>
      %dma_start3A = arith.constant 0 : i32
      %dma_start3A_141 = tpu.memref_slice %arg25[%dma_start3A] : memref<64xf32, #tpu.memory_space<vmem>> -> memref<64xf32, #tpu.memory_space<vmem>>
      %dma_start3A_142 = tpu.memref_slice %arg26[%add3A_135] : memref<10240xf32, #tpu.memory_space<vmem_shared>> -> memref<64xf32, #tpu.memory_space<vmem_shared>>
      %dma_start3A_143 = arith.constant 0 : i32
      %dma_start3A_144 = tpu.memref_slice %arg25[%dma_start3A_143] : memref<64xf32, #tpu.memory_space<vmem>> -> memref<64xf32, #tpu.memory_space<vmem>>
      %dma_start3A_145 = tpu.memref_slice %arg26[%add3A_135] : memref<10240xf32, #tpu.memory_space<vmem_shared>> -> memref<64xf32, #tpu.memory_space<vmem_shared>>
      tpu.enqueue_dma source(%dma_start3A_145 : memref<64xf32, #tpu.memory_space<vmem_shared>>) target(%dma_start3A_144 : memref<64xf32, #tpu.memory_space<vmem>>) target_semaphore(%run_scoped3A : memref<!tpu.dma_semaphore, #tpu.memory_space<semaphore_mem>>)
      %dma_wait3A = arith.constant 0 : i32
      %dma_wait3A_146 = tpu.memref_slice %arg25[%dma_wait3A] : memref<64xf32, #tpu.memory_space<vmem>> -> memref<64xf32, #tpu.memory_space<vmem>>
      %dma_wait3A_147 = tpu.memref_slice %arg26[%add3A_135] : memref<10240xf32, #tpu.memory_space<vmem_shared>> -> memref<64xf32, #tpu.memory_space<vmem_shared>>
      %dma_wait3A_148 = arith.constant 0 : i32
      %dma_wait3A_149 = tpu.memref_slice %arg25[%dma_wait3A_148] : memref<64xf32, #tpu.memory_space<vmem>> -> memref<64xf32, #tpu.memory_space<vmem>>
      %dma_wait3A_150 = tpu.memref_slice %arg26[%add3A_135] : memref<10240xf32, #tpu.memory_space<vmem_shared>> -> memref<64xf32, #tpu.memory_space<vmem_shared>>
      tpu.wait_dma2 semaphore(%run_scoped3A : memref<!tpu.dma_semaphore, #tpu.memory_space<semaphore_mem>>) src(%dma_wait3A_150 : memref<64xf32, #tpu.memory_space<vmem_shared>>) dst(%dma_wait3A_149 : memref<64xf32, #tpu.memory_space<vmem>>)
      tpu.yield
    }) : () -> ()
    %mul3A_136 = arith.constant 10240 : i32
    %mul3A_137 = arith.muli %arg0, %mul3A_136 : i32
    %add3A_138 = arith.addi %mul3A_137, %mul3A_2 : i32
    %add3A_139 = arith.constant 576 : i32
    %add3A_140 = arith.addi %add3A_138, %add3A_139 : i32
    "tpu.region"() ({
      %run_scoped3A = tpu.sem_alloc : memref<!tpu.dma_semaphore, #tpu.memory_space<semaphore_mem>>
      %dma_start3A = arith.constant 0 : i32
      %dma_start3A_141 = tpu.memref_slice %arg25[%dma_start3A] : memref<64xf32, #tpu.memory_space<vmem>> -> memref<64xf32, #tpu.memory_space<vmem>>
      %dma_start3A_142 = tpu.memref_slice %arg8[%add3A_140] : memref<20480xf32, #tpu.memory_space<hbm>> -> memref<64xf32, #tpu.memory_space<hbm>>
      %dma_start3A_143 = tpu.memref_slice %arg8[%add3A_140] : memref<20480xf32, #tpu.memory_space<hbm>> -> memref<64xf32, #tpu.memory_space<hbm>>
      %dma_start3A_144 = arith.constant 0 : i32
      %dma_start3A_145 = tpu.memref_slice %arg25[%dma_start3A_144] : memref<64xf32, #tpu.memory_space<vmem>> -> memref<64xf32, #tpu.memory_space<vmem>>
      tpu.enqueue_dma source(%dma_start3A_145 : memref<64xf32, #tpu.memory_space<vmem>>) target(%dma_start3A_143 : memref<64xf32, #tpu.memory_space<hbm>>) target_semaphore(%run_scoped3A : memref<!tpu.dma_semaphore, #tpu.memory_space<semaphore_mem>>)
      %dma_wait3A = arith.constant 0 : i32
      %dma_wait3A_146 = tpu.memref_slice %arg25[%dma_wait3A] : memref<64xf32, #tpu.memory_space<vmem>> -> memref<64xf32, #tpu.memory_space<vmem>>
      %dma_wait3A_147 = tpu.memref_slice %arg8[%add3A_140] : memref<20480xf32, #tpu.memory_space<hbm>> -> memref<64xf32, #tpu.memory_space<hbm>>
      %dma_wait3A_148 = tpu.memref_slice %arg8[%add3A_140] : memref<20480xf32, #tpu.memory_space<hbm>> -> memref<64xf32, #tpu.memory_space<hbm>>
      %dma_wait3A_149 = arith.constant 0 : i32
      %dma_wait3A_150 = tpu.memref_slice %arg25[%dma_wait3A_149] : memref<64xf32, #tpu.memory_space<vmem>> -> memref<64xf32, #tpu.memory_space<vmem>>
      tpu.wait_dma2 semaphore(%run_scoped3A : memref<!tpu.dma_semaphore, #tpu.memory_space<semaphore_mem>>) src(%dma_wait3A_150 : memref<64xf32, #tpu.memory_space<vmem>>) dst(%dma_wait3A_148 : memref<64xf32, #tpu.memory_space<hbm>>)
      tpu.yield
    }) : () -> ()
    return
  }
}

#map = affine_map<(d0, d1) -> (0, 0)>
#map1 = affine_map<(d0, d1) -> (0, 0, 0)>
module attributes {stable_mosaic.version = 14 : i64} {
  func.func @body(%arg0: i32, %arg1: i32, %arg2: memref<10000x64xbf16, #tpu.memory_space<hbm>>, %arg3: memref<32x160x64xi32, #tpu.memory_space<hbm>>, %arg4: memref<32x160x64xi32, #tpu.memory_space<hbm>>, %arg5: memref<64x64xbf16, #tpu.memory_space<hbm>>, %arg6: memref<2x10240x64xbf16, #tpu.memory_space<hbm>>, %arg7: memref<40x64xi32, #tpu.memory_space<vmem>>, %arg8: memref<40x64xi32, #tpu.memory_space<vmem>>, %arg9: memref<64x64xbf16, #tpu.memory_space<vmem>>, %arg10: memref<64x64xbf16, #tpu.memory_space<vmem>>, %arg11: memref<64x64xbf16, #tpu.memory_space<vmem>>, %arg12: memref<64x64xbf16, #tpu.memory_space<vmem>>, %arg13: memref<10240x64xbf16, #tpu.memory_space<vmem_shared>>, %arg14: memref<!tpu.dma_semaphore, #tpu.memory_space<semaphore_mem>>, %arg15: memref<!tpu.dma_semaphore, #tpu.memory_space<semaphore_mem>>, %arg16: memref<!tpu.dma_semaphore, #tpu.memory_space<semaphore_mem>>, %arg17: memref<!tpu.dma_semaphore, #tpu.memory_space<semaphore_mem>>, %arg18: memref<!tpu.dma_semaphore, #tpu.memory_space<semaphore_mem>>, %arg19: memref<!tpu.dma_semaphore, #tpu.memory_space<semaphore_mem>>, %arg20: memref<!tpu.dma_semaphore, #tpu.memory_space<semaphore_mem>>, %arg21: memref<!tpu.dma_semaphore, #tpu.memory_space<semaphore_mem>>) attributes {dimension_semantics = [#tpu.dimension_semantics<core_parallel>, #tpu.dimension_semantics<subcore_parallel>], iteration_bounds = array<i64: 2, 16>, scalar_prefetch = 0 : i64, scratch_operands = 15 : i64, tpu.core_type = #tpu.core_type<sc_vector_subcore>, window_params = [{transform_indices = #map}, {transform_indices = #map1}, {transform_indices = #map1}, {transform_indices = #map}, {transform_indices = #map1}]} {
    %mul3A = arith.constant 16 : i32
    %mul3A_0 = arith.muli %arg0, %mul3A : i32
    %add3A = arith.addi %mul3A_0, %arg1 : i32
    %mul3A_1 = arith.constant 640 : i32
    %mul3A_2 = arith.muli %arg1, %mul3A_1 : i32
    "tpu.region"() ({
      %run_scoped3A = tpu.sem_alloc : memref<!tpu.dma_semaphore, #tpu.memory_space<semaphore_mem>>
      tpu.enqueue_dma source(%arg5 : memref<64x64xbf16, #tpu.memory_space<hbm>>) target(%arg9 : memref<64x64xbf16, #tpu.memory_space<vmem>>) target_semaphore(%run_scoped3A : memref<!tpu.dma_semaphore, #tpu.memory_space<semaphore_mem>>)
      tpu.wait_dma2 semaphore(%run_scoped3A : memref<!tpu.dma_semaphore, #tpu.memory_space<semaphore_mem>>) src(%arg5 : memref<64x64xbf16, #tpu.memory_space<hbm>>) dst(%arg9 : memref<64x64xbf16, #tpu.memory_space<vmem>>)
      tpu.yield
    }) : () -> ()
    %add3A_3 = arith.constant 0 : i32
    %add3A_4 = arith.addi %mul3A_2, %add3A_3 : i32
    "tpu.region"() ({
      %run_scoped3A = tpu.sem_alloc : memref<!tpu.dma_semaphore, #tpu.memory_space<semaphore_mem>>
      %dma_start3A = arith.constant 0 : i32
      %dma_start3A_29 = arith.constant 0 : i32
      %dma_start3A_30 = tpu.memref_slice %arg9[%dma_start3A, %dma_start3A_29] : memref<64x64xbf16, #tpu.memory_space<vmem>> -> memref<64x64xbf16, #tpu.memory_space<vmem>>
      %dma_start3A_31 = arith.constant 0 : i32
      %dma_start3A_32 = tpu.memref_slice %arg13[%add3A_4, %dma_start3A_31] : memref<10240x64xbf16, #tpu.memory_space<vmem_shared>> -> memref<64x64xbf16, #tpu.memory_space<vmem_shared>>
      %dma_start3A_33 = arith.constant 0 : i32
      %dma_start3A_34 = tpu.memref_slice %arg13[%add3A_4, %dma_start3A_33] : memref<10240x64xbf16, #tpu.memory_space<vmem_shared>> -> memref<64x64xbf16, #tpu.memory_space<vmem_shared>>
      %dma_start3A_35 = arith.constant 0 : i32
      %dma_start3A_36 = arith.constant 0 : i32
      %dma_start3A_37 = tpu.memref_slice %arg9[%dma_start3A_35, %dma_start3A_36] : memref<64x64xbf16, #tpu.memory_space<vmem>> -> memref<64x64xbf16, #tpu.memory_space<vmem>>
      tpu.enqueue_dma source(%dma_start3A_37 : memref<64x64xbf16, #tpu.memory_space<vmem>>) target(%dma_start3A_34 : memref<64x64xbf16, #tpu.memory_space<vmem_shared>>) target_semaphore(%run_scoped3A : memref<!tpu.dma_semaphore, #tpu.memory_space<semaphore_mem>>)
      %dma_wait3A = arith.constant 0 : i32
      %dma_wait3A_38 = arith.constant 0 : i32
      %dma_wait3A_39 = tpu.memref_slice %arg9[%dma_wait3A, %dma_wait3A_38] : memref<64x64xbf16, #tpu.memory_space<vmem>> -> memref<64x64xbf16, #tpu.memory_space<vmem>>
      %dma_wait3A_40 = arith.constant 0 : i32
      %dma_wait3A_41 = tpu.memref_slice %arg13[%add3A_4, %dma_wait3A_40] : memref<10240x64xbf16, #tpu.memory_space<vmem_shared>> -> memref<64x64xbf16, #tpu.memory_space<vmem_shared>>
      %dma_wait3A_42 = arith.constant 0 : i32
      %dma_wait3A_43 = tpu.memref_slice %arg13[%add3A_4, %dma_wait3A_42] : memref<10240x64xbf16, #tpu.memory_space<vmem_shared>> -> memref<64x64xbf16, #tpu.memory_space<vmem_shared>>
      %dma_wait3A_44 = arith.constant 0 : i32
      %dma_wait3A_45 = arith.constant 0 : i32
      %dma_wait3A_46 = tpu.memref_slice %arg9[%dma_wait3A_44, %dma_wait3A_45] : memref<64x64xbf16, #tpu.memory_space<vmem>> -> memref<64x64xbf16, #tpu.memory_space<vmem>>
      tpu.wait_dma2 semaphore(%run_scoped3A : memref<!tpu.dma_semaphore, #tpu.memory_space<semaphore_mem>>) src(%dma_wait3A_46 : memref<64x64xbf16, #tpu.memory_space<vmem>>) dst(%dma_wait3A_43 : memref<64x64xbf16, #tpu.memory_space<vmem_shared>>)
      tpu.yield
    }) : () -> ()
    %add3A_5 = arith.constant 64 : i32
    %add3A_6 = arith.addi %mul3A_2, %add3A_5 : i32
    "tpu.region"() ({
      %run_scoped3A = tpu.sem_alloc : memref<!tpu.dma_semaphore, #tpu.memory_space<semaphore_mem>>
      %dma_start3A = arith.constant 0 : i32
      %dma_start3A_29 = arith.constant 0 : i32
      %dma_start3A_30 = tpu.memref_slice %arg9[%dma_start3A, %dma_start3A_29] : memref<64x64xbf16, #tpu.memory_space<vmem>> -> memref<64x64xbf16, #tpu.memory_space<vmem>>
      %dma_start3A_31 = arith.constant 0 : i32
      %dma_start3A_32 = tpu.memref_slice %arg13[%add3A_6, %dma_start3A_31] : memref<10240x64xbf16, #tpu.memory_space<vmem_shared>> -> memref<64x64xbf16, #tpu.memory_space<vmem_shared>>
      %dma_start3A_33 = arith.constant 0 : i32
      %dma_start3A_34 = tpu.memref_slice %arg13[%add3A_6, %dma_start3A_33] : memref<10240x64xbf16, #tpu.memory_space<vmem_shared>> -> memref<64x64xbf16, #tpu.memory_space<vmem_shared>>
      %dma_start3A_35 = arith.constant 0 : i32
      %dma_start3A_36 = arith.constant 0 : i32
      %dma_start3A_37 = tpu.memref_slice %arg9[%dma_start3A_35, %dma_start3A_36] : memref<64x64xbf16, #tpu.memory_space<vmem>> -> memref<64x64xbf16, #tpu.memory_space<vmem>>
      tpu.enqueue_dma source(%dma_start3A_37 : memref<64x64xbf16, #tpu.memory_space<vmem>>) target(%dma_start3A_34 : memref<64x64xbf16, #tpu.memory_space<vmem_shared>>) target_semaphore(%run_scoped3A : memref<!tpu.dma_semaphore, #tpu.memory_space<semaphore_mem>>)
      %dma_wait3A = arith.constant 0 : i32
      %dma_wait3A_38 = arith.constant 0 : i32
      %dma_wait3A_39 = tpu.memref_slice %arg9[%dma_wait3A, %dma_wait3A_38] : memref<64x64xbf16, #tpu.memory_space<vmem>> -> memref<64x64xbf16, #tpu.memory_space<vmem>>
      %dma_wait3A_40 = arith.constant 0 : i32
      %dma_wait3A_41 = tpu.memref_slice %arg13[%add3A_6, %dma_wait3A_40] : memref<10240x64xbf16, #tpu.memory_space<vmem_shared>> -> memref<64x64xbf16, #tpu.memory_space<vmem_shared>>
      %dma_wait3A_42 = arith.constant 0 : i32
      %dma_wait3A_43 = tpu.memref_slice %arg13[%add3A_6, %dma_wait3A_42] : memref<10240x64xbf16, #tpu.memory_space<vmem_shared>> -> memref<64x64xbf16, #tpu.memory_space<vmem_shared>>
      %dma_wait3A_44 = arith.constant 0 : i32
      %dma_wait3A_45 = arith.constant 0 : i32
      %dma_wait3A_46 = tpu.memref_slice %arg9[%dma_wait3A_44, %dma_wait3A_45] : memref<64x64xbf16, #tpu.memory_space<vmem>> -> memref<64x64xbf16, #tpu.memory_space<vmem>>
      tpu.wait_dma2 semaphore(%run_scoped3A : memref<!tpu.dma_semaphore, #tpu.memory_space<semaphore_mem>>) src(%dma_wait3A_46 : memref<64x64xbf16, #tpu.memory_space<vmem>>) dst(%dma_wait3A_43 : memref<64x64xbf16, #tpu.memory_space<vmem_shared>>)
      tpu.yield
    }) : () -> ()
    %add3A_7 = arith.constant 128 : i32
    %add3A_8 = arith.addi %mul3A_2, %add3A_7 : i32
    "tpu.region"() ({
      %run_scoped3A = tpu.sem_alloc : memref<!tpu.dma_semaphore, #tpu.memory_space<semaphore_mem>>
      %dma_start3A = arith.constant 0 : i32
      %dma_start3A_29 = arith.constant 0 : i32
      %dma_start3A_30 = tpu.memref_slice %arg9[%dma_start3A, %dma_start3A_29] : memref<64x64xbf16, #tpu.memory_space<vmem>> -> memref<64x64xbf16, #tpu.memory_space<vmem>>
      %dma_start3A_31 = arith.constant 0 : i32
      %dma_start3A_32 = tpu.memref_slice %arg13[%add3A_8, %dma_start3A_31] : memref<10240x64xbf16, #tpu.memory_space<vmem_shared>> -> memref<64x64xbf16, #tpu.memory_space<vmem_shared>>
      %dma_start3A_33 = arith.constant 0 : i32
      %dma_start3A_34 = tpu.memref_slice %arg13[%add3A_8, %dma_start3A_33] : memref<10240x64xbf16, #tpu.memory_space<vmem_shared>> -> memref<64x64xbf16, #tpu.memory_space<vmem_shared>>
      %dma_start3A_35 = arith.constant 0 : i32
      %dma_start3A_36 = arith.constant 0 : i32
      %dma_start3A_37 = tpu.memref_slice %arg9[%dma_start3A_35, %dma_start3A_36] : memref<64x64xbf16, #tpu.memory_space<vmem>> -> memref<64x64xbf16, #tpu.memory_space<vmem>>
      tpu.enqueue_dma source(%dma_start3A_37 : memref<64x64xbf16, #tpu.memory_space<vmem>>) target(%dma_start3A_34 : memref<64x64xbf16, #tpu.memory_space<vmem_shared>>) target_semaphore(%run_scoped3A : memref<!tpu.dma_semaphore, #tpu.memory_space<semaphore_mem>>)
      %dma_wait3A = arith.constant 0 : i32
      %dma_wait3A_38 = arith.constant 0 : i32
      %dma_wait3A_39 = tpu.memref_slice %arg9[%dma_wait3A, %dma_wait3A_38] : memref<64x64xbf16, #tpu.memory_space<vmem>> -> memref<64x64xbf16, #tpu.memory_space<vmem>>
      %dma_wait3A_40 = arith.constant 0 : i32
      %dma_wait3A_41 = tpu.memref_slice %arg13[%add3A_8, %dma_wait3A_40] : memref<10240x64xbf16, #tpu.memory_space<vmem_shared>> -> memref<64x64xbf16, #tpu.memory_space<vmem_shared>>
      %dma_wait3A_42 = arith.constant 0 : i32
      %dma_wait3A_43 = tpu.memref_slice %arg13[%add3A_8, %dma_wait3A_42] : memref<10240x64xbf16, #tpu.memory_space<vmem_shared>> -> memref<64x64xbf16, #tpu.memory_space<vmem_shared>>
      %dma_wait3A_44 = arith.constant 0 : i32
      %dma_wait3A_45 = arith.constant 0 : i32
      %dma_wait3A_46 = tpu.memref_slice %arg9[%dma_wait3A_44, %dma_wait3A_45] : memref<64x64xbf16, #tpu.memory_space<vmem>> -> memref<64x64xbf16, #tpu.memory_space<vmem>>
      tpu.wait_dma2 semaphore(%run_scoped3A : memref<!tpu.dma_semaphore, #tpu.memory_space<semaphore_mem>>) src(%dma_wait3A_46 : memref<64x64xbf16, #tpu.memory_space<vmem>>) dst(%dma_wait3A_43 : memref<64x64xbf16, #tpu.memory_space<vmem_shared>>)
      tpu.yield
    }) : () -> ()
    %add3A_9 = arith.constant 192 : i32
    %add3A_10 = arith.addi %mul3A_2, %add3A_9 : i32
    "tpu.region"() ({
      %run_scoped3A = tpu.sem_alloc : memref<!tpu.dma_semaphore, #tpu.memory_space<semaphore_mem>>
      %dma_start3A = arith.constant 0 : i32
      %dma_start3A_29 = arith.constant 0 : i32
      %dma_start3A_30 = tpu.memref_slice %arg9[%dma_start3A, %dma_start3A_29] : memref<64x64xbf16, #tpu.memory_space<vmem>> -> memref<64x64xbf16, #tpu.memory_space<vmem>>
      %dma_start3A_31 = arith.constant 0 : i32
      %dma_start3A_32 = tpu.memref_slice %arg13[%add3A_10, %dma_start3A_31] : memref<10240x64xbf16, #tpu.memory_space<vmem_shared>> -> memref<64x64xbf16, #tpu.memory_space<vmem_shared>>
      %dma_start3A_33 = arith.constant 0 : i32
      %dma_start3A_34 = tpu.memref_slice %arg13[%add3A_10, %dma_start3A_33] : memref<10240x64xbf16, #tpu.memory_space<vmem_shared>> -> memref<64x64xbf16, #tpu.memory_space<vmem_shared>>
      %dma_start3A_35 = arith.constant 0 : i32
      %dma_start3A_36 = arith.constant 0 : i32
      %dma_start3A_37 = tpu.memref_slice %arg9[%dma_start3A_35, %dma_start3A_36] : memref<64x64xbf16, #tpu.memory_space<vmem>> -> memref<64x64xbf16, #tpu.memory_space<vmem>>
      tpu.enqueue_dma source(%dma_start3A_37 : memref<64x64xbf16, #tpu.memory_space<vmem>>) target(%dma_start3A_34 : memref<64x64xbf16, #tpu.memory_space<vmem_shared>>) target_semaphore(%run_scoped3A : memref<!tpu.dma_semaphore, #tpu.memory_space<semaphore_mem>>)
      %dma_wait3A = arith.constant 0 : i32
      %dma_wait3A_38 = arith.constant 0 : i32
      %dma_wait3A_39 = tpu.memref_slice %arg9[%dma_wait3A, %dma_wait3A_38] : memref<64x64xbf16, #tpu.memory_space<vmem>> -> memref<64x64xbf16, #tpu.memory_space<vmem>>
      %dma_wait3A_40 = arith.constant 0 : i32
      %dma_wait3A_41 = tpu.memref_slice %arg13[%add3A_10, %dma_wait3A_40] : memref<10240x64xbf16, #tpu.memory_space<vmem_shared>> -> memref<64x64xbf16, #tpu.memory_space<vmem_shared>>
      %dma_wait3A_42 = arith.constant 0 : i32
      %dma_wait3A_43 = tpu.memref_slice %arg13[%add3A_10, %dma_wait3A_42] : memref<10240x64xbf16, #tpu.memory_space<vmem_shared>> -> memref<64x64xbf16, #tpu.memory_space<vmem_shared>>
      %dma_wait3A_44 = arith.constant 0 : i32
      %dma_wait3A_45 = arith.constant 0 : i32
      %dma_wait3A_46 = tpu.memref_slice %arg9[%dma_wait3A_44, %dma_wait3A_45] : memref<64x64xbf16, #tpu.memory_space<vmem>> -> memref<64x64xbf16, #tpu.memory_space<vmem>>
      tpu.wait_dma2 semaphore(%run_scoped3A : memref<!tpu.dma_semaphore, #tpu.memory_space<semaphore_mem>>) src(%dma_wait3A_46 : memref<64x64xbf16, #tpu.memory_space<vmem>>) dst(%dma_wait3A_43 : memref<64x64xbf16, #tpu.memory_space<vmem_shared>>)
      tpu.yield
    }) : () -> ()
    %add3A_11 = arith.constant 256 : i32
    %add3A_12 = arith.addi %mul3A_2, %add3A_11 : i32
    "tpu.region"() ({
      %run_scoped3A = tpu.sem_alloc : memref<!tpu.dma_semaphore, #tpu.memory_space<semaphore_mem>>
      %dma_start3A = arith.constant 0 : i32
      %dma_start3A_29 = arith.constant 0 : i32
      %dma_start3A_30 = tpu.memref_slice %arg9[%dma_start3A, %dma_start3A_29] : memref<64x64xbf16, #tpu.memory_space<vmem>> -> memref<64x64xbf16, #tpu.memory_space<vmem>>
      %dma_start3A_31 = arith.constant 0 : i32
      %dma_start3A_32 = tpu.memref_slice %arg13[%add3A_12, %dma_start3A_31] : memref<10240x64xbf16, #tpu.memory_space<vmem_shared>> -> memref<64x64xbf16, #tpu.memory_space<vmem_shared>>
      %dma_start3A_33 = arith.constant 0 : i32
      %dma_start3A_34 = tpu.memref_slice %arg13[%add3A_12, %dma_start3A_33] : memref<10240x64xbf16, #tpu.memory_space<vmem_shared>> -> memref<64x64xbf16, #tpu.memory_space<vmem_shared>>
      %dma_start3A_35 = arith.constant 0 : i32
      %dma_start3A_36 = arith.constant 0 : i32
      %dma_start3A_37 = tpu.memref_slice %arg9[%dma_start3A_35, %dma_start3A_36] : memref<64x64xbf16, #tpu.memory_space<vmem>> -> memref<64x64xbf16, #tpu.memory_space<vmem>>
      tpu.enqueue_dma source(%dma_start3A_37 : memref<64x64xbf16, #tpu.memory_space<vmem>>) target(%dma_start3A_34 : memref<64x64xbf16, #tpu.memory_space<vmem_shared>>) target_semaphore(%run_scoped3A : memref<!tpu.dma_semaphore, #tpu.memory_space<semaphore_mem>>)
      %dma_wait3A = arith.constant 0 : i32
      %dma_wait3A_38 = arith.constant 0 : i32
      %dma_wait3A_39 = tpu.memref_slice %arg9[%dma_wait3A, %dma_wait3A_38] : memref<64x64xbf16, #tpu.memory_space<vmem>> -> memref<64x64xbf16, #tpu.memory_space<vmem>>
      %dma_wait3A_40 = arith.constant 0 : i32
      %dma_wait3A_41 = tpu.memref_slice %arg13[%add3A_12, %dma_wait3A_40] : memref<10240x64xbf16, #tpu.memory_space<vmem_shared>> -> memref<64x64xbf16, #tpu.memory_space<vmem_shared>>
      %dma_wait3A_42 = arith.constant 0 : i32
      %dma_wait3A_43 = tpu.memref_slice %arg13[%add3A_12, %dma_wait3A_42] : memref<10240x64xbf16, #tpu.memory_space<vmem_shared>> -> memref<64x64xbf16, #tpu.memory_space<vmem_shared>>
      %dma_wait3A_44 = arith.constant 0 : i32
      %dma_wait3A_45 = arith.constant 0 : i32
      %dma_wait3A_46 = tpu.memref_slice %arg9[%dma_wait3A_44, %dma_wait3A_45] : memref<64x64xbf16, #tpu.memory_space<vmem>> -> memref<64x64xbf16, #tpu.memory_space<vmem>>
      tpu.wait_dma2 semaphore(%run_scoped3A : memref<!tpu.dma_semaphore, #tpu.memory_space<semaphore_mem>>) src(%dma_wait3A_46 : memref<64x64xbf16, #tpu.memory_space<vmem>>) dst(%dma_wait3A_43 : memref<64x64xbf16, #tpu.memory_space<vmem_shared>>)
      tpu.yield
    }) : () -> ()
    %add3A_13 = arith.constant 320 : i32
    %add3A_14 = arith.addi %mul3A_2, %add3A_13 : i32
    "tpu.region"() ({
      %run_scoped3A = tpu.sem_alloc : memref<!tpu.dma_semaphore, #tpu.memory_space<semaphore_mem>>
      %dma_start3A = arith.constant 0 : i32
      %dma_start3A_29 = arith.constant 0 : i32
      %dma_start3A_30 = tpu.memref_slice %arg9[%dma_start3A, %dma_start3A_29] : memref<64x64xbf16, #tpu.memory_space<vmem>> -> memref<64x64xbf16, #tpu.memory_space<vmem>>
      %dma_start3A_31 = arith.constant 0 : i32
      %dma_start3A_32 = tpu.memref_slice %arg13[%add3A_14, %dma_start3A_31] : memref<10240x64xbf16, #tpu.memory_space<vmem_shared>> -> memref<64x64xbf16, #tpu.memory_space<vmem_shared>>
      %dma_start3A_33 = arith.constant 0 : i32
      %dma_start3A_34 = tpu.memref_slice %arg13[%add3A_14, %dma_start3A_33] : memref<10240x64xbf16, #tpu.memory_space<vmem_shared>> -> memref<64x64xbf16, #tpu.memory_space<vmem_shared>>
      %dma_start3A_35 = arith.constant 0 : i32
      %dma_start3A_36 = arith.constant 0 : i32
      %dma_start3A_37 = tpu.memref_slice %arg9[%dma_start3A_35, %dma_start3A_36] : memref<64x64xbf16, #tpu.memory_space<vmem>> -> memref<64x64xbf16, #tpu.memory_space<vmem>>
      tpu.enqueue_dma source(%dma_start3A_37 : memref<64x64xbf16, #tpu.memory_space<vmem>>) target(%dma_start3A_34 : memref<64x64xbf16, #tpu.memory_space<vmem_shared>>) target_semaphore(%run_scoped3A : memref<!tpu.dma_semaphore, #tpu.memory_space<semaphore_mem>>)
      %dma_wait3A = arith.constant 0 : i32
      %dma_wait3A_38 = arith.constant 0 : i32
      %dma_wait3A_39 = tpu.memref_slice %arg9[%dma_wait3A, %dma_wait3A_38] : memref<64x64xbf16, #tpu.memory_space<vmem>> -> memref<64x64xbf16, #tpu.memory_space<vmem>>
      %dma_wait3A_40 = arith.constant 0 : i32
      %dma_wait3A_41 = tpu.memref_slice %arg13[%add3A_14, %dma_wait3A_40] : memref<10240x64xbf16, #tpu.memory_space<vmem_shared>> -> memref<64x64xbf16, #tpu.memory_space<vmem_shared>>
      %dma_wait3A_42 = arith.constant 0 : i32
      %dma_wait3A_43 = tpu.memref_slice %arg13[%add3A_14, %dma_wait3A_42] : memref<10240x64xbf16, #tpu.memory_space<vmem_shared>> -> memref<64x64xbf16, #tpu.memory_space<vmem_shared>>
      %dma_wait3A_44 = arith.constant 0 : i32
      %dma_wait3A_45 = arith.constant 0 : i32
      %dma_wait3A_46 = tpu.memref_slice %arg9[%dma_wait3A_44, %dma_wait3A_45] : memref<64x64xbf16, #tpu.memory_space<vmem>> -> memref<64x64xbf16, #tpu.memory_space<vmem>>
      tpu.wait_dma2 semaphore(%run_scoped3A : memref<!tpu.dma_semaphore, #tpu.memory_space<semaphore_mem>>) src(%dma_wait3A_46 : memref<64x64xbf16, #tpu.memory_space<vmem>>) dst(%dma_wait3A_43 : memref<64x64xbf16, #tpu.memory_space<vmem_shared>>)
      tpu.yield
    }) : () -> ()
    %add3A_15 = arith.constant 384 : i32
    %add3A_16 = arith.addi %mul3A_2, %add3A_15 : i32
    "tpu.region"() ({
      %run_scoped3A = tpu.sem_alloc : memref<!tpu.dma_semaphore, #tpu.memory_space<semaphore_mem>>
      %dma_start3A = arith.constant 0 : i32
      %dma_start3A_29 = arith.constant 0 : i32
      %dma_start3A_30 = tpu.memref_slice %arg9[%dma_start3A, %dma_start3A_29] : memref<64x64xbf16, #tpu.memory_space<vmem>> -> memref<64x64xbf16, #tpu.memory_space<vmem>>
      %dma_start3A_31 = arith.constant 0 : i32
      %dma_start3A_32 = tpu.memref_slice %arg13[%add3A_16, %dma_start3A_31] : memref<10240x64xbf16, #tpu.memory_space<vmem_shared>> -> memref<64x64xbf16, #tpu.memory_space<vmem_shared>>
      %dma_start3A_33 = arith.constant 0 : i32
      %dma_start3A_34 = tpu.memref_slice %arg13[%add3A_16, %dma_start3A_33] : memref<10240x64xbf16, #tpu.memory_space<vmem_shared>> -> memref<64x64xbf16, #tpu.memory_space<vmem_shared>>
      %dma_start3A_35 = arith.constant 0 : i32
      %dma_start3A_36 = arith.constant 0 : i32
      %dma_start3A_37 = tpu.memref_slice %arg9[%dma_start3A_35, %dma_start3A_36] : memref<64x64xbf16, #tpu.memory_space<vmem>> -> memref<64x64xbf16, #tpu.memory_space<vmem>>
      tpu.enqueue_dma source(%dma_start3A_37 : memref<64x64xbf16, #tpu.memory_space<vmem>>) target(%dma_start3A_34 : memref<64x64xbf16, #tpu.memory_space<vmem_shared>>) target_semaphore(%run_scoped3A : memref<!tpu.dma_semaphore, #tpu.memory_space<semaphore_mem>>)
      %dma_wait3A = arith.constant 0 : i32
      %dma_wait3A_38 = arith.constant 0 : i32
      %dma_wait3A_39 = tpu.memref_slice %arg9[%dma_wait3A, %dma_wait3A_38] : memref<64x64xbf16, #tpu.memory_space<vmem>> -> memref<64x64xbf16, #tpu.memory_space<vmem>>
      %dma_wait3A_40 = arith.constant 0 : i32
      %dma_wait3A_41 = tpu.memref_slice %arg13[%add3A_16, %dma_wait3A_40] : memref<10240x64xbf16, #tpu.memory_space<vmem_shared>> -> memref<64x64xbf16, #tpu.memory_space<vmem_shared>>
      %dma_wait3A_42 = arith.constant 0 : i32
      %dma_wait3A_43 = tpu.memref_slice %arg13[%add3A_16, %dma_wait3A_42] : memref<10240x64xbf16, #tpu.memory_space<vmem_shared>> -> memref<64x64xbf16, #tpu.memory_space<vmem_shared>>
      %dma_wait3A_44 = arith.constant 0 : i32
      %dma_wait3A_45 = arith.constant 0 : i32
      %dma_wait3A_46 = tpu.memref_slice %arg9[%dma_wait3A_44, %dma_wait3A_45] : memref<64x64xbf16, #tpu.memory_space<vmem>> -> memref<64x64xbf16, #tpu.memory_space<vmem>>
      tpu.wait_dma2 semaphore(%run_scoped3A : memref<!tpu.dma_semaphore, #tpu.memory_space<semaphore_mem>>) src(%dma_wait3A_46 : memref<64x64xbf16, #tpu.memory_space<vmem>>) dst(%dma_wait3A_43 : memref<64x64xbf16, #tpu.memory_space<vmem_shared>>)
      tpu.yield
    }) : () -> ()
    %add3A_17 = arith.constant 448 : i32
    %add3A_18 = arith.addi %mul3A_2, %add3A_17 : i32
    "tpu.region"() ({
      %run_scoped3A = tpu.sem_alloc : memref<!tpu.dma_semaphore, #tpu.memory_space<semaphore_mem>>
      %dma_start3A = arith.constant 0 : i32
      %dma_start3A_29 = arith.constant 0 : i32
      %dma_start3A_30 = tpu.memref_slice %arg9[%dma_start3A, %dma_start3A_29] : memref<64x64xbf16, #tpu.memory_space<vmem>> -> memref<64x64xbf16, #tpu.memory_space<vmem>>
      %dma_start3A_31 = arith.constant 0 : i32
      %dma_start3A_32 = tpu.memref_slice %arg13[%add3A_18, %dma_start3A_31] : memref<10240x64xbf16, #tpu.memory_space<vmem_shared>> -> memref<64x64xbf16, #tpu.memory_space<vmem_shared>>
      %dma_start3A_33 = arith.constant 0 : i32
      %dma_start3A_34 = tpu.memref_slice %arg13[%add3A_18, %dma_start3A_33] : memref<10240x64xbf16, #tpu.memory_space<vmem_shared>> -> memref<64x64xbf16, #tpu.memory_space<vmem_shared>>
      %dma_start3A_35 = arith.constant 0 : i32
      %dma_start3A_36 = arith.constant 0 : i32
      %dma_start3A_37 = tpu.memref_slice %arg9[%dma_start3A_35, %dma_start3A_36] : memref<64x64xbf16, #tpu.memory_space<vmem>> -> memref<64x64xbf16, #tpu.memory_space<vmem>>
      tpu.enqueue_dma source(%dma_start3A_37 : memref<64x64xbf16, #tpu.memory_space<vmem>>) target(%dma_start3A_34 : memref<64x64xbf16, #tpu.memory_space<vmem_shared>>) target_semaphore(%run_scoped3A : memref<!tpu.dma_semaphore, #tpu.memory_space<semaphore_mem>>)
      %dma_wait3A = arith.constant 0 : i32
      %dma_wait3A_38 = arith.constant 0 : i32
      %dma_wait3A_39 = tpu.memref_slice %arg9[%dma_wait3A, %dma_wait3A_38] : memref<64x64xbf16, #tpu.memory_space<vmem>> -> memref<64x64xbf16, #tpu.memory_space<vmem>>
      %dma_wait3A_40 = arith.constant 0 : i32
      %dma_wait3A_41 = tpu.memref_slice %arg13[%add3A_18, %dma_wait3A_40] : memref<10240x64xbf16, #tpu.memory_space<vmem_shared>> -> memref<64x64xbf16, #tpu.memory_space<vmem_shared>>
      %dma_wait3A_42 = arith.constant 0 : i32
      %dma_wait3A_43 = tpu.memref_slice %arg13[%add3A_18, %dma_wait3A_42] : memref<10240x64xbf16, #tpu.memory_space<vmem_shared>> -> memref<64x64xbf16, #tpu.memory_space<vmem_shared>>
      %dma_wait3A_44 = arith.constant 0 : i32
      %dma_wait3A_45 = arith.constant 0 : i32
      %dma_wait3A_46 = tpu.memref_slice %arg9[%dma_wait3A_44, %dma_wait3A_45] : memref<64x64xbf16, #tpu.memory_space<vmem>> -> memref<64x64xbf16, #tpu.memory_space<vmem>>
      tpu.wait_dma2 semaphore(%run_scoped3A : memref<!tpu.dma_semaphore, #tpu.memory_space<semaphore_mem>>) src(%dma_wait3A_46 : memref<64x64xbf16, #tpu.memory_space<vmem>>) dst(%dma_wait3A_43 : memref<64x64xbf16, #tpu.memory_space<vmem_shared>>)
      tpu.yield
    }) : () -> ()
    %add3A_19 = arith.constant 512 : i32
    %add3A_20 = arith.addi %mul3A_2, %add3A_19 : i32
    "tpu.region"() ({
      %run_scoped3A = tpu.sem_alloc : memref<!tpu.dma_semaphore, #tpu.memory_space<semaphore_mem>>
      %dma_start3A = arith.constant 0 : i32
      %dma_start3A_29 = arith.constant 0 : i32
      %dma_start3A_30 = tpu.memref_slice %arg9[%dma_start3A, %dma_start3A_29] : memref<64x64xbf16, #tpu.memory_space<vmem>> -> memref<64x64xbf16, #tpu.memory_space<vmem>>
      %dma_start3A_31 = arith.constant 0 : i32
      %dma_start3A_32 = tpu.memref_slice %arg13[%add3A_20, %dma_start3A_31] : memref<10240x64xbf16, #tpu.memory_space<vmem_shared>> -> memref<64x64xbf16, #tpu.memory_space<vmem_shared>>
      %dma_start3A_33 = arith.constant 0 : i32
      %dma_start3A_34 = tpu.memref_slice %arg13[%add3A_20, %dma_start3A_33] : memref<10240x64xbf16, #tpu.memory_space<vmem_shared>> -> memref<64x64xbf16, #tpu.memory_space<vmem_shared>>
      %dma_start3A_35 = arith.constant 0 : i32
      %dma_start3A_36 = arith.constant 0 : i32
      %dma_start3A_37 = tpu.memref_slice %arg9[%dma_start3A_35, %dma_start3A_36] : memref<64x64xbf16, #tpu.memory_space<vmem>> -> memref<64x64xbf16, #tpu.memory_space<vmem>>
      tpu.enqueue_dma source(%dma_start3A_37 : memref<64x64xbf16, #tpu.memory_space<vmem>>) target(%dma_start3A_34 : memref<64x64xbf16, #tpu.memory_space<vmem_shared>>) target_semaphore(%run_scoped3A : memref<!tpu.dma_semaphore, #tpu.memory_space<semaphore_mem>>)
      %dma_wait3A = arith.constant 0 : i32
      %dma_wait3A_38 = arith.constant 0 : i32
      %dma_wait3A_39 = tpu.memref_slice %arg9[%dma_wait3A, %dma_wait3A_38] : memref<64x64xbf16, #tpu.memory_space<vmem>> -> memref<64x64xbf16, #tpu.memory_space<vmem>>
      %dma_wait3A_40 = arith.constant 0 : i32
      %dma_wait3A_41 = tpu.memref_slice %arg13[%add3A_20, %dma_wait3A_40] : memref<10240x64xbf16, #tpu.memory_space<vmem_shared>> -> memref<64x64xbf16, #tpu.memory_space<vmem_shared>>
      %dma_wait3A_42 = arith.constant 0 : i32
      %dma_wait3A_43 = tpu.memref_slice %arg13[%add3A_20, %dma_wait3A_42] : memref<10240x64xbf16, #tpu.memory_space<vmem_shared>> -> memref<64x64xbf16, #tpu.memory_space<vmem_shared>>
      %dma_wait3A_44 = arith.constant 0 : i32
      %dma_wait3A_45 = arith.constant 0 : i32
      %dma_wait3A_46 = tpu.memref_slice %arg9[%dma_wait3A_44, %dma_wait3A_45] : memref<64x64xbf16, #tpu.memory_space<vmem>> -> memref<64x64xbf16, #tpu.memory_space<vmem>>
      tpu.wait_dma2 semaphore(%run_scoped3A : memref<!tpu.dma_semaphore, #tpu.memory_space<semaphore_mem>>) src(%dma_wait3A_46 : memref<64x64xbf16, #tpu.memory_space<vmem>>) dst(%dma_wait3A_43 : memref<64x64xbf16, #tpu.memory_space<vmem_shared>>)
      tpu.yield
    }) : () -> ()
    %add3A_21 = arith.constant 576 : i32
    %add3A_22 = arith.addi %mul3A_2, %add3A_21 : i32
    "tpu.region"() ({
      %run_scoped3A = tpu.sem_alloc : memref<!tpu.dma_semaphore, #tpu.memory_space<semaphore_mem>>
      %dma_start3A = arith.constant 0 : i32
      %dma_start3A_29 = arith.constant 0 : i32
      %dma_start3A_30 = tpu.memref_slice %arg9[%dma_start3A, %dma_start3A_29] : memref<64x64xbf16, #tpu.memory_space<vmem>> -> memref<64x64xbf16, #tpu.memory_space<vmem>>
      %dma_start3A_31 = arith.constant 0 : i32
      %dma_start3A_32 = tpu.memref_slice %arg13[%add3A_22, %dma_start3A_31] : memref<10240x64xbf16, #tpu.memory_space<vmem_shared>> -> memref<64x64xbf16, #tpu.memory_space<vmem_shared>>
      %dma_start3A_33 = arith.constant 0 : i32
      %dma_start3A_34 = tpu.memref_slice %arg13[%add3A_22, %dma_start3A_33] : memref<10240x64xbf16, #tpu.memory_space<vmem_shared>> -> memref<64x64xbf16, #tpu.memory_space<vmem_shared>>
      %dma_start3A_35 = arith.constant 0 : i32
      %dma_start3A_36 = arith.constant 0 : i32
      %dma_start3A_37 = tpu.memref_slice %arg9[%dma_start3A_35, %dma_start3A_36] : memref<64x64xbf16, #tpu.memory_space<vmem>> -> memref<64x64xbf16, #tpu.memory_space<vmem>>
      tpu.enqueue_dma source(%dma_start3A_37 : memref<64x64xbf16, #tpu.memory_space<vmem>>) target(%dma_start3A_34 : memref<64x64xbf16, #tpu.memory_space<vmem_shared>>) target_semaphore(%run_scoped3A : memref<!tpu.dma_semaphore, #tpu.memory_space<semaphore_mem>>)
      %dma_wait3A = arith.constant 0 : i32
      %dma_wait3A_38 = arith.constant 0 : i32
      %dma_wait3A_39 = tpu.memref_slice %arg9[%dma_wait3A, %dma_wait3A_38] : memref<64x64xbf16, #tpu.memory_space<vmem>> -> memref<64x64xbf16, #tpu.memory_space<vmem>>
      %dma_wait3A_40 = arith.constant 0 : i32
      %dma_wait3A_41 = tpu.memref_slice %arg13[%add3A_22, %dma_wait3A_40] : memref<10240x64xbf16, #tpu.memory_space<vmem_shared>> -> memref<64x64xbf16, #tpu.memory_space<vmem_shared>>
      %dma_wait3A_42 = arith.constant 0 : i32
      %dma_wait3A_43 = tpu.memref_slice %arg13[%add3A_22, %dma_wait3A_42] : memref<10240x64xbf16, #tpu.memory_space<vmem_shared>> -> memref<64x64xbf16, #tpu.memory_space<vmem_shared>>
      %dma_wait3A_44 = arith.constant 0 : i32
      %dma_wait3A_45 = arith.constant 0 : i32
      %dma_wait3A_46 = tpu.memref_slice %arg9[%dma_wait3A_44, %dma_wait3A_45] : memref<64x64xbf16, #tpu.memory_space<vmem>> -> memref<64x64xbf16, #tpu.memory_space<vmem>>
      tpu.wait_dma2 semaphore(%run_scoped3A : memref<!tpu.dma_semaphore, #tpu.memory_space<semaphore_mem>>) src(%dma_wait3A_46 : memref<64x64xbf16, #tpu.memory_space<vmem>>) dst(%dma_wait3A_43 : memref<64x64xbf16, #tpu.memory_space<vmem_shared>>)
      tpu.yield
    }) : () -> ()
    %barrier3A = arith.constant 0 : index
    tpu.barrier barrier_id(%barrier3A)
    %scan3A = arith.constant 0 : i32
    %scan3A_23 = arith.constant 0 : i32
    %scan3A_24 = arith.constant 4 : i32
    %scan3A_25 = arith.addi %scan3A_23, %scan3A_24 : i32
    %scan3A_26 = arith.constant 1 : i32
    scf.for %scan3A_29 = %scan3A_23 to %scan3A_25 step %scan3A_26  : i32 {
      %mul3A_30 = arith.constant 40 : i32
      %mul3A_31 = arith.muli %scan3A_29, %mul3A_30 : i32
      "tpu.region"() ({
        %run_scoped3A = tpu.sem_alloc : memref<!tpu.dma_semaphore, #tpu.memory_space<semaphore_mem>>
        %dma_start3A_262 = arith.constant 0 : i32
        %dma_start3A_263 = tpu.memref_slice %arg3[%add3A, %mul3A_31, %dma_start3A_262] : memref<32x160x64xi32, #tpu.memory_space<hbm>> -> memref<1x40x64xi32, #tpu.memory_space<hbm>>
        %dma_start3A_264 = tpu.memref_squeeze %dma_start3A_263 : memref<1x40x64xi32, #tpu.memory_space<hbm>> -> memref<40x64xi32, #tpu.memory_space<hbm>>
        %dma_start3A_265 = arith.constant 0 : i32
        %dma_start3A_266 = tpu.memref_slice %arg3[%add3A, %mul3A_31, %dma_start3A_265] : memref<32x160x64xi32, #tpu.memory_space<hbm>> -> memref<1x40x64xi32, #tpu.memory_space<hbm>>
        %dma_start3A_267 = tpu.memref_squeeze %dma_start3A_266 : memref<1x40x64xi32, #tpu.memory_space<hbm>> -> memref<40x64xi32, #tpu.memory_space<hbm>>
        tpu.enqueue_dma source(%dma_start3A_267 : memref<40x64xi32, #tpu.memory_space<hbm>>) target(%arg7 : memref<40x64xi32, #tpu.memory_space<vmem>>) target_semaphore(%run_scoped3A : memref<!tpu.dma_semaphore, #tpu.memory_space<semaphore_mem>>)
        %dma_wait3A_268 = arith.constant 0 : i32
        %dma_wait3A_269 = tpu.memref_slice %arg3[%add3A, %mul3A_31, %dma_wait3A_268] : memref<32x160x64xi32, #tpu.memory_space<hbm>> -> memref<1x40x64xi32, #tpu.memory_space<hbm>>
        %dma_wait3A_270 = tpu.memref_squeeze %dma_wait3A_269 : memref<1x40x64xi32, #tpu.memory_space<hbm>> -> memref<40x64xi32, #tpu.memory_space<hbm>>
        %dma_wait3A_271 = arith.constant 0 : i32
        %dma_wait3A_272 = tpu.memref_slice %arg3[%add3A, %mul3A_31, %dma_wait3A_271] : memref<32x160x64xi32, #tpu.memory_space<hbm>> -> memref<1x40x64xi32, #tpu.memory_space<hbm>>
        %dma_wait3A_273 = tpu.memref_squeeze %dma_wait3A_272 : memref<1x40x64xi32, #tpu.memory_space<hbm>> -> memref<40x64xi32, #tpu.memory_space<hbm>>
        tpu.wait_dma2 semaphore(%run_scoped3A : memref<!tpu.dma_semaphore, #tpu.memory_space<semaphore_mem>>) src(%dma_wait3A_273 : memref<40x64xi32, #tpu.memory_space<hbm>>) dst(%arg7 : memref<40x64xi32, #tpu.memory_space<vmem>>)
        tpu.yield
      }) : () -> ()
      %mul3A_32 = arith.constant 40 : i32
      %mul3A_33 = arith.muli %scan3A_29, %mul3A_32 : i32
      "tpu.region"() ({
        %run_scoped3A = tpu.sem_alloc : memref<!tpu.dma_semaphore, #tpu.memory_space<semaphore_mem>>
        %dma_start3A_262 = arith.constant 0 : i32
        %dma_start3A_263 = tpu.memref_slice %arg4[%add3A, %mul3A_33, %dma_start3A_262] : memref<32x160x64xi32, #tpu.memory_space<hbm>> -> memref<1x40x64xi32, #tpu.memory_space<hbm>>
        %dma_start3A_264 = tpu.memref_squeeze %dma_start3A_263 : memref<1x40x64xi32, #tpu.memory_space<hbm>> -> memref<40x64xi32, #tpu.memory_space<hbm>>
        %dma_start3A_265 = arith.constant 0 : i32
        %dma_start3A_266 = tpu.memref_slice %arg4[%add3A, %mul3A_33, %dma_start3A_265] : memref<32x160x64xi32, #tpu.memory_space<hbm>> -> memref<1x40x64xi32, #tpu.memory_space<hbm>>
        %dma_start3A_267 = tpu.memref_squeeze %dma_start3A_266 : memref<1x40x64xi32, #tpu.memory_space<hbm>> -> memref<40x64xi32, #tpu.memory_space<hbm>>
        tpu.enqueue_dma source(%dma_start3A_267 : memref<40x64xi32, #tpu.memory_space<hbm>>) target(%arg8 : memref<40x64xi32, #tpu.memory_space<vmem>>) target_semaphore(%run_scoped3A : memref<!tpu.dma_semaphore, #tpu.memory_space<semaphore_mem>>)
        %dma_wait3A_268 = arith.constant 0 : i32
        %dma_wait3A_269 = tpu.memref_slice %arg4[%add3A, %mul3A_33, %dma_wait3A_268] : memref<32x160x64xi32, #tpu.memory_space<hbm>> -> memref<1x40x64xi32, #tpu.memory_space<hbm>>
        %dma_wait3A_270 = tpu.memref_squeeze %dma_wait3A_269 : memref<1x40x64xi32, #tpu.memory_space<hbm>> -> memref<40x64xi32, #tpu.memory_space<hbm>>
        %dma_wait3A_271 = arith.constant 0 : i32
        %dma_wait3A_272 = tpu.memref_slice %arg4[%add3A, %mul3A_33, %dma_wait3A_271] : memref<32x160x64xi32, #tpu.memory_space<hbm>> -> memref<1x40x64xi32, #tpu.memory_space<hbm>>
        %dma_wait3A_273 = tpu.memref_squeeze %dma_wait3A_272 : memref<1x40x64xi32, #tpu.memory_space<hbm>> -> memref<40x64xi32, #tpu.memory_space<hbm>>
        tpu.wait_dma2 semaphore(%run_scoped3A : memref<!tpu.dma_semaphore, #tpu.memory_space<semaphore_mem>>) src(%dma_wait3A_273 : memref<40x64xi32, #tpu.memory_space<hbm>>) dst(%arg8 : memref<40x64xi32, #tpu.memory_space<vmem>>)
        tpu.yield
      }) : () -> ()
      %dma_start3A = arith.constant 0 : i32
      %dma_start3A_34 = arith.constant 0 : i32
      %dma_start3A_35 = tpu.memref_slice %arg7[%dma_start3A, %dma_start3A_34] : memref<40x64xi32, #tpu.memory_space<vmem>> -> memref<1x64xi32, #tpu.memory_space<vmem>>
      %dma_start3A_36 = tpu.memref_squeeze %dma_start3A_35 : memref<1x64xi32, #tpu.memory_space<vmem>> -> memref<64xi32, #tpu.memory_space<vmem>>
      %dma_start3A_37 = arith.constant 0 : i32
      %dma_start3A_38 = arith.constant 0 : i32
      %dma_start3A_39 = tpu.memref_slice %arg2[%dma_start3A_37, %dma_start3A_38] : memref<10000x64xbf16, #tpu.memory_space<hbm>> -> memref<10000x64xbf16, #tpu.memory_space<hbm>>
      tpu.enqueue_indirect_dma source(%dma_start3A_39 : memref<10000x64xbf16, #tpu.memory_space<hbm>>) target(%arg9 : memref<64x64xbf16, #tpu.memory_space<vmem>>) offsets(%dma_start3A_36 : memref<64xi32, #tpu.memory_space<vmem>>) semaphore(%arg14 : memref<!tpu.dma_semaphore, #tpu.memory_space<semaphore_mem>>)
      %dma_start3A_40 = arith.constant 1 : i32
      %dma_start3A_41 = arith.constant 0 : i32
      %dma_start3A_42 = tpu.memref_slice %arg7[%dma_start3A_40, %dma_start3A_41] : memref<40x64xi32, #tpu.memory_space<vmem>> -> memref<1x64xi32, #tpu.memory_space<vmem>>
      %dma_start3A_43 = tpu.memref_squeeze %dma_start3A_42 : memref<1x64xi32, #tpu.memory_space<vmem>> -> memref<64xi32, #tpu.memory_space<vmem>>
      %dma_start3A_44 = arith.constant 0 : i32
      %dma_start3A_45 = arith.constant 0 : i32
      %dma_start3A_46 = tpu.memref_slice %arg2[%dma_start3A_44, %dma_start3A_45] : memref<10000x64xbf16, #tpu.memory_space<hbm>> -> memref<10000x64xbf16, #tpu.memory_space<hbm>>
      tpu.enqueue_indirect_dma source(%dma_start3A_46 : memref<10000x64xbf16, #tpu.memory_space<hbm>>) target(%arg10 : memref<64x64xbf16, #tpu.memory_space<vmem>>) offsets(%dma_start3A_43 : memref<64xi32, #tpu.memory_space<vmem>>) semaphore(%arg15 : memref<!tpu.dma_semaphore, #tpu.memory_space<semaphore_mem>>)
      %dma_start3A_47 = arith.constant 2 : i32
      %dma_start3A_48 = arith.constant 0 : i32
      %dma_start3A_49 = tpu.memref_slice %arg7[%dma_start3A_47, %dma_start3A_48] : memref<40x64xi32, #tpu.memory_space<vmem>> -> memref<1x64xi32, #tpu.memory_space<vmem>>
      %dma_start3A_50 = tpu.memref_squeeze %dma_start3A_49 : memref<1x64xi32, #tpu.memory_space<vmem>> -> memref<64xi32, #tpu.memory_space<vmem>>
      %dma_start3A_51 = arith.constant 0 : i32
      %dma_start3A_52 = arith.constant 0 : i32
      %dma_start3A_53 = tpu.memref_slice %arg2[%dma_start3A_51, %dma_start3A_52] : memref<10000x64xbf16, #tpu.memory_space<hbm>> -> memref<10000x64xbf16, #tpu.memory_space<hbm>>
      tpu.enqueue_indirect_dma source(%dma_start3A_53 : memref<10000x64xbf16, #tpu.memory_space<hbm>>) target(%arg11 : memref<64x64xbf16, #tpu.memory_space<vmem>>) offsets(%dma_start3A_50 : memref<64xi32, #tpu.memory_space<vmem>>) semaphore(%arg16 : memref<!tpu.dma_semaphore, #tpu.memory_space<semaphore_mem>>)
      %dma_wait3A = arith.constant 0 : i32
      %dma_wait3A_54 = arith.constant 0 : i32
      %dma_wait3A_55 = tpu.memref_slice %arg7[%dma_wait3A, %dma_wait3A_54] : memref<40x64xi32, #tpu.memory_space<vmem>> -> memref<1x64xi32, #tpu.memory_space<vmem>>
      %dma_wait3A_56 = tpu.memref_squeeze %dma_wait3A_55 : memref<1x64xi32, #tpu.memory_space<vmem>> -> memref<64xi32, #tpu.memory_space<vmem>>
      %dma_wait3A_57 = arith.constant 0 : i32
      %dma_wait3A_58 = arith.constant 0 : i32
      %dma_wait3A_59 = tpu.memref_slice %arg2[%dma_wait3A_57, %dma_wait3A_58] : memref<10000x64xbf16, #tpu.memory_space<hbm>> -> memref<10000x64xbf16, #tpu.memory_space<hbm>>
      tpu.wait_indirect_dma semaphore(%arg14 : memref<!tpu.dma_semaphore, #tpu.memory_space<semaphore_mem>>) src(%dma_wait3A_59 : memref<10000x64xbf16, #tpu.memory_space<hbm>>) dst(%arg9 : memref<64x64xbf16, #tpu.memory_space<vmem>>)
      %dma_start3A_60 = arith.constant 0 : i32
      %dma_start3A_61 = arith.constant 0 : i32
      %dma_start3A_62 = tpu.memref_slice %arg8[%dma_start3A_60, %dma_start3A_61] : memref<40x64xi32, #tpu.memory_space<vmem>> -> memref<1x64xi32, #tpu.memory_space<vmem>>
      %dma_start3A_63 = tpu.memref_squeeze %dma_start3A_62 : memref<1x64xi32, #tpu.memory_space<vmem>> -> memref<64xi32, #tpu.memory_space<vmem>>
      %dma_start3A_64 = arith.constant 0 : i32
      %dma_start3A_65 = arith.constant 0 : i32
      %dma_start3A_66 = tpu.memref_slice %arg13[%dma_start3A_64, %dma_start3A_65] : memref<10240x64xbf16, #tpu.memory_space<vmem_shared>> -> memref<10240x64xbf16, #tpu.memory_space<vmem_shared>>
      tpu.enqueue_indirect_dma source(%arg9 : memref<64x64xbf16, #tpu.memory_space<vmem>>) target(%dma_start3A_66 : memref<10240x64xbf16, #tpu.memory_space<vmem_shared>>) offsets(%dma_start3A_63 : memref<64xi32, #tpu.memory_space<vmem>>) semaphore(%arg18 : memref<!tpu.dma_semaphore, #tpu.memory_space<semaphore_mem>>) {add = true}
      %dma_start3A_67 = arith.constant 3 : i32
      %dma_start3A_68 = arith.constant 0 : i32
      %dma_start3A_69 = tpu.memref_slice %arg7[%dma_start3A_67, %dma_start3A_68] : memref<40x64xi32, #tpu.memory_space<vmem>> -> memref<1x64xi32, #tpu.memory_space<vmem>>
      %dma_start3A_70 = tpu.memref_squeeze %dma_start3A_69 : memref<1x64xi32, #tpu.memory_space<vmem>> -> memref<64xi32, #tpu.memory_space<vmem>>
      %dma_start3A_71 = arith.constant 0 : i32
      %dma_start3A_72 = arith.constant 0 : i32
      %dma_start3A_73 = tpu.memref_slice %arg2[%dma_start3A_71, %dma_start3A_72] : memref<10000x64xbf16, #tpu.memory_space<hbm>> -> memref<10000x64xbf16, #tpu.memory_space<hbm>>
      tpu.enqueue_indirect_dma source(%dma_start3A_73 : memref<10000x64xbf16, #tpu.memory_space<hbm>>) target(%arg12 : memref<64x64xbf16, #tpu.memory_space<vmem>>) offsets(%dma_start3A_70 : memref<64xi32, #tpu.memory_space<vmem>>) semaphore(%arg17 : memref<!tpu.dma_semaphore, #tpu.memory_space<semaphore_mem>>)
      %dma_wait3A_74 = arith.constant 1 : i32
      %dma_wait3A_75 = arith.constant 0 : i32
      %dma_wait3A_76 = tpu.memref_slice %arg7[%dma_wait3A_74, %dma_wait3A_75] : memref<40x64xi32, #tpu.memory_space<vmem>> -> memref<1x64xi32, #tpu.memory_space<vmem>>
      %dma_wait3A_77 = tpu.memref_squeeze %dma_wait3A_76 : memref<1x64xi32, #tpu.memory_space<vmem>> -> memref<64xi32, #tpu.memory_space<vmem>>
      %dma_wait3A_78 = arith.constant 0 : i32
      %dma_wait3A_79 = arith.constant 0 : i32
      %dma_wait3A_80 = tpu.memref_slice %arg2[%dma_wait3A_78, %dma_wait3A_79] : memref<10000x64xbf16, #tpu.memory_space<hbm>> -> memref<10000x64xbf16, #tpu.memory_space<hbm>>
      tpu.wait_indirect_dma semaphore(%arg15 : memref<!tpu.dma_semaphore, #tpu.memory_space<semaphore_mem>>) src(%dma_wait3A_80 : memref<10000x64xbf16, #tpu.memory_space<hbm>>) dst(%arg10 : memref<64x64xbf16, #tpu.memory_space<vmem>>)
      %dma_start3A_81 = arith.constant 1 : i32
      %dma_start3A_82 = arith.constant 0 : i32
      %dma_start3A_83 = tpu.memref_slice %arg8[%dma_start3A_81, %dma_start3A_82] : memref<40x64xi32, #tpu.memory_space<vmem>> -> memref<1x64xi32, #tpu.memory_space<vmem>>
      %dma_start3A_84 = tpu.memref_squeeze %dma_start3A_83 : memref<1x64xi32, #tpu.memory_space<vmem>> -> memref<64xi32, #tpu.memory_space<vmem>>
      %dma_start3A_85 = arith.constant 0 : i32
      %dma_start3A_86 = arith.constant 0 : i32
      %dma_start3A_87 = tpu.memref_slice %arg13[%dma_start3A_85, %dma_start3A_86] : memref<10240x64xbf16, #tpu.memory_space<vmem_shared>> -> memref<10240x64xbf16, #tpu.memory_space<vmem_shared>>
      tpu.enqueue_indirect_dma source(%arg10 : memref<64x64xbf16, #tpu.memory_space<vmem>>) target(%dma_start3A_87 : memref<10240x64xbf16, #tpu.memory_space<vmem_shared>>) offsets(%dma_start3A_84 : memref<64xi32, #tpu.memory_space<vmem>>) semaphore(%arg19 : memref<!tpu.dma_semaphore, #tpu.memory_space<semaphore_mem>>) {add = true}
      %dma_wait3A_88 = arith.constant 0 : i32
      %dma_wait3A_89 = arith.constant 0 : i32
      %dma_wait3A_90 = tpu.memref_slice %arg8[%dma_wait3A_88, %dma_wait3A_89] : memref<40x64xi32, #tpu.memory_space<vmem>> -> memref<1x64xi32, #tpu.memory_space<vmem>>
      %dma_wait3A_91 = tpu.memref_squeeze %dma_wait3A_90 : memref<1x64xi32, #tpu.memory_space<vmem>> -> memref<64xi32, #tpu.memory_space<vmem>>
      %dma_wait3A_92 = arith.constant 0 : i32
      %dma_wait3A_93 = arith.constant 0 : i32
      %dma_wait3A_94 = tpu.memref_slice %arg13[%dma_wait3A_92, %dma_wait3A_93] : memref<10240x64xbf16, #tpu.memory_space<vmem_shared>> -> memref<10240x64xbf16, #tpu.memory_space<vmem_shared>>
      tpu.wait_indirect_dma semaphore(%arg18 : memref<!tpu.dma_semaphore, #tpu.memory_space<semaphore_mem>>) src(%arg9 : memref<64x64xbf16, #tpu.memory_space<vmem>>) dst(%dma_wait3A_94 : memref<10240x64xbf16, #tpu.memory_space<vmem_shared>>)
      %dma_start3A_95 = arith.constant 4 : i32
      %dma_start3A_96 = arith.constant 0 : i32
      %dma_start3A_97 = tpu.memref_slice %arg7[%dma_start3A_95, %dma_start3A_96] : memref<40x64xi32, #tpu.memory_space<vmem>> -> memref<1x64xi32, #tpu.memory_space<vmem>>
      %dma_start3A_98 = tpu.memref_squeeze %dma_start3A_97 : memref<1x64xi32, #tpu.memory_space<vmem>> -> memref<64xi32, #tpu.memory_space<vmem>>
      %dma_start3A_99 = arith.constant 0 : i32
      %dma_start3A_100 = arith.constant 0 : i32
      %dma_start3A_101 = tpu.memref_slice %arg2[%dma_start3A_99, %dma_start3A_100] : memref<10000x64xbf16, #tpu.memory_space<hbm>> -> memref<10000x64xbf16, #tpu.memory_space<hbm>>
      tpu.enqueue_indirect_dma source(%dma_start3A_101 : memref<10000x64xbf16, #tpu.memory_space<hbm>>) target(%arg9 : memref<64x64xbf16, #tpu.memory_space<vmem>>) offsets(%dma_start3A_98 : memref<64xi32, #tpu.memory_space<vmem>>) semaphore(%arg14 : memref<!tpu.dma_semaphore, #tpu.memory_space<semaphore_mem>>)
      %dma_wait3A_102 = arith.constant 2 : i32
      %dma_wait3A_103 = arith.constant 0 : i32
      %dma_wait3A_104 = tpu.memref_slice %arg7[%dma_wait3A_102, %dma_wait3A_103] : memref<40x64xi32, #tpu.memory_space<vmem>> -> memref<1x64xi32, #tpu.memory_space<vmem>>
      %dma_wait3A_105 = tpu.memref_squeeze %dma_wait3A_104 : memref<1x64xi32, #tpu.memory_space<vmem>> -> memref<64xi32, #tpu.memory_space<vmem>>
      %dma_wait3A_106 = arith.constant 0 : i32
      %dma_wait3A_107 = arith.constant 0 : i32
      %dma_wait3A_108 = tpu.memref_slice %arg2[%dma_wait3A_106, %dma_wait3A_107] : memref<10000x64xbf16, #tpu.memory_space<hbm>> -> memref<10000x64xbf16, #tpu.memory_space<hbm>>
      tpu.wait_indirect_dma semaphore(%arg16 : memref<!tpu.dma_semaphore, #tpu.memory_space<semaphore_mem>>) src(%dma_wait3A_108 : memref<10000x64xbf16, #tpu.memory_space<hbm>>) dst(%arg11 : memref<64x64xbf16, #tpu.memory_space<vmem>>)
      %dma_start3A_109 = arith.constant 2 : i32
      %dma_start3A_110 = arith.constant 0 : i32
      %dma_start3A_111 = tpu.memref_slice %arg8[%dma_start3A_109, %dma_start3A_110] : memref<40x64xi32, #tpu.memory_space<vmem>> -> memref<1x64xi32, #tpu.memory_space<vmem>>
      %dma_start3A_112 = tpu.memref_squeeze %dma_start3A_111 : memref<1x64xi32, #tpu.memory_space<vmem>> -> memref<64xi32, #tpu.memory_space<vmem>>
      %dma_start3A_113 = arith.constant 0 : i32
      %dma_start3A_114 = arith.constant 0 : i32
      %dma_start3A_115 = tpu.memref_slice %arg13[%dma_start3A_113, %dma_start3A_114] : memref<10240x64xbf16, #tpu.memory_space<vmem_shared>> -> memref<10240x64xbf16, #tpu.memory_space<vmem_shared>>
      tpu.enqueue_indirect_dma source(%arg11 : memref<64x64xbf16, #tpu.memory_space<vmem>>) target(%dma_start3A_115 : memref<10240x64xbf16, #tpu.memory_space<vmem_shared>>) offsets(%dma_start3A_112 : memref<64xi32, #tpu.memory_space<vmem>>) semaphore(%arg20 : memref<!tpu.dma_semaphore, #tpu.memory_space<semaphore_mem>>) {add = true}
      %dma_wait3A_116 = arith.constant 1 : i32
      %dma_wait3A_117 = arith.constant 0 : i32
      %dma_wait3A_118 = tpu.memref_slice %arg8[%dma_wait3A_116, %dma_wait3A_117] : memref<40x64xi32, #tpu.memory_space<vmem>> -> memref<1x64xi32, #tpu.memory_space<vmem>>
      %dma_wait3A_119 = tpu.memref_squeeze %dma_wait3A_118 : memref<1x64xi32, #tpu.memory_space<vmem>> -> memref<64xi32, #tpu.memory_space<vmem>>
      %dma_wait3A_120 = arith.constant 0 : i32
      %dma_wait3A_121 = arith.constant 0 : i32
      %dma_wait3A_122 = tpu.memref_slice %arg13[%dma_wait3A_120, %dma_wait3A_121] : memref<10240x64xbf16, #tpu.memory_space<vmem_shared>> -> memref<10240x64xbf16, #tpu.memory_space<vmem_shared>>
      tpu.wait_indirect_dma semaphore(%arg19 : memref<!tpu.dma_semaphore, #tpu.memory_space<semaphore_mem>>) src(%arg10 : memref<64x64xbf16, #tpu.memory_space<vmem>>) dst(%dma_wait3A_122 : memref<10240x64xbf16, #tpu.memory_space<vmem_shared>>)
      %dma_start3A_123 = arith.constant 5 : i32
      %dma_start3A_124 = arith.constant 0 : i32
      %dma_start3A_125 = tpu.memref_slice %arg7[%dma_start3A_123, %dma_start3A_124] : memref<40x64xi32, #tpu.memory_space<vmem>> -> memref<1x64xi32, #tpu.memory_space<vmem>>
      %dma_start3A_126 = tpu.memref_squeeze %dma_start3A_125 : memref<1x64xi32, #tpu.memory_space<vmem>> -> memref<64xi32, #tpu.memory_space<vmem>>
      %dma_start3A_127 = arith.constant 0 : i32
      %dma_start3A_128 = arith.constant 0 : i32
      %dma_start3A_129 = tpu.memref_slice %arg2[%dma_start3A_127, %dma_start3A_128] : memref<10000x64xbf16, #tpu.memory_space<hbm>> -> memref<10000x64xbf16, #tpu.memory_space<hbm>>
      tpu.enqueue_indirect_dma source(%dma_start3A_129 : memref<10000x64xbf16, #tpu.memory_space<hbm>>) target(%arg10 : memref<64x64xbf16, #tpu.memory_space<vmem>>) offsets(%dma_start3A_126 : memref<64xi32, #tpu.memory_space<vmem>>) semaphore(%arg15 : memref<!tpu.dma_semaphore, #tpu.memory_space<semaphore_mem>>)
      %dma_wait3A_130 = arith.constant 3 : i32
      %dma_wait3A_131 = arith.constant 0 : i32
      %dma_wait3A_132 = tpu.memref_slice %arg7[%dma_wait3A_130, %dma_wait3A_131] : memref<40x64xi32, #tpu.memory_space<vmem>> -> memref<1x64xi32, #tpu.memory_space<vmem>>
      %dma_wait3A_133 = tpu.memref_squeeze %dma_wait3A_132 : memref<1x64xi32, #tpu.memory_space<vmem>> -> memref<64xi32, #tpu.memory_space<vmem>>
      %dma_wait3A_134 = arith.constant 0 : i32
      %dma_wait3A_135 = arith.constant 0 : i32
      %dma_wait3A_136 = tpu.memref_slice %arg2[%dma_wait3A_134, %dma_wait3A_135] : memref<10000x64xbf16, #tpu.memory_space<hbm>> -> memref<10000x64xbf16, #tpu.memory_space<hbm>>
      tpu.wait_indirect_dma semaphore(%arg17 : memref<!tpu.dma_semaphore, #tpu.memory_space<semaphore_mem>>) src(%dma_wait3A_136 : memref<10000x64xbf16, #tpu.memory_space<hbm>>) dst(%arg12 : memref<64x64xbf16, #tpu.memory_space<vmem>>)
      %dma_start3A_137 = arith.constant 3 : i32
      %dma_start3A_138 = arith.constant 0 : i32
      %dma_start3A_139 = tpu.memref_slice %arg8[%dma_start3A_137, %dma_start3A_138] : memref<40x64xi32, #tpu.memory_space<vmem>> -> memref<1x64xi32, #tpu.memory_space<vmem>>
      %dma_start3A_140 = tpu.memref_squeeze %dma_start3A_139 : memref<1x64xi32, #tpu.memory_space<vmem>> -> memref<64xi32, #tpu.memory_space<vmem>>
      %dma_start3A_141 = arith.constant 0 : i32
      %dma_start3A_142 = arith.constant 0 : i32
      %dma_start3A_143 = tpu.memref_slice %arg13[%dma_start3A_141, %dma_start3A_142] : memref<10240x64xbf16, #tpu.memory_space<vmem_shared>> -> memref<10240x64xbf16, #tpu.memory_space<vmem_shared>>
      tpu.enqueue_indirect_dma source(%arg12 : memref<64x64xbf16, #tpu.memory_space<vmem>>) target(%dma_start3A_143 : memref<10240x64xbf16, #tpu.memory_space<vmem_shared>>) offsets(%dma_start3A_140 : memref<64xi32, #tpu.memory_space<vmem>>) semaphore(%arg21 : memref<!tpu.dma_semaphore, #tpu.memory_space<semaphore_mem>>) {add = true}
      %dma_wait3A_144 = arith.constant 2 : i32
      %dma_wait3A_145 = arith.constant 0 : i32
      %dma_wait3A_146 = tpu.memref_slice %arg8[%dma_wait3A_144, %dma_wait3A_145] : memref<40x64xi32, #tpu.memory_space<vmem>> -> memref<1x64xi32, #tpu.memory_space<vmem>>
      %dma_wait3A_147 = tpu.memref_squeeze %dma_wait3A_146 : memref<1x64xi32, #tpu.memory_space<vmem>> -> memref<64xi32, #tpu.memory_space<vmem>>
      %dma_wait3A_148 = arith.constant 0 : i32
      %dma_wait3A_149 = arith.constant 0 : i32
      %dma_wait3A_150 = tpu.memref_slice %arg13[%dma_wait3A_148, %dma_wait3A_149] : memref<10240x64xbf16, #tpu.memory_space<vmem_shared>> -> memref<10240x64xbf16, #tpu.memory_space<vmem_shared>>
      tpu.wait_indirect_dma semaphore(%arg20 : memref<!tpu.dma_semaphore, #tpu.memory_space<semaphore_mem>>) src(%arg11 : memref<64x64xbf16, #tpu.memory_space<vmem>>) dst(%dma_wait3A_150 : memref<10240x64xbf16, #tpu.memory_space<vmem_shared>>)
      %dma_start3A_151 = arith.constant 6 : i32
      %dma_start3A_152 = arith.constant 0 : i32
      %dma_start3A_153 = tpu.memref_slice %arg7[%dma_start3A_151, %dma_start3A_152] : memref<40x64xi32, #tpu.memory_space<vmem>> -> memref<1x64xi32, #tpu.memory_space<vmem>>
      %dma_start3A_154 = tpu.memref_squeeze %dma_start3A_153 : memref<1x64xi32, #tpu.memory_space<vmem>> -> memref<64xi32, #tpu.memory_space<vmem>>
      %dma_start3A_155 = arith.constant 0 : i32
      %dma_start3A_156 = arith.constant 0 : i32
      %dma_start3A_157 = tpu.memref_slice %arg2[%dma_start3A_155, %dma_start3A_156] : memref<10000x64xbf16, #tpu.memory_space<hbm>> -> memref<10000x64xbf16, #tpu.memory_space<hbm>>
      tpu.enqueue_indirect_dma source(%dma_start3A_157 : memref<10000x64xbf16, #tpu.memory_space<hbm>>) target(%arg11 : memref<64x64xbf16, #tpu.memory_space<vmem>>) offsets(%dma_start3A_154 : memref<64xi32, #tpu.memory_space<vmem>>) semaphore(%arg16 : memref<!tpu.dma_semaphore, #tpu.memory_space<semaphore_mem>>)
      %scan3A_158 = arith.constant 0 : i32
      %scan3A_159 = arith.constant 1 : i32
      %scan3A_160 = arith.constant 8 : i32
      %scan3A_161 = arith.addi %scan3A_159, %scan3A_160 : i32
      %scan3A_162 = arith.constant 1 : i32
      scf.for %scan3A_262 = %scan3A_159 to %scan3A_161 step %scan3A_162  : i32 {
        %mul3A_263 = arith.constant 4 : i32
        %mul3A_264 = arith.muli %mul3A_263, %scan3A_262 : i32
        %add3A_265 = arith.constant 0 : i32
        %add3A_266 = arith.addi %mul3A_264, %add3A_265 : i32
        %add3A_267 = arith.constant 4 : i32
        %add3A_268 = arith.addi %add3A_266, %add3A_267 : i32
        %sub3A = arith.constant 1 : i32
        %sub3A_269 = arith.subi %add3A_268, %sub3A : i32
        %dma_wait3A_270 = arith.constant 0 : i32
        %dma_wait3A_271 = tpu.memref_slice %arg7[%add3A_266, %dma_wait3A_270] : memref<40x64xi32, #tpu.memory_space<vmem>> -> memref<1x64xi32, #tpu.memory_space<vmem>>
        %dma_wait3A_272 = tpu.memref_squeeze %dma_wait3A_271 : memref<1x64xi32, #tpu.memory_space<vmem>> -> memref<64xi32, #tpu.memory_space<vmem>>
        %dma_wait3A_273 = arith.constant 0 : i32
        %dma_wait3A_274 = arith.constant 0 : i32
        %dma_wait3A_275 = tpu.memref_slice %arg2[%dma_wait3A_273, %dma_wait3A_274] : memref<10000x64xbf16, #tpu.memory_space<hbm>> -> memref<10000x64xbf16, #tpu.memory_space<hbm>>
        tpu.wait_indirect_dma semaphore(%arg14 : memref<!tpu.dma_semaphore, #tpu.memory_space<semaphore_mem>>) src(%dma_wait3A_275 : memref<10000x64xbf16, #tpu.memory_space<hbm>>) dst(%arg9 : memref<64x64xbf16, #tpu.memory_space<vmem>>)
        %dma_start3A_276 = arith.constant 0 : i32
        %dma_start3A_277 = tpu.memref_slice %arg8[%add3A_266, %dma_start3A_276] : memref<40x64xi32, #tpu.memory_space<vmem>> -> memref<1x64xi32, #tpu.memory_space<vmem>>
        %dma_start3A_278 = tpu.memref_squeeze %dma_start3A_277 : memref<1x64xi32, #tpu.memory_space<vmem>> -> memref<64xi32, #tpu.memory_space<vmem>>
        %dma_start3A_279 = arith.constant 0 : i32
        %dma_start3A_280 = arith.constant 0 : i32
        %dma_start3A_281 = tpu.memref_slice %arg13[%dma_start3A_279, %dma_start3A_280] : memref<10240x64xbf16, #tpu.memory_space<vmem_shared>> -> memref<10240x64xbf16, #tpu.memory_space<vmem_shared>>
        tpu.enqueue_indirect_dma source(%arg9 : memref<64x64xbf16, #tpu.memory_space<vmem>>) target(%dma_start3A_281 : memref<10240x64xbf16, #tpu.memory_space<vmem_shared>>) offsets(%dma_start3A_278 : memref<64xi32, #tpu.memory_space<vmem>>) semaphore(%arg18 : memref<!tpu.dma_semaphore, #tpu.memory_space<semaphore_mem>>) {add = true}
        %sub3A_282 = arith.constant 1 : i32
        %sub3A_283 = arith.subi %add3A_266, %sub3A_282 : i32
        %dma_wait3A_284 = arith.constant 0 : i32
        %dma_wait3A_285 = tpu.memref_slice %arg8[%sub3A_283, %dma_wait3A_284] : memref<40x64xi32, #tpu.memory_space<vmem>> -> memref<1x64xi32, #tpu.memory_space<vmem>>
        %dma_wait3A_286 = tpu.memref_squeeze %dma_wait3A_285 : memref<1x64xi32, #tpu.memory_space<vmem>> -> memref<64xi32, #tpu.memory_space<vmem>>
        %dma_wait3A_287 = arith.constant 0 : i32
        %dma_wait3A_288 = arith.constant 0 : i32
        %dma_wait3A_289 = tpu.memref_slice %arg13[%dma_wait3A_287, %dma_wait3A_288] : memref<10240x64xbf16, #tpu.memory_space<vmem_shared>> -> memref<10240x64xbf16, #tpu.memory_space<vmem_shared>>
        tpu.wait_indirect_dma semaphore(%arg21 : memref<!tpu.dma_semaphore, #tpu.memory_space<semaphore_mem>>) src(%arg12 : memref<64x64xbf16, #tpu.memory_space<vmem>>) dst(%dma_wait3A_289 : memref<10240x64xbf16, #tpu.memory_space<vmem_shared>>)
        %dma_start3A_290 = arith.constant 0 : i32
        %dma_start3A_291 = tpu.memref_slice %arg7[%sub3A_269, %dma_start3A_290] : memref<40x64xi32, #tpu.memory_space<vmem>> -> memref<1x64xi32, #tpu.memory_space<vmem>>
        %dma_start3A_292 = tpu.memref_squeeze %dma_start3A_291 : memref<1x64xi32, #tpu.memory_space<vmem>> -> memref<64xi32, #tpu.memory_space<vmem>>
        %dma_start3A_293 = arith.constant 0 : i32
        %dma_start3A_294 = arith.constant 0 : i32
        %dma_start3A_295 = tpu.memref_slice %arg2[%dma_start3A_293, %dma_start3A_294] : memref<10000x64xbf16, #tpu.memory_space<hbm>> -> memref<10000x64xbf16, #tpu.memory_space<hbm>>
        tpu.enqueue_indirect_dma source(%dma_start3A_295 : memref<10000x64xbf16, #tpu.memory_space<hbm>>) target(%arg12 : memref<64x64xbf16, #tpu.memory_space<vmem>>) offsets(%dma_start3A_292 : memref<64xi32, #tpu.memory_space<vmem>>) semaphore(%arg17 : memref<!tpu.dma_semaphore, #tpu.memory_space<semaphore_mem>>)
        %mul3A_296 = arith.constant 4 : i32
        %mul3A_297 = arith.muli %mul3A_296, %scan3A_262 : i32
        %add3A_298 = arith.constant 1 : i32
        %add3A_299 = arith.addi %mul3A_297, %add3A_298 : i32
        %add3A_300 = arith.constant 4 : i32
        %add3A_301 = arith.addi %add3A_299, %add3A_300 : i32
        %sub3A_302 = arith.constant 1 : i32
        %sub3A_303 = arith.subi %add3A_301, %sub3A_302 : i32
        %dma_wait3A_304 = arith.constant 0 : i32
        %dma_wait3A_305 = tpu.memref_slice %arg7[%add3A_299, %dma_wait3A_304] : memref<40x64xi32, #tpu.memory_space<vmem>> -> memref<1x64xi32, #tpu.memory_space<vmem>>
        %dma_wait3A_306 = tpu.memref_squeeze %dma_wait3A_305 : memref<1x64xi32, #tpu.memory_space<vmem>> -> memref<64xi32, #tpu.memory_space<vmem>>
        %dma_wait3A_307 = arith.constant 0 : i32
        %dma_wait3A_308 = arith.constant 0 : i32
        %dma_wait3A_309 = tpu.memref_slice %arg2[%dma_wait3A_307, %dma_wait3A_308] : memref<10000x64xbf16, #tpu.memory_space<hbm>> -> memref<10000x64xbf16, #tpu.memory_space<hbm>>
        tpu.wait_indirect_dma semaphore(%arg15 : memref<!tpu.dma_semaphore, #tpu.memory_space<semaphore_mem>>) src(%dma_wait3A_309 : memref<10000x64xbf16, #tpu.memory_space<hbm>>) dst(%arg10 : memref<64x64xbf16, #tpu.memory_space<vmem>>)
        %dma_start3A_310 = arith.constant 0 : i32
        %dma_start3A_311 = tpu.memref_slice %arg8[%add3A_299, %dma_start3A_310] : memref<40x64xi32, #tpu.memory_space<vmem>> -> memref<1x64xi32, #tpu.memory_space<vmem>>
        %dma_start3A_312 = tpu.memref_squeeze %dma_start3A_311 : memref<1x64xi32, #tpu.memory_space<vmem>> -> memref<64xi32, #tpu.memory_space<vmem>>
        %dma_start3A_313 = arith.constant 0 : i32
        %dma_start3A_314 = arith.constant 0 : i32
        %dma_start3A_315 = tpu.memref_slice %arg13[%dma_start3A_313, %dma_start3A_314] : memref<10240x64xbf16, #tpu.memory_space<vmem_shared>> -> memref<10240x64xbf16, #tpu.memory_space<vmem_shared>>
        tpu.enqueue_indirect_dma source(%arg10 : memref<64x64xbf16, #tpu.memory_space<vmem>>) target(%dma_start3A_315 : memref<10240x64xbf16, #tpu.memory_space<vmem_shared>>) offsets(%dma_start3A_312 : memref<64xi32, #tpu.memory_space<vmem>>) semaphore(%arg19 : memref<!tpu.dma_semaphore, #tpu.memory_space<semaphore_mem>>) {add = true}
        %sub3A_316 = arith.constant 1 : i32
        %sub3A_317 = arith.subi %add3A_299, %sub3A_316 : i32
        %dma_wait3A_318 = arith.constant 0 : i32
        %dma_wait3A_319 = tpu.memref_slice %arg8[%sub3A_317, %dma_wait3A_318] : memref<40x64xi32, #tpu.memory_space<vmem>> -> memref<1x64xi32, #tpu.memory_space<vmem>>
        %dma_wait3A_320 = tpu.memref_squeeze %dma_wait3A_319 : memref<1x64xi32, #tpu.memory_space<vmem>> -> memref<64xi32, #tpu.memory_space<vmem>>
        %dma_wait3A_321 = arith.constant 0 : i32
        %dma_wait3A_322 = arith.constant 0 : i32
        %dma_wait3A_323 = tpu.memref_slice %arg13[%dma_wait3A_321, %dma_wait3A_322] : memref<10240x64xbf16, #tpu.memory_space<vmem_shared>> -> memref<10240x64xbf16, #tpu.memory_space<vmem_shared>>
        tpu.wait_indirect_dma semaphore(%arg18 : memref<!tpu.dma_semaphore, #tpu.memory_space<semaphore_mem>>) src(%arg9 : memref<64x64xbf16, #tpu.memory_space<vmem>>) dst(%dma_wait3A_323 : memref<10240x64xbf16, #tpu.memory_space<vmem_shared>>)
        %dma_start3A_324 = arith.constant 0 : i32
        %dma_start3A_325 = tpu.memref_slice %arg7[%sub3A_303, %dma_start3A_324] : memref<40x64xi32, #tpu.memory_space<vmem>> -> memref<1x64xi32, #tpu.memory_space<vmem>>
        %dma_start3A_326 = tpu.memref_squeeze %dma_start3A_325 : memref<1x64xi32, #tpu.memory_space<vmem>> -> memref<64xi32, #tpu.memory_space<vmem>>
        %dma_start3A_327 = arith.constant 0 : i32
        %dma_start3A_328 = arith.constant 0 : i32
        %dma_start3A_329 = tpu.memref_slice %arg2[%dma_start3A_327, %dma_start3A_328] : memref<10000x64xbf16, #tpu.memory_space<hbm>> -> memref<10000x64xbf16, #tpu.memory_space<hbm>>
        tpu.enqueue_indirect_dma source(%dma_start3A_329 : memref<10000x64xbf16, #tpu.memory_space<hbm>>) target(%arg9 : memref<64x64xbf16, #tpu.memory_space<vmem>>) offsets(%dma_start3A_326 : memref<64xi32, #tpu.memory_space<vmem>>) semaphore(%arg14 : memref<!tpu.dma_semaphore, #tpu.memory_space<semaphore_mem>>)
        %mul3A_330 = arith.constant 4 : i32
        %mul3A_331 = arith.muli %mul3A_330, %scan3A_262 : i32
        %add3A_332 = arith.constant 2 : i32
        %add3A_333 = arith.addi %mul3A_331, %add3A_332 : i32
        %add3A_334 = arith.constant 4 : i32
        %add3A_335 = arith.addi %add3A_333, %add3A_334 : i32
        %sub3A_336 = arith.constant 1 : i32
        %sub3A_337 = arith.subi %add3A_335, %sub3A_336 : i32
        %dma_wait3A_338 = arith.constant 0 : i32
        %dma_wait3A_339 = tpu.memref_slice %arg7[%add3A_333, %dma_wait3A_338] : memref<40x64xi32, #tpu.memory_space<vmem>> -> memref<1x64xi32, #tpu.memory_space<vmem>>
        %dma_wait3A_340 = tpu.memref_squeeze %dma_wait3A_339 : memref<1x64xi32, #tpu.memory_space<vmem>> -> memref<64xi32, #tpu.memory_space<vmem>>
        %dma_wait3A_341 = arith.constant 0 : i32
        %dma_wait3A_342 = arith.constant 0 : i32
        %dma_wait3A_343 = tpu.memref_slice %arg2[%dma_wait3A_341, %dma_wait3A_342] : memref<10000x64xbf16, #tpu.memory_space<hbm>> -> memref<10000x64xbf16, #tpu.memory_space<hbm>>
        tpu.wait_indirect_dma semaphore(%arg16 : memref<!tpu.dma_semaphore, #tpu.memory_space<semaphore_mem>>) src(%dma_wait3A_343 : memref<10000x64xbf16, #tpu.memory_space<hbm>>) dst(%arg11 : memref<64x64xbf16, #tpu.memory_space<vmem>>)
        %dma_start3A_344 = arith.constant 0 : i32
        %dma_start3A_345 = tpu.memref_slice %arg8[%add3A_333, %dma_start3A_344] : memref<40x64xi32, #tpu.memory_space<vmem>> -> memref<1x64xi32, #tpu.memory_space<vmem>>
        %dma_start3A_346 = tpu.memref_squeeze %dma_start3A_345 : memref<1x64xi32, #tpu.memory_space<vmem>> -> memref<64xi32, #tpu.memory_space<vmem>>
        %dma_start3A_347 = arith.constant 0 : i32
        %dma_start3A_348 = arith.constant 0 : i32
        %dma_start3A_349 = tpu.memref_slice %arg13[%dma_start3A_347, %dma_start3A_348] : memref<10240x64xbf16, #tpu.memory_space<vmem_shared>> -> memref<10240x64xbf16, #tpu.memory_space<vmem_shared>>
        tpu.enqueue_indirect_dma source(%arg11 : memref<64x64xbf16, #tpu.memory_space<vmem>>) target(%dma_start3A_349 : memref<10240x64xbf16, #tpu.memory_space<vmem_shared>>) offsets(%dma_start3A_346 : memref<64xi32, #tpu.memory_space<vmem>>) semaphore(%arg20 : memref<!tpu.dma_semaphore, #tpu.memory_space<semaphore_mem>>) {add = true}
        %sub3A_350 = arith.constant 1 : i32
        %sub3A_351 = arith.subi %add3A_333, %sub3A_350 : i32
        %dma_wait3A_352 = arith.constant 0 : i32
        %dma_wait3A_353 = tpu.memref_slice %arg8[%sub3A_351, %dma_wait3A_352] : memref<40x64xi32, #tpu.memory_space<vmem>> -> memref<1x64xi32, #tpu.memory_space<vmem>>
        %dma_wait3A_354 = tpu.memref_squeeze %dma_wait3A_353 : memref<1x64xi32, #tpu.memory_space<vmem>> -> memref<64xi32, #tpu.memory_space<vmem>>
        %dma_wait3A_355 = arith.constant 0 : i32
        %dma_wait3A_356 = arith.constant 0 : i32
        %dma_wait3A_357 = tpu.memref_slice %arg13[%dma_wait3A_355, %dma_wait3A_356] : memref<10240x64xbf16, #tpu.memory_space<vmem_shared>> -> memref<10240x64xbf16, #tpu.memory_space<vmem_shared>>
        tpu.wait_indirect_dma semaphore(%arg19 : memref<!tpu.dma_semaphore, #tpu.memory_space<semaphore_mem>>) src(%arg10 : memref<64x64xbf16, #tpu.memory_space<vmem>>) dst(%dma_wait3A_357 : memref<10240x64xbf16, #tpu.memory_space<vmem_shared>>)
        %dma_start3A_358 = arith.constant 0 : i32
        %dma_start3A_359 = tpu.memref_slice %arg7[%sub3A_337, %dma_start3A_358] : memref<40x64xi32, #tpu.memory_space<vmem>> -> memref<1x64xi32, #tpu.memory_space<vmem>>
        %dma_start3A_360 = tpu.memref_squeeze %dma_start3A_359 : memref<1x64xi32, #tpu.memory_space<vmem>> -> memref<64xi32, #tpu.memory_space<vmem>>
        %dma_start3A_361 = arith.constant 0 : i32
        %dma_start3A_362 = arith.constant 0 : i32
        %dma_start3A_363 = tpu.memref_slice %arg2[%dma_start3A_361, %dma_start3A_362] : memref<10000x64xbf16, #tpu.memory_space<hbm>> -> memref<10000x64xbf16, #tpu.memory_space<hbm>>
        tpu.enqueue_indirect_dma source(%dma_start3A_363 : memref<10000x64xbf16, #tpu.memory_space<hbm>>) target(%arg10 : memref<64x64xbf16, #tpu.memory_space<vmem>>) offsets(%dma_start3A_360 : memref<64xi32, #tpu.memory_space<vmem>>) semaphore(%arg15 : memref<!tpu.dma_semaphore, #tpu.memory_space<semaphore_mem>>)
        %mul3A_364 = arith.constant 4 : i32
        %mul3A_365 = arith.muli %mul3A_364, %scan3A_262 : i32
        %add3A_366 = arith.constant 3 : i32
        %add3A_367 = arith.addi %mul3A_365, %add3A_366 : i32
        %add3A_368 = arith.constant 4 : i32
        %add3A_369 = arith.addi %add3A_367, %add3A_368 : i32
        %sub3A_370 = arith.constant 1 : i32
        %sub3A_371 = arith.subi %add3A_369, %sub3A_370 : i32
        %dma_wait3A_372 = arith.constant 0 : i32
        %dma_wait3A_373 = tpu.memref_slice %arg7[%add3A_367, %dma_wait3A_372] : memref<40x64xi32, #tpu.memory_space<vmem>> -> memref<1x64xi32, #tpu.memory_space<vmem>>
        %dma_wait3A_374 = tpu.memref_squeeze %dma_wait3A_373 : memref<1x64xi32, #tpu.memory_space<vmem>> -> memref<64xi32, #tpu.memory_space<vmem>>
        %dma_wait3A_375 = arith.constant 0 : i32
        %dma_wait3A_376 = arith.constant 0 : i32
        %dma_wait3A_377 = tpu.memref_slice %arg2[%dma_wait3A_375, %dma_wait3A_376] : memref<10000x64xbf16, #tpu.memory_space<hbm>> -> memref<10000x64xbf16, #tpu.memory_space<hbm>>
        tpu.wait_indirect_dma semaphore(%arg17 : memref<!tpu.dma_semaphore, #tpu.memory_space<semaphore_mem>>) src(%dma_wait3A_377 : memref<10000x64xbf16, #tpu.memory_space<hbm>>) dst(%arg12 : memref<64x64xbf16, #tpu.memory_space<vmem>>)
        %dma_start3A_378 = arith.constant 0 : i32
        %dma_start3A_379 = tpu.memref_slice %arg8[%add3A_367, %dma_start3A_378] : memref<40x64xi32, #tpu.memory_space<vmem>> -> memref<1x64xi32, #tpu.memory_space<vmem>>
        %dma_start3A_380 = tpu.memref_squeeze %dma_start3A_379 : memref<1x64xi32, #tpu.memory_space<vmem>> -> memref<64xi32, #tpu.memory_space<vmem>>
        %dma_start3A_381 = arith.constant 0 : i32
        %dma_start3A_382 = arith.constant 0 : i32
        %dma_start3A_383 = tpu.memref_slice %arg13[%dma_start3A_381, %dma_start3A_382] : memref<10240x64xbf16, #tpu.memory_space<vmem_shared>> -> memref<10240x64xbf16, #tpu.memory_space<vmem_shared>>
        tpu.enqueue_indirect_dma source(%arg12 : memref<64x64xbf16, #tpu.memory_space<vmem>>) target(%dma_start3A_383 : memref<10240x64xbf16, #tpu.memory_space<vmem_shared>>) offsets(%dma_start3A_380 : memref<64xi32, #tpu.memory_space<vmem>>) semaphore(%arg21 : memref<!tpu.dma_semaphore, #tpu.memory_space<semaphore_mem>>) {add = true}
        %sub3A_384 = arith.constant 1 : i32
        %sub3A_385 = arith.subi %add3A_367, %sub3A_384 : i32
        %dma_wait3A_386 = arith.constant 0 : i32
        %dma_wait3A_387 = tpu.memref_slice %arg8[%sub3A_385, %dma_wait3A_386] : memref<40x64xi32, #tpu.memory_space<vmem>> -> memref<1x64xi32, #tpu.memory_space<vmem>>
        %dma_wait3A_388 = tpu.memref_squeeze %dma_wait3A_387 : memref<1x64xi32, #tpu.memory_space<vmem>> -> memref<64xi32, #tpu.memory_space<vmem>>
        %dma_wait3A_389 = arith.constant 0 : i32
        %dma_wait3A_390 = arith.constant 0 : i32
        %dma_wait3A_391 = tpu.memref_slice %arg13[%dma_wait3A_389, %dma_wait3A_390] : memref<10240x64xbf16, #tpu.memory_space<vmem_shared>> -> memref<10240x64xbf16, #tpu.memory_space<vmem_shared>>
        tpu.wait_indirect_dma semaphore(%arg20 : memref<!tpu.dma_semaphore, #tpu.memory_space<semaphore_mem>>) src(%arg11 : memref<64x64xbf16, #tpu.memory_space<vmem>>) dst(%dma_wait3A_391 : memref<10240x64xbf16, #tpu.memory_space<vmem_shared>>)
        %dma_start3A_392 = arith.constant 0 : i32
        %dma_start3A_393 = tpu.memref_slice %arg7[%sub3A_371, %dma_start3A_392] : memref<40x64xi32, #tpu.memory_space<vmem>> -> memref<1x64xi32, #tpu.memory_space<vmem>>
        %dma_start3A_394 = tpu.memref_squeeze %dma_start3A_393 : memref<1x64xi32, #tpu.memory_space<vmem>> -> memref<64xi32, #tpu.memory_space<vmem>>
        %dma_start3A_395 = arith.constant 0 : i32
        %dma_start3A_396 = arith.constant 0 : i32
        %dma_start3A_397 = tpu.memref_slice %arg2[%dma_start3A_395, %dma_start3A_396] : memref<10000x64xbf16, #tpu.memory_space<hbm>> -> memref<10000x64xbf16, #tpu.memory_space<hbm>>
        tpu.enqueue_indirect_dma source(%dma_start3A_397 : memref<10000x64xbf16, #tpu.memory_space<hbm>>) target(%arg11 : memref<64x64xbf16, #tpu.memory_space<vmem>>) offsets(%dma_start3A_394 : memref<64xi32, #tpu.memory_space<vmem>>) semaphore(%arg16 : memref<!tpu.dma_semaphore, #tpu.memory_space<semaphore_mem>>)
      }
      %scan3A_163 = arith.constant 8 : i32
      %dma_wait3A_164 = arith.constant 36 : i32
      %dma_wait3A_165 = arith.constant 0 : i32
      %dma_wait3A_166 = tpu.memref_slice %arg7[%dma_wait3A_164, %dma_wait3A_165] : memref<40x64xi32, #tpu.memory_space<vmem>> -> memref<1x64xi32, #tpu.memory_space<vmem>>
      %dma_wait3A_167 = tpu.memref_squeeze %dma_wait3A_166 : memref<1x64xi32, #tpu.memory_space<vmem>> -> memref<64xi32, #tpu.memory_space<vmem>>
      %dma_wait3A_168 = arith.constant 0 : i32
      %dma_wait3A_169 = arith.constant 0 : i32
      %dma_wait3A_170 = tpu.memref_slice %arg2[%dma_wait3A_168, %dma_wait3A_169] : memref<10000x64xbf16, #tpu.memory_space<hbm>> -> memref<10000x64xbf16, #tpu.memory_space<hbm>>
      tpu.wait_indirect_dma semaphore(%arg14 : memref<!tpu.dma_semaphore, #tpu.memory_space<semaphore_mem>>) src(%dma_wait3A_170 : memref<10000x64xbf16, #tpu.memory_space<hbm>>) dst(%arg9 : memref<64x64xbf16, #tpu.memory_space<vmem>>)
      %dma_start3A_171 = arith.constant 36 : i32
      %dma_start3A_172 = arith.constant 0 : i32
      %dma_start3A_173 = tpu.memref_slice %arg8[%dma_start3A_171, %dma_start3A_172] : memref<40x64xi32, #tpu.memory_space<vmem>> -> memref<1x64xi32, #tpu.memory_space<vmem>>
      %dma_start3A_174 = tpu.memref_squeeze %dma_start3A_173 : memref<1x64xi32, #tpu.memory_space<vmem>> -> memref<64xi32, #tpu.memory_space<vmem>>
      %dma_start3A_175 = arith.constant 0 : i32
      %dma_start3A_176 = arith.constant 0 : i32
      %dma_start3A_177 = tpu.memref_slice %arg13[%dma_start3A_175, %dma_start3A_176] : memref<10240x64xbf16, #tpu.memory_space<vmem_shared>> -> memref<10240x64xbf16, #tpu.memory_space<vmem_shared>>
      tpu.enqueue_indirect_dma source(%arg9 : memref<64x64xbf16, #tpu.memory_space<vmem>>) target(%dma_start3A_177 : memref<10240x64xbf16, #tpu.memory_space<vmem_shared>>) offsets(%dma_start3A_174 : memref<64xi32, #tpu.memory_space<vmem>>) semaphore(%arg18 : memref<!tpu.dma_semaphore, #tpu.memory_space<semaphore_mem>>) {add = true}
      %dma_wait3A_178 = arith.constant 35 : i32
      %dma_wait3A_179 = arith.constant 0 : i32
      %dma_wait3A_180 = tpu.memref_slice %arg8[%dma_wait3A_178, %dma_wait3A_179] : memref<40x64xi32, #tpu.memory_space<vmem>> -> memref<1x64xi32, #tpu.memory_space<vmem>>
      %dma_wait3A_181 = tpu.memref_squeeze %dma_wait3A_180 : memref<1x64xi32, #tpu.memory_space<vmem>> -> memref<64xi32, #tpu.memory_space<vmem>>
      %dma_wait3A_182 = arith.constant 0 : i32
      %dma_wait3A_183 = arith.constant 0 : i32
      %dma_wait3A_184 = tpu.memref_slice %arg13[%dma_wait3A_182, %dma_wait3A_183] : memref<10240x64xbf16, #tpu.memory_space<vmem_shared>> -> memref<10240x64xbf16, #tpu.memory_space<vmem_shared>>
      tpu.wait_indirect_dma semaphore(%arg21 : memref<!tpu.dma_semaphore, #tpu.memory_space<semaphore_mem>>) src(%arg12 : memref<64x64xbf16, #tpu.memory_space<vmem>>) dst(%dma_wait3A_184 : memref<10240x64xbf16, #tpu.memory_space<vmem_shared>>)
      %dma_start3A_185 = arith.constant 39 : i32
      %dma_start3A_186 = arith.constant 0 : i32
      %dma_start3A_187 = tpu.memref_slice %arg7[%dma_start3A_185, %dma_start3A_186] : memref<40x64xi32, #tpu.memory_space<vmem>> -> memref<1x64xi32, #tpu.memory_space<vmem>>
      %dma_start3A_188 = tpu.memref_squeeze %dma_start3A_187 : memref<1x64xi32, #tpu.memory_space<vmem>> -> memref<64xi32, #tpu.memory_space<vmem>>
      %dma_start3A_189 = arith.constant 0 : i32
      %dma_start3A_190 = arith.constant 0 : i32
      %dma_start3A_191 = tpu.memref_slice %arg2[%dma_start3A_189, %dma_start3A_190] : memref<10000x64xbf16, #tpu.memory_space<hbm>> -> memref<10000x64xbf16, #tpu.memory_space<hbm>>
      tpu.enqueue_indirect_dma source(%dma_start3A_191 : memref<10000x64xbf16, #tpu.memory_space<hbm>>) target(%arg12 : memref<64x64xbf16, #tpu.memory_space<vmem>>) offsets(%dma_start3A_188 : memref<64xi32, #tpu.memory_space<vmem>>) semaphore(%arg17 : memref<!tpu.dma_semaphore, #tpu.memory_space<semaphore_mem>>)
      %dma_wait3A_192 = arith.constant 37 : i32
      %dma_wait3A_193 = arith.constant 0 : i32
      %dma_wait3A_194 = tpu.memref_slice %arg7[%dma_wait3A_192, %dma_wait3A_193] : memref<40x64xi32, #tpu.memory_space<vmem>> -> memref<1x64xi32, #tpu.memory_space<vmem>>
      %dma_wait3A_195 = tpu.memref_squeeze %dma_wait3A_194 : memref<1x64xi32, #tpu.memory_space<vmem>> -> memref<64xi32, #tpu.memory_space<vmem>>
      %dma_wait3A_196 = arith.constant 0 : i32
      %dma_wait3A_197 = arith.constant 0 : i32
      %dma_wait3A_198 = tpu.memref_slice %arg2[%dma_wait3A_196, %dma_wait3A_197] : memref<10000x64xbf16, #tpu.memory_space<hbm>> -> memref<10000x64xbf16, #tpu.memory_space<hbm>>
      tpu.wait_indirect_dma semaphore(%arg15 : memref<!tpu.dma_semaphore, #tpu.memory_space<semaphore_mem>>) src(%dma_wait3A_198 : memref<10000x64xbf16, #tpu.memory_space<hbm>>) dst(%arg10 : memref<64x64xbf16, #tpu.memory_space<vmem>>)
      %dma_start3A_199 = arith.constant 37 : i32
      %dma_start3A_200 = arith.constant 0 : i32
      %dma_start3A_201 = tpu.memref_slice %arg8[%dma_start3A_199, %dma_start3A_200] : memref<40x64xi32, #tpu.memory_space<vmem>> -> memref<1x64xi32, #tpu.memory_space<vmem>>
      %dma_start3A_202 = tpu.memref_squeeze %dma_start3A_201 : memref<1x64xi32, #tpu.memory_space<vmem>> -> memref<64xi32, #tpu.memory_space<vmem>>
      %dma_start3A_203 = arith.constant 0 : i32
      %dma_start3A_204 = arith.constant 0 : i32
      %dma_start3A_205 = tpu.memref_slice %arg13[%dma_start3A_203, %dma_start3A_204] : memref<10240x64xbf16, #tpu.memory_space<vmem_shared>> -> memref<10240x64xbf16, #tpu.memory_space<vmem_shared>>
      tpu.enqueue_indirect_dma source(%arg10 : memref<64x64xbf16, #tpu.memory_space<vmem>>) target(%dma_start3A_205 : memref<10240x64xbf16, #tpu.memory_space<vmem_shared>>) offsets(%dma_start3A_202 : memref<64xi32, #tpu.memory_space<vmem>>) semaphore(%arg19 : memref<!tpu.dma_semaphore, #tpu.memory_space<semaphore_mem>>) {add = true}
      %dma_wait3A_206 = arith.constant 36 : i32
      %dma_wait3A_207 = arith.constant 0 : i32
      %dma_wait3A_208 = tpu.memref_slice %arg8[%dma_wait3A_206, %dma_wait3A_207] : memref<40x64xi32, #tpu.memory_space<vmem>> -> memref<1x64xi32, #tpu.memory_space<vmem>>
      %dma_wait3A_209 = tpu.memref_squeeze %dma_wait3A_208 : memref<1x64xi32, #tpu.memory_space<vmem>> -> memref<64xi32, #tpu.memory_space<vmem>>
      %dma_wait3A_210 = arith.constant 0 : i32
      %dma_wait3A_211 = arith.constant 0 : i32
      %dma_wait3A_212 = tpu.memref_slice %arg13[%dma_wait3A_210, %dma_wait3A_211] : memref<10240x64xbf16, #tpu.memory_space<vmem_shared>> -> memref<10240x64xbf16, #tpu.memory_space<vmem_shared>>
      tpu.wait_indirect_dma semaphore(%arg18 : memref<!tpu.dma_semaphore, #tpu.memory_space<semaphore_mem>>) src(%arg9 : memref<64x64xbf16, #tpu.memory_space<vmem>>) dst(%dma_wait3A_212 : memref<10240x64xbf16, #tpu.memory_space<vmem_shared>>)
      %dma_wait3A_213 = arith.constant 38 : i32
      %dma_wait3A_214 = arith.constant 0 : i32
      %dma_wait3A_215 = tpu.memref_slice %arg7[%dma_wait3A_213, %dma_wait3A_214] : memref<40x64xi32, #tpu.memory_space<vmem>> -> memref<1x64xi32, #tpu.memory_space<vmem>>
      %dma_wait3A_216 = tpu.memref_squeeze %dma_wait3A_215 : memref<1x64xi32, #tpu.memory_space<vmem>> -> memref<64xi32, #tpu.memory_space<vmem>>
      %dma_wait3A_217 = arith.constant 0 : i32
      %dma_wait3A_218 = arith.constant 0 : i32
      %dma_wait3A_219 = tpu.memref_slice %arg2[%dma_wait3A_217, %dma_wait3A_218] : memref<10000x64xbf16, #tpu.memory_space<hbm>> -> memref<10000x64xbf16, #tpu.memory_space<hbm>>
      tpu.wait_indirect_dma semaphore(%arg16 : memref<!tpu.dma_semaphore, #tpu.memory_space<semaphore_mem>>) src(%dma_wait3A_219 : memref<10000x64xbf16, #tpu.memory_space<hbm>>) dst(%arg11 : memref<64x64xbf16, #tpu.memory_space<vmem>>)
      %dma_start3A_220 = arith.constant 38 : i32
      %dma_start3A_221 = arith.constant 0 : i32
      %dma_start3A_222 = tpu.memref_slice %arg8[%dma_start3A_220, %dma_start3A_221] : memref<40x64xi32, #tpu.memory_space<vmem>> -> memref<1x64xi32, #tpu.memory_space<vmem>>
      %dma_start3A_223 = tpu.memref_squeeze %dma_start3A_222 : memref<1x64xi32, #tpu.memory_space<vmem>> -> memref<64xi32, #tpu.memory_space<vmem>>
      %dma_start3A_224 = arith.constant 0 : i32
      %dma_start3A_225 = arith.constant 0 : i32
      %dma_start3A_226 = tpu.memref_slice %arg13[%dma_start3A_224, %dma_start3A_225] : memref<10240x64xbf16, #tpu.memory_space<vmem_shared>> -> memref<10240x64xbf16, #tpu.memory_space<vmem_shared>>
      tpu.enqueue_indirect_dma source(%arg11 : memref<64x64xbf16, #tpu.memory_space<vmem>>) target(%dma_start3A_226 : memref<10240x64xbf16, #tpu.memory_space<vmem_shared>>) offsets(%dma_start3A_223 : memref<64xi32, #tpu.memory_space<vmem>>) semaphore(%arg20 : memref<!tpu.dma_semaphore, #tpu.memory_space<semaphore_mem>>) {add = true}
      %dma_wait3A_227 = arith.constant 37 : i32
      %dma_wait3A_228 = arith.constant 0 : i32
      %dma_wait3A_229 = tpu.memref_slice %arg8[%dma_wait3A_227, %dma_wait3A_228] : memref<40x64xi32, #tpu.memory_space<vmem>> -> memref<1x64xi32, #tpu.memory_space<vmem>>
      %dma_wait3A_230 = tpu.memref_squeeze %dma_wait3A_229 : memref<1x64xi32, #tpu.memory_space<vmem>> -> memref<64xi32, #tpu.memory_space<vmem>>
      %dma_wait3A_231 = arith.constant 0 : i32
      %dma_wait3A_232 = arith.constant 0 : i32
      %dma_wait3A_233 = tpu.memref_slice %arg13[%dma_wait3A_231, %dma_wait3A_232] : memref<10240x64xbf16, #tpu.memory_space<vmem_shared>> -> memref<10240x64xbf16, #tpu.memory_space<vmem_shared>>
      tpu.wait_indirect_dma semaphore(%arg19 : memref<!tpu.dma_semaphore, #tpu.memory_space<semaphore_mem>>) src(%arg10 : memref<64x64xbf16, #tpu.memory_space<vmem>>) dst(%dma_wait3A_233 : memref<10240x64xbf16, #tpu.memory_space<vmem_shared>>)
      %dma_wait3A_234 = arith.constant 39 : i32
      %dma_wait3A_235 = arith.constant 0 : i32
      %dma_wait3A_236 = tpu.memref_slice %arg7[%dma_wait3A_234, %dma_wait3A_235] : memref<40x64xi32, #tpu.memory_space<vmem>> -> memref<1x64xi32, #tpu.memory_space<vmem>>
      %dma_wait3A_237 = tpu.memref_squeeze %dma_wait3A_236 : memref<1x64xi32, #tpu.memory_space<vmem>> -> memref<64xi32, #tpu.memory_space<vmem>>
      %dma_wait3A_238 = arith.constant 0 : i32
      %dma_wait3A_239 = arith.constant 0 : i32
      %dma_wait3A_240 = tpu.memref_slice %arg2[%dma_wait3A_238, %dma_wait3A_239] : memref<10000x64xbf16, #tpu.memory_space<hbm>> -> memref<10000x64xbf16, #tpu.memory_space<hbm>>
      tpu.wait_indirect_dma semaphore(%arg17 : memref<!tpu.dma_semaphore, #tpu.memory_space<semaphore_mem>>) src(%dma_wait3A_240 : memref<10000x64xbf16, #tpu.memory_space<hbm>>) dst(%arg12 : memref<64x64xbf16, #tpu.memory_space<vmem>>)
      %dma_start3A_241 = arith.constant 39 : i32
      %dma_start3A_242 = arith.constant 0 : i32
      %dma_start3A_243 = tpu.memref_slice %arg8[%dma_start3A_241, %dma_start3A_242] : memref<40x64xi32, #tpu.memory_space<vmem>> -> memref<1x64xi32, #tpu.memory_space<vmem>>
      %dma_start3A_244 = tpu.memref_squeeze %dma_start3A_243 : memref<1x64xi32, #tpu.memory_space<vmem>> -> memref<64xi32, #tpu.memory_space<vmem>>
      %dma_start3A_245 = arith.constant 0 : i32
      %dma_start3A_246 = arith.constant 0 : i32
      %dma_start3A_247 = tpu.memref_slice %arg13[%dma_start3A_245, %dma_start3A_246] : memref<10240x64xbf16, #tpu.memory_space<vmem_shared>> -> memref<10240x64xbf16, #tpu.memory_space<vmem_shared>>
      tpu.enqueue_indirect_dma source(%arg12 : memref<64x64xbf16, #tpu.memory_space<vmem>>) target(%dma_start3A_247 : memref<10240x64xbf16, #tpu.memory_space<vmem_shared>>) offsets(%dma_start3A_244 : memref<64xi32, #tpu.memory_space<vmem>>) semaphore(%arg21 : memref<!tpu.dma_semaphore, #tpu.memory_space<semaphore_mem>>) {add = true}
      %dma_wait3A_248 = arith.constant 38 : i32
      %dma_wait3A_249 = arith.constant 0 : i32
      %dma_wait3A_250 = tpu.memref_slice %arg8[%dma_wait3A_248, %dma_wait3A_249] : memref<40x64xi32, #tpu.memory_space<vmem>> -> memref<1x64xi32, #tpu.memory_space<vmem>>
      %dma_wait3A_251 = tpu.memref_squeeze %dma_wait3A_250 : memref<1x64xi32, #tpu.memory_space<vmem>> -> memref<64xi32, #tpu.memory_space<vmem>>
      %dma_wait3A_252 = arith.constant 0 : i32
      %dma_wait3A_253 = arith.constant 0 : i32
      %dma_wait3A_254 = tpu.memref_slice %arg13[%dma_wait3A_252, %dma_wait3A_253] : memref<10240x64xbf16, #tpu.memory_space<vmem_shared>> -> memref<10240x64xbf16, #tpu.memory_space<vmem_shared>>
      tpu.wait_indirect_dma semaphore(%arg20 : memref<!tpu.dma_semaphore, #tpu.memory_space<semaphore_mem>>) src(%arg11 : memref<64x64xbf16, #tpu.memory_space<vmem>>) dst(%dma_wait3A_254 : memref<10240x64xbf16, #tpu.memory_space<vmem_shared>>)
      %dma_wait3A_255 = arith.constant 39 : i32
      %dma_wait3A_256 = arith.constant 0 : i32
      %dma_wait3A_257 = tpu.memref_slice %arg8[%dma_wait3A_255, %dma_wait3A_256] : memref<40x64xi32, #tpu.memory_space<vmem>> -> memref<1x64xi32, #tpu.memory_space<vmem>>
      %dma_wait3A_258 = tpu.memref_squeeze %dma_wait3A_257 : memref<1x64xi32, #tpu.memory_space<vmem>> -> memref<64xi32, #tpu.memory_space<vmem>>
      %dma_wait3A_259 = arith.constant 0 : i32
      %dma_wait3A_260 = arith.constant 0 : i32
      %dma_wait3A_261 = tpu.memref_slice %arg13[%dma_wait3A_259, %dma_wait3A_260] : memref<10240x64xbf16, #tpu.memory_space<vmem_shared>> -> memref<10240x64xbf16, #tpu.memory_space<vmem_shared>>
      tpu.wait_indirect_dma semaphore(%arg21 : memref<!tpu.dma_semaphore, #tpu.memory_space<semaphore_mem>>) src(%arg12 : memref<64x64xbf16, #tpu.memory_space<vmem>>) dst(%dma_wait3A_261 : memref<10240x64xbf16, #tpu.memory_space<vmem_shared>>)
    }
    %scan3A_27 = arith.constant 4 : i32
    %barrier3A_28 = arith.constant 0 : index
    tpu.barrier barrier_id(%barrier3A_28)
    "tpu.region"() ({
      %run_scoped3A = tpu.sem_alloc : memref<!tpu.dma_semaphore, #tpu.memory_space<semaphore_mem>>
      %dma_start3A = arith.constant 0 : i32
      %dma_start3A_29 = tpu.memref_slice %arg6[%arg0, %mul3A_2, %dma_start3A] : memref<2x10240x64xbf16, #tpu.memory_space<hbm>> -> memref<1x640x64xbf16, #tpu.memory_space<hbm>>
      %dma_start3A_30 = tpu.memref_squeeze %dma_start3A_29 : memref<1x640x64xbf16, #tpu.memory_space<hbm>> -> memref<640x64xbf16, #tpu.memory_space<hbm>>
      %dma_start3A_31 = arith.constant 0 : i32
      %dma_start3A_32 = tpu.memref_slice %arg13[%mul3A_2, %dma_start3A_31] : memref<10240x64xbf16, #tpu.memory_space<vmem_shared>> -> memref<640x64xbf16, #tpu.memory_space<vmem_shared>>
      tpu.enqueue_dma source(%dma_start3A_32 : memref<640x64xbf16, #tpu.memory_space<vmem_shared>>) target(%dma_start3A_30 : memref<640x64xbf16, #tpu.memory_space<hbm>>) target_semaphore(%run_scoped3A : memref<!tpu.dma_semaphore, #tpu.memory_space<semaphore_mem>>)
      %dma_wait3A = arith.constant 0 : i32
      %dma_wait3A_33 = tpu.memref_slice %arg6[%arg0, %mul3A_2, %dma_wait3A] : memref<2x10240x64xbf16, #tpu.memory_space<hbm>> -> memref<1x640x64xbf16, #tpu.memory_space<hbm>>
      %dma_wait3A_34 = tpu.memref_squeeze %dma_wait3A_33 : memref<1x640x64xbf16, #tpu.memory_space<hbm>> -> memref<640x64xbf16, #tpu.memory_space<hbm>>
      %dma_wait3A_35 = arith.constant 0 : i32
      %dma_wait3A_36 = tpu.memref_slice %arg13[%mul3A_2, %dma_wait3A_35] : memref<10240x64xbf16, #tpu.memory_space<vmem_shared>> -> memref<640x64xbf16, #tpu.memory_space<vmem_shared>>
      tpu.wait_dma2 semaphore(%run_scoped3A : memref<!tpu.dma_semaphore, #tpu.memory_space<semaphore_mem>>) src(%dma_wait3A_36 : memref<640x64xbf16, #tpu.memory_space<vmem_shared>>) dst(%dma_wait3A_34 : memref<640x64xbf16, #tpu.memory_space<hbm>>)
      tpu.yield
    }) : () -> ()
    return
  }
}

module attributes {stable_mosaic.version = 14 : i64} {
  func.func @_tc1_body(%arg0: i32, %arg1: memref<2x2000x128xbf16, #tpu.memory_space<vmem>>, %arg2: memref<2x2000x1xf32, #tpu.memory_space<vmem>>, %arg3: memref<2000x128xf32, #tpu.memory_space<vmem>>, %arg4: memref<128x128xf32, #tpu.memory_space<vmem>>, %arg5: memref<1x128xf32, #tpu.memory_space<vmem>>, %arg6: memref<128x128xf32, #tpu.memory_space<vmem>>, %arg7: memref<64x128xf32, #tpu.memory_space<vmem>>, %arg8: memref<1x64xf32, #tpu.memory_space<vmem>>, %arg9: memref<64x128xf32, #tpu.memory_space<vmem>>, %arg10: memref<2000x64xbf16, #tpu.memory_space<vmem>>, %arg11: memref<2000x64xf32, #tpu.memory_space<vmem>>) attributes {dimension_semantics = [#tpu.dimension_semantics<arbitrary>], iteration_bounds = array<i64: 5>, scalar_prefetch = 0 : i64, scratch_operands = 0 : i64, tpu.core_type = #tpu.core_type<tc>, window_params = [{transform_indices = @transform_0, window_bounds = array<i64: 2, 2000, 128>}, {transform_indices = @transform_1, window_bounds = array<i64: 2, 2000, 1>}, {transform_indices = @transform_2, window_bounds = array<i64: 2000, 128>}, {pipeline_mode = #tpu.pipeline_mode<synchronous>, transform_indices = @transform_3, window_bounds = array<i64: 128, 128>}, {pipeline_mode = #tpu.pipeline_mode<synchronous>, transform_indices = @transform_4, window_bounds = array<i64: 1, 128>}, {pipeline_mode = #tpu.pipeline_mode<synchronous>, transform_indices = @transform_5, window_bounds = array<i64: 128, 128>}, {pipeline_mode = #tpu.pipeline_mode<synchronous>, transform_indices = @transform_6, window_bounds = array<i64: 64, 128>}, {pipeline_mode = #tpu.pipeline_mode<synchronous>, transform_indices = @transform_7, window_bounds = array<i64: 1, 64>}, {pipeline_mode = #tpu.pipeline_mode<synchronous>, transform_indices = @transform_8, window_bounds = array<i64: 64, 128>}, {transform_indices = @transform_9, window_bounds = array<i64: 2000, 64>}, {transform_indices = @transform_10, window_bounds = array<i64: 2000, 64>}]} {
    %get3A = arith.constant 0 : index
    %get3A_0 = arith.constant 0 : index
    %get3A_1 = arith.constant 0 : index
    %get3A_2 = vector.load %arg1[%get3A, %get3A_0, %get3A_1] : memref<2x2000x128xbf16, #tpu.memory_space<vmem>>, vector<1x2000x128xbf16>
    %get3A_3 = vector.shape_cast %get3A_2 : vector<1x2000x128xbf16> to vector<2000x128xbf16>
    %convert_element_type3A = arith.extf %get3A_3 : vector<2000x128xbf16> to vector<2000x128xf32>
    %get3A_4 = arith.constant 1 : index
    %get3A_5 = arith.constant 0 : index
    %get3A_6 = arith.constant 0 : index
    %get3A_7 = vector.load %arg1[%get3A_4, %get3A_5, %get3A_6] : memref<2x2000x128xbf16, #tpu.memory_space<vmem>>, vector<1x2000x128xbf16>
    %get3A_8 = vector.shape_cast %get3A_7 : vector<1x2000x128xbf16> to vector<2000x128xbf16>
    %convert_element_type3A_9 = arith.extf %get3A_8 : vector<2000x128xbf16> to vector<2000x128xf32>
    %add3A = arith.addf %convert_element_type3A, %convert_element_type3A_9 : vector<2000x128xf32>
    %get3A_10 = arith.constant 0 : index
    %get3A_11 = arith.constant 0 : index
    %get3A_12 = arith.constant 0 : index
    %get3A_13 = vector.load %arg2[%get3A_10, %get3A_11, %get3A_12] : memref<2x2000x1xf32, #tpu.memory_space<vmem>>, vector<1x2000x1xf32>
    %get3A_14 = vector.shape_cast %get3A_13 : vector<1x2000x1xf32> to vector<2000x1xf32>
    %get3A_15 = arith.constant 1 : index
    %get3A_16 = arith.constant 0 : index
    %get3A_17 = arith.constant 0 : index
    %get3A_18 = vector.load %arg2[%get3A_15, %get3A_16, %get3A_17] : memref<2x2000x1xf32, #tpu.memory_space<vmem>>, vector<1x2000x1xf32>
    %get3A_19 = vector.shape_cast %get3A_18 : vector<1x2000x1xf32> to vector<2000x1xf32>
    %add3A_20 = arith.addf %get3A_14, %get3A_19 : vector<2000x1xf32>
    %max3A = arith.constant 1.000000e+00 : f32
    %max3A_21 = vector.broadcast %max3A : f32 to vector<2000x1xf32>
    %max3A_22 = arith.maximumf %add3A_20, %max3A_21 : vector<2000x1xf32>
    %div3A = arith.constant 1.000000e+00 : f32
    %div3A_23 = vector.broadcast %div3A : f32 to vector<2000x1xf32>
    %div3A_24 = arith.divf %div3A_23, %max3A_22 : vector<2000x1xf32>
    %mul3A = vector.broadcast %div3A_24 : vector<2000x1xf32> to vector<2000x128xf32>
    %mul3A_25 = arith.mulf %add3A, %mul3A : vector<2000x128xf32>
    %get3A_26 = arith.constant 0 : index
    %get3A_27 = arith.constant 0 : index
    %get3A_28 = vector.load %arg4[%get3A_26, %get3A_27] : memref<128x128xf32, #tpu.memory_space<vmem>>, vector<128x128xf32>
    %dot_general3A = arith.constant dense<0.000000e+00> : vector<2000x128xf32>
    %dot_general3A_29 = tpu.matmul %mul3A_25, %get3A_28, %dot_general3A {dimension_numbers = #tpu.dot_dimension_numbers<[1], [1], [0], [0], [0, 0, 1, 0], [], []>, transpose_lhs_hint = false} : vector<2000x128xf32>, vector<128x128xf32>, vector<2000x128xf32> -> vector<2000x128xf32>
    %get3A_30 = arith.constant 0 : index
    %get3A_31 = arith.constant 0 : index
    %get3A_32 = vector.load %arg5[%get3A_30, %get3A_31] : memref<1x128xf32, #tpu.memory_space<vmem>>, vector<1x128xf32>
    %add3A_33 = vector.broadcast %get3A_32 : vector<1x128xf32> to vector<2000x128xf32>
    %add3A_34 = arith.addf %dot_general3A_29, %add3A_33 : vector<2000x128xf32>
    %get3A_35 = arith.constant 0 : index
    %get3A_36 = arith.constant 0 : index
    %get3A_37 = vector.load %arg3[%get3A_35, %get3A_36] : memref<2000x128xf32, #tpu.memory_space<vmem>>, vector<2000x128xf32>
    %get3A_38 = arith.constant 0 : index
    %get3A_39 = arith.constant 0 : index
    %get3A_40 = vector.load %arg6[%get3A_38, %get3A_39] : memref<128x128xf32, #tpu.memory_space<vmem>>, vector<128x128xf32>
    %dot_general3A_41 = arith.constant dense<0.000000e+00> : vector<2000x128xf32>
    %dot_general3A_42 = tpu.matmul %get3A_37, %get3A_40, %dot_general3A_41 {dimension_numbers = #tpu.dot_dimension_numbers<[1], [1], [0], [0], [0, 0, 1, 0], [], []>, transpose_lhs_hint = false} : vector<2000x128xf32>, vector<128x128xf32>, vector<2000x128xf32> -> vector<2000x128xf32>
    %add3A_43 = arith.addf %add3A_34, %dot_general3A_42 : vector<2000x128xf32>
    %max3A_44 = arith.constant 0.000000e+00 : f32
    %max3A_45 = vector.broadcast %max3A_44 : f32 to vector<2000x128xf32>
    %max3A_46 = arith.maximumf %add3A_43, %max3A_45 : vector<2000x128xf32>
    %get3A_47 = arith.constant 0 : index
    %get3A_48 = arith.constant 0 : index
    %get3A_49 = vector.load %arg7[%get3A_47, %get3A_48] : memref<64x128xf32, #tpu.memory_space<vmem>>, vector<64x128xf32>
    %dot_general3A_50 = arith.constant dense<0.000000e+00> : vector<2000x64xf32>
    %dot_general3A_51 = tpu.matmul %max3A_46, %get3A_49, %dot_general3A_50 {dimension_numbers = #tpu.dot_dimension_numbers<[1], [1], [0], [0], [0, 0, 1, 0], [], []>, transpose_lhs_hint = false} : vector<2000x128xf32>, vector<64x128xf32>, vector<2000x64xf32> -> vector<2000x64xf32>
    %convert_element_type3A_52 = arith.truncf %dot_general3A_51 : vector<2000x64xf32> to vector<2000x64xbf16>
    %swap3A = arith.constant 0 : index
    %swap3A_53 = arith.constant 0 : index
    %swap3A_54 = vector.load %arg10[%swap3A, %swap3A_53] : memref<2000x64xbf16, #tpu.memory_space<vmem>>, vector<2000x64xbf16>
    tpu.vector_store %arg10[%swap3A, %swap3A_53], %convert_element_type3A_52 {strides = array<i32>} : memref<2000x64xbf16, #tpu.memory_space<vmem>>, vector<2000x64xbf16>,
    %get3A_55 = arith.constant 0 : index
    %get3A_56 = arith.constant 0 : index
    %get3A_57 = vector.load %arg9[%get3A_55, %get3A_56] : memref<64x128xf32, #tpu.memory_space<vmem>>, vector<64x128xf32>
    %dot_general3A_58 = arith.constant dense<0.000000e+00> : vector<2000x64xf32>
    %dot_general3A_59 = tpu.matmul %max3A_46, %get3A_57, %dot_general3A_58 {dimension_numbers = #tpu.dot_dimension_numbers<[1], [1], [0], [0], [0, 0, 1, 0], [], []>, transpose_lhs_hint = false} : vector<2000x128xf32>, vector<64x128xf32>, vector<2000x64xf32> -> vector<2000x64xf32>
    %get3A_60 = arith.constant 0 : index
    %get3A_61 = arith.constant 0 : index
    %get3A_62 = vector.load %arg8[%get3A_60, %get3A_61] : memref<1x64xf32, #tpu.memory_space<vmem>>, vector<1x64xf32>
    %add3A_63 = vector.broadcast %get3A_62 : vector<1x64xf32> to vector<2000x64xf32>
    %add3A_64 = arith.addf %dot_general3A_59, %add3A_63 : vector<2000x64xf32>
    %swap3A_65 = arith.constant 0 : index
    %swap3A_66 = arith.constant 0 : index
    %swap3A_67 = vector.load %arg11[%swap3A_65, %swap3A_66] : memref<2000x64xf32, #tpu.memory_space<vmem>>, vector<2000x64xf32>
    tpu.vector_store %arg11[%swap3A_65, %swap3A_66], %add3A_64 {strides = array<i32>} : memref<2000x64xf32, #tpu.memory_space<vmem>>, vector<2000x64xf32>,
    return
  }
  func.func @transform_0(%arg0: i32) -> (i32, i32, i32) {
    %c0_i32 = arith.constant 0 : i32
    %c0_i32_0 = arith.constant 0 : i32
    %c0_i32_1 = arith.constant 0 : i32
    return %c0_i32, %arg0, %c0_i32_0 : i32, i32, i32
  }
  func.func @transform_1(%arg0: i32) -> (i32, i32, i32) {
    %c0_i32 = arith.constant 0 : i32
    %c0_i32_0 = arith.constant 0 : i32
    %c0_i32_1 = arith.constant 0 : i32
    return %c0_i32, %arg0, %c0_i32_0 : i32, i32, i32
  }
  func.func @transform_2(%arg0: i32) -> (i32, i32) {
    %c0_i32 = arith.constant 0 : i32
    %c0_i32_0 = arith.constant 0 : i32
    return %arg0, %c0_i32 : i32, i32
  }
  func.func @transform_3(%arg0: i32) -> (i32, i32) {
    %c0_i32 = arith.constant 0 : i32
    %c0_i32_0 = arith.constant 0 : i32
    %c0_i32_1 = arith.constant 0 : i32
    return %c0_i32, %c0_i32_0 : i32, i32
  }
  func.func @transform_4(%arg0: i32) -> (i32, i32) {
    %c0_i32 = arith.constant 0 : i32
    %c0_i32_0 = arith.constant 0 : i32
    %c0_i32_1 = arith.constant 0 : i32
    return %c0_i32, %c0_i32_0 : i32, i32
  }
  func.func @transform_5(%arg0: i32) -> (i32, i32) {
    %c0_i32 = arith.constant 0 : i32
    %c0_i32_0 = arith.constant 0 : i32
    %c0_i32_1 = arith.constant 0 : i32
    return %c0_i32, %c0_i32_0 : i32, i32
  }
  func.func @transform_6(%arg0: i32) -> (i32, i32) {
    %c0_i32 = arith.constant 0 : i32
    %c0_i32_0 = arith.constant 0 : i32
    %c0_i32_1 = arith.constant 0 : i32
    return %c0_i32, %c0_i32_0 : i32, i32
  }
  func.func @transform_7(%arg0: i32) -> (i32, i32) {
    %c0_i32 = arith.constant 0 : i32
    %c0_i32_0 = arith.constant 0 : i32
    %c0_i32_1 = arith.constant 0 : i32
    return %c0_i32, %c0_i32_0 : i32, i32
  }
  func.func @transform_8(%arg0: i32) -> (i32, i32) {
    %c0_i32 = arith.constant 0 : i32
    %c0_i32_0 = arith.constant 0 : i32
    %c0_i32_1 = arith.constant 0 : i32
    return %c0_i32, %c0_i32_0 : i32, i32
  }
  func.func @transform_9(%arg0: i32) -> (i32, i32) {
    %c0_i32 = arith.constant 0 : i32
    %c0_i32_0 = arith.constant 0 : i32
    return %arg0, %c0_i32 : i32, i32
  }
  func.func @transform_10(%arg0: i32) -> (i32, i32) {
    %c0_i32 = arith.constant 0 : i32
    %c0_i32_0 = arith.constant 0 : i32
    return %arg0, %c0_i32 : i32, i32
  }
}

module attributes {stable_mosaic.version = 14 : i64} {
  func.func @_tc2_body(%arg0: i32, %arg1: memref<2x2000x64xbf16, #tpu.memory_space<vmem>>, %arg2: memref<2x2000x1xf32, #tpu.memory_space<vmem>>, %arg3: memref<2000x64xf32, #tpu.memory_space<vmem>>, %arg4: memref<2000x64xf32, #tpu.memory_space<vmem>>) attributes {dimension_semantics = [#tpu.dimension_semantics<arbitrary>], iteration_bounds = array<i64: 5>, scalar_prefetch = 0 : i64, scratch_operands = 0 : i64, tpu.core_type = #tpu.core_type<tc>, window_params = [{transform_indices = @transform_0, window_bounds = array<i64: 2, 2000, 64>}, {transform_indices = @transform_1, window_bounds = array<i64: 2, 2000, 1>}, {transform_indices = @transform_2, window_bounds = array<i64: 2000, 64>}, {transform_indices = @transform_3, window_bounds = array<i64: 2000, 64>}]} {
    %get3A = arith.constant 0 : index
    %get3A_0 = arith.constant 0 : index
    %get3A_1 = arith.constant 0 : index
    %get3A_2 = vector.load %arg1[%get3A, %get3A_0, %get3A_1] : memref<2x2000x64xbf16, #tpu.memory_space<vmem>>, vector<1x2000x64xbf16>
    %get3A_3 = vector.shape_cast %get3A_2 : vector<1x2000x64xbf16> to vector<2000x64xbf16>
    %convert_element_type3A = arith.extf %get3A_3 : vector<2000x64xbf16> to vector<2000x64xf32>
    %get3A_4 = arith.constant 1 : index
    %get3A_5 = arith.constant 0 : index
    %get3A_6 = arith.constant 0 : index
    %get3A_7 = vector.load %arg1[%get3A_4, %get3A_5, %get3A_6] : memref<2x2000x64xbf16, #tpu.memory_space<vmem>>, vector<1x2000x64xbf16>
    %get3A_8 = vector.shape_cast %get3A_7 : vector<1x2000x64xbf16> to vector<2000x64xbf16>
    %convert_element_type3A_9 = arith.extf %get3A_8 : vector<2000x64xbf16> to vector<2000x64xf32>
    %add3A = arith.addf %convert_element_type3A, %convert_element_type3A_9 : vector<2000x64xf32>
    %get3A_10 = arith.constant 0 : index
    %get3A_11 = arith.constant 0 : index
    %get3A_12 = arith.constant 0 : index
    %get3A_13 = vector.load %arg2[%get3A_10, %get3A_11, %get3A_12] : memref<2x2000x1xf32, #tpu.memory_space<vmem>>, vector<1x2000x1xf32>
    %get3A_14 = vector.shape_cast %get3A_13 : vector<1x2000x1xf32> to vector<2000x1xf32>
    %get3A_15 = arith.constant 1 : index
    %get3A_16 = arith.constant 0 : index
    %get3A_17 = arith.constant 0 : index
    %get3A_18 = vector.load %arg2[%get3A_15, %get3A_16, %get3A_17] : memref<2x2000x1xf32, #tpu.memory_space<vmem>>, vector<1x2000x1xf32>
    %get3A_19 = vector.shape_cast %get3A_18 : vector<1x2000x1xf32> to vector<2000x1xf32>
    %add3A_20 = arith.addf %get3A_14, %get3A_19 : vector<2000x1xf32>
    %max3A = arith.constant 1.000000e+00 : f32
    %max3A_21 = vector.broadcast %max3A : f32 to vector<2000x1xf32>
    %max3A_22 = arith.maximumf %add3A_20, %max3A_21 : vector<2000x1xf32>
    %div3A = arith.constant 1.000000e+00 : f32
    %div3A_23 = vector.broadcast %div3A : f32 to vector<2000x1xf32>
    %div3A_24 = arith.divf %div3A_23, %max3A_22 : vector<2000x1xf32>
    %mul3A = vector.broadcast %div3A_24 : vector<2000x1xf32> to vector<2000x64xf32>
    %mul3A_25 = arith.mulf %add3A, %mul3A : vector<2000x64xf32>
    %get3A_26 = arith.constant 0 : index
    %get3A_27 = arith.constant 0 : index
    %get3A_28 = vector.load %arg3[%get3A_26, %get3A_27] : memref<2000x64xf32, #tpu.memory_space<vmem>>, vector<2000x64xf32>
    %add3A_29 = arith.addf %mul3A_25, %get3A_28 : vector<2000x64xf32>
    %reduce_max3A = arith.constant dense<0xFF800000> : vector<2000xf32>
    %reduce_max3A_30 = vector.multi_reduction <maximumf>, %add3A_29, %reduce_max3A [1] : vector<2000x64xf32> to vector<2000xf32>
    %broadcast_in_dim3A = vector.shape_cast %reduce_max3A_30 : vector<2000xf32> to vector<2000x1xf32>
    %sub3A = vector.broadcast %broadcast_in_dim3A : vector<2000x1xf32> to vector<2000x64xf32>
    %sub3A_31 = arith.subf %add3A_29, %sub3A : vector<2000x64xf32>
    %exp3A = math.exp %sub3A_31 : vector<2000x64xf32>
    %reduce_sum3A = arith.constant dense<0.000000e+00> : vector<2000xf32>
    %reduce_sum3A_32 = vector.multi_reduction <add>, %exp3A, %reduce_sum3A [1] : vector<2000x64xf32> to vector<2000xf32>
    %broadcast_in_dim3A_33 = vector.shape_cast %reduce_sum3A_32 : vector<2000xf32> to vector<2000x1xf32>
    %sub3A_34 = vector.broadcast %broadcast_in_dim3A : vector<2000x1xf32> to vector<2000x64xf32>
    %sub3A_35 = arith.subf %add3A_29, %sub3A_34 : vector<2000x64xf32>
    %log3A = math.log %broadcast_in_dim3A_33 : vector<2000x1xf32>
    %sub3A_36 = vector.broadcast %log3A : vector<2000x1xf32> to vector<2000x64xf32>
    %sub3A_37 = arith.subf %sub3A_35, %sub3A_36 : vector<2000x64xf32>
    %swap3A = arith.constant 0 : index
    %swap3A_38 = arith.constant 0 : index
    %swap3A_39 = vector.load %arg4[%swap3A, %swap3A_38] : memref<2000x64xf32, #tpu.memory_space<vmem>>, vector<2000x64xf32>
    tpu.vector_store %arg4[%swap3A, %swap3A_38], %sub3A_37 {strides = array<i32>} : memref<2000x64xf32, #tpu.memory_space<vmem>>, vector<2000x64xf32>,
    return
  }
  func.func @transform_0(%arg0: i32) -> (i32, i32, i32) {
    %c0_i32 = arith.constant 0 : i32
    %c0_i32_0 = arith.constant 0 : i32
    %c0_i32_1 = arith.constant 0 : i32
    return %c0_i32, %arg0, %c0_i32_0 : i32, i32, i32
  }
  func.func @transform_1(%arg0: i32) -> (i32, i32, i32) {
    %c0_i32 = arith.constant 0 : i32
    %c0_i32_0 = arith.constant 0 : i32
    %c0_i32_1 = arith.constant 0 : i32
    return %c0_i32, %arg0, %c0_i32_0 : i32, i32, i32
  }
  func.func @transform_2(%arg0: i32) -> (i32, i32) {
    %c0_i32 = arith.constant 0 : i32
    %c0_i32_0 = arith.constant 0 : i32
    return %arg0, %c0_i32 : i32, i32
  }
  func.func @transform_3(%arg0: i32) -> (i32, i32) {
    %c0_i32 = arith.constant 0 : i32
    %c0_i32_0 = arith.constant 0 : i32
    return %arg0, %c0_i32 : i32, i32
  }
}

</mosaic_0001>

<sc_bundles>
// kernel: kernel.6.cloned.1.call-start
scs
__scs_entry_jumppad:
0x0: {  	(pc) =	sbr.rel $0x88, $3  }
0x1: {  	(tag) =	ssettag $0x0;
	lr =	simm.s32 $0x1  }
0x2: {  	[smem:$0x3F99] =	sst lr;
	_ =	strace $0xD0000000  }
0x3: {  	_ = 	snop  }
0x4: {  	_ = 	snop  }
0x5: {  	_ = 	snop  }
0x6: {  	_ = 	snop  }
0x7: {  	_ = 	snop  }
__scs_overlays_trampoline_lowered:
0x8: {  	[smem:$0x3FA8] =	sst s0  }
0x9: {  	[smem:$0x3FA9] =	sst s1  }
0xa: {  	[smem:$0x3FAA] =	sst s2  }
0xb: {  	[smem:$0x3FAB] =	sst s3  }
0xc: {  	[smem:$0x3FAC] =	sst s4  }
0xd: {  	[smem:$0x3FAD] =	sst s5  }
0xe: {  	[smem:$0x3FAE] =	sst s6  }
0xf: {  	[smem:$0x3FAF] =	sst s7  }
0x10: {  	[smem:$0x3FB0] =	sst s8  }
0x11: {  	[smem:$0x3FB1] =	sst s9;
	s0 =	simm.s32 @!p0 $0x0  }
0x12: {  	s1 =	sld [smem:$0x3F97];
	s0 =	simm.s32 @p0 $0x1  }
0x13: {  	[smem:$0x3FB2] =	sst s0;
	s0 =	simm.s32 @!p1 $0x0  }
0x14: {  	s2 =	sld [smem:$0x3F96];
	s0 =	simm.s32 @p1 $0x1  }
0x15: {  	[smem:$0x3FB3] =	sst s0;
	s0 =	simm.s32 @!p2 $0x0  }
0x16: {  	s3 =	sld [smem:$0x3FDB];
	s0 =	simm.s32 @p2 $0x1  }
0x17: {  	s4 =	simm.s32 $0x1BF5;
	[smem:$0x3FB5] =	sst s0  }
0x18: {  	s0 =	sld [smem:$0x3F98];
	_ =	swait.ge [sflag:s4], $0x0  }
0x19: {  	s7 =	sld [smem:$0x3F99]  }
0x1a: {  	s8 =	sadd.s32 $0xFFFFE003, lr  }
0x1b: {  	s9 =	sadd.s32 $0xFFFFFEF7, lr;
	s5 =	simm.s32 $0xFFFFFFFF;
	p2 =	slt.u32 s8, $0xFFFFF086  }
0x1c: {  	p1 =	slt.u32 s9, $0xF7A;
	s5 =	simm.s32 @!p2 $0x0  }
0x1d: {  	s5 =	simm.s32 @p1 $0x1;
	p0 =	seq.s32 s7, s2  }
0x1e: {  	s7 =	smul.u32 @!p0 $0xF7A, s2;
	p2 =	seq.s32 @!p0 s5, $0x0  }
0x1f: {  	s9 =	smul.u32 $0xF7A, s1;
	s8 =	simm.s32 @!p0 $0x1BF5;
	p2 =	por !p2, p0  }
0x20: {  	[sflag:s8] =	ssyncset.s32 @!p0 $0xFFFFF086;
	s6 =	sadd.s32 @!p0 s3, s7;
	s7 =	simm.s32 @!p0 $0x108  }
0x21: {  	s3 =	sadd.s32 s3, s9;
	s6 =	sadd.s32 @!p0 $0x88, s6;
	s7 =	simm.s32 @p2 $0x1082  }
0x22: {  	[simem:s7], [sflag:s8] =	dma.local @!p0 [hbm:s6], $0xF7A  }
0x23: {  	s9 =	sor.u32 $0xD0000000, s2;
	s6 =	simm.s32 $0x108;
	_ =	swait.ge @!p0 [sflag:s8], $0x0  }
0x24: {  	s3 =	sadd.s32 $0x88, s3;
	s6 =	simm.s32 @!p1 $0x1082;
	[sflag:s4] =	ssyncset.s32 $0xFFFFF086  }
0x25: {  	[simem:s6], [sflag:s4] =	dma.local [hbm:s3], $0xF7A  }
0x26: {  	[smem:$0x3F99] =	sst s1;
	(tag) =	ssettag s2;
	_ =	strace s9  }
0x27: {  	s1 =	sld [smem:$0x3FA9]  }
0x28: {  	s2 =	sld [smem:$0x3FAA]  }
0x29: {  	s4 =	sld [smem:$0x3FAC]  }
0x2a: {  	p0 =	seq.s32 s5, $0x0;
	s5 =	sld [smem:$0x3FAD]  }
0x2b: {  	s6 =	sld [smem:$0x3FAE]  }
0x2c: {  	s7 =	sld [smem:$0x3FAF]  }
0x2d: {  	s3 =	simm.s32 $0x108;
	s8 =	sld [smem:$0x3FB0]  }
0x2e: {  	s3 =	simm.s32 @!p0 $0x1082;
	s9 =	sld [smem:$0x3FB1]  }
0x2f: {  	lr =	sadd.s32 s0, s3;
	s0 =	sld [smem:$0x3FA8]  }
0x30: {  	s3 =	sld [smem:$0x3FAB]  }
0x31: {  	[smem:$0x3FB4] =	sst s10  }
0x32: {  	s10 =	sld [smem:$0x3FB2];
	_ =	sdelay $0x3  }
0x33: {  	p0 =	seq.s32 s10, $0x1;
	s10 =	sld [smem:$0x3FB4];
	_ =	sdelay $0x3  }
0x34: {  	[smem:$0x3FB4] =	sst s10  }
0x35: {  	s10 =	sld [smem:$0x3FB3];
	_ =	sdelay $0x3  }
0x36: {  	p1 =	seq.s32 s10, $0x1;
	s10 =	sld [smem:$0x3FB4];
	_ =	sdelay $0x3  }
0x37: {  	[smem:$0x3FB4] =	sst s10  }
0x38: {  	s10 =	sld [smem:$0x3FB5]  }
0x39: {  	_ = 	snop;
	(pc) =	sbr.ind lr, $3  }
0x3a: {  	_ = 	snop  }
0x3b: {  	_ = 	snop  }
0x3c: {  	p2 =	seq.s32 s10, $0x1;
	s10 =	sld [smem:$0x3FB4]  }
0x3d: {  	_ =	shalt  }
0x3e: {  	_ =	shalt  }
0x3f: {  	_ =	shalt  }
0x40: {  	_ =	shalt  }
0x41: {  	_ =	shalt  }
0x42: {  	_ =	shalt  }
0x43: {  	_ =	shalt  }
0x44: {  	_ =	shalt  }
0x45: {  	_ =	shalt  }
0x46: {  	_ =	shalt  }
0x47: {  	_ =	shalt  }
0x48: {  	_ =	shalt  }
0x49: {  	_ =	shalt  }
0x4a: {  	_ =	shalt  }
0x4b: {  	_ =	shalt  }
0x4c: {  	_ =	shalt  }
0x4d: {  	_ =	shalt  }
0x4e: {  	_ =	shalt  }
0x4f: {  	_ =	shalt  }
0x50: {  	_ =	shalt  }
0x51: {  	_ =	shalt  }
0x52: {  	_ =	shalt  }
0x53: {  	_ =	shalt  }
0x54: {  	_ =	shalt  }
0x55: {  	_ =	shalt  }
0x56: {  	_ =	shalt  }
0x57: {  	_ =	shalt  }
0x58: {  	_ =	shalt  }
0x59: {  	_ =	shalt  }
0x5a: {  	_ =	shalt  }
0x5b: {  	_ =	shalt  }
0x5c: {  	_ =	shalt  }
0x5d: {  	_ =	shalt  }
0x5e: {  	_ =	shalt  }
0x5f: {  	_ =	shalt  }
0x60: {  	_ =	shalt  }
0x61: {  	_ =	shalt  }
0x62: {  	_ =	shalt  }
0x63: {  	_ =	shalt  }
0x64: {  	_ =	shalt  }
0x65: {  	_ =	shalt  }
0x66: {  	_ =	shalt  }
0x67: {  	_ =	shalt  }
0x68: {  	_ =	shalt  }
0x69: {  	_ =	shalt  }
0x6a: {  	_ =	shalt  }
0x6b: {  	_ =	shalt  }
0x6c: {  	_ =	shalt  }
0x6d: {  	_ =	shalt  }
0x6e: {  	_ =	shalt  }
0x6f: {  	_ =	shalt  }
0x70: {  	_ =	shalt  }
0x71: {  	_ =	shalt  }
0x72: {  	_ =	shalt  }
0x73: {  	_ =	shalt  }
0x74: {  	_ =	shalt  }
0x75: {  	_ =	shalt  }
0x76: {  	_ =	shalt  }
0x77: {  	_ =	shalt  }
0x78: {  	_ =	shalt  }
0x79: {  	_ =	shalt  }
0x7a: {  	_ =	shalt  }
0x7b: {  	_ =	shalt  }
0x7c: {  	_ =	shalt  }
0x7d: {  	_ =	shalt  }
0x7e: {  	_ =	shalt  }
0x7f: {  	_ =	shalt  }
0x80: {  	_ =	shalt  }
0x81: {  	_ =	shalt  }
0x82: {  	_ =	shalt  }
0x83: {  	_ =	shalt  }
0x84: {  	_ =	shalt  }
0x85: {  	_ =	shalt  }
0x86: {  	_ =	shalt  }
0x87: {  	_ =	shalt  }
.Lfunc_end0:
.L_simem_size_0:
called_computation_lowered:
.L_overlay_start_0:
0x88: {  	s2 =	sld [smem:$0x3FD9]  }
0x89: {  	s3 =	sld [smem:$0x3FFE];
	_ =	sdelay $0x1  }
0x8a: {  	s1 =	srdreg.scid  }
0x8b: {  	s0 =	sand.u32 $0x1, s1  }
0x8c: {  	s17 =	sshll.u32 s0, $0xA;
	s2 =	sadd.s32 s3, s2  }
0x8d: {  	s2 =	sadd.s32 s2, s17  }
0x8e: {  	[smem:$0x3FC0] =	sst s2  }
0x8f: {  	_ = 	snop  }
0x90: {  	s2 =	sld [smem:$0x3FD0];
	(tm) =	ssettm $0x1  }
0x91: {  	s18 =	sld [smem:$0x3FFB];
	_ =	sdelay $0x3  }
0x92: {  	_ =	strace s18  }
0x93: {  	s3 =	sld [smem:$0x3FFC];
	_ =	sdelay $0x3  }
0x94: {  	_ =	strace s3  }
0x95: {  	s3 =	sld [smem:$0x3FFD];
	_ =	sdelay $0x3  }
0x96: {  	_ =	strace s3  }
0x97: {  	_ =	strace $0x8FFFFFFF  }
0x98: {  	s19 =	sld [smem:$0x3FDB];
	_ =	sdelay $0x1  }
0x99: {  	s4 =	simm.s32 $_scs_section_size  }
0x9a: {  	s5 =	simm.s32 $_size__tile_overlayer_lowered;
	s6 =	simm.s32 $_tile_overlayer_lowered  }
0x9b: {  	s22 =	simm.s32 $0x1BFF;
	s21 =	sshll.u32 s6, $0x1;
	s3 =	sadd.s32 s4, s19  }
0x9c: {  	s7 =	simm.s32 $0x0;
	s20 =	sshll.u32 s5, $0x1;
	s5 =	sadd.s32 s21, s3  }
0x9d: {  	[timem:s7], [sflag:s22] =	dma.local [hbm:s5], s20  }
0x9e: {  	_ =	swait.ge [sflag:s22], s20  }
0x9f: {  	s4 =	ssub.s32 $0x0, s20;
	[sflag:s22] =	ssyncset.done $0x0  }
0xa0: {  	[sflag:s22] =	ssyncadd.s32 s4;
	_ =	sdelay $0x1  }
0xa1: {  	s23 =	simm.s32 $0x1B8B  }
0xa2: {  	_ =	swait.ge [sflag:s23], $0x1  }
0xa3: {  	[sflag:s23] =	ssyncset.done $0x0  }
0xa4: {  	s25 =	simm.s32 $0x1B8E;
	s24 =	sld [smem:$0x3FFE];
	[sflag:s23] =	ssyncadd.s32 $0xFFFFFFFF  }
0xa5: {  	s26 =	simm.s32 $execute0_lowered;
	[smem:$0x3FD2] =	sst s25  }
0xa6: {  	s5 =	sshll.u32 s26, $0x1;
	_ =	strace $0x80000046;
	[dreg:$0x1] =	wrdreg $0xFFFFFFFF  }
0xa7: {  	s28 =	simm.s32 $_size_execute0_lowered;
	s3 =	sadd.s32 s3, s5;
	[dreg:$0x0] =	wrdreg $0x0  }
0xa8: {  	s5 =	sshll.u32 s28, $0x1;
	[dreg:$0x2] =	wrdreg s3  }
0xa9: {  	[dreg:$0x3] =	wrdreg s5  }
0xaa: {  	[dreg:$0x4] =	wrdreg $0xC0  }
0xab: {  	_ =	task [dreg:s7], $0x5FFFF  }
0xac: {  	[dreg:$0x1] =	wrdreg $0xFFFFFFFF  }
0xad: {  	[dreg:$0x0] =	wrdreg $0x60  }
0xae: {  	[dreg:$0x2] =	wrdreg s2  }
0xaf: {  	[dreg:$0x3] =	wrdreg s24  }
0xb0: {  	[dreg:$0x4] =	wrdreg $0x54000  }
0xb1: {  	[dreg:$0x5] =	wrdreg $0xF4800  }
0xb2: {  	[dreg:$0x6] =	wrdreg $0x9  }
0xb3: {  	_ =	task.clear_ibuf [dreg:s7], $0x7FFFF;
	_ =	strace $0x90000046  }
0xb4: {  	s29 =	simm.s32 $0x9;
	_ =	strace $0x80000048  }
0xb5: {  	_ =	swait.ge [sflag:s29], $0x1  }
0xb6: {  	[sflag:s29] =	ssyncadd.s32 $0xFFFFFFFF  }
0xb7: {  	_ =	strace $0x90000048  }
0xb8: {  	_ =	sfence  }
0xb9: {  	s30 =	sld [smem:$0x0];
	_ =	sdelay $0x2  }
0xba: {  	s31 =	sshll.u32 s1, $0xD;
	s1 =	sshrl.u32 s1, $0x2  }
0xbb: {  	s3 =	sand.u32 $0x4000, s31;
	s1 =	sadd.s32 s1, s30  }
0xbc: {  	s0 =	sor.u32 s3, s0;
	s1 =	sshll.u32 s1, $0x11  }
0xbd: {  	s0 =	sor.u32 s1, s0  }
0xbe: {  	s0 =	sadd.s32 $0x8F2B, s0  }
0xbf: {  	[sflag:s0] =	ssyncadd.remote.s32 $0x1  }
0xc0: {  	_ =	sfence.sel $0xFFFF  }
0xc1: {  	[dreg:$0x0] =	wrdreg $0xFFFFFFFF;
	(pc) =	sbr.abs _section_cstart, $3  }
0xc2: {  	[dreg:$0x1] =	wrdreg $0xFFFFFFFF  }
0xc3: {  	_ =	task.clear_ibuf [dreg:s7], $0x2FFFF;
	_ =	strace $0x9FFFFFFF  }
0xc4: {  	(tm) =	ssettm $0x7FFFFFFF  }
0xc5: {  	_ =	shalt  }
tec
execute0_lowered:
.L_overlay_start_1:
0x0: {  	(tag) =	ssettag $0x1  }
0x1: {  	s1 =	rddreg [dreg:$0x0]  }
0x2: {  	s0 =	rddreg [dreg:$0x1]  }
0x3: {  	s3 =	rddreg [dreg:$0x2];
	s2 =	srdreg.scid  }
0x4: {  	s10 =	stileid.u32;
	s4 =	rddreg [dreg:$0x3];
	s31 =	simm.s32 $0x0  }
0x5: {  	s28 =	simm.s32 $0xAC0;
	s29 =	simm.s32 $0x7;
	s30 =	simm.s32 $0x9  }
0x6: {  	s2 =	sand.u32 $0x1, s2;
	s5 =	smul.u32 $0x14000, s10;
	[smem:$0x7FF] =	sst s31  }
0x7: {  	s7 =	smul.u32 $0x280, s10;
	s9 =	sadd.s32 $0x1A00, s0;
	s22 =	sadd.s32 $0xBA00, s0  }
0x8: {  	s23 =	sadd.s32 $0x1800, s0;
	_ =	strace $0x80000047;
	[dreg:$0x5] =	wrdreg s9  }
0x9: {  	s24 =	sadd.s32 $0x15A00, s0;
	s6 =	smul.u32 $0x140000, s2;
	[dreg:$0x6] =	wrdreg s22  }
0xa: {  	s8 =	smul.u32 $0x2800, s2;
	[dreg:$0x7] =	wrdreg s23;
	s25 =	ssub.s32 $0x2, s2  }
0xb: {  	[dreg:$0x8] =	wrdreg s24;
	s2 =	sshll.u32 s2, $0x4;
	s26 =	sshrl.u32 s25, $0x1  }
0xc: {  	s2 =	sor.u32 s10, s2;
	s10 =	sor.u32 $0x40, s7;
	s11 =	sadd.s32 $0xC0, s7  }
0xd: {  	s13 =	sadd.s32 $0x140, s7;
	s14 =	sadd.s32 $0x180, s7;
	s22 =	sadd.s32 $0x1C0, s7  }
0xe: {  	s16 =	sadd.s32 $0x200, s7;
	s6 =	sadd.s32 s5, s6;
	s8 =	sadd.s32 s7, s8  }
0xf: {  	s5 =	sshrl.u32 s5, $0x1;
	s12 =	sshll.u32 s11, $0x6;
	s15 =	sshll.u32 s14, $0x6  }
0x10: {  	s23 =	sshll.u32 s22, $0x6;
	s24 =	sshll.u32 s16, $0x6;
	s5 =	sadd.s32 s5, s3  }
0x11: {  	s2 =	smul.u32 $0x2800, s2;
	s18 =	sadd.s32 s12, s3;
	[dreg:$0x9] =	wrdreg s5  }
0x12: {  	s6 =	sshrl.u32 s6, $0x4;
	s21 =	sadd.s32 s15, s3;
	[dreg:$0xc] =	wrdreg s18  }
0x13: {  	s8 =	sshrl.u32 s8, $0x3;
	s15 =	sadd.s32 s23, s3;
	[dreg:$0xf] =	wrdreg s21  }
0x14: {  	s6 =	sadd.s32 s6, s0;
	s0 =	sadd.s32 s8, s0;
	[dreg:$0x10] =	wrdreg s15  }
0x15: {  	s8 =	ssub.s32 s25, s26;
	s15 =	sadd.s32 s24, s3;
	[dreg:$0x1d] =	wrdreg s2  }
0x16: {  	s25 =	sshll.u32 s10, $0x6;
	s5 =	sadd.s32 s10, s4;
	[dreg:$0x11] =	wrdreg s15  }
0x17: {  	s26 =	sadd.s32 $0x80, s7;
	s9 =	sadd.s32 s25, s3;
	[dreg:$0x14] =	wrdreg s5  }
0x18: {  	s17 =	sshll.u32 s26, $0x6;
	s26 =	sadd.s32 s26, s4;
	[dreg:$0xa] =	wrdreg s9  }
0x19: {  	s20 =	sshll.u32 s13, $0x6;
	s21 =	sadd.s32 $0x15C20, s0;
	[dreg:$0x15] =	wrdreg s26  }
0x1a: {  	s2 =	simm.s32 $0xA;
	s23 =	sadd.s32 $0x15C30, s0;
	[smem:$0x7F6] =	sst s21  }
0x1b: {  	s24 =	sadd.s32 $0x15C38, s0;
	s5 =	simm.s32 $0x8;
	[smem:$0x7F8] =	sst s23  }
0x1c: {  	s9 =	sadd.s32 s17, s3;
	s17 =	sadd.s32 $0x240, s7;
	[smem:$0x7F9] =	sst s24  }
0x1d: {  	s26 =	smax.u32 s8, $0x1;
	s8 =	simm.s32 $0xA00;
	[dreg:$0xb] =	wrdreg s9  }
0x1e: {  	s9 =	sadd.s32 $0x100, s7;
	s7 =	sadd.s32 s7, s4;
	[smem:$0x7FC] =	sst s26  }
0x1f: {  	s23 =	simm.s32 $0xA80;
	s15 =	sadd.s32 s17, s4;
	[dreg:$0x13] =	wrdreg s7  }
0x20: {  	s18 =	sshll.u32 s17, $0x6;
	s17 =	sadd.s32 $0x15C00, s0;
	[dreg:$0x1c] =	wrdreg s15  }
0x21: {  	s24 =	simm.s32 $0x6;
	s25 =	sadd.s32 s18, s3;
	[dreg:$0x1f] =	wrdreg s17  }
0x22: {  	s21 =	simm.s32 $0x1380;
	s7 =	sadd.s32 s11, s4;
	[dreg:$0x12] =	wrdreg s25  }
0x23: {  	s26 =	simm.s32 $0x4;
	s10 =	sadd.s32 s9, s4;
	[dreg:$0x16] =	wrdreg s7  }
0x24: {  	s19 =	sshll.u32 s9, $0x6;
	s11 =	sadd.s32 s13, s4;
	[dreg:$0x17] =	wrdreg s10  }
0x25: {  	s13 =	sadd.s32 s14, s4;
	s14 =	sadd.s32 s16, s4;
	[dreg:$0x18] =	wrdreg s11  }
0x26: {  	s16 =	sadd.s32 $0x16600, s6;
	s18 =	sadd.s32 $0x15C08, s0;
	[dreg:$0x19] =	wrdreg s13  }
0x27: {  	s9 =	simm.s32 $0x40;
	s15 =	simm.s32 $0xF400;
	[dreg:$0x1b] =	wrdreg s14  }
0x28: {  	s17 =	simm.s32 $0x4400;
	s6 =	simm.s32 $0x0;
	[dreg:$0x1e] =	wrdreg s16  }
0x29: {  	s12 =	sadd.s32 s19, s3;
	[smem:$0x7F3] =	sst s18;
	s19 =	sadd.s32 $0x15C10, s0  }
0x2a: {  	s25 =	sadd.s32 $0x15C40, s0;
	s7 =	simm.s32 $0xF440;
	[smem:$0x7FD] =	sst s6  }
0x2b: {  	s11 =	simm.s32 $0x2400;
	s13 =	simm.s32 $0x3400;
	[dreg:$0xd] =	wrdreg s12  }
0x2c: {  	s14 =	simm.s32 $0x1;
	s18 =	simm.s32 $0x2;
	[smem:$0x7F4] =	sst s19  }
0x2d: {  	s10 =	simm.s32 $0xA40;
	s12 =	sadd.s32 s20, s3;
	[smem:$0x7FA] =	sst s25  }
0x2e: {  	s16 =	simm.s32 $0x1340;
	s20 =	sadd.s32 $0x15C18, s0;
	[dreg:$0xe] =	wrdreg s12  }
0x2f: {  	s12 =	sadd.s32 s22, s4;
	[smem:$0x7F5] =	sst s20;
	s22 =	sadd.s32 $0x15C28, s0  }
0x30: {  	s19 =	simm.s32 $0x1400;
	s0 =	sadd.s32 $0x15C48, s0;
	[smem:$0x7F7] =	sst s22  }
0x31: {  	s25 =	simm.s32 $0x13C0;
	s20 =	simm.s32 $0x5;
	[smem:$0x7FB] =	sst s0  }
0x32: {  	v0 =	vimm.f32 $1.000000000e+00;
	s22 =	simm.s32 $0x3;
	s0 =	simm.s32 $0x1300;
	[dreg:$0x1a] =	wrdreg s12  }
.LBB2_1:
0x33: {  	s6 =	rddreg [dreg:$0x7]  }
0x34: {  	[tilespmem:s19], [sflag:$0xA] =	stream.linear.gather [hbm4b:s6+s31], $0x1000, $0x38;
	[tilespmem:$0xF700] =	vst v63  }
0x35: {  	_ =	swait.ge [sflag:s2], $0x1000  }
0x36: {  	[sflag:s2] =	ssyncset.done $0x0  }
0x37: {  	s6 =	rddreg [dreg:$0x9];
	[sflag:s2] =	ssyncadd.s32 $0xFFFFF000  }
0x38: {  	[spmem:s6] =	stream.linear.scatter [tilespmem:s19], [sflag:$0xA], $0x1000, $0x38;
	[tilespmem:$0xF700] =	vst v63  }
0x39: {  	_ =	swait.ge [sflag:s2], $0x1000  }
0x3a: {  	[sflag:s2] =	ssyncset.done $0x0  }
0x3b: {  	s6 =	rddreg [dreg:$0xa];
	[sflag:s2] =	ssyncadd.s32 $0xFFFFF000  }
0x3c: {  	[spmem:s6] =	stream.linear.scatter [tilespmem:s19], [sflag:$0xA], $0x1000, $0x38;
	[tilespmem:$0xF700] =	vst v63  }
0x3d: {  	_ =	swait.ge [sflag:s2], $0x1000  }
0x3e: {  	[sflag:s2] =	ssyncset.done $0x0  }
0x3f: {  	s6 =	rddreg [dreg:$0xb];
	[sflag:s2] =	ssyncadd.s32 $0xFFFFF000  }
0x40: {  	[spmem:s6] =	stream.linear.scatter [tilespmem:s19], [sflag:$0xA], $0x1000, $0x38;
	[tilespmem:$0xF700] =	vst v63  }
0x41: {  	_ =	swait.ge [sflag:s2], $0x1000  }
0x42: {  	[sflag:s2] =	ssyncset.done $0x0  }
0x43: {  	s6 =	rddreg [dreg:$0xc];
	[sflag:s2] =	ssyncadd.s32 $0xFFFFF000  }
0x44: {  	[spmem:s6] =	stream.linear.scatter [tilespmem:s19], [sflag:$0xA], $0x1000, $0x38;
	[tilespmem:$0xF700] =	vst v63  }
0x45: {  	_ =	swait.ge [sflag:s2], $0x1000  }
0x46: {  	[sflag:s2] =	ssyncset.done $0x0  }
0x47: {  	s6 =	rddreg [dreg:$0xd];
	[sflag:s2] =	ssyncadd.s32 $0xFFFFF000  }
0x48: {  	[spmem:s6] =	stream.linear.scatter [tilespmem:s19], [sflag:$0xA], $0x1000, $0x38;
	[tilespmem:$0xF700] =	vst v63  }
0x49: {  	_ =	swait.ge [sflag:s2], $0x1000  }
0x4a: {  	[sflag:s2] =	ssyncset.done $0x0  }
0x4b: {  	s6 =	rddreg [dreg:$0xe];
	[sflag:s2] =	ssyncadd.s32 $0xFFFFF000  }
0x4c: {  	[spmem:s6] =	stream.linear.scatter [tilespmem:s19], [sflag:$0xA], $0x1000, $0x38;
	[tilespmem:$0xF700] =	vst v63  }
0x4d: {  	_ =	swait.ge [sflag:s2], $0x1000  }
0x4e: {  	[sflag:s2] =	ssyncset.done $0x0  }
0x4f: {  	s6 =	rddreg [dreg:$0xf];
	[sflag:s2] =	ssyncadd.s32 $0xFFFFF000  }
0x50: {  	[spmem:s6] =	stream.linear.scatter [tilespmem:s19], [sflag:$0xA], $0x1000, $0x38;
	[tilespmem:$0xF700] =	vst v63  }
0x51: {  	_ =	swait.ge [sflag:s2], $0x1000  }
0x52: {  	[sflag:s2] =	ssyncset.done $0x0  }
0x53: {  	s6 =	rddreg [dreg:$0x10];
	[sflag:s2] =	ssyncadd.s32 $0xFFFFF000  }
0x54: {  	[spmem:s6] =	stream.linear.scatter [tilespmem:s19], [sflag:$0xA], $0x1000, $0x38;
	[tilespmem:$0xF700] =	vst v63  }
0x55: {  	_ =	swait.ge [sflag:s2], $0x1000  }
0x56: {  	[sflag:s2] =	ssyncset.done $0x0  }
0x57: {  	s6 =	rddreg [dreg:$0x11];
	[sflag:s2] =	ssyncadd.s32 $0xFFFFF000  }
0x58: {  	[spmem:s6] =	stream.linear.scatter [tilespmem:s19], [sflag:$0xA], $0x1000, $0x38;
	[tilespmem:$0xF700] =	vst v63  }
0x59: {  	_ =	swait.ge [sflag:s2], $0x1000  }
0x5a: {  	[sflag:s2] =	ssyncset.done $0x0  }
0x5b: {  	s6 =	rddreg [dreg:$0x12];
	[sflag:s2] =	ssyncadd.s32 $0xFFFFF000  }
0x5c: {  	[spmem:s6] =	stream.linear.scatter [tilespmem:s19], [sflag:$0xA], $0x1000, $0x38;
	[tilespmem:$0xF700] =	vst v63  }
0x5d: {  	_ =	swait.ge [sflag:s2], $0x1000  }
0x5e: {  	[sflag:s2] =	ssyncset.done $0x0  }
0x5f: {  	s6 =	rddreg [dreg:$0x8];
	[sflag:s2] =	ssyncadd.s32 $0xFFFFF000  }
0x60: {  	[tilespmem:s7], [sflag:$0xA] =	stream.linear.gather [hbm4b:s6+s31], $0x40, $0x38;
	[tilespmem:$0xF700] =	vst v63  }
0x61: {  	_ =	swait.ge [sflag:s2], $0x40  }
0x62: {  	[sflag:s2] =	ssyncset.done $0x0  }
0x63: {  	s31 =	rddreg [dreg:$0x13];
	[sflag:s2] =	ssyncadd.s32 $0xFFFFFFC0  }
0x64: {  	[spmem:s31] =	stream.linear.scatter [tilespmem:s7], [sflag:$0xA], $0x40, $0x38;
	[tilespmem:$0xF700] =	vst v63  }
0x65: {  	_ =	swait.ge [sflag:s2], $0x40  }
0x66: {  	[sflag:s2] =	ssyncset.done $0x0  }
0x67: {  	s31 =	rddreg [dreg:$0x14];
	[sflag:s2] =	ssyncadd.s32 $0xFFFFFFC0  }
0x68: {  	[spmem:s31] =	stream.linear.scatter [tilespmem:s7], [sflag:$0xA], $0x40, $0x38;
	[tilespmem:$0xF700] =	vst v63  }
0x69: {  	_ =	swait.ge [sflag:s2], $0x40  }
0x6a: {  	[sflag:s2] =	ssyncset.done $0x0  }
0x6b: {  	s31 =	rddreg [dreg:$0x15];
	[sflag:s2] =	ssyncadd.s32 $0xFFFFFFC0  }
0x6c: {  	[spmem:s31] =	stream.linear.scatter [tilespmem:s7], [sflag:$0xA], $0x40, $0x38;
	[tilespmem:$0xF700] =	vst v63  }
0x6d: {  	_ =	swait.ge [sflag:s2], $0x40  }
0x6e: {  	[sflag:s2] =	ssyncset.done $0x0  }
0x6f: {  	s31 =	rddreg [dreg:$0x16];
	[sflag:s2] =	ssyncadd.s32 $0xFFFFFFC0  }
0x70: {  	[spmem:s31] =	stream.linear.scatter [tilespmem:s7], [sflag:$0xA], $0x40, $0x38;
	[tilespmem:$0xF700] =	vst v63  }
0x71: {  	_ =	swait.ge [sflag:s2], $0x40  }
0x72: {  	[sflag:s2] =	ssyncset.done $0x0  }
0x73: {  	s31 =	rddreg [dreg:$0x17];
	[sflag:s2] =	ssyncadd.s32 $0xFFFFFFC0  }
0x74: {  	[spmem:s31] =	stream.linear.scatter [tilespmem:s7], [sflag:$0xA], $0x40, $0x38;
	[tilespmem:$0xF700] =	vst v63  }
0x75: {  	_ =	swait.ge [sflag:s2], $0x40  }
0x76: {  	[sflag:s2] =	ssyncset.done $0x0  }
0x77: {  	s31 =	rddreg [dreg:$0x18];
	[sflag:s2] =	ssyncadd.s32 $0xFFFFFFC0  }
0x78: {  	[spmem:s31] =	stream.linear.scatter [tilespmem:s7], [sflag:$0xA], $0x40, $0x38;
	[tilespmem:$0xF700] =	vst v63  }
0x79: {  	_ =	swait.ge [sflag:s2], $0x40  }
0x7a: {  	[sflag:s2] =	ssyncset.done $0x0  }
0x7b: {  	s31 =	rddreg [dreg:$0x19];
	[sflag:s2] =	ssyncadd.s32 $0xFFFFFFC0  }
0x7c: {  	[spmem:s31] =	stream.linear.scatter [tilespmem:s7], [sflag:$0xA], $0x40, $0x38;
	[tilespmem:$0xF700] =	vst v63  }
0x7d: {  	_ =	swait.ge [sflag:s2], $0x40  }
0x7e: {  	[sflag:s2] =	ssyncset.done $0x0  }
0x7f: {  	[sflag:s2] =	ssyncadd.s32 $0xFFFFFFC0  }
0x80: {  	[spmem:s12] =	stream.linear.scatter [tilespmem:s7], [sflag:$0xA], $0x40, $0x38;
	[tilespmem:$0xF700] =	vst v63  }
0x81: {  	_ =	swait.ge [sflag:s2], $0x40  }
0x82: {  	[sflag:s2] =	ssyncset.done $0x0  }
0x83: {  	s12 =	rddreg [dreg:$0x1b];
	[sflag:s2] =	ssyncadd.s32 $0xFFFFFFC0  }
0x84: {  	[spmem:s12] =	stream.linear.scatter [tilespmem:s7], [sflag:$0xA], $0x40, $0x38;
	[tilespmem:$0xF700] =	vst v63  }
0x85: {  	_ =	swait.ge [sflag:s2], $0x40  }
0x86: {  	[sflag:s2] =	ssyncset.done $0x0  }
0x87: {  	s31 =	rddreg [dreg:$0x1c];
	[sflag:s2] =	ssyncadd.s32 $0xFFFFFFC0  }
0x88: {  	[spmem:s31] =	stream.linear.scatter [tilespmem:s7], [sflag:$0xA], $0x40, $0x38;
	[tilespmem:$0xF700] =	vst v63  }
0x89: {  	_ =	swait.ge [sflag:s2], $0x40  }
0x8a: {  	[sflag:s2] =	ssyncset.done $0x0  }
0x8b: {  	[sflag:s2] =	ssyncadd.s32 $0xFFFFFFC0  }
0x8c: {  	[tilespmem:$0xF400] =	vst v0  }
0x8d: {  	[tilespmem:$0xF410] =	vst v0  }
0x8e: {  	[tilespmem:$0xF420] =	vst v0  }
0x8f: {  	[tilespmem:$0xF430] =	vst v0  }
0x90: {  	s12 =	simm.s32 $0x0;
	[bflag:$0x0] =	sbarrier.arrive $0xFFFF  }
.LBB2_2:
0x91: {  	s6 =	smul.u32 $0xA00, s12  }
0x92: {  	s7 =	rddreg [dreg:$0x1d]  }
0x93: {  	s6 =	sadd.s32 s7, s6  }
0x94: {  	s31 =	rddreg [dreg:$0x5];
	s6 =	sshrl.u32 s6, $0x3  }
0x95: {  	s7 =	sadd.s32 s31, s6;
	s31 =	simm.s32 $0x0  }
0x96: {  	[tilespmem:s31], [sflag:$0xA] =	stream.linear.gather [hbm4b:s7+s31], $0xA00, $0x38;
	[tilespmem:$0xF700] =	vst v63  }
0x97: {  	_ =	swait.ge [sflag:s2], $0xA00  }
0x98: {  	[sflag:s2] =	ssyncset.done $0x0;
	s7 =	rddreg [dreg:$0x6]  }
0x99: {  	[sflag:s2] =	ssyncadd.s32 $0xFFFFF600;
	s6 =	sadd.s32 s7, s6  }
0x9a: {  	[tilespmem:s8], [sflag:$0xA] =	stream.linear.gather [hbm4b:s6+s31], $0xA00, $0x38;
	[tilespmem:$0xF700] =	vst v63  }
0x9b: {  	_ =	swait.ge [sflag:s2], $0xA00  }
0x9c: {  	[sflag:s2] =	ssyncset.done $0x0  }
0x9d: {  	[sflag:s2] =	ssyncadd.s32 $0xFFFFF600  }
0x9e: {  	[tilespmem:s19], [sflag:$0x1] =	stream.indirect.gather [hbm4b:s1+s9], $0x40, s31, s9, $0xb8;
	[tilespmem:$0xF700] =	vst v63  }
0x9f: {  	_ = 	snop  }
0xa0: {  	[tilespmem:s11], [sflag:$0x2] =	stream.indirect.gather [hbm4b:s1+s9], $0x40, s9, s9, $0xb8;
	[tilespmem:$0xF700] =	vst v63  }
0xa1: {  	s7 =	simm.s32 $0x80  }
0xa2: {  	[tilespmem:s13], [sflag:$0x3] =	stream.indirect.gather [hbm4b:s1+s9], $0x40, s7, s9, $0xb8;
	[tilespmem:$0xF700] =	vst v63  }
0xa3: {  	_ =	swait.ge [sflag:s14], $0x1000  }
0xa4: {  	[sflag:s14] =	ssyncset.done $0x0  }
0xa5: {  	[sflag:s14] =	ssyncadd.s32 $0xFFFFF000  }
0xa6: {  	[spmem:s3] =	stream.indirect.scatter.add.bf16 [tilespmem:s19], [sflag:$0x5], $0x40, s8, s9, $0xb8;
	[tilespmem:$0xF700] =	vst v63  }
0xa7: {  	_ = 	snop  }
0xa8: {  	[spmem:s4] =	stream.indirect.scatter.add.f32 [tilespmem:s15], [sflag:$0x9], $0x1, s8, s9, $0xb8;
	[tilespmem:$0xF700] =	vst v63  }
0xa9: {  	s31 =	simm.s32 $0xC0  }
0xaa: {  	[tilespmem:s17], [sflag:$0x4] =	stream.indirect.gather [hbm4b:s1+s9], $0x40, s31, s9, $0xb8;
	[tilespmem:$0xF700] =	vst v63  }
0xab: {  	_ =	swait.ge [sflag:s18], $0x1000  }
0xac: {  	[sflag:s18] =	ssyncset.done $0x0  }
0xad: {  	[sflag:s18] =	ssyncadd.s32 $0xFFFFF000  }
0xae: {  	[spmem:s3] =	stream.indirect.scatter.add.bf16 [tilespmem:s11], [sflag:$0x6], $0x40, s10, s9, $0xb8;
	[tilespmem:$0xF700] =	vst v63  }
0xaf: {  	_ = 	snop  }
0xb0: {  	[spmem:s4] =	stream.indirect.scatter.add.f32 [tilespmem:s15], [sflag:$0x9], $0x1, s10, s9, $0xb8;
	[tilespmem:$0xF700] =	vst v63  }
0xb1: {  	_ =	swait.ge [sflag:s20], $0x1000  }
0xb2: {  	[sflag:s20] =	ssyncset.done $0x0  }
0xb3: {  	s7 =	simm.s32 $0x100;
	[sflag:s20] =	ssyncadd.s32 $0xFFFFF000  }
0xb4: {  	[tilespmem:s19], [sflag:$0x1] =	stream.indirect.gather [hbm4b:s1+s9], $0x40, s7, s9, $0xb8;
	[tilespmem:$0xF700] =	vst v63  }
0xb5: {  	_ =	swait.ge [sflag:s22], $0x1000  }
0xb6: {  	[sflag:s22] =	ssyncset.done $0x0  }
0xb7: {  	[sflag:s22] =	ssyncadd.s32 $0xFFFFF000  }
0xb8: {  	[spmem:s3] =	stream.indirect.scatter.add.bf16 [tilespmem:s13], [sflag:$0x7], $0x40, s23, s9, $0xb8;
	[tilespmem:$0xF700] =	vst v63  }
0xb9: {  	_ = 	snop  }
0xba: {  	[spmem:s4] =	stream.indirect.scatter.add.f32 [tilespmem:s15], [sflag:$0x9], $0x1, s23, s9, $0xb8;
	[tilespmem:$0xF700] =	vst v63  }
0xbb: {  	_ =	swait.ge [sflag:s24], $0x1000  }
0xbc: {  	[sflag:s24] =	ssyncset.done $0x0  }
0xbd: {  	s31 =	simm.s32 $0x140;
	[sflag:s24] =	ssyncadd.s32 $0xFFFFF000  }
0xbe: {  	[tilespmem:s11], [sflag:$0x2] =	stream.indirect.gather [hbm4b:s1+s9], $0x40, s31, s9, $0xb8;
	[tilespmem:$0xF700] =	vst v63  }
0xbf: {  	_ =	swait.ge [sflag:s26], $0x1000  }
0xc0: {  	[sflag:s26] =	ssyncset.done $0x0  }
0xc1: {  	[sflag:s26] =	ssyncadd.s32 $0xFFFFF000  }
0xc2: {  	[spmem:s3] =	stream.indirect.scatter.add.bf16 [tilespmem:s17], [sflag:$0x8], $0x40, s28, s9, $0xb8;
	[tilespmem:$0xF700] =	vst v63  }
0xc3: {  	_ = 	snop  }
0xc4: {  	[spmem:s4] =	stream.indirect.scatter.add.f32 [tilespmem:s15], [sflag:$0x9], $0x1, s28, s9, $0xb8;
	[tilespmem:$0xF700] =	vst v63  }
0xc5: {  	_ =	swait.ge [sflag:s29], $0x1000  }
0xc6: {  	[sflag:s29] =	ssyncset.done $0x0  }
0xc7: {  	s7 =	simm.s32 $0x180;
	[sflag:s29] =	ssyncadd.s32 $0xFFFFF000  }
0xc8: {  	[tilespmem:s13], [sflag:$0x3] =	stream.indirect.gather [hbm4b:s1+s9], $0x40, s7, s9, $0xb8;
	[tilespmem:$0xF700] =	vst v63  }
0xc9: {  	_ =	swait.ge [sflag:s14], $0x1000  }
0xca: {  	[sflag:s14] =	ssyncset.done $0x0  }
0xcb: {  	s31 =	simm.s32 $0xB00;
	[sflag:s14] =	ssyncadd.s32 $0xFFFFF000  }
0xcc: {  	[spmem:s3] =	stream.indirect.scatter.add.bf16 [tilespmem:s19], [sflag:$0x5], $0x40, s31, s9, $0xb8;
	[tilespmem:$0xF700] =	vst v63  }
0xcd: {  	_ = 	snop  }
0xce: {  	[spmem:s4] =	stream.indirect.scatter.add.f32 [tilespmem:s15], [sflag:$0x9], $0x1, s31, s9, $0xb8;
	[tilespmem:$0xF700] =	vst v63  }
0xcf: {  	_ =	swait.ge [sflag:s5], $0x1000  }
0xd0: {  	[sflag:s5] =	ssyncset.done $0x0  }
0xd1: {  	s7 =	simm.s32 $0x1C0;
	[sflag:s5] =	ssyncadd.s32 $0xFFFFF000  }
0xd2: {  	[tilespmem:s17], [sflag:$0x4] =	stream.indirect.gather [hbm4b:s1+s9], $0x40, s7, s9, $0xb8;
	[tilespmem:$0xF700] =	vst v63  }
0xd3: {  	_ =	swait.ge [sflag:s18], $0x1000  }
0xd4: {  	[sflag:s18] =	ssyncset.done $0x0  }
0xd5: {  	s31 =	simm.s32 $0xB40;
	[sflag:s18] =	ssyncadd.s32 $0xFFFFF000  }
0xd6: {  	[spmem:s3] =	stream.indirect.scatter.add.bf16 [tilespmem:s11], [sflag:$0x6], $0x40, s31, s9, $0xb8;
	[tilespmem:$0xF700] =	vst v63  }
0xd7: {  	_ = 	snop  }
0xd8: {  	[spmem:s4] =	stream.indirect.scatter.add.f32 [tilespmem:s15], [sflag:$0x9], $0x1, s31, s9, $0xb8;
	[tilespmem:$0xF700] =	vst v63  }
0xd9: {  	_ =	swait.ge [sflag:s20], $0x1000  }
0xda: {  	[sflag:s20] =	ssyncset.done $0x0  }
0xdb: {  	s7 =	simm.s32 $0x200;
	[sflag:s20] =	ssyncadd.s32 $0xFFFFF000  }
0xdc: {  	[tilespmem:s19], [sflag:$0x1] =	stream.indirect.gather [hbm4b:s1+s9], $0x40, s7, s9, $0xb8;
	[tilespmem:$0xF700] =	vst v63  }
0xdd: {  	_ =	swait.ge [sflag:s22], $0x1000  }
0xde: {  	[sflag:s22] =	ssyncset.done $0x0  }
0xdf: {  	s31 =	simm.s32 $0xB80;
	[sflag:s22] =	ssyncadd.s32 $0xFFFFF000  }
0xe0: {  	[spmem:s3] =	stream.indirect.scatter.add.bf16 [tilespmem:s13], [sflag:$0x7], $0x40, s31, s9, $0xb8;
	[tilespmem:$0xF700] =	vst v63  }
0xe1: {  	_ = 	snop  }
0xe2: {  	[spmem:s4] =	stream.indirect.scatter.add.f32 [tilespmem:s15], [sflag:$0x9], $0x1, s31, s9, $0xb8;
	[tilespmem:$0xF700] =	vst v63  }
0xe3: {  	_ =	swait.ge [sflag:s24], $0x1000  }
0xe4: {  	[sflag:s24] =	ssyncset.done $0x0  }
0xe5: {  	s7 =	simm.s32 $0x240;
	[sflag:s24] =	ssyncadd.s32 $0xFFFFF000  }
0xe6: {  	[tilespmem:s11], [sflag:$0x2] =	stream.indirect.gather [hbm4b:s1+s9], $0x40, s7, s9, $0xb8;
	[tilespmem:$0xF700] =	vst v63  }
0xe7: {  	_ =	swait.ge [sflag:s26], $0x1000  }
0xe8: {  	[sflag:s26] =	ssyncset.done $0x0  }
0xe9: {  	s31 =	simm.s32 $0xBC0;
	[sflag:s26] =	ssyncadd.s32 $0xFFFFF000  }
0xea: {  	[spmem:s3] =	stream.indirect.scatter.add.bf16 [tilespmem:s17], [sflag:$0x8], $0x40, s31, s9, $0xb8;
	[tilespmem:$0xF700] =	vst v63  }
0xeb: {  	_ = 	snop  }
0xec: {  	[spmem:s4] =	stream.indirect.scatter.add.f32 [tilespmem:s15], [sflag:$0x9], $0x1, s31, s9, $0xb8;
	[tilespmem:$0xF700] =	vst v63  }
0xed: {  	_ =	swait.ge [sflag:s29], $0x1000  }
0xee: {  	[sflag:s29] =	ssyncset.done $0x0  }
0xef: {  	s6 =	simm.s32 $0x400;
	s7 =	simm.s32 $0x280;
	[sflag:s29] =	ssyncadd.s32 $0xFFFFF000  }
.LBB2_3:
0xf0: {  	[tilespmem:s13], [sflag:$0x3] =	stream.indirect.gather [hbm4b:s1+s9], $0x40, s7, s9, $0xb8;
	[tilespmem:$0xF700] =	vst v63  }
0xf1: {  	s7 =	smov.u32 s6  }
0xf2: {  	p0 =	sne.s32 s6, $0x1C00;
	s6 =	sadd.s32 $0x400, s6;
	_ =	swait.ge [sflag:s14], $0x1000  }
0xf3: {  	s7 =	sshra.s32 s7, $0x2;
	[sflag:s14] =	ssyncset.done $0x0  }
0xf4: {  	s31 =	sadd.s32 $0xB00, s7;
	[sflag:s14] =	ssyncadd.s32 $0xFFFFF000  }
0xf5: {  	[spmem:s3] =	stream.indirect.scatter.add.bf16 [tilespmem:s19], [sflag:$0x5], $0x40, s31, s9, $0xb8;
	[tilespmem:$0xF700] =	vst v63  }
0xf6: {  	_ = 	snop  }
0xf7: {  	[spmem:s4] =	stream.indirect.scatter.add.f32 [tilespmem:s15], [sflag:$0x9], $0x1, s31, s9, $0xb8;
	[tilespmem:$0xF700] =	vst v63  }
0xf8: {  	_ =	swait.ge [sflag:s5], $0x1000  }
0xf9: {  	[sflag:s5] =	ssyncset.done $0x0  }
0xfa: {  	s31 =	sadd.s32 $0x1C0, s7;
	[sflag:s5] =	ssyncadd.s32 $0xFFFFF000  }
0xfb: {  	[tilespmem:s17], [sflag:$0x4] =	stream.indirect.gather [hbm4b:s1+s9], $0x40, s31, s9, $0xb8;
	[tilespmem:$0xF700] =	vst v63  }
0xfc: {  	_ =	swait.ge [sflag:s18], $0x1000  }
0xfd: {  	[sflag:s18] =	ssyncset.done $0x0  }
0xfe: {  	s31 =	sadd.s32 $0xB40, s7;
	[sflag:s18] =	ssyncadd.s32 $0xFFFFF000  }
0xff: {  	[spmem:s3] =	stream.indirect.scatter.add.bf16 [tilespmem:s11], [sflag:$0x6], $0x40, s31, s9, $0xb8;
	[tilespmem:$0xF700] =	vst v63  }
0x100: {  	_ = 	snop  }
0x101: {  	[spmem:s4] =	stream.indirect.scatter.add.f32 [tilespmem:s15], [sflag:$0x9], $0x1, s31, s9, $0xb8;
	[tilespmem:$0xF700] =	vst v63  }
0x102: {  	_ =	swait.ge [sflag:s20], $0x1000  }
0x103: {  	[sflag:s20] =	ssyncset.done $0x0  }
0x104: {  	s31 =	sadd.s32 $0x200, s7;
	[sflag:s20] =	ssyncadd.s32 $0xFFFFF000  }
0x105: {  	[tilespmem:s19], [sflag:$0x1] =	stream.indirect.gather [hbm4b:s1+s9], $0x40, s31, s9, $0xb8;
	[tilespmem:$0xF700] =	vst v63  }
0x106: {  	_ =	swait.ge [sflag:s22], $0x1000  }
0x107: {  	[sflag:s22] =	ssyncset.done $0x0  }
0x108: {  	s31 =	sadd.s32 $0xB80, s7;
	[sflag:s22] =	ssyncadd.s32 $0xFFFFF000  }
0x109: {  	[spmem:s3] =	stream.indirect.scatter.add.bf16 [tilespmem:s13], [sflag:$0x7], $0x40, s31, s9, $0xb8;
	[tilespmem:$0xF700] =	vst v63  }
0x10a: {  	_ = 	snop  }
0x10b: {  	[spmem:s4] =	stream.indirect.scatter.add.f32 [tilespmem:s15], [sflag:$0x9], $0x1, s31, s9, $0xb8;
	[tilespmem:$0xF700] =	vst v63  }
0x10c: {  	_ =	swait.ge [sflag:s24], $0x1000  }
0x10d: {  	[sflag:s24] =	ssyncset.done $0x0  }
0x10e: {  	s31 =	sadd.s32 $0x240, s7;
	[sflag:s24] =	ssyncadd.s32 $0xFFFFF000  }
0x10f: {  	[tilespmem:s11], [sflag:$0x2] =	stream.indirect.gather [hbm4b:s1+s9], $0x40, s31, s9, $0xb8;
	[tilespmem:$0xF700] =	vst v63  }
0x110: {  	_ =	swait.ge [sflag:s26], $0x1000  }
0x111: {  	[sflag:s26] =	ssyncset.done $0x0  }
0x112: {  	s31 =	sadd.s32 $0xBC0, s7;
	[sflag:s26] =	ssyncadd.s32 $0xFFFFF000  }
0x113: {  	[spmem:s3] =	stream.indirect.scatter.add.bf16 [tilespmem:s17], [sflag:$0x8], $0x40, s31, s9, $0xb8;
	[tilespmem:$0xF700] =	vst v63  }
.Ltmp0:
0x114: {  	(pc) =	sbr.rel @p0 .LBB2_3-.Ltmp0, $4  }
0x115: {  	[spmem:s4] =	stream.indirect.scatter.add.f32 [tilespmem:s15], [sflag:$0x9], $0x1, s31, s9, $0xb8;
	[tilespmem:$0xF700] =	vst v63  }
0x116: {  	_ =	swait.ge [sflag:s29], $0x1000  }
0x117: {  	[sflag:s29] =	ssyncset.done $0x0  }
0x118: {  	s7 =	sadd.s32 $0x280, s7;
	[sflag:s29] =	ssyncadd.s32 $0xFFFFF000  }
0x119: {  	[tilespmem:s13], [sflag:$0x3] =	stream.indirect.gather [hbm4b:s1+s9], $0x40, s7, s9, $0xb8;
	[tilespmem:$0xF700] =	vst v63  }
0x11a: {  	_ =	swait.ge [sflag:s14], $0x1000  }
0x11b: {  	[sflag:s14] =	ssyncset.done $0x0  }
0x11c: {  	[sflag:s14] =	ssyncadd.s32 $0xFFFFF000  }
0x11d: {  	[spmem:s3] =	stream.indirect.scatter.add.bf16 [tilespmem:s19], [sflag:$0x5], $0x40, s0, s9, $0xb8;
	[tilespmem:$0xF700] =	vst v63  }
0x11e: {  	_ = 	snop  }
0x11f: {  	[spmem:s4] =	stream.indirect.scatter.add.f32 [tilespmem:s15], [sflag:$0x9], $0x1, s0, s9, $0xb8;
	[tilespmem:$0xF700] =	vst v63  }
0x120: {  	_ =	swait.ge [sflag:s5], $0x1000  }
0x121: {  	[sflag:s5] =	ssyncset.done $0x0  }
0x122: {  	s6 =	simm.s32 $0x9C0;
	[sflag:s5] =	ssyncadd.s32 $0xFFFFF000  }
0x123: {  	[tilespmem:s17], [sflag:$0x4] =	stream.indirect.gather [hbm4b:s1+s9], $0x40, s6, s9, $0xb8;
	[tilespmem:$0xF700] =	vst v63  }
0x124: {  	_ =	swait.ge [sflag:s18], $0x1000  }
0x125: {  	[sflag:s18] =	ssyncset.done $0x0  }
0x126: {  	[sflag:s18] =	ssyncadd.s32 $0xFFFFF000  }
0x127: {  	[spmem:s3] =	stream.indirect.scatter.add.bf16 [tilespmem:s11], [sflag:$0x6], $0x40, s16, s9, $0xb8;
	[tilespmem:$0xF700] =	vst v63  }
0x128: {  	_ = 	snop  }
0x129: {  	[spmem:s4] =	stream.indirect.scatter.add.f32 [tilespmem:s15], [sflag:$0x9], $0x1, s16, s9, $0xb8;
	[tilespmem:$0xF700] =	vst v63  }
0x12a: {  	_ =	swait.ge [sflag:s20], $0x1000  }
0x12b: {  	[sflag:s20] =	ssyncset.done $0x0  }
0x12c: {  	[sflag:s20] =	ssyncadd.s32 $0xFFFFF000  }
0x12d: {  	_ =	swait.ge [sflag:s22], $0x1000  }
0x12e: {  	[sflag:s22] =	ssyncset.done $0x0  }
0x12f: {  	[sflag:s22] =	ssyncadd.s32 $0xFFFFF000  }
0x130: {  	[spmem:s3] =	stream.indirect.scatter.add.bf16 [tilespmem:s13], [sflag:$0x7], $0x40, s21, s9, $0xb8;
	[tilespmem:$0xF700] =	vst v63  }
0x131: {  	_ = 	snop  }
0x132: {  	[spmem:s4] =	stream.indirect.scatter.add.f32 [tilespmem:s15], [sflag:$0x9], $0x1, s21, s9, $0xb8;
	[tilespmem:$0xF700] =	vst v63  }
0x133: {  	_ =	swait.ge [sflag:s24], $0x1000  }
0x134: {  	[sflag:s24] =	ssyncset.done $0x0  }
0x135: {  	[sflag:s24] =	ssyncadd.s32 $0xFFFFF000  }
0x136: {  	_ =	swait.ge [sflag:s26], $0x1000  }
0x137: {  	[sflag:s26] =	ssyncset.done $0x0  }
0x138: {  	[sflag:s26] =	ssyncadd.s32 $0xFFFFF000  }
0x139: {  	[spmem:s3] =	stream.indirect.scatter.add.bf16 [tilespmem:s17], [sflag:$0x8], $0x40, s25, s9, $0xb8;
	[tilespmem:$0xF700] =	vst v63  }
0x13a: {  	_ = 	snop  }
0x13b: {  	[spmem:s4] =	stream.indirect.scatter.add.f32 [tilespmem:s15], [sflag:$0x9], $0x1, s25, s9, $0xb8;
	[tilespmem:$0xF700] =	vst v63  }
0x13c: {  	_ =	swait.ge [sflag:s29], $0x1000  }
0x13d: {  	[sflag:s29] =	ssyncset.done $0x0  }
0x13e: {  	[sflag:s29] =	ssyncadd.s32 $0xFFFFF000  }
0x13f: {  	_ =	swait.ge [sflag:s5], $0x1000  }
0x140: {  	[sflag:s5] =	ssyncset.done $0x0  }
0x141: {  	[sflag:s5] =	ssyncadd.s32 $0xFFFFF000  }
0x142: {  	_ =	swait.ge [sflag:s30], $0x40  }
0x143: {  	s6 =	simm.s32 $0x27;
	[sflag:s30] =	ssyncset.done $0x0  }
.LBB2_5:
0x144: {  	p0 =	sne.s32 s6, $0x1;
	s6 =	sadd.s32 $0xFFFFFFFF, s6;
	[sflag:s30] =	ssyncadd.s32 $0xFFFFFFC0  }
.Ltmp1:
0x145: {  	(pc) =	sbr.rel @p0 .LBB2_5-.Ltmp1, $3  }
0x146: {  	_ =	sdelay $0x1  }
0x147: {  	_ =	swait.ge [sflag:s30], $0x40  }
0x148: {  	[sflag:s30] =	ssyncset.done $0x0  }
0x149: {  	s12 =	sadd.s32 $0x1, s12  }
0x14a: {  	p0 =	sne.s32 s12, $0x4  }
.Ltmp2:
0x14b: {  	_ = 	snop;
	(pc) =	sbr.rel @p0 .LBB2_2-.Ltmp2, $2  }
0x14c: {  	_ =	sdelay $0x2  }
0x14d: {  	[sflag:s30] =	ssyncadd.s32 $0xFFFFFFC0  }
0x14e: {  	s6 =	stileid.u32;
	[bflag:$0x0] =	sbarrier.arrive $0xFFFF  }
0x14f: {  	s6 =	sshll.u32 s6, $0x6;
	s7 =	rddreg [dreg:$0x9]  }
0x150: {  	s31 =	rddreg [dreg:$0x1e];
	s6 =	sor.u32 $0x1C0A, s6;
	s7 =	sshrl.u32 s7, $0x3  }
0x151: {  	[hbm:s31], [sflag:s6] =	dma.local [spmem:s7], $0x1400  }
0x152: {  	_ =	swait.ge [sflag:s2], $0x1400  }
0x153: {  	[sflag:s2] =	ssyncset.done $0x0  }
0x154: {  	s7 =	simm.s32 $0xF440;
	s12 =	rddreg [dreg:$0x13];
	[sflag:s2] =	ssyncadd.s32 $0xFFFFEC00  }
0x155: {  	[tilespmem:s7], [sflag:$0xA] =	stream.linear.gather [spmem:s12], $0x40, $0x38;
	[tilespmem:$0xF700] =	vst v63  }
0x156: {  	_ =	swait.ge [sflag:s2], $0x40  }
0x157: {  	[sflag:s2] =	ssyncset.done $0x0  }
0x158: {  	s12 =	simm.s32 $0x0;
	s6 =	rddreg [dreg:$0x1f];
	[sflag:s2] =	ssyncadd.s32 $0xFFFFFFC0  }
0x159: {  	[hbm4b:s6+s12] =	stream.linear.scatter [tilespmem:s7], [sflag:$0xA], $0x40, $0x38;
	[tilespmem:$0xF700] =	vst v63  }
0x15a: {  	_ =	swait.ge [sflag:s2], $0x40  }
0x15b: {  	[sflag:s2] =	ssyncset.done $0x0  }
0x15c: {  	s6 =	rddreg [dreg:$0x14];
	[sflag:s2] =	ssyncadd.s32 $0xFFFFFFC0  }
0x15d: {  	[tilespmem:s7], [sflag:$0xA] =	stream.linear.gather [spmem:s6], $0x40, $0x38;
	[tilespmem:$0xF700] =	vst v63  }
0x15e: {  	_ =	swait.ge [sflag:s2], $0x40  }
0x15f: {  	s6 =	sld [smem:$0x7F3]  }
0x160: {  	[sflag:s2] =	ssyncset.done $0x0  }
0x161: {  	[sflag:s2] =	ssyncadd.s32 $0xFFFFFFC0  }
0x162: {  	[hbm4b:s6+s12] =	stream.linear.scatter [tilespmem:s7], [sflag:$0xA], $0x40, $0x38;
	[tilespmem:$0xF700] =	vst v63  }
0x163: {  	_ =	swait.ge [sflag:s2], $0x40  }
0x164: {  	[sflag:s2] =	ssyncset.done $0x0  }
0x165: {  	s6 =	rddreg [dreg:$0x15];
	[sflag:s2] =	ssyncadd.s32 $0xFFFFFFC0  }
0x166: {  	[tilespmem:s7], [sflag:$0xA] =	stream.linear.gather [spmem:s6], $0x40, $0x38;
	[tilespmem:$0xF700] =	vst v63  }
0x167: {  	_ =	swait.ge [sflag:s2], $0x40  }
0x168: {  	s6 =	sld [smem:$0x7F4]  }
0x169: {  	[sflag:s2] =	ssyncset.done $0x0  }
0x16a: {  	[sflag:s2] =	ssyncadd.s32 $0xFFFFFFC0  }
0x16b: {  	[hbm4b:s6+s12] =	stream.linear.scatter [tilespmem:s7], [sflag:$0xA], $0x40, $0x38;
	[tilespmem:$0xF700] =	vst v63  }
0x16c: {  	_ =	swait.ge [sflag:s2], $0x40  }
0x16d: {  	[sflag:s2] =	ssyncset.done $0x0  }
0x16e: {  	s6 =	rddreg [dreg:$0x16];
	[sflag:s2] =	ssyncadd.s32 $0xFFFFFFC0  }
0x16f: {  	[tilespmem:s7], [sflag:$0xA] =	stream.linear.gather [spmem:s6], $0x40, $0x38;
	[tilespmem:$0xF700] =	vst v63  }
0x170: {  	_ =	swait.ge [sflag:s2], $0x40  }
0x171: {  	s6 =	sld [smem:$0x7F5]  }
0x172: {  	[sflag:s2] =	ssyncset.done $0x0  }
0x173: {  	[sflag:s2] =	ssyncadd.s32 $0xFFFFFFC0  }
0x174: {  	[hbm4b:s6+s12] =	stream.linear.scatter [tilespmem:s7], [sflag:$0xA], $0x40, $0x38;
	[tilespmem:$0xF700] =	vst v63  }
0x175: {  	_ =	swait.ge [sflag:s2], $0x40  }
0x176: {  	[sflag:s2] =	ssyncset.done $0x0  }
0x177: {  	s6 =	rddreg [dreg:$0x17];
	[sflag:s2] =	ssyncadd.s32 $0xFFFFFFC0  }
0x178: {  	[tilespmem:s7], [sflag:$0xA] =	stream.linear.gather [spmem:s6], $0x40, $0x38;
	[tilespmem:$0xF700] =	vst v63  }
0x179: {  	_ =	swait.ge [sflag:s2], $0x40  }
0x17a: {  	s6 =	sld [smem:$0x7F6]  }
0x17b: {  	[sflag:s2] =	ssyncset.done $0x0  }
0x17c: {  	[sflag:s2] =	ssyncadd.s32 $0xFFFFFFC0  }
0x17d: {  	[hbm4b:s6+s12] =	stream.linear.scatter [tilespmem:s7], [sflag:$0xA], $0x40, $0x38;
	[tilespmem:$0xF700] =	vst v63  }
0x17e: {  	_ =	swait.ge [sflag:s2], $0x40  }
0x17f: {  	[sflag:s2] =	ssyncset.done $0x0  }
0x180: {  	s6 =	rddreg [dreg:$0x18];
	[sflag:s2] =	ssyncadd.s32 $0xFFFFFFC0  }
0x181: {  	[tilespmem:s7], [sflag:$0xA] =	stream.linear.gather [spmem:s6], $0x40, $0x38;
	[tilespmem:$0xF700] =	vst v63  }
0x182: {  	_ =	swait.ge [sflag:s2], $0x40  }
0x183: {  	s6 =	sld [smem:$0x7F7]  }
0x184: {  	[sflag:s2] =	ssyncset.done $0x0  }
0x185: {  	[sflag:s2] =	ssyncadd.s32 $0xFFFFFFC0  }
0x186: {  	[hbm4b:s6+s12] =	stream.linear.scatter [tilespmem:s7], [sflag:$0xA], $0x40, $0x38;
	[tilespmem:$0xF700] =	vst v63  }
0x187: {  	_ =	swait.ge [sflag:s2], $0x40  }
0x188: {  	[sflag:s2] =	ssyncset.done $0x0  }
0x189: {  	s6 =	rddreg [dreg:$0x19];
	[sflag:s2] =	ssyncadd.s32 $0xFFFFFFC0  }
0x18a: {  	[tilespmem:s7], [sflag:$0xA] =	stream.linear.gather [spmem:s6], $0x40, $0x38;
	[tilespmem:$0xF700] =	vst v63  }
0x18b: {  	_ =	swait.ge [sflag:s2], $0x40  }
0x18c: {  	s6 =	sld [smem:$0x7F8]  }
0x18d: {  	[sflag:s2] =	ssyncset.done $0x0  }
0x18e: {  	[sflag:s2] =	ssyncadd.s32 $0xFFFFFFC0  }
0x18f: {  	[hbm4b:s6+s12] =	stream.linear.scatter [tilespmem:s7], [sflag:$0xA], $0x40, $0x38;
	[tilespmem:$0xF700] =	vst v63  }
0x190: {  	_ =	swait.ge [sflag:s2], $0x40  }
0x191: {  	[sflag:s2] =	ssyncset.done $0x0  }
0x192: {  	s31 =	rddreg [dreg:$0x1a];
	[sflag:s2] =	ssyncadd.s32 $0xFFFFFFC0  }
0x193: {  	[tilespmem:s7], [sflag:$0xA] =	stream.linear.gather [spmem:s31], $0x40, $0x38;
	[tilespmem:$0xF700] =	vst v63  }
0x194: {  	_ =	swait.ge [sflag:s2], $0x40  }
0x195: {  	s6 =	sld [smem:$0x7F9]  }
0x196: {  	[sflag:s2] =	ssyncset.done $0x0  }
0x197: {  	[sflag:s2] =	ssyncadd.s32 $0xFFFFFFC0  }
0x198: {  	[hbm4b:s6+s12] =	stream.linear.scatter [tilespmem:s7], [sflag:$0xA], $0x40, $0x38;
	[tilespmem:$0xF700] =	vst v63  }
0x199: {  	_ =	swait.ge [sflag:s2], $0x40  }
0x19a: {  	[sflag:s2] =	ssyncset.done $0x0  }
0x19b: {  	s6 =	rddreg [dreg:$0x1b];
	[sflag:s2] =	ssyncadd.s32 $0xFFFFFFC0  }
0x19c: {  	[tilespmem:s7], [sflag:$0xA] =	stream.linear.gather [spmem:s6], $0x40, $0x38;
	[tilespmem:$0xF700] =	vst v63  }
0x19d: {  	_ =	swait.ge [sflag:s2], $0x40  }
0x19e: {  	s6 =	sld [smem:$0x7FA]  }
0x19f: {  	[sflag:s2] =	ssyncset.done $0x0  }
0x1a0: {  	[sflag:s2] =	ssyncadd.s32 $0xFFFFFFC0  }
0x1a1: {  	[hbm4b:s6+s12] =	stream.linear.scatter [tilespmem:s7], [sflag:$0xA], $0x40, $0x38;
	[tilespmem:$0xF700] =	vst v63  }
0x1a2: {  	_ =	swait.ge [sflag:s2], $0x40  }
0x1a3: {  	[sflag:s2] =	ssyncset.done $0x0  }
0x1a4: {  	s6 =	rddreg [dreg:$0x1c];
	[sflag:s2] =	ssyncadd.s32 $0xFFFFFFC0  }
0x1a5: {  	[tilespmem:s7], [sflag:$0xA] =	stream.linear.gather [spmem:s6], $0x40, $0x38;
	[tilespmem:$0xF700] =	vst v63  }
0x1a6: {  	_ =	swait.ge [sflag:s2], $0x40  }
0x1a7: {  	s6 =	sld [smem:$0x7FB]  }
0x1a8: {  	[sflag:s2] =	ssyncset.done $0x0  }
0x1a9: {  	[sflag:s2] =	ssyncadd.s32 $0xFFFFFFC0  }
0x1aa: {  	[hbm4b:s6+s12] =	stream.linear.scatter [tilespmem:s7], [sflag:$0xA], $0x40, $0x38;
	[tilespmem:$0xF700] =	vst v63  }
0x1ab: {  	_ =	swait.ge [sflag:s2], $0x40  }
0x1ac: {  	s6 =	sld [smem:$0x7FD];
	_ =	sdelay $0x2  }
0x1ad: {  	s12 =	sadd.s32 $0x1, s6;
	s6 =	sld [smem:$0x7FC];
	_ =	sdelay $0x2  }
0x1ae: {  	p0 =	sne.s32 s12, s6  }
.Ltmp3:
0x1af: {  	_ = 	snop;
	(pc) =	sbr.rel @p0 .LBB2_1-.Ltmp3, $4  }
0x1b0: {  	_ = 	snop  }
0x1b1: {  	[sflag:s2] =	ssyncset.done $0x0  }
0x1b2: {  	[sflag:s2] =	ssyncadd.s32 $0xFFFFFFC0  }
0x1b3: {  	[smem:$0x7FD] =	sst s12;
	s12 =	smov.u32 s31;
	s31 =	simm.s32 $0x0  }
0x1b4: {  	_ =	sfence.sel $0x180000  }
0x1b5: {  	[bflag:$0x0] =	sbarrier.arrive $0xFFFF  }
0x1b6: {  	_ =	strace $0x90000047  }
0x1b7: {  	s0 =	stileid.u32;
	[bflag:$0x2] =	sbarrier.arrive $0xFFFF  }
0x1b8: {  	p0 =	sne.s32 s0, $0x0;
	s0 =	rddreg [dreg:$0x4]  }
0x1b9: {  	s0 =	sadd.s32 @!p0 $0x100000, s0  }
0x1ba: {  	[sflag:s0] =	ssyncadd.tile.s32 @!p0 $0x1;
	_ =	shalt  }
.Lfunc_end2:
_tile_overlayer_lowered:
.L_overlay_start_2:
0x1bb: {  	(tag) =	ssettag $0x2  }
0x1bc: {  	s0 =	rddreg [dreg:$0x0];
	s2 =	stileid.u32  }
0x1bd: {  	s1 =	rddreg [dreg:$0x1];
	p0 =	sne.s32 s2, $0x0  }
0x1be: {  	s3 =	rddreg [dreg:$0x2];
	[bflag:$0x3] =	sbarrier.arrive $0xFFFF;
	s2 =	simm.s32 @!p0 $0x1C0A  }
0x1bf: {  	[timem:s3], [sflag:s2] =	dma.local @!p0 [hbm:s0], s1  }
0x1c0: {  	s0 =	simm.s32 @!p0 $0xA  }
0x1c1: {  	_ =	swait.ge @!p0 [sflag:s0], s1  }
0x1c2: {  	s1 =	ssub.s32 @!p0 $0x0, s1;
	[sflag:s0] =	ssyncset.done @!p0 $0x0  }
0x1c3: {  	[sflag:s0] =	ssyncadd.s32 @!p0 s1  }
0x1c4: {  	[bflag:$0x3] =	sbarrier.arrive $0xFFFF  }
0x1c5: {  	_ =	shalt  }

// kernel: kernel.9.cloned.1.call-start
scs
__scs_entry_jumppad:
0x0: {  	(pc) =	sbr.rel $0x88, $3  }
0x1: {  	(tag) =	ssettag $0x0;
	lr =	simm.s32 $0x1  }
0x2: {  	[smem:$0x3F99] =	sst lr;
	_ =	strace $0xD0000000  }
0x3: {  	_ = 	snop  }
0x4: {  	_ = 	snop  }
0x5: {  	_ = 	snop  }
0x6: {  	_ = 	snop  }
0x7: {  	_ = 	snop  }
__scs_overlays_trampoline_lowered:
0x8: {  	[smem:$0x3FA8] =	sst s0  }
0x9: {  	[smem:$0x3FA9] =	sst s1  }
0xa: {  	[smem:$0x3FAA] =	sst s2  }
0xb: {  	[smem:$0x3FAB] =	sst s3  }
0xc: {  	[smem:$0x3FAC] =	sst s4  }
0xd: {  	[smem:$0x3FAD] =	sst s5  }
0xe: {  	[smem:$0x3FAE] =	sst s6  }
0xf: {  	[smem:$0x3FAF] =	sst s7  }
0x10: {  	[smem:$0x3FB0] =	sst s8  }
0x11: {  	[smem:$0x3FB1] =	sst s9;
	s0 =	simm.s32 @!p0 $0x0  }
0x12: {  	s1 =	sld [smem:$0x3F97];
	s0 =	simm.s32 @p0 $0x1  }
0x13: {  	[smem:$0x3FB2] =	sst s0;
	s0 =	simm.s32 @!p1 $0x0  }
0x14: {  	s2 =	sld [smem:$0x3F96];
	s0 =	simm.s32 @p1 $0x1  }
0x15: {  	[smem:$0x3FB3] =	sst s0;
	s0 =	simm.s32 @!p2 $0x0  }
0x16: {  	s3 =	sld [smem:$0x3FDB];
	s0 =	simm.s32 @p2 $0x1  }
0x17: {  	s4 =	simm.s32 $0x1BF5;
	[smem:$0x3FB5] =	sst s0  }
0x18: {  	s0 =	sld [smem:$0x3F98];
	_ =	swait.ge [sflag:s4], $0x0  }
0x19: {  	s7 =	sld [smem:$0x3F99]  }
0x1a: {  	s8 =	sadd.s32 $0xFFFFE003, lr  }
0x1b: {  	s9 =	sadd.s32 $0xFFFFFEF7, lr;
	s5 =	simm.s32 $0xFFFFFFFF;
	p2 =	slt.u32 s8, $0xFFFFF086  }
0x1c: {  	p1 =	slt.u32 s9, $0xF7A;
	s5 =	simm.s32 @!p2 $0x0  }
0x1d: {  	s5 =	simm.s32 @p1 $0x1;
	p0 =	seq.s32 s7, s2  }
0x1e: {  	s7 =	smul.u32 @!p0 $0xF7A, s2;
	p2 =	seq.s32 @!p0 s5, $0x0  }
0x1f: {  	s9 =	smul.u32 $0xF7A, s1;
	s8 =	simm.s32 @!p0 $0x1BF5;
	p2 =	por !p2, p0  }
0x20: {  	[sflag:s8] =	ssyncset.s32 @!p0 $0xFFFFF086;
	s6 =	sadd.s32 @!p0 s3, s7;
	s7 =	simm.s32 @!p0 $0x108  }
0x21: {  	s3 =	sadd.s32 s3, s9;
	s6 =	sadd.s32 @!p0 $0x88, s6;
	s7 =	simm.s32 @p2 $0x1082  }
0x22: {  	[simem:s7], [sflag:s8] =	dma.local @!p0 [hbm:s6], $0xF7A  }
0x23: {  	s9 =	sor.u32 $0xD0000000, s2;
	s6 =	simm.s32 $0x108;
	_ =	swait.ge @!p0 [sflag:s8], $0x0  }
0x24: {  	s3 =	sadd.s32 $0x88, s3;
	s6 =	simm.s32 @!p1 $0x1082;
	[sflag:s4] =	ssyncset.s32 $0xFFFFF086  }
0x25: {  	[simem:s6], [sflag:s4] =	dma.local [hbm:s3], $0xF7A  }
0x26: {  	[smem:$0x3F99] =	sst s1;
	(tag) =	ssettag s2;
	_ =	strace s9  }
0x27: {  	s1 =	sld [smem:$0x3FA9]  }
0x28: {  	s2 =	sld [smem:$0x3FAA]  }
0x29: {  	s4 =	sld [smem:$0x3FAC]  }
0x2a: {  	p0 =	seq.s32 s5, $0x0;
	s5 =	sld [smem:$0x3FAD]  }
0x2b: {  	s6 =	sld [smem:$0x3FAE]  }
0x2c: {  	s7 =	sld [smem:$0x3FAF]  }
0x2d: {  	s3 =	simm.s32 $0x108;
	s8 =	sld [smem:$0x3FB0]  }
0x2e: {  	s3 =	simm.s32 @!p0 $0x1082;
	s9 =	sld [smem:$0x3FB1]  }
0x2f: {  	lr =	sadd.s32 s0, s3;
	s0 =	sld [smem:$0x3FA8]  }
0x30: {  	s3 =	sld [smem:$0x3FAB]  }
0x31: {  	[smem:$0x3FB4] =	sst s10  }
0x32: {  	s10 =	sld [smem:$0x3FB2];
	_ =	sdelay $0x3  }
0x33: {  	p0 =	seq.s32 s10, $0x1;
	s10 =	sld [smem:$0x3FB4];
	_ =	sdelay $0x3  }
0x34: {  	[smem:$0x3FB4] =	sst s10  }
0x35: {  	s10 =	sld [smem:$0x3FB3];
	_ =	sdelay $0x3  }
0x36: {  	p1 =	seq.s32 s10, $0x1;
	s10 =	sld [smem:$0x3FB4];
	_ =	sdelay $0x3  }
0x37: {  	[smem:$0x3FB4] =	sst s10  }
0x38: {  	s10 =	sld [smem:$0x3FB5]  }
0x39: {  	_ = 	snop;
	(pc) =	sbr.ind lr, $3  }
0x3a: {  	_ = 	snop  }
0x3b: {  	_ = 	snop  }
0x3c: {  	p2 =	seq.s32 s10, $0x1;
	s10 =	sld [smem:$0x3FB4]  }
0x3d: {  	_ =	shalt  }
0x3e: {  	_ =	shalt  }
0x3f: {  	_ =	shalt  }
0x40: {  	_ =	shalt  }
0x41: {  	_ =	shalt  }
0x42: {  	_ =	shalt  }
0x43: {  	_ =	shalt  }
0x44: {  	_ =	shalt  }
0x45: {  	_ =	shalt  }
0x46: {  	_ =	shalt  }
0x47: {  	_ =	shalt  }
0x48: {  	_ =	shalt  }
0x49: {  	_ =	shalt  }
0x4a: {  	_ =	shalt  }
0x4b: {  	_ =	shalt  }
0x4c: {  	_ =	shalt  }
0x4d: {  	_ =	shalt  }
0x4e: {  	_ =	shalt  }
0x4f: {  	_ =	shalt  }
0x50: {  	_ =	shalt  }
0x51: {  	_ =	shalt  }
0x52: {  	_ =	shalt  }
0x53: {  	_ =	shalt  }
0x54: {  	_ =	shalt  }
0x55: {  	_ =	shalt  }
0x56: {  	_ =	shalt  }
0x57: {  	_ =	shalt  }
0x58: {  	_ =	shalt  }
0x59: {  	_ =	shalt  }
0x5a: {  	_ =	shalt  }
0x5b: {  	_ =	shalt  }
0x5c: {  	_ =	shalt  }
0x5d: {  	_ =	shalt  }
0x5e: {  	_ =	shalt  }
0x5f: {  	_ =	shalt  }
0x60: {  	_ =	shalt  }
0x61: {  	_ =	shalt  }
0x62: {  	_ =	shalt  }
0x63: {  	_ =	shalt  }
0x64: {  	_ =	shalt  }
0x65: {  	_ =	shalt  }
0x66: {  	_ =	shalt  }
0x67: {  	_ =	shalt  }
0x68: {  	_ =	shalt  }
0x69: {  	_ =	shalt  }
0x6a: {  	_ =	shalt  }
0x6b: {  	_ =	shalt  }
0x6c: {  	_ =	shalt  }
0x6d: {  	_ =	shalt  }
0x6e: {  	_ =	shalt  }
0x6f: {  	_ =	shalt  }
0x70: {  	_ =	shalt  }
0x71: {  	_ =	shalt  }
0x72: {  	_ =	shalt  }
0x73: {  	_ =	shalt  }
0x74: {  	_ =	shalt  }
0x75: {  	_ =	shalt  }
0x76: {  	_ =	shalt  }
0x77: {  	_ =	shalt  }
0x78: {  	_ =	shalt  }
0x79: {  	_ =	shalt  }
0x7a: {  	_ =	shalt  }
0x7b: {  	_ =	shalt  }
0x7c: {  	_ =	shalt  }
0x7d: {  	_ =	shalt  }
0x7e: {  	_ =	shalt  }
0x7f: {  	_ =	shalt  }
0x80: {  	_ =	shalt  }
0x81: {  	_ =	shalt  }
0x82: {  	_ =	shalt  }
0x83: {  	_ =	shalt  }
0x84: {  	_ =	shalt  }
0x85: {  	_ =	shalt  }
0x86: {  	_ =	shalt  }
0x87: {  	_ =	shalt  }
.Lfunc_end0:
.L_simem_size_0:
called_computation.1_lowered:
.L_overlay_start_0:
0x88: {  	s2 =	sld [smem:$0x3FD9]  }
0x89: {  	s3 =	sld [smem:$0x3FFE];
	_ =	sdelay $0x1  }
0x8a: {  	s1 =	srdreg.scid  }
0x8b: {  	s0 =	sand.u32 $0x1, s1  }
0x8c: {  	s17 =	sshll.u32 s0, $0xA;
	s2 =	sadd.s32 s3, s2  }
0x8d: {  	s2 =	sadd.s32 s2, s17  }
0x8e: {  	[smem:$0x3FC0] =	sst s2  }
0x8f: {  	_ = 	snop  }
0x90: {  	s2 =	sld [smem:$0x3FD0];
	(tm) =	ssettm $0x1  }
0x91: {  	s18 =	sld [smem:$0x3FFB];
	_ =	sdelay $0x3  }
0x92: {  	_ =	strace s18  }
0x93: {  	s3 =	sld [smem:$0x3FFC];
	_ =	sdelay $0x3  }
0x94: {  	_ =	strace s3  }
0x95: {  	s3 =	sld [smem:$0x3FFD];
	_ =	sdelay $0x3  }
0x96: {  	_ =	strace s3  }
0x97: {  	_ =	strace $0x8FFFFFFF  }
0x98: {  	s19 =	sld [smem:$0x3FDB];
	_ =	sdelay $0x1  }
0x99: {  	s4 =	simm.s32 $_scs_section_size  }
0x9a: {  	s5 =	simm.s32 $_size__tile_overlayer_lowered;
	s6 =	simm.s32 $_tile_overlayer_lowered  }
0x9b: {  	s22 =	simm.s32 $0x1BFF;
	s21 =	sshll.u32 s6, $0x1;
	s3 =	sadd.s32 s4, s19  }
0x9c: {  	s7 =	simm.s32 $0x0;
	s20 =	sshll.u32 s5, $0x1;
	s5 =	sadd.s32 s21, s3  }
0x9d: {  	[timem:s7], [sflag:s22] =	dma.local [hbm:s5], s20  }
0x9e: {  	_ =	swait.ge [sflag:s22], s20  }
0x9f: {  	s4 =	ssub.s32 $0x0, s20;
	[sflag:s22] =	ssyncset.done $0x0  }
0xa0: {  	[sflag:s22] =	ssyncadd.s32 s4;
	_ =	sdelay $0x1  }
0xa1: {  	s23 =	simm.s32 $0x1B8B  }
0xa2: {  	_ =	swait.ge [sflag:s23], $0x1  }
0xa3: {  	[sflag:s23] =	ssyncset.done $0x0  }
0xa4: {  	s25 =	simm.s32 $0x1B8E;
	s24 =	sld [smem:$0x3FFE];
	[sflag:s23] =	ssyncadd.s32 $0xFFFFFFFF  }
0xa5: {  	s26 =	simm.s32 $execute0_lowered;
	[smem:$0x3FD2] =	sst s25  }
0xa6: {  	s5 =	sshll.u32 s26, $0x1;
	_ =	strace $0x80000049;
	[dreg:$0x1] =	wrdreg $0xFFFFFFFF  }
0xa7: {  	s28 =	simm.s32 $_size_execute0_lowered;
	s3 =	sadd.s32 s3, s5;
	[dreg:$0x0] =	wrdreg $0x0  }
0xa8: {  	s5 =	sshll.u32 s28, $0x1;
	[dreg:$0x2] =	wrdreg s3  }
0xa9: {  	[dreg:$0x3] =	wrdreg s5  }
0xaa: {  	[dreg:$0x4] =	wrdreg $0xC0  }
0xab: {  	_ =	task [dreg:s7], $0x5FFFF  }
0xac: {  	[dreg:$0x1] =	wrdreg $0xFFFFFFFF  }
0xad: {  	[dreg:$0x0] =	wrdreg $0x60  }
0xae: {  	[dreg:$0x2] =	wrdreg s2  }
0xaf: {  	[dreg:$0x3] =	wrdreg s24  }
0xb0: {  	[dreg:$0x4] =	wrdreg $0x34000  }
0xb1: {  	[dreg:$0x5] =	wrdreg $0x9  }
0xb2: {  	_ =	task.clear_ibuf [dreg:s7], $0x6FFFF;
	_ =	strace $0x90000049  }
0xb3: {  	s29 =	simm.s32 $0x9;
	_ =	strace $0x8000004B  }
0xb4: {  	_ =	swait.ge [sflag:s29], $0x1  }
0xb5: {  	[sflag:s29] =	ssyncadd.s32 $0xFFFFFFFF  }
0xb6: {  	_ =	strace $0x9000004B  }
0xb7: {  	_ =	sfence  }
0xb8: {  	s30 =	sld [smem:$0x0];
	_ =	sdelay $0x2  }
0xb9: {  	s31 =	sshll.u32 s1, $0xD;
	s1 =	sshrl.u32 s1, $0x2  }
0xba: {  	s3 =	sand.u32 $0x4000, s31;
	s1 =	sadd.s32 s1, s30  }
0xbb: {  	s0 =	sor.u32 s3, s0;
	s1 =	sshll.u32 s1, $0x11  }
0xbc: {  	s0 =	sor.u32 s1, s0  }
0xbd: {  	s0 =	sadd.s32 $0x8F2B, s0  }
0xbe: {  	[sflag:s0] =	ssyncadd.remote.s32 $0x1  }
0xbf: {  	_ =	sfence.sel $0xFFFF  }
0xc0: {  	[dreg:$0x0] =	wrdreg $0xFFFFFFFF;
	(pc) =	sbr.abs _section_cstart, $3  }
0xc1: {  	[dreg:$0x1] =	wrdreg $0xFFFFFFFF  }
0xc2: {  	_ =	task.clear_ibuf [dreg:s7], $0x2FFFF;
	_ =	strace $0x9FFFFFFF  }
0xc3: {  	(tm) =	ssettm $0x7FFFFFFF  }
tec
execute0_lowered:
.L_overlay_start_1:
0x0: {  	(tag) =	ssettag $0x1  }
0x1: {  	s1 =	rddreg [dreg:$0x0]  }
0x2: {  	s0 =	rddreg [dreg:$0x1]  }
0x3: {  	s3 =	rddreg [dreg:$0x2]  }
0x4: {  	s2 =	srdreg.scid;
	s10 =	stileid.u32;
	s5 =	simm.s32 $0x0  }
0x5: {  	s28 =	simm.s32 $0x2400;
	s29 =	simm.s32 $0x1;
	s2 =	sand.u32 $0x1, s2  }
0x6: {  	s4 =	smul.u32 $0xA000, s10;
	[smem:$0x7FF] =	sst s5;
	s5 =	sadd.s32 $0x1A00, s0  }
0x7: {  	s6 =	sadd.s32 $0xBA00, s0;
	s9 =	smul.u32 $0x14000, s10;
	s11 =	sadd.s32 $0x3E600, s0  }
0x8: {  	s7 =	smul.u32 $0xA0000, s2;
	_ =	strace $0x8000004A;
	s8 =	ssub.s32 $0x2, s2  }
0x9: {  	[dreg:$0x4] =	wrdreg s11;
	s2 =	sshll.u32 s2, $0x4;
	s15 =	sshrl.u32 s8, $0x1  }
0xa: {  	s16 =	sshrl.u32 s9, $0x2;
	s7 =	sadd.s32 s4, s7;
	s4 =	sshrl.u32 s4, $0x1  }
0xb: {  	s2 =	sor.u32 s10, s2;
	s7 =	sshrl.u32 s7, $0x4;
	s10 =	sadd.s32 s4, s3  }
0xc: {  	s0 =	sadd.s32 s7, s0;
	s7 =	ssub.s32 s8, s15;
	s8 =	sadd.s32 s16, s3  }
0xd: {  	s31 =	simm.s32 $0x2C00;
	[dreg:$0x5] =	wrdreg s10;
	s17 =	sadd.s32 $0x800, s8  }
0xe: {  	s13 =	simm.s32 $0x4;
	s18 =	sadd.s32 $0x1000, s8;
	[dreg:$0x6] =	wrdreg s17  }
0xf: {  	s14 =	simm.s32 $0xAC0;
	s19 =	sadd.s32 $0x1800, s8;
	[dreg:$0x7] =	wrdreg s18  }
0x10: {  	s30 =	simm.s32 $0x13C0;
	s20 =	sadd.s32 $0x2000, s8;
	[dreg:$0x8] =	wrdreg s19  }
0x11: {  	s11 =	simm.s32 $0x6;
	s21 =	sadd.s32 $0x2800, s8;
	[dreg:$0x9] =	wrdreg s20  }
0x12: {  	s9 =	simm.s32 $0x3;
	s22 =	sadd.s32 $0x3000, s8;
	[dreg:$0xa] =	wrdreg s21  }
0x13: {  	s15 =	simm.s32 $0x7;
	s23 =	sadd.s32 $0x3800, s8;
	[dreg:$0xb] =	wrdreg s22  }
0x14: {  	s16 =	simm.s32 $0x180;
	s24 =	sadd.s32 $0x4000, s8;
	[dreg:$0xc] =	wrdreg s23  }
0x15: {  	s25 =	sadd.s32 $0x4800, s8;
	s0 =	sadd.s32 $0x15A00, s0;
	[dreg:$0xd] =	wrdreg s24  }
0x16: {  	s26 =	smax.u32 s7, $0x1;
	s8 =	simm.s32 $0x1340;
	[dreg:$0xe] =	wrdreg s25  }
0x17: {  	s7 =	simm.s32 $0x0;
	s18 =	smul.u32 $0x2800, s2;
	[dreg:$0xf] =	wrdreg s0  }
0x18: {  	[dreg:$0x10] =	wrdreg s26;
	s21 =	simm.s32 $0x1400;
	s22 =	simm.s32 $0x9  }
0x19: {  	s23 =	simm.s32 $0xA00;
	s24 =	simm.s32 $0x40;
	s25 =	simm.s32 $0x1C00  }
0x1a: {  	s0 =	simm.s32 $0x2;
	s2 =	simm.s32 $0x5;
	s17 =	simm.s32 $0x8  }
0x1b: {  	s19 =	simm.s32 $0x1300;
	s20 =	simm.s32 $0x9C0;
	s26 =	simm.s32 $0x1380  }
.LBB2_1:
0x1c: {  	[dreg:$0x11] =	wrdreg s7  }
0x1d: {  	s4 =	simm.s32 $0x0;
	s12 =	rddreg [dreg:$0x4]  }
0x1e: {  	[tilespmem:s21], [sflag:$0x9] =	stream.linear.gather [hbm4b:s12+s4], $0x800, $0x38;
	[tilespmem:$0x8400] =	vst v63  }
0x1f: {  	_ =	swait.ge [sflag:s22], $0x800  }
0x20: {  	[sflag:s22] =	ssyncset.done $0x0  }
0x21: {  	[sflag:s22] =	ssyncadd.s32 $0xFFFFF800  }
0x22: {  	[spmem:s10] =	stream.linear.scatter [tilespmem:s21], [sflag:$0x9], $0x800, $0x38;
	[tilespmem:$0x8400] =	vst v63  }
0x23: {  	_ =	swait.ge [sflag:s22], $0x800  }
0x24: {  	[sflag:s22] =	ssyncset.done $0x0  }
0x25: {  	s7 =	rddreg [dreg:$0x6];
	[sflag:s22] =	ssyncadd.s32 $0xFFFFF800  }
0x26: {  	[spmem:s7] =	stream.linear.scatter [tilespmem:s21], [sflag:$0x9], $0x800, $0x38;
	[tilespmem:$0x8400] =	vst v63  }
0x27: {  	_ =	swait.ge [sflag:s22], $0x800  }
0x28: {  	[sflag:s22] =	ssyncset.done $0x0  }
0x29: {  	s10 =	rddreg [dreg:$0x7];
	[sflag:s22] =	ssyncadd.s32 $0xFFFFF800  }
0x2a: {  	[spmem:s10] =	stream.linear.scatter [tilespmem:s21], [sflag:$0x9], $0x800, $0x38;
	[tilespmem:$0x8400] =	vst v63  }
0x2b: {  	_ =	swait.ge [sflag:s22], $0x800  }
0x2c: {  	[sflag:s22] =	ssyncset.done $0x0  }
0x2d: {  	s12 =	rddreg [dreg:$0x8];
	[sflag:s22] =	ssyncadd.s32 $0xFFFFF800  }
0x2e: {  	[spmem:s12] =	stream.linear.scatter [tilespmem:s21], [sflag:$0x9], $0x800, $0x38;
	[tilespmem:$0x8400] =	vst v63  }
0x2f: {  	_ =	swait.ge [sflag:s22], $0x800  }
0x30: {  	[sflag:s22] =	ssyncset.done $0x0  }
0x31: {  	s7 =	rddreg [dreg:$0x9];
	[sflag:s22] =	ssyncadd.s32 $0xFFFFF800  }
0x32: {  	[spmem:s7] =	stream.linear.scatter [tilespmem:s21], [sflag:$0x9], $0x800, $0x38;
	[tilespmem:$0x8400] =	vst v63  }
0x33: {  	_ =	swait.ge [sflag:s22], $0x800  }
0x34: {  	[sflag:s22] =	ssyncset.done $0x0  }
0x35: {  	s10 =	rddreg [dreg:$0xa];
	[sflag:s22] =	ssyncadd.s32 $0xFFFFF800  }
0x36: {  	[spmem:s10] =	stream.linear.scatter [tilespmem:s21], [sflag:$0x9], $0x800, $0x38;
	[tilespmem:$0x8400] =	vst v63  }
0x37: {  	_ =	swait.ge [sflag:s22], $0x800  }
0x38: {  	[sflag:s22] =	ssyncset.done $0x0  }
0x39: {  	s12 =	rddreg [dreg:$0xb];
	[sflag:s22] =	ssyncadd.s32 $0xFFFFF800  }
0x3a: {  	[spmem:s12] =	stream.linear.scatter [tilespmem:s21], [sflag:$0x9], $0x800, $0x38;
	[tilespmem:$0x8400] =	vst v63  }
0x3b: {  	_ =	swait.ge [sflag:s22], $0x800  }
0x3c: {  	[sflag:s22] =	ssyncset.done $0x0  }
0x3d: {  	s7 =	rddreg [dreg:$0xc];
	[sflag:s22] =	ssyncadd.s32 $0xFFFFF800  }
0x3e: {  	[spmem:s7] =	stream.linear.scatter [tilespmem:s21], [sflag:$0x9], $0x800, $0x38;
	[tilespmem:$0x8400] =	vst v63  }
0x3f: {  	_ =	swait.ge [sflag:s22], $0x800  }
0x40: {  	[sflag:s22] =	ssyncset.done $0x0  }
0x41: {  	s10 =	rddreg [dreg:$0xd];
	[sflag:s22] =	ssyncadd.s32 $0xFFFFF800  }
0x42: {  	[spmem:s10] =	stream.linear.scatter [tilespmem:s21], [sflag:$0x9], $0x800, $0x38;
	[tilespmem:$0x8400] =	vst v63  }
0x43: {  	_ =	swait.ge [sflag:s22], $0x800  }
0x44: {  	[sflag:s22] =	ssyncset.done $0x0  }
0x45: {  	s12 =	rddreg [dreg:$0xe];
	[sflag:s22] =	ssyncadd.s32 $0xFFFFF800  }
0x46: {  	[spmem:s12] =	stream.linear.scatter [tilespmem:s21], [sflag:$0x9], $0x800, $0x38;
	[tilespmem:$0x8400] =	vst v63  }
0x47: {  	_ =	swait.ge [sflag:s22], $0x800  }
0x48: {  	[sflag:s22] =	ssyncset.done $0x0  }
0x49: {  	[sflag:s22] =	ssyncadd.s32 $0xFFFFF800  }
0x4a: {  	s4 =	simm.s32 $0x0;
	[bflag:$0x0] =	sbarrier.arrive $0xFFFF  }
.LBB2_2:
0x4b: {  	s7 =	smul.u32 $0xA00, s4;
	_ =	sdelay $0x1  }
0x4c: {  	s7 =	sadd.s32 s18, s7  }
0x4d: {  	s7 =	sshrl.u32 s7, $0x3  }
0x4e: {  	s12 =	simm.s32 $0x0;
	s10 =	sadd.s32 s5, s7  }
0x4f: {  	[tilespmem:s12], [sflag:$0x9] =	stream.linear.gather [hbm4b:s10+s12], $0xA00, $0x38;
	[tilespmem:$0x8400] =	vst v63  }
0x50: {  	_ =	swait.ge [sflag:s22], $0xA00  }
0x51: {  	[sflag:s22] =	ssyncset.done $0x0  }
0x52: {  	s7 =	sadd.s32 s6, s7;
	[sflag:s22] =	ssyncadd.s32 $0xFFFFF600  }
0x53: {  	[tilespmem:s23], [sflag:$0x9] =	stream.linear.gather [hbm4b:s7+s12], $0xA00, $0x38;
	[tilespmem:$0x8400] =	vst v63  }
0x54: {  	_ =	swait.ge [sflag:s22], $0xA00  }
0x55: {  	[sflag:s22] =	ssyncset.done $0x0  }
0x56: {  	[sflag:s22] =	ssyncadd.s32 $0xFFFFF600  }
0x57: {  	[tilespmem:s21], [sflag:$0x1] =	stream.indirect.gather [hbm4b:s1+s24], $0x20, s12, s24, $0xb8;
	[tilespmem:$0x8400] =	vst v63  }
0x58: {  	_ = 	snop  }
0x59: {  	[tilespmem:s25], [sflag:$0x2] =	stream.indirect.gather [hbm4b:s1+s24], $0x20, s24, s24, $0xb8;
	[tilespmem:$0x8400] =	vst v63  }
0x5a: {  	s12 =	simm.s32 $0x80  }
0x5b: {  	[tilespmem:s28], [sflag:$0x3] =	stream.indirect.gather [hbm4b:s1+s24], $0x20, s12, s24, $0xb8;
	[tilespmem:$0x8400] =	vst v63  }
0x5c: {  	_ =	swait.ge [sflag:s29], $0x800  }
0x5d: {  	[sflag:s29] =	ssyncset.done $0x0  }
0x5e: {  	[sflag:s29] =	ssyncadd.s32 $0xFFFFF800  }
0x5f: {  	[spmem:s3] =	stream.indirect.scatter.add.bf16 [tilespmem:s21], [sflag:$0x5], $0x20, s23, s24, $0xb8;
	[tilespmem:$0x8400] =	vst v63  }
0x60: {  	s10 =	simm.s32 $0xC0  }
0x61: {  	[tilespmem:s31], [sflag:$0x4] =	stream.indirect.gather [hbm4b:s1+s24], $0x20, s10, s24, $0xb8;
	[tilespmem:$0x8400] =	vst v63  }
0x62: {  	_ =	swait.ge [sflag:s0], $0x800  }
0x63: {  	[sflag:s0] =	ssyncset.done $0x0  }
0x64: {  	s12 =	simm.s32 $0xA40;
	[sflag:s0] =	ssyncadd.s32 $0xFFFFF800  }
0x65: {  	[spmem:s3] =	stream.indirect.scatter.add.bf16 [tilespmem:s25], [sflag:$0x6], $0x20, s12, s24, $0xb8;
	[tilespmem:$0x8400] =	vst v63  }
0x66: {  	_ =	swait.ge [sflag:s2], $0x800  }
0x67: {  	[sflag:s2] =	ssyncset.done $0x0  }
0x68: {  	s10 =	simm.s32 $0x100;
	[sflag:s2] =	ssyncadd.s32 $0xFFFFF800  }
0x69: {  	[tilespmem:s21], [sflag:$0x1] =	stream.indirect.gather [hbm4b:s1+s24], $0x20, s10, s24, $0xb8;
	[tilespmem:$0x8400] =	vst v63  }
0x6a: {  	_ =	swait.ge [sflag:s9], $0x800  }
0x6b: {  	[sflag:s9] =	ssyncset.done $0x0  }
0x6c: {  	s12 =	simm.s32 $0xA80;
	[sflag:s9] =	ssyncadd.s32 $0xFFFFF800  }
0x6d: {  	[spmem:s3] =	stream.indirect.scatter.add.bf16 [tilespmem:s28], [sflag:$0x7], $0x20, s12, s24, $0xb8;
	[tilespmem:$0x8400] =	vst v63  }
0x6e: {  	_ =	swait.ge [sflag:s11], $0x800  }
0x6f: {  	[sflag:s11] =	ssyncset.done $0x0  }
0x70: {  	s10 =	simm.s32 $0x140;
	[sflag:s11] =	ssyncadd.s32 $0xFFFFF800  }
0x71: {  	[tilespmem:s25], [sflag:$0x2] =	stream.indirect.gather [hbm4b:s1+s24], $0x20, s10, s24, $0xb8;
	[tilespmem:$0x8400] =	vst v63  }
0x72: {  	_ =	swait.ge [sflag:s13], $0x800  }
0x73: {  	[sflag:s13] =	ssyncset.done $0x0  }
0x74: {  	[sflag:s13] =	ssyncadd.s32 $0xFFFFF800  }
0x75: {  	[spmem:s3] =	stream.indirect.scatter.add.bf16 [tilespmem:s31], [sflag:$0x8], $0x20, s14, s24, $0xb8;
	[tilespmem:$0x8400] =	vst v63  }
0x76: {  	_ =	swait.ge [sflag:s15], $0x800  }
0x77: {  	[sflag:s15] =	ssyncset.done $0x0  }
0x78: {  	[sflag:s15] =	ssyncadd.s32 $0xFFFFF800  }
0x79: {  	[tilespmem:s28], [sflag:$0x3] =	stream.indirect.gather [hbm4b:s1+s24], $0x20, s16, s24, $0xb8;
	[tilespmem:$0x8400] =	vst v63  }
0x7a: {  	_ =	swait.ge [sflag:s29], $0x800  }
0x7b: {  	[sflag:s29] =	ssyncset.done $0x0  }
0x7c: {  	s12 =	simm.s32 $0xB00;
	[sflag:s29] =	ssyncadd.s32 $0xFFFFF800  }
0x7d: {  	[spmem:s3] =	stream.indirect.scatter.add.bf16 [tilespmem:s21], [sflag:$0x5], $0x20, s12, s24, $0xb8;
	[tilespmem:$0x8400] =	vst v63  }
0x7e: {  	_ =	swait.ge [sflag:s17], $0x800  }
0x7f: {  	[sflag:s17] =	ssyncset.done $0x0  }
0x80: {  	s10 =	simm.s32 $0x1C0;
	[sflag:s17] =	ssyncadd.s32 $0xFFFFF800  }
0x81: {  	[tilespmem:s31], [sflag:$0x4] =	stream.indirect.gather [hbm4b:s1+s24], $0x20, s10, s24, $0xb8;
	[tilespmem:$0x8400] =	vst v63  }
0x82: {  	_ =	swait.ge [sflag:s0], $0x800  }
0x83: {  	[sflag:s0] =	ssyncset.done $0x0  }
0x84: {  	s12 =	simm.s32 $0xB40;
	[sflag:s0] =	ssyncadd.s32 $0xFFFFF800  }
0x85: {  	[spmem:s3] =	stream.indirect.scatter.add.bf16 [tilespmem:s25], [sflag:$0x6], $0x20, s12, s24, $0xb8;
	[tilespmem:$0x8400] =	vst v63  }
0x86: {  	_ =	swait.ge [sflag:s2], $0x800  }
0x87: {  	[sflag:s2] =	ssyncset.done $0x0  }
0x88: {  	s10 =	simm.s32 $0x200;
	[sflag:s2] =	ssyncadd.s32 $0xFFFFF800  }
0x89: {  	[tilespmem:s21], [sflag:$0x1] =	stream.indirect.gather [hbm4b:s1+s24], $0x20, s10, s24, $0xb8;
	[tilespmem:$0x8400] =	vst v63  }
0x8a: {  	_ =	swait.ge [sflag:s9], $0x800  }
0x8b: {  	[sflag:s9] =	ssyncset.done $0x0  }
0x8c: {  	s12 =	simm.s32 $0xB80;
	[sflag:s9] =	ssyncadd.s32 $0xFFFFF800  }
0x8d: {  	[spmem:s3] =	stream.indirect.scatter.add.bf16 [tilespmem:s28], [sflag:$0x7], $0x20, s12, s24, $0xb8;
	[tilespmem:$0x8400] =	vst v63  }
0x8e: {  	_ =	swait.ge [sflag:s11], $0x800  }
0x8f: {  	[sflag:s11] =	ssyncset.done $0x0  }
0x90: {  	s10 =	simm.s32 $0x240;
	[sflag:s11] =	ssyncadd.s32 $0xFFFFF800  }
0x91: {  	[tilespmem:s25], [sflag:$0x2] =	stream.indirect.gather [hbm4b:s1+s24], $0x20, s10, s24, $0xb8;
	[tilespmem:$0x8400] =	vst v63  }
0x92: {  	_ =	swait.ge [sflag:s13], $0x800  }
0x93: {  	[sflag:s13] =	ssyncset.done $0x0  }
0x94: {  	s12 =	simm.s32 $0xBC0;
	[sflag:s13] =	ssyncadd.s32 $0xFFFFF800  }
0x95: {  	[spmem:s3] =	stream.indirect.scatter.add.bf16 [tilespmem:s31], [sflag:$0x8], $0x20, s12, s24, $0xb8;
	[tilespmem:$0x8400] =	vst v63  }
0x96: {  	_ =	swait.ge [sflag:s15], $0x800  }
0x97: {  	[sflag:s15] =	ssyncset.done $0x0  }
0x98: {  	s7 =	simm.s32 $0x400;
	s10 =	simm.s32 $0x280;
	[sflag:s15] =	ssyncadd.s32 $0xFFFFF800  }
.LBB2_3:
0x99: {  	[tilespmem:s28], [sflag:$0x3] =	stream.indirect.gather [hbm4b:s1+s24], $0x20, s10, s24, $0xb8;
	[tilespmem:$0x8400] =	vst v63  }
0x9a: {  	s10 =	smov.u32 s7  }
0x9b: {  	p0 =	sne.s32 s7, $0x1C00;
	s7 =	sadd.s32 $0x400, s7;
	_ =	swait.ge [sflag:s29], $0x800  }
0x9c: {  	s10 =	sshra.s32 s10, $0x2;
	[sflag:s29] =	ssyncset.done $0x0  }
0x9d: {  	s12 =	sadd.s32 $0xB00, s10;
	[sflag:s29] =	ssyncadd.s32 $0xFFFFF800  }
0x9e: {  	[spmem:s3] =	stream.indirect.scatter.add.bf16 [tilespmem:s21], [sflag:$0x5], $0x20, s12, s24, $0xb8;
	[tilespmem:$0x8400] =	vst v63  }
0x9f: {  	_ =	swait.ge [sflag:s17], $0x800  }
0xa0: {  	[sflag:s17] =	ssyncset.done $0x0  }
0xa1: {  	s12 =	sadd.s32 $0x1C0, s10;
	[sflag:s17] =	ssyncadd.s32 $0xFFFFF800  }
0xa2: {  	[tilespmem:s31], [sflag:$0x4] =	stream.indirect.gather [hbm4b:s1+s24], $0x20, s12, s24, $0xb8;
	[tilespmem:$0x8400] =	vst v63  }
0xa3: {  	_ =	swait.ge [sflag:s0], $0x800  }
0xa4: {  	[sflag:s0] =	ssyncset.done $0x0  }
0xa5: {  	s12 =	sadd.s32 $0xB40, s10;
	[sflag:s0] =	ssyncadd.s32 $0xFFFFF800  }
0xa6: {  	[spmem:s3] =	stream.indirect.scatter.add.bf16 [tilespmem:s25], [sflag:$0x6], $0x20, s12, s24, $0xb8;
	[tilespmem:$0x8400] =	vst v63  }
0xa7: {  	_ =	swait.ge [sflag:s2], $0x800  }
0xa8: {  	[sflag:s2] =	ssyncset.done $0x0  }
0xa9: {  	s12 =	sadd.s32 $0x200, s10;
	[sflag:s2] =	ssyncadd.s32 $0xFFFFF800  }
0xaa: {  	[tilespmem:s21], [sflag:$0x1] =	stream.indirect.gather [hbm4b:s1+s24], $0x20, s12, s24, $0xb8;
	[tilespmem:$0x8400] =	vst v63  }
0xab: {  	_ =	swait.ge [sflag:s9], $0x800  }
0xac: {  	[sflag:s9] =	ssyncset.done $0x0  }
0xad: {  	s12 =	sadd.s32 $0xB80, s10;
	[sflag:s9] =	ssyncadd.s32 $0xFFFFF800  }
0xae: {  	[spmem:s3] =	stream.indirect.scatter.add.bf16 [tilespmem:s28], [sflag:$0x7], $0x20, s12, s24, $0xb8;
	[tilespmem:$0x8400] =	vst v63  }
0xaf: {  	_ =	swait.ge [sflag:s11], $0x800  }
0xb0: {  	[sflag:s11] =	ssyncset.done $0x0  }
0xb1: {  	s12 =	sadd.s32 $0x240, s10;
	[sflag:s11] =	ssyncadd.s32 $0xFFFFF800  }
0xb2: {  	[tilespmem:s25], [sflag:$0x2] =	stream.indirect.gather [hbm4b:s1+s24], $0x20, s12, s24, $0xb8;
	[tilespmem:$0x8400] =	vst v63  }
0xb3: {  	_ =	swait.ge [sflag:s13], $0x800  }
0xb4: {  	[sflag:s13] =	ssyncset.done $0x0  }
.Ltmp0:
0xb5: {  	s12 =	sadd.s32 $0xBC0, s10;
	[sflag:s13] =	ssyncadd.s32 $0xFFFFF800;
	(pc) =	sbr.rel @p0 .LBB2_3-.Ltmp0, $4  }
0xb6: {  	[spmem:s3] =	stream.indirect.scatter.add.bf16 [tilespmem:s31], [sflag:$0x8], $0x20, s12, s24, $0xb8;
	[tilespmem:$0x8400] =	vst v63  }
0xb7: {  	_ =	swait.ge [sflag:s15], $0x800  }
0xb8: {  	[sflag:s15] =	ssyncset.done $0x0  }
0xb9: {  	s10 =	sadd.s32 $0x280, s10;
	[sflag:s15] =	ssyncadd.s32 $0xFFFFF800  }
0xba: {  	[tilespmem:s28], [sflag:$0x3] =	stream.indirect.gather [hbm4b:s1+s24], $0x20, s10, s24, $0xb8;
	[tilespmem:$0x8400] =	vst v63  }
0xbb: {  	_ =	swait.ge [sflag:s29], $0x800  }
0xbc: {  	[sflag:s29] =	ssyncset.done $0x0  }
0xbd: {  	[sflag:s29] =	ssyncadd.s32 $0xFFFFF800  }
0xbe: {  	[spmem:s3] =	stream.indirect.scatter.add.bf16 [tilespmem:s21], [sflag:$0x5], $0x20, s19, s24, $0xb8;
	[tilespmem:$0x8400] =	vst v63  }
0xbf: {  	_ =	swait.ge [sflag:s17], $0x800  }
0xc0: {  	[sflag:s17] =	ssyncset.done $0x0  }
0xc1: {  	[sflag:s17] =	ssyncadd.s32 $0xFFFFF800  }
0xc2: {  	[tilespmem:s31], [sflag:$0x4] =	stream.indirect.gather [hbm4b:s1+s24], $0x20, s20, s24, $0xb8;
	[tilespmem:$0x8400] =	vst v63  }
0xc3: {  	_ =	swait.ge [sflag:s0], $0x800  }
0xc4: {  	[sflag:s0] =	ssyncset.done $0x0  }
0xc5: {  	[sflag:s0] =	ssyncadd.s32 $0xFFFFF800  }
0xc6: {  	[spmem:s3] =	stream.indirect.scatter.add.bf16 [tilespmem:s25], [sflag:$0x6], $0x20, s8, s24, $0xb8;
	[tilespmem:$0x8400] =	vst v63  }
0xc7: {  	_ =	swait.ge [sflag:s2], $0x800  }
0xc8: {  	[sflag:s2] =	ssyncset.done $0x0  }
0xc9: {  	[sflag:s2] =	ssyncadd.s32 $0xFFFFF800  }
0xca: {  	_ =	swait.ge [sflag:s9], $0x800  }
0xcb: {  	[sflag:s9] =	ssyncset.done $0x0  }
0xcc: {  	[sflag:s9] =	ssyncadd.s32 $0xFFFFF800  }
0xcd: {  	[spmem:s3] =	stream.indirect.scatter.add.bf16 [tilespmem:s28], [sflag:$0x7], $0x20, s26, s24, $0xb8;
	[tilespmem:$0x8400] =	vst v63  }
0xce: {  	_ =	swait.ge [sflag:s11], $0x800  }
0xcf: {  	[sflag:s11] =	ssyncset.done $0x0  }
0xd0: {  	[sflag:s11] =	ssyncadd.s32 $0xFFFFF800  }
0xd1: {  	_ =	swait.ge [sflag:s13], $0x800  }
0xd2: {  	[sflag:s13] =	ssyncset.done $0x0  }
0xd3: {  	s4 =	sadd.s32 $0x1, s4;
	[sflag:s13] =	ssyncadd.s32 $0xFFFFF800  }
0xd4: {  	[spmem:s3] =	stream.indirect.scatter.add.bf16 [tilespmem:s31], [sflag:$0x8], $0x20, s30, s24, $0xb8;
	[tilespmem:$0x8400] =	vst v63  }
0xd5: {  	p0 =	sne.s32 s4, $0x4;
	_ =	swait.ge [sflag:s15], $0x800  }
.Ltmp1:
0xd6: {  	[sflag:s15] =	ssyncset.done $0x0;
	(pc) =	sbr.rel @p0 .LBB2_2-.Ltmp1, $4  }
0xd7: {  	[sflag:s15] =	ssyncadd.s32 $0xFFFFF800  }
0xd8: {  	_ =	swait.ge [sflag:s17], $0x800  }
0xd9: {  	[sflag:s17] =	ssyncset.done $0x0  }
0xda: {  	[sflag:s17] =	ssyncadd.s32 $0xFFFFF800  }
0xdb: {  	s4 =	stileid.u32;
	[bflag:$0x0] =	sbarrier.arrive $0xFFFF  }
0xdc: {  	s4 =	sshll.u32 s4, $0x6;
	s10 =	rddreg [dreg:$0x5]  }
0xdd: {  	s12 =	rddreg [dreg:$0xf];
	s4 =	sor.u32 $0x1C09, s4;
	s7 =	sshrl.u32 s10, $0x3  }
0xde: {  	[hbm:s12], [sflag:s4] =	dma.local [spmem:s7], $0xA00  }
0xdf: {  	_ =	swait.ge [sflag:s22], $0xA00  }
0xe0: {  	s4 =	rddreg [dreg:$0x11]  }
0xe1: {  	s12 =	rddreg [dreg:$0x10];
	s7 =	sadd.s32 $0x1, s4  }
0xe2: {  	p0 =	sne.s32 s7, s12  }
.Ltmp2:
0xe3: {  	_ = 	snop;
	(pc) =	sbr.rel @p0 .LBB2_1-.Ltmp2, $3  }
0xe4: {  	_ =	sdelay $0x1  }
0xe5: {  	[sflag:s22] =	ssyncset.done $0x0  }
0xe6: {  	[sflag:s22] =	ssyncadd.s32 $0xFFFFF600  }
0xe7: {  	_ =	sfence.sel $0x180000  }
0xe8: {  	[bflag:$0x0] =	sbarrier.arrive $0xFFFF  }
0xe9: {  	_ =	strace $0x9000004A  }
0xea: {  	s0 =	stileid.u32;
	[bflag:$0x2] =	sbarrier.arrive $0xFFFF  }
0xeb: {  	p0 =	sne.s32 s0, $0x0;
	s0 =	rddreg [dreg:$0x3]  }
0xec: {  	s0 =	sadd.s32 @!p0 $0x100000, s0  }
0xed: {  	[sflag:s0] =	ssyncadd.tile.s32 @!p0 $0x1;
	_ =	shalt  }
.Lfunc_end2:
_tile_overlayer_lowered:
.L_overlay_start_2:
0xee: {  	(tag) =	ssettag $0x2  }
0xef: {  	s0 =	rddreg [dreg:$0x0];
	s2 =	stileid.u32  }
0xf0: {  	s1 =	rddreg [dreg:$0x1];
	p0 =	sne.s32 s2, $0x0  }
0xf1: {  	s3 =	rddreg [dreg:$0x2];
	[bflag:$0x3] =	sbarrier.arrive $0xFFFF;
	s2 =	simm.s32 @!p0 $0x1C09  }
0xf2: {  	[timem:s3], [sflag:s2] =	dma.local @!p0 [hbm:s0], s1  }
0xf3: {  	s0 =	simm.s32 @!p0 $0x9  }
0xf4: {  	_ =	swait.ge @!p0 [sflag:s0], s1  }
0xf5: {  	s1 =	ssub.s32 @!p0 $0x0, s1;
	[sflag:s0] =	ssyncset.done @!p0 $0x0  }
0xf6: {  	[sflag:s0] =	ssyncadd.s32 @!p0 s1  }
0xf7: {  	[bflag:$0x3] =	sbarrier.arrive $0xFFFF  }
0xf8: {  	_ =	shalt  }

</sc_bundles>
